<compile_context>
chip_gen: v7x
topology: tpu7x:2x2x1
jax: 0.10.2.dev20260603
libtpu: 0.0.44.dev20260713+nightly
codegen_flags: <defaults>
</compile_context>

<pallas_src>
import functools

import jax
import jax.numpy as jnp
from jax import lax
from jax.experimental import pallas as pl
from jax.experimental.pallas import tpu as pltpu
from jax.experimental.pallas import tpu_sc as plsc

NUM_LAYERS = 3
D = 128
N = 10000
E = 320000
G = 10
GP = 16
EPS = 1e-5

NC = 2
NS = 16
NW = NC * NS
RPW = 313
BCH = 2000
NBCH = E // BCH
FLUSH = 2048
TRASH = FLUSH + 24
LROW = E + FLUSH + 32
ECH = 80
PCH = 64
NPAD = N + PCH


def _znodes(w):
    return jnp.where(w == NW - 1, N - (NW - 1) * RPW, RPW)



def _bucket_body(src_hbm, dst_hbm, srcl_hbm, dstl_hbm, cnt_hbm,
                 sstage, dstage, sbuf, dbuf, cntv, sem):
    cid = lax.axis_index("c")
    sid = lax.axis_index("s")
    w = sid * NC + cid
    lo = w * RPW
    hi = lo + RPW

    def _z(i, _):
        sbuf[pl.ds(i * 16, 16)] = jnp.zeros((16,), jnp.int32)
        dbuf[pl.ds(i * 16, 16)] = jnp.zeros((16,), jnp.int32)
        return _
    lax.fori_loop(0, (FLUSH + 32) // 16, _z, 0)

    def _chunk(c, carry):
        cur, base = carry
        pltpu.sync_copy(src_hbm.at[pl.ds(c * BCH, BCH)], sstage)
        pltpu.sync_copy(dst_hbm.at[pl.ds(c * BCH, BCH)], dstage)

        one = jnp.full((16,), 1, jnp.int32)

        def _vec(v, cur):
            dv = dstage[pl.ds(v * 16, 16)]
            sv = sstage[pl.ds(v * 16, 16)]
            a = dv - lo
            bb = dv - hi
            mi = (lax.shift_right_logical(bb, 31) & one) & (
                one - (lax.shift_right_logical(a, 31) & one))
            rank = plsc.cumsum(mi)
            pos = (cur + rank - 1) * mi + TRASH * (one - mi)
            plsc.store_scatter(sbuf, [pos], sv)
            plsc.store_scatter(dbuf, [pos], a)
            return cur + rank[15]
        cur = lax.fori_loop(0, BCH // 16, _vec, cur)

        k8 = cur & ~7
        basea = pl.multiple_of(base, 8)
        pltpu.sync_copy(sbuf.at[pl.ds(0, FLUSH)], srcl_hbm.at[w, pl.ds(basea, FLUSH)])
        pltpu.sync_copy(dbuf.at[pl.ds(0, FLUSH)], dstl_hbm.at[w, pl.ds(basea, FLUSH)])
        rem_s = sbuf[pl.ds(k8, 16)]
        rem_d = dbuf[pl.ds(k8, 16)]
        sbuf[pl.ds(0, 16)] = rem_s
        dbuf[pl.ds(0, 16)] = rem_d
        return cur - k8, base + k8

    cur, base = lax.fori_loop(0, NBCH, _chunk, (jnp.int32(0), jnp.int32(0)))
    basea = pl.multiple_of(base, 8)
    pltpu.sync_copy(sbuf.at[pl.ds(0, FLUSH)], srcl_hbm.at[w, pl.ds(basea, FLUSH)])
    pltpu.sync_copy(dbuf.at[pl.ds(0, FLUSH)], dstl_hbm.at[w, pl.ds(basea, FLUSH)])
    cntv[...] = jnp.full((16,), base + cur, jnp.int32)
    pltpu.sync_copy(cntv, cnt_hbm.at[w])


@functools.cache
def _bucket_kernel():
    return pl.kernel(
        _bucket_body,
        mesh=plsc.VectorSubcoreMesh(core_axis_name="c", subcore_axis_name="s",
                                    num_cores=NC, num_subcores=NS),
        out_type=(jax.ShapeDtypeStruct((NW, LROW), jnp.int32),
                  jax.ShapeDtypeStruct((NW, LROW), jnp.int32),
                  jax.ShapeDtypeStruct((NW, 16), jnp.int32)),
        compiler_params=pltpu.CompilerParams(use_tc_tiling_on_sc=False, needs_layout_passes=False),
        scratch_types=[
            pltpu.VMEM((BCH,), jnp.int32),
            pltpu.VMEM((BCH,), jnp.int32),
            pltpu.VMEM((FLUSH + 32,), jnp.int32),
            pltpu.VMEM((FLUSH + 32,), jnp.int32),
            pltpu.VMEM((16,), jnp.int32),
            pltpu.SemaphoreType.DMA,
        ],
    )



def _agg_body(msg_hbm, srcl_hbm, dstl_hbm, cnt_hbm, out_hbm,
              sidx, didx, rows_v, acc, cntv, sem):
    cid = lax.axis_index("c")
    sid = lax.axis_index("s")
    w = sid * NC + cid

    def _zrow(i, _):
        for k in range(8):
            acc[i, pl.ds(k * 16, 16)] = jnp.zeros((16,), jnp.float32)
        return _
    lax.fori_loop(0, RPW, _zrow, 0)

    pltpu.sync_copy(cnt_hbm.at[w], cntv)
    cnt = cntv[...][0]
    nch = (cnt + (ECH - 1)) // ECH

    def _chunk(c, carry2):
        pltpu.sync_copy(srcl_hbm.at[w, pl.ds(c * ECH, ECH)], sidx)
        pltpu.sync_copy(dstl_hbm.at[w, pl.ds(c * ECH, ECH)], didx.at[pl.ds(0, ECH)])
        pltpu.async_copy(msg_hbm.at[sidx], rows_v, sem).wait()

        def _edge(e, carry):
            @pl.when(c * ECH + e < cnt)
            def _do():
                dl = didx[pl.ds(e, 16)][0]
                for k in range(8):
                    v = rows_v[e, pl.ds(k * 16, 16)]
                    acc[dl, pl.ds(k * 16, 16)] = acc[dl, pl.ds(k * 16, 16)] + v
            return carry
        lax.fori_loop(0, ECH, _edge, 0)
        return carry2
    lax.fori_loop(0, nch, _chunk, 0)

    @pl.when(w < NW - 1)
    def _():
        pltpu.sync_copy(acc.at[pl.ds(0, RPW)], out_hbm.at[pl.ds(w * RPW, RPW)])

    @pl.when(w == NW - 1)
    def _():
        pltpu.sync_copy(acc.at[pl.ds(0, N - (NW - 1) * RPW)],
                        out_hbm.at[pl.ds((NW - 1) * RPW, N - (NW - 1) * RPW)])


@functools.cache
def _agg_kernel():
    return pl.kernel(
        _agg_body,
        mesh=plsc.VectorSubcoreMesh(core_axis_name="c", subcore_axis_name="s",
                                    num_cores=NC, num_subcores=NS),
        out_type=jax.ShapeDtypeStruct((N, D), jnp.float32),
        compiler_params=pltpu.CompilerParams(use_tc_tiling_on_sc=False, needs_layout_passes=False),
        scratch_types=[
            pltpu.VMEM((ECH,), jnp.int32),
            pltpu.VMEM((ECH + 16,), jnp.int32),
            pltpu.VMEM((ECH, D), jnp.float32),
            pltpu.VMEM((RPW, D), jnp.float32),
            pltpu.VMEM((16,), jnp.int32),
            pltpu.SemaphoreType.DMA,
        ],
    )



def _pool_body(h_hbm, seg_hbm, out_hbm, segv, buf, outv, sem):
    cid = lax.axis_index("c")
    sid = lax.axis_index("s")
    w = sid * NC + cid

    @pl.when(w < GP)
    def _():
        pltpu.sync_copy(seg_hbm, segv)

        one = jnp.full((16,), 1, jnp.int32)

        def _cnt(v, carry):
            lt, le = carry
            sv = segv[pl.ds(v * 16, 16)]
            lt_m = lax.shift_right_logical(sv - w, 31) & one
            le_m = lax.shift_right_logical(sv - (w + 1), 31) & one
            lt = lt + plsc.cumsum(lt_m)[15]
            le = le + plsc.cumsum(le_m)[15]
            return lt, le
        start, end = lax.fori_loop(0, N // 16, _cnt, (jnp.int32(0), jnp.int32(0)))

        nch = (end - start + (PCH - 1)) // PCH

        def _chunk(c, accs):
            pltpu.sync_copy(h_hbm.at[pl.ds(start + c * PCH, PCH)], buf)

            def _row(r, accs):
                def _add():
                    return tuple(accs[k] + buf[r, pl.ds(k * 16, 16)] for k in range(8))
                def _keep():
                    return accs
                return lax.cond(start + c * PCH + r < end, _add, _keep)
            return lax.fori_loop(0, PCH, _row, accs)

        accs = tuple(jnp.zeros((16,), jnp.float32) for _ in range(8))
        accs = lax.fori_loop(0, nch, _chunk, accs)
        for k in range(8):
            outv[pl.ds(k * 16, 16)] = accs[k]
        pltpu.sync_copy(outv, out_hbm.at[w])


@functools.cache
def _pool_kernel():
    return pl.kernel(
        _pool_body,
        mesh=plsc.VectorSubcoreMesh(core_axis_name="c", subcore_axis_name="s",
                                    num_cores=NC, num_subcores=NS),
        out_type=jax.ShapeDtypeStruct((GP, D), jnp.float32),
        compiler_params=pltpu.CompilerParams(use_tc_tiling_on_sc=False, needs_layout_passes=False),
        scratch_types=[
            pltpu.VMEM((N,), jnp.int32),
            pltpu.VMEM((PCH, D), jnp.float32),
            pltpu.VMEM((D,), jnp.float32),
            pltpu.SemaphoreType.DMA,
        ],
    )



def _bn(h, g_ref, be_ref):
    mean = jnp.sum(h, axis=0, keepdims=True) / N
    c = h - mean
    var = jnp.sum(c * c, axis=0, keepdims=True) / N
    return c / jnp.sqrt(var + EPS) * g_ref[:] + be_ref[:]


def _dense_vn_body(msg_ref, agg_ref, ws_ref, wn_ref, b_ref, g_ref, be_ref, out_ref):
    h = (jnp.dot(msg_ref[:], ws_ref[:], preferred_element_type=jnp.float32)
         + jnp.dot(agg_ref[:], wn_ref[:], preferred_element_type=jnp.float32)
         + b_ref[:])
    out_ref[pl.ds(0, N), :] = jax.nn.relu(_bn(h, g_ref, be_ref))
    out_ref[pl.ds(N, NPAD - N), :] = jnp.zeros((NPAD - N, D), jnp.float32)


def _dense_last_body(msg_ref, agg_ref, ws_ref, wn_ref, b_ref, g_ref, be_ref, out_ref):
    h = (jnp.dot(msg_ref[:], ws_ref[:], preferred_element_type=jnp.float32)
         + jnp.dot(agg_ref[:], wn_ref[:], preferred_element_type=jnp.float32)
         + b_ref[:])
    out_ref[:] = _bn(h, g_ref, be_ref)


def _mlp_bcast_body(h_ref, pooled_ref, vn_ref, w1_ref, b1_ref, w2_ref, b2_ref,
                    seg_ref, msg_ref, vnout_ref):
    pooled = pooled_ref[:] + vn_ref[:]
    hidden = jax.nn.relu(jnp.dot(pooled, w1_ref[:],
                                 preferred_element_type=jnp.float32) + b1_ref[:])
    vn = jnp.dot(hidden, w2_ref[:], preferred_element_type=jnp.float32) + b2_ref[:]
    vnout_ref[:] = vn
    h = h_ref[pl.ds(0, N), :]
    seg_b = jnp.broadcast_to(seg_ref[:], (N, D))
    msg = h
    for g in range(G):
        row = jnp.broadcast_to(vn[g:g + 1, :], (N, D))
        msg = msg + jnp.where(seg_b == g, row, jnp.float32(0.0))
    msg_ref[:] = msg


_dense_vn = pl.pallas_call(
    _dense_vn_body, out_shape=jax.ShapeDtypeStruct((NPAD, D), jnp.float32))
_dense_last = pl.pallas_call(
    _dense_last_body, out_shape=jax.ShapeDtypeStruct((N, D), jnp.float32))
_mlp_bcast = pl.pallas_call(
    _mlp_bcast_body, out_shape=(jax.ShapeDtypeStruct((N, D), jnp.float32),
                                jax.ShapeDtypeStruct((GP, D), jnp.float32)))



def kernel(x, edge_index, batch_node_segment, W_self, W_neigh, b, gamma, beta,
           vn_emb, mlp_W1, mlp_b1, mlp_W2, mlp_b2):
    src = edge_index[0].astype(jnp.int32)
    dst = edge_index[1].astype(jnp.int32)
    seg = batch_node_segment.astype(jnp.int32)
    seg2 = seg.reshape(N, 1)
    vnode = jnp.concatenate(
        [jnp.broadcast_to(vn_emb[0], (G, D)),
         jnp.zeros((GP - G, D), jnp.float32)], axis=0)

    srcl, dstl, cnts = _bucket_kernel()(src, dst)

    row = lambda a, l: a[l].reshape(1, -1)
    message = x
    for layer in range(NUM_LAYERS):
        agg = _agg_kernel()(message, srcl, dstl, cnts)
        if layer < NUM_LAYERS - 1:
            h = _dense_vn(message, agg, W_self[layer], W_neigh[layer],
                          row(b, layer), row(gamma, layer), row(beta, layer))
            pooled = _pool_kernel()(h, seg)
            message, vnode = _mlp_bcast(h, pooled, vnode,
                                        mlp_W1[layer], row(mlp_b1, layer),
                                        mlp_W2[layer], row(mlp_b2, layer), seg2)
        else:
            message = _dense_last(message, agg, W_self[layer], W_neigh[layer],
                                  row(b, layer), row(gamma, layer), row(beta, layer))
    return message

# --- scband reference (transcript-rebuilt; emitter-appended) ---
"""Pipeline reference for scband-multi-layer-message-passing-vn-39195871543372 (READ-ONLY COPY).

The authoritative reference and input builder live on the scoring server;
editing this copy changes nothing except your own understanding.
"""

import jax, jax.numpy as jnp
import numpy as np

NUM_LAYERS = 3
INP_DIM = 128
OUT_DIM = 128
N_NODES = 10000
N_EDGES = 320000
NUM_GRAPHS = 10
EPS = 1e-5


def setup_inputs(seed: int = 0) -> dict:
    key = jax.random.key(seed)
    ks = jax.random.split(key, 16)
    x = jax.random.normal(ks[0], (N_NODES, INP_DIM), dtype=jnp.float32)
    edge_index = jax.random.randint(ks[1], (2, N_EDGES), 0, N_NODES, dtype=jnp.int64 if jax.config.jax_enable_x64 else jnp.int32)
    batch_node_segment = jnp.sort(jax.random.randint(ks[2], (N_NODES,), 0, NUM_GRAPHS))
    # per-layer conv params (all layers 128->128 since inp_dim == out_dim)
    W_self = jax.random.normal(ks[3], (NUM_LAYERS, INP_DIM, OUT_DIM), dtype=jnp.float32) * (1.0 / np.sqrt(INP_DIM))
    W_neigh = jax.random.normal(ks[4], (NUM_LAYERS, INP_DIM, OUT_DIM), dtype=jnp.float32) * (1.0 / np.sqrt(INP_DIM))
    b = jnp.zeros((NUM_LAYERS, OUT_DIM), dtype=jnp.float32)
    gamma = jnp.ones((NUM_LAYERS, OUT_DIM), dtype=jnp.float32)
    beta = jnp.zeros((NUM_LAYERS, OUT_DIM), dtype=jnp.float32)
    # virtual node embedding (initialized to zeros, matching torch.nn.init.constant_(..., 0))
    vn_emb = jnp.zeros((1, OUT_DIM), dtype=jnp.float32)
    # virtual-node MLPs: num_layers-1 of them, h_units=[out, 2*out, out]
    mlp_W1 = jax.random.normal(ks[5], (NUM_LAYERS - 1, OUT_DIM, 2 * OUT_DIM), dtype=jnp.float32) * (1.0 / np.sqrt(OUT_DIM))
    mlp_b1 = jnp.zeros((NUM_LAYERS - 1, 2 * OUT_DIM), dtype=jnp.float32)
    mlp_W2 = jax.random.normal(ks[6], (NUM_LAYERS - 1, 2 * OUT_DIM, OUT_DIM), dtype=jnp.float32) * (1.0 / np.sqrt(2 * OUT_DIM))
    mlp_b2 = jnp.zeros((NUM_LAYERS - 1, OUT_DIM), dtype=jnp.float32)
    return {
        "x": x,
        "edge_index": edge_index,
        "batch_node_segment": batch_node_segment,
        "W_self": W_self,
        "W_neigh": W_neigh,
        "b": b,
        "gamma": gamma,
        "beta": beta,
        "vn_emb": vn_emb,
        "mlp_W1": mlp_W1,
        "mlp_b1": mlp_b1,
        "mlp_W2": mlp_W2,
        "mlp_b2": mlp_b2,
    }


def reference(x, edge_index, batch_node_segment, W_self, W_neigh, b, gamma, beta, vn_emb, mlp_W1, mlp_b1, mlp_W2, mlp_b2):
    src = edge_index[0]
    dst = edge_index[1]
    n = x.shape[0]
    # virtualnode_embedding(zeros(batch_size)) -> broadcast row 0
    vnode = jnp.broadcast_to(vn_emb[0], (NUM_GRAPHS, OUT_DIM))
    message = x
    h_list = []
    for layer in range(NUM_LAYERS):
        # message passing: gather src features, scatter-add into dst (SparseCore gather/scatter)
        agg = jax.ops.segment_sum(message[src], dst, num_segments=n)
        h = message @ W_self[layer] + agg @ W_neigh[layer] + b[layer]
        # BatchNorm1d in training mode (batch statistics), dropout p=0 -> identity
        mean = jnp.mean(h, axis=0)
        var = jnp.var(h, axis=0)
        h = (h - mean) / jnp.sqrt(var + EPS) * gamma[layer] + beta[layer]
        if layer != NUM_LAYERS - 1:
            h = jax.nn.relu(h)
        h_list.append(h)
        if layer < NUM_LAYERS - 1:
            # virtual-node update: per-graph scatter pooling + MLP
            pooled = jax.ops.segment_sum(h, batch_node_segment, num_segments=NUM_GRAPHS) + vnode
            hidden = jax.nn.relu(pooled @ mlp_W1[layer] + mlp_b1[layer])
            vnode = hidden @ mlp_W2[layer] + mlp_b2[layer]
            # broadcast virtual-node embedding back to nodes for next layer's message
            message = h + vnode[batch_node_segment]
        else:
            message = h
    # JK == 'last'
    return h_list[-1]

if __name__ == "__main__":
    import jax
    _d = setup_inputs()
    print(jax.jit(kernel)(*tuple(_d.values())))

</pallas_src>

<mosaic_0001>
#map = affine_map<(d0, d1) -> (0, 0)>
#map1 = affine_map<(d0, d1) -> (0)>
module attributes {stable_mosaic.version = 14 : i64} {
  func.func @_pool_body(%arg0: i32, %arg1: i32, %arg2: memref<10064x128xf32, #tpu.memory_space<hbm>>, %arg3: memref<10000xi32, #tpu.memory_space<hbm>>, %arg4: memref<16x128xf32, #tpu.memory_space<hbm>>, %arg5: memref<10000xi32, #tpu.memory_space<vmem>>, %arg6: memref<64x128xf32, #tpu.memory_space<vmem>>, %arg7: memref<128xf32, #tpu.memory_space<vmem>>, %arg8: memref<!tpu.dma_semaphore, #tpu.memory_space<semaphore_mem>>) attributes {dimension_semantics = [#tpu.dimension_semantics<core_parallel>, #tpu.dimension_semantics<subcore_parallel>], iteration_bounds = array<i64: 2, 16>, scalar_prefetch = 0 : i64, scratch_operands = 4 : i64, tpu.core_type = #tpu.core_type<sc_vector_subcore>, window_params = [{transform_indices = #map}, {transform_indices = #map1}, {transform_indices = #map}]} {
    %mul3A = arith.constant 2 : i32
    %mul3A_0 = arith.muli %arg1, %mul3A : i32
    %add3A = arith.addi %mul3A_0, %arg0 : i32
    %lt3A = arith.constant 16 : i32
    %lt3A_1 = arith.cmpi slt, %add3A, %lt3A : i32
    %convert_element_type3A = arith.extui %lt3A_1 : i1 to i32
    %cond3A = arith.constant 0 : i32
    %cond3A_2 = arith.cmpi ne, %convert_element_type3A, %cond3A : i32
    scf.if %cond3A_2 {
      "tpu.region"() ({
        %run_scoped3A = tpu.sem_alloc : memref<!tpu.dma_semaphore, #tpu.memory_space<semaphore_mem>>
        tpu.enqueue_dma source(%arg3 : memref<10000xi32, #tpu.memory_space<hbm>>) target(%arg5 : memref<10000xi32, #tpu.memory_space<vmem>>) target_semaphore(%run_scoped3A : memref<!tpu.dma_semaphore, #tpu.memory_space<semaphore_mem>>)
        tpu.wait_dma2 semaphore(%run_scoped3A : memref<!tpu.dma_semaphore, #tpu.memory_space<semaphore_mem>>) src(%arg3 : memref<10000xi32, #tpu.memory_space<hbm>>) dst(%arg5 : memref<10000xi32, #tpu.memory_space<vmem>>)
        tpu.yield
      }) : () -> ()
      %broadcast_in_dim3A = arith.constant 1 : i32
      %broadcast_in_dim3A_3 = vector.broadcast %broadcast_in_dim3A : i32 to vector<16xi32>
      %scan3A = arith.constant 0 : i32
      %scan3A_4 = arith.constant 0 : i32
      %scan3A_5 = arith.constant 0 : i32
      %scan3A_6 = arith.constant 625 : i32
      %scan3A_7 = arith.addi %scan3A_5, %scan3A_6 : i32
      %scan3A_8 = arith.constant 1 : i32
      %scan3A_9:2 = scf.for %scan3A_71 = %scan3A_5 to %scan3A_7 step %scan3A_8 iter_args(%scan3A_72 = %scan3A, %scan3A_73 = %scan3A_4) -> (i32, i32)  : i32 {
        %mul3A_74 = arith.constant 16 : i32
        %mul3A_75 = arith.muli %scan3A_71, %mul3A_74 : i32
        %get3A = arith.index_cast %mul3A_75 : i32 to index
        %get3A_76 = tpu.vector_load %arg5[%get3A] {strides = array<i32>} : memref<10000xi32, #tpu.memory_space<vmem>>, vector<16xi32>,
        %sub3A_77 = vector.broadcast %add3A : i32 to vector<16xi32>
        %sub3A_78 = arith.subi %get3A_76, %sub3A_77 : vector<16xi32>
        %shift_right_logical3A = arith.constant 31 : i32
        %shift_right_logical3A_79 = vector.broadcast %shift_right_logical3A : i32 to vector<16xi32>
        %shift_right_logical3A_80 = arith.shrui %sub3A_78, %shift_right_logical3A_79 : vector<16xi32>
        %and3A_81 = arith.andi %shift_right_logical3A_80, %broadcast_in_dim3A_3 : vector<16xi32>
        %add3A_82 = arith.constant 1 : i32
        %add3A_83 = arith.addi %add3A, %add3A_82 : i32
        %sub3A_84 = vector.broadcast %add3A_83 : i32 to vector<16xi32>
        %sub3A_85 = arith.subi %get3A_76, %sub3A_84 : vector<16xi32>
        %shift_right_logical3A_86 = arith.constant 31 : i32
        %shift_right_logical3A_87 = vector.broadcast %shift_right_logical3A_86 : i32 to vector<16xi32>
        %shift_right_logical3A_88 = arith.shrui %sub3A_85, %shift_right_logical3A_87 : vector<16xi32>
        %and3A_89 = arith.andi %shift_right_logical3A_88, %broadcast_in_dim3A_3 : vector<16xi32>
        %broadcast_in_dim3A_90 = arith.constant true
        %broadcast_in_dim3A_91 = vector.broadcast %broadcast_in_dim3A_90 : i1 to vector<16xi1>
        %masked_cumsum3A = tpu.scan <sum>, %and3A_81 masked %broadcast_in_dim3A_91 : vector<16xi32>, vector<16xi1> -> vector<16xi32>
        %slice3A = vector.extract_strided_slice %masked_cumsum3A {offsets = [15], sizes = [1], strides = [1]} : vector<16xi32> to vector<1xi32>
        %squeeze3A = vector.extract %slice3A[0] : i32 from vector<1xi32>
        %add3A_92 = arith.addi %scan3A_72, %squeeze3A : i32
        %broadcast_in_dim3A_93 = arith.constant true
        %broadcast_in_dim3A_94 = vector.broadcast %broadcast_in_dim3A_93 : i1 to vector<16xi1>
        %masked_cumsum3A_95 = tpu.scan <sum>, %and3A_89 masked %broadcast_in_dim3A_94 : vector<16xi32>, vector<16xi1> -> vector<16xi32>
        %slice3A_96 = vector.extract_strided_slice %masked_cumsum3A_95 {offsets = [15], sizes = [1], strides = [1]} : vector<16xi32> to vector<1xi32>
        %squeeze3A_97 = vector.extract %slice3A_96[0] : i32 from vector<1xi32>
        %add3A_98 = arith.addi %scan3A_73, %squeeze3A_97 : i32
        scf.yield %add3A_92, %add3A_98 : i32, i32
      }
      %scan3A_10 = arith.constant 625 : i32
      %sub3A = arith.subi %scan3A_9#1, %scan3A_9#0 : i32
      %add3A_11 = arith.constant 63 : i32
      %add3A_12 = arith.addi %sub3A, %add3A_11 : i32
      %jit3A = arith.constant 64 : i32
      %div3A = arith.divsi %add3A_12, %jit3A : i32
      %sign3A = arith.constant 0 : i32
      %sign3A_13 = arith.cmpi sgt, %add3A_12, %sign3A : i32
      %sign3A_14 = arith.extui %sign3A_13 : i1 to i32
      %sign3A_15 = arith.constant 0 : i32
      %sign3A_16 = arith.cmpi slt, %add3A_12, %sign3A_15 : i32
      %sign3A_17 = arith.extui %sign3A_16 : i1 to i32
      %sign3A_18 = arith.subi %sign3A_14, %sign3A_17 : i32
      %sign3A_19 = arith.constant 0 : i32
      %sign3A_20 = arith.cmpi sgt, %jit3A, %sign3A_19 : i32
      %sign3A_21 = arith.extui %sign3A_20 : i1 to i32
      %sign3A_22 = arith.constant 0 : i32
      %sign3A_23 = arith.cmpi slt, %jit3A, %sign3A_22 : i32
      %sign3A_24 = arith.extui %sign3A_23 : i1 to i32
      %sign3A_25 = arith.subi %sign3A_21, %sign3A_24 : i32
      %ne3A = arith.cmpi ne, %sign3A_18, %sign3A_25 : i32
      %rem3A = arith.remsi %add3A_12, %jit3A : i32
      %ne3A_26 = arith.constant 0 : i32
      %ne3A_27 = arith.cmpi ne, %rem3A, %ne3A_26 : i32
      %and3A = arith.andi %ne3A, %ne3A_27 : i1
      %sub3A_28 = arith.constant 1 : i32
      %sub3A_29 = arith.subi %div3A, %sub3A_28 : i32
      %select_n3A = arith.select %and3A, %sub3A_29, %div3A : i32
      %broadcast_in_dim3A_30 = arith.constant 0.000000e+00 : f32
      %broadcast_in_dim3A_31 = vector.broadcast %broadcast_in_dim3A_30 : f32 to vector<16xf32>
      %broadcast_in_dim3A_32 = arith.constant 0.000000e+00 : f32
      %broadcast_in_dim3A_33 = vector.broadcast %broadcast_in_dim3A_32 : f32 to vector<16xf32>
      %broadcast_in_dim3A_34 = arith.constant 0.000000e+00 : f32
      %broadcast_in_dim3A_35 = vector.broadcast %broadcast_in_dim3A_34 : f32 to vector<16xf32>
      %broadcast_in_dim3A_36 = arith.constant 0.000000e+00 : f32
      %broadcast_in_dim3A_37 = vector.broadcast %broadcast_in_dim3A_36 : f32 to vector<16xf32>
      %broadcast_in_dim3A_38 = arith.constant 0.000000e+00 : f32
      %broadcast_in_dim3A_39 = vector.broadcast %broadcast_in_dim3A_38 : f32 to vector<16xf32>
      %broadcast_in_dim3A_40 = arith.constant 0.000000e+00 : f32
      %broadcast_in_dim3A_41 = vector.broadcast %broadcast_in_dim3A_40 : f32 to vector<16xf32>
      %broadcast_in_dim3A_42 = arith.constant 0.000000e+00 : f32
      %broadcast_in_dim3A_43 = vector.broadcast %broadcast_in_dim3A_42 : f32 to vector<16xf32>
      %broadcast_in_dim3A_44 = arith.constant 0.000000e+00 : f32
      %broadcast_in_dim3A_45 = vector.broadcast %broadcast_in_dim3A_44 : f32 to vector<16xf32>
      %while3A = arith.constant 0 : i32
      %while3A_46 = arith.subi %select_n3A, %while3A : i32
      %while3A_47 = arith.addi %while3A, %while3A_46 : i32
      %while3A_48 = arith.constant 1 : i32
      %while3A_49 = arith.divsi %while3A_46, %while3A_48 : i32
      %while3A_50 = arith.muli %while3A_49, %while3A_48 : i32
      %while3A_51 = arith.addi %while3A, %while3A_50 : i32
      %while3A_52 = arith.constant 1 : i32
      %while3A_53:8 = scf.for %while3A_71 = %while3A to %while3A_51 step %while3A_52 iter_args(%while3A_72 = %broadcast_in_dim3A_31, %while3A_73 = %broadcast_in_dim3A_33, %while3A_74 = %broadcast_in_dim3A_35, %while3A_75 = %broadcast_in_dim3A_37, %while3A_76 = %broadcast_in_dim3A_39, %while3A_77 = %broadcast_in_dim3A_41, %while3A_78 = %broadcast_in_dim3A_43, %while3A_79 = %broadcast_in_dim3A_45) -> (vector<16xf32>, vector<16xf32>, vector<16xf32>, vector<16xf32>, vector<16xf32>, vector<16xf32>, vector<16xf32>, vector<16xf32>)  : i32 {
        %mul3A_80 = arith.constant 64 : i32
        %mul3A_81 = arith.muli %while3A_71, %mul3A_80 : i32
        %add3A_82 = arith.addi %scan3A_9#0, %mul3A_81 : i32
        "tpu.region"() ({
          %run_scoped3A = tpu.sem_alloc : memref<!tpu.dma_semaphore, #tpu.memory_space<semaphore_mem>>
          %dma_start3A = arith.constant 0 : i32
          %dma_start3A_89 = tpu.memref_slice %arg2[%add3A_82, %dma_start3A] : memref<10064x128xf32, #tpu.memory_space<hbm>> -> memref<64x128xf32, #tpu.memory_space<hbm>>
          %dma_start3A_90 = arith.constant 0 : i32
          %dma_start3A_91 = tpu.memref_slice %arg2[%add3A_82, %dma_start3A_90] : memref<10064x128xf32, #tpu.memory_space<hbm>> -> memref<64x128xf32, #tpu.memory_space<hbm>>
          tpu.enqueue_dma source(%dma_start3A_91 : memref<64x128xf32, #tpu.memory_space<hbm>>) target(%arg6 : memref<64x128xf32, #tpu.memory_space<vmem>>) target_semaphore(%run_scoped3A : memref<!tpu.dma_semaphore, #tpu.memory_space<semaphore_mem>>)
          %dma_wait3A = arith.constant 0 : i32
          %dma_wait3A_92 = tpu.memref_slice %arg2[%add3A_82, %dma_wait3A] : memref<10064x128xf32, #tpu.memory_space<hbm>> -> memref<64x128xf32, #tpu.memory_space<hbm>>
          %dma_wait3A_93 = arith.constant 0 : i32
          %dma_wait3A_94 = tpu.memref_slice %arg2[%add3A_82, %dma_wait3A_93] : memref<10064x128xf32, #tpu.memory_space<hbm>> -> memref<64x128xf32, #tpu.memory_space<hbm>>
          tpu.wait_dma2 semaphore(%run_scoped3A : memref<!tpu.dma_semaphore, #tpu.memory_space<semaphore_mem>>) src(%dma_wait3A_94 : memref<64x128xf32, #tpu.memory_space<hbm>>) dst(%arg6 : memref<64x128xf32, #tpu.memory_space<vmem>>)
          tpu.yield
        }) : () -> ()
        %scan3A_83 = arith.constant 0 : i32
        %scan3A_84 = arith.constant 64 : i32
        %scan3A_85 = arith.addi %scan3A_83, %scan3A_84 : i32
        %scan3A_86 = arith.constant 1 : i32
        %scan3A_87:8 = scf.for %scan3A_89 = %scan3A_83 to %scan3A_85 step %scan3A_86 iter_args(%scan3A_90 = %while3A_72, %scan3A_91 = %while3A_73, %scan3A_92 = %while3A_74, %scan3A_93 = %while3A_75, %scan3A_94 = %while3A_76, %scan3A_95 = %while3A_77, %scan3A_96 = %while3A_78, %scan3A_97 = %while3A_79) -> (vector<16xf32>, vector<16xf32>, vector<16xf32>, vector<16xf32>, vector<16xf32>, vector<16xf32>, vector<16xf32>, vector<16xf32>)  : i32 {
          %mul3A_98 = arith.constant 64 : i32
          %mul3A_99 = arith.muli %while3A_71, %mul3A_98 : i32
          %add3A_100 = arith.addi %scan3A_9#0, %mul3A_99 : i32
          %add3A_101 = arith.addi %add3A_100, %scan3A_89 : i32
          %lt3A_102 = arith.cmpi slt, %add3A_101, %scan3A_9#1 : i32
          %convert_element_type3A_103 = arith.extui %lt3A_102 : i1 to i32
          %cond3A_104 = arith.constant 0 : i32
          %cond3A_105 = arith.cmpi ne, %convert_element_type3A_103, %cond3A_104 : i32
          %cond3A_106:8 = scf.if %cond3A_105 -> (vector<16xf32>, vector<16xf32>, vector<16xf32>, vector<16xf32>, vector<16xf32>, vector<16xf32>, vector<16xf32>, vector<16xf32>) {
            %get3A = arith.index_cast %scan3A_89 : i32 to index
            %get3A_107 = arith.constant 0 : index
            %get3A_108 = tpu.vector_load %arg6[%get3A, %get3A_107] {strides = array<i32>} : memref<64x128xf32, #tpu.memory_space<vmem>>, vector<16xf32>,
            %add3A_109 = arith.addf %scan3A_90, %get3A_108 : vector<16xf32>
            %get3A_110 = arith.index_cast %scan3A_89 : i32 to index
            %get3A_111 = arith.constant 16 : index
            %get3A_112 = tpu.vector_load %arg6[%get3A_110, %get3A_111] {strides = array<i32>} : memref<64x128xf32, #tpu.memory_space<vmem>>, vector<16xf32>,
            %add3A_113 = arith.addf %scan3A_91, %get3A_112 : vector<16xf32>
            %get3A_114 = arith.index_cast %scan3A_89 : i32 to index
            %get3A_115 = arith.constant 32 : index
            %get3A_116 = tpu.vector_load %arg6[%get3A_114, %get3A_115] {strides = array<i32>} : memref<64x128xf32, #tpu.memory_space<vmem>>, vector<16xf32>,
            %add3A_117 = arith.addf %scan3A_92, %get3A_116 : vector<16xf32>
            %get3A_118 = arith.index_cast %scan3A_89 : i32 to index
            %get3A_119 = arith.constant 48 : index
            %get3A_120 = tpu.vector_load %arg6[%get3A_118, %get3A_119] {strides = array<i32>} : memref<64x128xf32, #tpu.memory_space<vmem>>, vector<16xf32>,
            %add3A_121 = arith.addf %scan3A_93, %get3A_120 : vector<16xf32>
            %get3A_122 = arith.index_cast %scan3A_89 : i32 to index
            %get3A_123 = arith.constant 64 : index
            %get3A_124 = tpu.vector_load %arg6[%get3A_122, %get3A_123] {strides = array<i32>} : memref<64x128xf32, #tpu.memory_space<vmem>>, vector<16xf32>,
            %add3A_125 = arith.addf %scan3A_94, %get3A_124 : vector<16xf32>
            %get3A_126 = arith.index_cast %scan3A_89 : i32 to index
            %get3A_127 = arith.constant 80 : index
            %get3A_128 = tpu.vector_load %arg6[%get3A_126, %get3A_127] {strides = array<i32>} : memref<64x128xf32, #tpu.memory_space<vmem>>, vector<16xf32>,
            %add3A_129 = arith.addf %scan3A_95, %get3A_128 : vector<16xf32>
            %get3A_130 = arith.index_cast %scan3A_89 : i32 to index
            %get3A_131 = arith.constant 96 : index
            %get3A_132 = tpu.vector_load %arg6[%get3A_130, %get3A_131] {strides = array<i32>} : memref<64x128xf32, #tpu.memory_space<vmem>>, vector<16xf32>,
            %add3A_133 = arith.addf %scan3A_96, %get3A_132 : vector<16xf32>
            %get3A_134 = arith.index_cast %scan3A_89 : i32 to index
            %get3A_135 = arith.constant 112 : index
            %get3A_136 = tpu.vector_load %arg6[%get3A_134, %get3A_135] {strides = array<i32>} : memref<64x128xf32, #tpu.memory_space<vmem>>, vector<16xf32>,
            %add3A_137 = arith.addf %scan3A_97, %get3A_136 : vector<16xf32>
            scf.yield %add3A_109, %add3A_113, %add3A_117, %add3A_121, %add3A_125, %add3A_129, %add3A_133, %add3A_137 : vector<16xf32>, vector<16xf32>, vector<16xf32>, vector<16xf32>, vector<16xf32>, vector<16xf32>, vector<16xf32>, vector<16xf32>
          } else {
            scf.yield %scan3A_90, %scan3A_91, %scan3A_92, %scan3A_93, %scan3A_94, %scan3A_95, %scan3A_96, %scan3A_97 : vector<16xf32>, vector<16xf32>, vector<16xf32>, vector<16xf32>, vector<16xf32>, vector<16xf32>, vector<16xf32>, vector<16xf32>
          }
          scf.yield %cond3A_106#0, %cond3A_106#1, %cond3A_106#2, %cond3A_106#3, %cond3A_106#4, %cond3A_106#5, %cond3A_106#6, %cond3A_106#7 : vector<16xf32>, vector<16xf32>, vector<16xf32>, vector<16xf32>, vector<16xf32>, vector<16xf32>, vector<16xf32>, vector<16xf32>
        }
        %scan3A_88 = arith.constant 64 : i32
        scf.yield %scan3A_87#0, %scan3A_87#1, %scan3A_87#2, %scan3A_87#3, %scan3A_87#4, %scan3A_87#5, %scan3A_87#6, %scan3A_87#7 : vector<16xf32>, vector<16xf32>, vector<16xf32>, vector<16xf32>, vector<16xf32>, vector<16xf32>, vector<16xf32>, vector<16xf32>
      }
      %while3A_54 = arith.constant 1 : i32
      %while3A_55:8 = scf.for %while3A_71 = %while3A_51 to %while3A_47 step %while3A_54 iter_args(%while3A_72 = %while3A_53#0, %while3A_73 = %while3A_53#1, %while3A_74 = %while3A_53#2, %while3A_75 = %while3A_53#3, %while3A_76 = %while3A_53#4, %while3A_77 = %while3A_53#5, %while3A_78 = %while3A_53#6, %while3A_79 = %while3A_53#7) -> (vector<16xf32>, vector<16xf32>, vector<16xf32>, vector<16xf32>, vector<16xf32>, vector<16xf32>, vector<16xf32>, vector<16xf32>)  : i32 {
        %mul3A_80 = arith.constant 64 : i32
        %mul3A_81 = arith.muli %while3A_71, %mul3A_80 : i32
        %add3A_82 = arith.addi %scan3A_9#0, %mul3A_81 : i32
        "tpu.region"() ({
          %run_scoped3A = tpu.sem_alloc : memref<!tpu.dma_semaphore, #tpu.memory_space<semaphore_mem>>
          %dma_start3A = arith.constant 0 : i32
          %dma_start3A_89 = tpu.memref_slice %arg2[%add3A_82, %dma_start3A] : memref<10064x128xf32, #tpu.memory_space<hbm>> -> memref<64x128xf32, #tpu.memory_space<hbm>>
          %dma_start3A_90 = arith.constant 0 : i32
          %dma_start3A_91 = tpu.memref_slice %arg2[%add3A_82, %dma_start3A_90] : memref<10064x128xf32, #tpu.memory_space<hbm>> -> memref<64x128xf32, #tpu.memory_space<hbm>>
          tpu.enqueue_dma source(%dma_start3A_91 : memref<64x128xf32, #tpu.memory_space<hbm>>) target(%arg6 : memref<64x128xf32, #tpu.memory_space<vmem>>) target_semaphore(%run_scoped3A : memref<!tpu.dma_semaphore, #tpu.memory_space<semaphore_mem>>)
          %dma_wait3A = arith.constant 0 : i32
          %dma_wait3A_92 = tpu.memref_slice %arg2[%add3A_82, %dma_wait3A] : memref<10064x128xf32, #tpu.memory_space<hbm>> -> memref<64x128xf32, #tpu.memory_space<hbm>>
          %dma_wait3A_93 = arith.constant 0 : i32
          %dma_wait3A_94 = tpu.memref_slice %arg2[%add3A_82, %dma_wait3A_93] : memref<10064x128xf32, #tpu.memory_space<hbm>> -> memref<64x128xf32, #tpu.memory_space<hbm>>
          tpu.wait_dma2 semaphore(%run_scoped3A : memref<!tpu.dma_semaphore, #tpu.memory_space<semaphore_mem>>) src(%dma_wait3A_94 : memref<64x128xf32, #tpu.memory_space<hbm>>) dst(%arg6 : memref<64x128xf32, #tpu.memory_space<vmem>>)
          tpu.yield
        }) : () -> ()
        %scan3A_83 = arith.constant 0 : i32
        %scan3A_84 = arith.constant 64 : i32
        %scan3A_85 = arith.addi %scan3A_83, %scan3A_84 : i32
        %scan3A_86 = arith.constant 1 : i32
        %scan3A_87:8 = scf.for %scan3A_89 = %scan3A_83 to %scan3A_85 step %scan3A_86 iter_args(%scan3A_90 = %while3A_72, %scan3A_91 = %while3A_73, %scan3A_92 = %while3A_74, %scan3A_93 = %while3A_75, %scan3A_94 = %while3A_76, %scan3A_95 = %while3A_77, %scan3A_96 = %while3A_78, %scan3A_97 = %while3A_79) -> (vector<16xf32>, vector<16xf32>, vector<16xf32>, vector<16xf32>, vector<16xf32>, vector<16xf32>, vector<16xf32>, vector<16xf32>)  : i32 {
          %mul3A_98 = arith.constant 64 : i32
          %mul3A_99 = arith.muli %while3A_71, %mul3A_98 : i32
          %add3A_100 = arith.addi %scan3A_9#0, %mul3A_99 : i32
          %add3A_101 = arith.addi %add3A_100, %scan3A_89 : i32
          %lt3A_102 = arith.cmpi slt, %add3A_101, %scan3A_9#1 : i32
          %convert_element_type3A_103 = arith.extui %lt3A_102 : i1 to i32
          %cond3A_104 = arith.constant 0 : i32
          %cond3A_105 = arith.cmpi ne, %convert_element_type3A_103, %cond3A_104 : i32
          %cond3A_106:8 = scf.if %cond3A_105 -> (vector<16xf32>, vector<16xf32>, vector<16xf32>, vector<16xf32>, vector<16xf32>, vector<16xf32>, vector<16xf32>, vector<16xf32>) {
            %get3A = arith.index_cast %scan3A_89 : i32 to index
            %get3A_107 = arith.constant 0 : index
            %get3A_108 = tpu.vector_load %arg6[%get3A, %get3A_107] {strides = array<i32>} : memref<64x128xf32, #tpu.memory_space<vmem>>, vector<16xf32>,
            %add3A_109 = arith.addf %scan3A_90, %get3A_108 : vector<16xf32>
            %get3A_110 = arith.index_cast %scan3A_89 : i32 to index
            %get3A_111 = arith.constant 16 : index
            %get3A_112 = tpu.vector_load %arg6[%get3A_110, %get3A_111] {strides = array<i32>} : memref<64x128xf32, #tpu.memory_space<vmem>>, vector<16xf32>,
            %add3A_113 = arith.addf %scan3A_91, %get3A_112 : vector<16xf32>
            %get3A_114 = arith.index_cast %scan3A_89 : i32 to index
            %get3A_115 = arith.constant 32 : index
            %get3A_116 = tpu.vector_load %arg6[%get3A_114, %get3A_115] {strides = array<i32>} : memref<64x128xf32, #tpu.memory_space<vmem>>, vector<16xf32>,
            %add3A_117 = arith.addf %scan3A_92, %get3A_116 : vector<16xf32>
            %get3A_118 = arith.index_cast %scan3A_89 : i32 to index
            %get3A_119 = arith.constant 48 : index
            %get3A_120 = tpu.vector_load %arg6[%get3A_118, %get3A_119] {strides = array<i32>} : memref<64x128xf32, #tpu.memory_space<vmem>>, vector<16xf32>,
            %add3A_121 = arith.addf %scan3A_93, %get3A_120 : vector<16xf32>
            %get3A_122 = arith.index_cast %scan3A_89 : i32 to index
            %get3A_123 = arith.constant 64 : index
            %get3A_124 = tpu.vector_load %arg6[%get3A_122, %get3A_123] {strides = array<i32>} : memref<64x128xf32, #tpu.memory_space<vmem>>, vector<16xf32>,
            %add3A_125 = arith.addf %scan3A_94, %get3A_124 : vector<16xf32>
            %get3A_126 = arith.index_cast %scan3A_89 : i32 to index
            %get3A_127 = arith.constant 80 : index
            %get3A_128 = tpu.vector_load %arg6[%get3A_126, %get3A_127] {strides = array<i32>} : memref<64x128xf32, #tpu.memory_space<vmem>>, vector<16xf32>,
            %add3A_129 = arith.addf %scan3A_95, %get3A_128 : vector<16xf32>
            %get3A_130 = arith.index_cast %scan3A_89 : i32 to index
            %get3A_131 = arith.constant 96 : index
            %get3A_132 = tpu.vector_load %arg6[%get3A_130, %get3A_131] {strides = array<i32>} : memref<64x128xf32, #tpu.memory_space<vmem>>, vector<16xf32>,
            %add3A_133 = arith.addf %scan3A_96, %get3A_132 : vector<16xf32>
            %get3A_134 = arith.index_cast %scan3A_89 : i32 to index
            %get3A_135 = arith.constant 112 : index
            %get3A_136 = tpu.vector_load %arg6[%get3A_134, %get3A_135] {strides = array<i32>} : memref<64x128xf32, #tpu.memory_space<vmem>>, vector<16xf32>,
            %add3A_137 = arith.addf %scan3A_97, %get3A_136 : vector<16xf32>
            scf.yield %add3A_109, %add3A_113, %add3A_117, %add3A_121, %add3A_125, %add3A_129, %add3A_133, %add3A_137 : vector<16xf32>, vector<16xf32>, vector<16xf32>, vector<16xf32>, vector<16xf32>, vector<16xf32>, vector<16xf32>, vector<16xf32>
          } else {
            scf.yield %scan3A_90, %scan3A_91, %scan3A_92, %scan3A_93, %scan3A_94, %scan3A_95, %scan3A_96, %scan3A_97 : vector<16xf32>, vector<16xf32>, vector<16xf32>, vector<16xf32>, vector<16xf32>, vector<16xf32>, vector<16xf32>, vector<16xf32>
          }
          scf.yield %cond3A_106#0, %cond3A_106#1, %cond3A_106#2, %cond3A_106#3, %cond3A_106#4, %cond3A_106#5, %cond3A_106#6, %cond3A_106#7 : vector<16xf32>, vector<16xf32>, vector<16xf32>, vector<16xf32>, vector<16xf32>, vector<16xf32>, vector<16xf32>, vector<16xf32>
        }
        %scan3A_88 = arith.constant 64 : i32
        scf.yield %scan3A_87#0, %scan3A_87#1, %scan3A_87#2, %scan3A_87#3, %scan3A_87#4, %scan3A_87#5, %scan3A_87#6, %scan3A_87#7 : vector<16xf32>, vector<16xf32>, vector<16xf32>, vector<16xf32>, vector<16xf32>, vector<16xf32>, vector<16xf32>, vector<16xf32>
      }
      %swap3A = arith.constant 0 : index
      %swap3A_56 = tpu.vector_load %arg7[%swap3A] {strides = array<i32>} : memref<128xf32, #tpu.memory_space<vmem>>, vector<16xf32>,
      tpu.vector_store %arg7[%swap3A], %while3A_55#0 {strides = array<i32>} : memref<128xf32, #tpu.memory_space<vmem>>, vector<16xf32>,
      %swap3A_57 = arith.constant 16 : index
      %swap3A_58 = tpu.vector_load %arg7[%swap3A_57] {strides = array<i32>} : memref<128xf32, #tpu.memory_space<vmem>>, vector<16xf32>,
      tpu.vector_store %arg7[%swap3A_57], %while3A_55#1 {strides = array<i32>} : memref<128xf32, #tpu.memory_space<vmem>>, vector<16xf32>,
      %swap3A_59 = arith.constant 32 : index
      %swap3A_60 = tpu.vector_load %arg7[%swap3A_59] {strides = array<i32>} : memref<128xf32, #tpu.memory_space<vmem>>, vector<16xf32>,
      tpu.vector_store %arg7[%swap3A_59], %while3A_55#2 {strides = array<i32>} : memref<128xf32, #tpu.memory_space<vmem>>, vector<16xf32>,
      %swap3A_61 = arith.constant 48 : index
      %swap3A_62 = tpu.vector_load %arg7[%swap3A_61] {strides = array<i32>} : memref<128xf32, #tpu.memory_space<vmem>>, vector<16xf32>,
      tpu.vector_store %arg7[%swap3A_61], %while3A_55#3 {strides = array<i32>} : memref<128xf32, #tpu.memory_space<vmem>>, vector<16xf32>,
      %swap3A_63 = arith.constant 64 : index
      %swap3A_64 = tpu.vector_load %arg7[%swap3A_63] {strides = array<i32>} : memref<128xf32, #tpu.memory_space<vmem>>, vector<16xf32>,
      tpu.vector_store %arg7[%swap3A_63], %while3A_55#4 {strides = array<i32>} : memref<128xf32, #tpu.memory_space<vmem>>, vector<16xf32>,
      %swap3A_65 = arith.constant 80 : index
      %swap3A_66 = tpu.vector_load %arg7[%swap3A_65] {strides = array<i32>} : memref<128xf32, #tpu.memory_space<vmem>>, vector<16xf32>,
      tpu.vector_store %arg7[%swap3A_65], %while3A_55#5 {strides = array<i32>} : memref<128xf32, #tpu.memory_space<vmem>>, vector<16xf32>,
      %swap3A_67 = arith.constant 96 : index
      %swap3A_68 = tpu.vector_load %arg7[%swap3A_67] {strides = array<i32>} : memref<128xf32, #tpu.memory_space<vmem>>, vector<16xf32>,
      tpu.vector_store %arg7[%swap3A_67], %while3A_55#6 {strides = array<i32>} : memref<128xf32, #tpu.memory_space<vmem>>, vector<16xf32>,
      %swap3A_69 = arith.constant 112 : index
      %swap3A_70 = tpu.vector_load %arg7[%swap3A_69] {strides = array<i32>} : memref<128xf32, #tpu.memory_space<vmem>>, vector<16xf32>,
      tpu.vector_store %arg7[%swap3A_69], %while3A_55#7 {strides = array<i32>} : memref<128xf32, #tpu.memory_space<vmem>>, vector<16xf32>,
      "tpu.region"() ({
        %run_scoped3A = tpu.sem_alloc : memref<!tpu.dma_semaphore, #tpu.memory_space<semaphore_mem>>
        %dma_start3A = arith.constant 0 : i32
        %dma_start3A_71 = tpu.memref_slice %arg4[%add3A, %dma_start3A] : memref<16x128xf32, #tpu.memory_space<hbm>> -> memref<1x128xf32, #tpu.memory_space<hbm>>
        %dma_start3A_72 = tpu.memref_squeeze %dma_start3A_71 : memref<1x128xf32, #tpu.memory_space<hbm>> -> memref<128xf32, #tpu.memory_space<hbm>>
        %dma_start3A_73 = arith.constant 0 : i32
        %dma_start3A_74 = tpu.memref_slice %arg4[%add3A, %dma_start3A_73] : memref<16x128xf32, #tpu.memory_space<hbm>> -> memref<1x128xf32, #tpu.memory_space<hbm>>
        %dma_start3A_75 = tpu.memref_squeeze %dma_start3A_74 : memref<1x128xf32, #tpu.memory_space<hbm>> -> memref<128xf32, #tpu.memory_space<hbm>>
        tpu.enqueue_dma source(%arg7 : memref<128xf32, #tpu.memory_space<vmem>>) target(%dma_start3A_75 : memref<128xf32, #tpu.memory_space<hbm>>) target_semaphore(%run_scoped3A : memref<!tpu.dma_semaphore, #tpu.memory_space<semaphore_mem>>)
        %dma_wait3A = arith.constant 0 : i32
        %dma_wait3A_76 = tpu.memref_slice %arg4[%add3A, %dma_wait3A] : memref<16x128xf32, #tpu.memory_space<hbm>> -> memref<1x128xf32, #tpu.memory_space<hbm>>
        %dma_wait3A_77 = tpu.memref_squeeze %dma_wait3A_76 : memref<1x128xf32, #tpu.memory_space<hbm>> -> memref<128xf32, #tpu.memory_space<hbm>>
        %dma_wait3A_78 = arith.constant 0 : i32
        %dma_wait3A_79 = tpu.memref_slice %arg4[%add3A, %dma_wait3A_78] : memref<16x128xf32, #tpu.memory_space<hbm>> -> memref<1x128xf32, #tpu.memory_space<hbm>>
        %dma_wait3A_80 = tpu.memref_squeeze %dma_wait3A_79 : memref<1x128xf32, #tpu.memory_space<hbm>> -> memref<128xf32, #tpu.memory_space<hbm>>
        tpu.wait_dma2 semaphore(%run_scoped3A : memref<!tpu.dma_semaphore, #tpu.memory_space<semaphore_mem>>) src(%arg7 : memref<128xf32, #tpu.memory_space<vmem>>) dst(%dma_wait3A_80 : memref<128xf32, #tpu.memory_space<hbm>>)
        tpu.yield
      }) : () -> ()
    } else {
    }
    return
  }
}

#map = affine_map<(d0, d1) -> (0)>
#map1 = affine_map<(d0, d1) -> (0, 0)>
module attributes {stable_mosaic.version = 14 : i64} {
  func.func @_bucket_body(%arg0: i32, %arg1: i32, %arg2: memref<320000xi32, #tpu.memory_space<hbm>>, %arg3: memref<320000xi32, #tpu.memory_space<hbm>>, %arg4: memref<32x322080xi32, #tpu.memory_space<hbm>>, %arg5: memref<32x322080xi32, #tpu.memory_space<hbm>>, %arg6: memref<32x16xi32, #tpu.memory_space<hbm>>, %arg7: memref<2000xi32, #tpu.memory_space<vmem>>, %arg8: memref<2000xi32, #tpu.memory_space<vmem>>, %arg9: memref<2080xi32, #tpu.memory_space<vmem>>, %arg10: memref<2080xi32, #tpu.memory_space<vmem>>, %arg11: memref<16xi32, #tpu.memory_space<vmem>>, %arg12: memref<!tpu.dma_semaphore, #tpu.memory_space<semaphore_mem>>) attributes {dimension_semantics = [#tpu.dimension_semantics<core_parallel>, #tpu.dimension_semantics<subcore_parallel>], iteration_bounds = array<i64: 2, 16>, scalar_prefetch = 0 : i64, scratch_operands = 6 : i64, tpu.core_type = #tpu.core_type<sc_vector_subcore>, window_params = [{transform_indices = #map}, {transform_indices = #map}, {transform_indices = #map1}, {transform_indices = #map1}, {transform_indices = #map1}]} {
    %mul3A = arith.constant 2 : i32
    %mul3A_0 = arith.muli %arg1, %mul3A : i32
    %add3A = arith.addi %mul3A_0, %arg0 : i32
    %mul3A_1 = arith.constant 313 : i32
    %mul3A_2 = arith.muli %add3A, %mul3A_1 : i32
    %add3A_3 = arith.constant 313 : i32
    %add3A_4 = arith.addi %mul3A_2, %add3A_3 : i32
    %scan3A = arith.constant 0 : i32
    %scan3A_5 = arith.constant 0 : i32
    %scan3A_6 = arith.constant 130 : i32
    %scan3A_7 = arith.addi %scan3A_5, %scan3A_6 : i32
    %scan3A_8 = arith.constant 1 : i32
    scf.for %scan3A_20 = %scan3A_5 to %scan3A_7 step %scan3A_8  : i32 {
      %broadcast_in_dim3A_21 = arith.constant 0 : i32
      %broadcast_in_dim3A_22 = vector.broadcast %broadcast_in_dim3A_21 : i32 to vector<16xi32>
      %mul3A_23 = arith.constant 16 : i32
      %mul3A_24 = arith.muli %scan3A_20, %mul3A_23 : i32
      %swap3A_25 = arith.index_cast %mul3A_24 : i32 to index
      %swap3A_26 = tpu.vector_load %arg9[%swap3A_25] {strides = array<i32>} : memref<2080xi32, #tpu.memory_space<vmem>>, vector<16xi32>,
      tpu.vector_store %arg9[%swap3A_25], %broadcast_in_dim3A_22 {strides = array<i32>} : memref<2080xi32, #tpu.memory_space<vmem>>, vector<16xi32>,
      %broadcast_in_dim3A_27 = arith.constant 0 : i32
      %broadcast_in_dim3A_28 = vector.broadcast %broadcast_in_dim3A_27 : i32 to vector<16xi32>
      %mul3A_29 = arith.constant 16 : i32
      %mul3A_30 = arith.muli %scan3A_20, %mul3A_29 : i32
      %swap3A_31 = arith.index_cast %mul3A_30 : i32 to index
      %swap3A_32 = tpu.vector_load %arg10[%swap3A_31] {strides = array<i32>} : memref<2080xi32, #tpu.memory_space<vmem>>, vector<16xi32>,
      tpu.vector_store %arg10[%swap3A_31], %broadcast_in_dim3A_28 {strides = array<i32>} : memref<2080xi32, #tpu.memory_space<vmem>>, vector<16xi32>,
    }
    %scan3A_9 = arith.constant 130 : i32
    %scan3A_10 = arith.constant 0 : i32
    %scan3A_11 = arith.constant 0 : i32
    %scan3A_12 = arith.constant 0 : i32
    %scan3A_13 = arith.constant 160 : i32
    %scan3A_14 = arith.addi %scan3A_12, %scan3A_13 : i32
    %scan3A_15 = arith.constant 1 : i32
    %scan3A_16:2 = scf.for %scan3A_20 = %scan3A_12 to %scan3A_14 step %scan3A_15 iter_args(%scan3A_21 = %scan3A_10, %scan3A_22 = %scan3A_11) -> (i32, i32)  : i32 {
      %mul3A_23 = arith.constant 2000 : i32
      %mul3A_24 = arith.muli %scan3A_20, %mul3A_23 : i32
      "tpu.region"() ({
        %run_scoped3A = tpu.sem_alloc : memref<!tpu.dma_semaphore, #tpu.memory_space<semaphore_mem>>
        %dma_start3A = tpu.memref_slice %arg2[%mul3A_24] : memref<320000xi32, #tpu.memory_space<hbm>> -> memref<2000xi32, #tpu.memory_space<hbm>>
        %dma_start3A_45 = tpu.memref_slice %arg2[%mul3A_24] : memref<320000xi32, #tpu.memory_space<hbm>> -> memref<2000xi32, #tpu.memory_space<hbm>>
        tpu.enqueue_dma source(%dma_start3A_45 : memref<2000xi32, #tpu.memory_space<hbm>>) target(%arg7 : memref<2000xi32, #tpu.memory_space<vmem>>) target_semaphore(%run_scoped3A : memref<!tpu.dma_semaphore, #tpu.memory_space<semaphore_mem>>)
        %dma_wait3A = tpu.memref_slice %arg2[%mul3A_24] : memref<320000xi32, #tpu.memory_space<hbm>> -> memref<2000xi32, #tpu.memory_space<hbm>>
        %dma_wait3A_46 = tpu.memref_slice %arg2[%mul3A_24] : memref<320000xi32, #tpu.memory_space<hbm>> -> memref<2000xi32, #tpu.memory_space<hbm>>
        tpu.wait_dma2 semaphore(%run_scoped3A : memref<!tpu.dma_semaphore, #tpu.memory_space<semaphore_mem>>) src(%dma_wait3A_46 : memref<2000xi32, #tpu.memory_space<hbm>>) dst(%arg7 : memref<2000xi32, #tpu.memory_space<vmem>>)
        tpu.yield
      }) : () -> ()
      %mul3A_25 = arith.constant 2000 : i32
      %mul3A_26 = arith.muli %scan3A_20, %mul3A_25 : i32
      "tpu.region"() ({
        %run_scoped3A = tpu.sem_alloc : memref<!tpu.dma_semaphore, #tpu.memory_space<semaphore_mem>>
        %dma_start3A = tpu.memref_slice %arg3[%mul3A_26] : memref<320000xi32, #tpu.memory_space<hbm>> -> memref<2000xi32, #tpu.memory_space<hbm>>
        %dma_start3A_45 = tpu.memref_slice %arg3[%mul3A_26] : memref<320000xi32, #tpu.memory_space<hbm>> -> memref<2000xi32, #tpu.memory_space<hbm>>
        tpu.enqueue_dma source(%dma_start3A_45 : memref<2000xi32, #tpu.memory_space<hbm>>) target(%arg8 : memref<2000xi32, #tpu.memory_space<vmem>>) target_semaphore(%run_scoped3A : memref<!tpu.dma_semaphore, #tpu.memory_space<semaphore_mem>>)
        %dma_wait3A = tpu.memref_slice %arg3[%mul3A_26] : memref<320000xi32, #tpu.memory_space<hbm>> -> memref<2000xi32, #tpu.memory_space<hbm>>
        %dma_wait3A_46 = tpu.memref_slice %arg3[%mul3A_26] : memref<320000xi32, #tpu.memory_space<hbm>> -> memref<2000xi32, #tpu.memory_space<hbm>>
        tpu.wait_dma2 semaphore(%run_scoped3A : memref<!tpu.dma_semaphore, #tpu.memory_space<semaphore_mem>>) src(%dma_wait3A_46 : memref<2000xi32, #tpu.memory_space<hbm>>) dst(%arg8 : memref<2000xi32, #tpu.memory_space<vmem>>)
        tpu.yield
      }) : () -> ()
      %broadcast_in_dim3A_27 = arith.constant 1 : i32
      %broadcast_in_dim3A_28 = vector.broadcast %broadcast_in_dim3A_27 : i32 to vector<16xi32>
      %scan3A_29 = arith.constant 0 : i32
      %scan3A_30 = arith.constant 125 : i32
      %scan3A_31 = arith.addi %scan3A_29, %scan3A_30 : i32
      %scan3A_32 = arith.constant 1 : i32
      %scan3A_33 = scf.for %scan3A_45 = %scan3A_29 to %scan3A_31 step %scan3A_32 iter_args(%scan3A_46 = %scan3A_21) -> (i32)  : i32 {
        %mul3A_47 = arith.constant 16 : i32
        %mul3A_48 = arith.muli %scan3A_45, %mul3A_47 : i32
        %get3A_49 = arith.index_cast %mul3A_48 : i32 to index
        %get3A_50 = tpu.vector_load %arg8[%get3A_49] {strides = array<i32>} : memref<2000xi32, #tpu.memory_space<vmem>>, vector<16xi32>,
        %mul3A_51 = arith.constant 16 : i32
        %mul3A_52 = arith.muli %scan3A_45, %mul3A_51 : i32
        %get3A_53 = arith.index_cast %mul3A_52 : i32 to index
        %get3A_54 = tpu.vector_load %arg7[%get3A_53] {strides = array<i32>} : memref<2000xi32, #tpu.memory_space<vmem>>, vector<16xi32>,
        %sub3A_55 = vector.broadcast %mul3A_2 : i32 to vector<16xi32>
        %sub3A_56 = arith.subi %get3A_50, %sub3A_55 : vector<16xi32>
        %sub3A_57 = vector.broadcast %add3A_4 : i32 to vector<16xi32>
        %sub3A_58 = arith.subi %get3A_50, %sub3A_57 : vector<16xi32>
        %shift_right_logical3A = arith.constant 31 : i32
        %shift_right_logical3A_59 = vector.broadcast %shift_right_logical3A : i32 to vector<16xi32>
        %shift_right_logical3A_60 = arith.shrui %sub3A_58, %shift_right_logical3A_59 : vector<16xi32>
        %and3A_61 = arith.andi %shift_right_logical3A_60, %broadcast_in_dim3A_28 : vector<16xi32>
        %shift_right_logical3A_62 = arith.constant 31 : i32
        %shift_right_logical3A_63 = vector.broadcast %shift_right_logical3A_62 : i32 to vector<16xi32>
        %shift_right_logical3A_64 = arith.shrui %sub3A_56, %shift_right_logical3A_63 : vector<16xi32>
        %and3A_65 = arith.andi %shift_right_logical3A_64, %broadcast_in_dim3A_28 : vector<16xi32>
        %sub3A_66 = arith.subi %broadcast_in_dim3A_28, %and3A_65 : vector<16xi32>
        %and3A_67 = arith.andi %and3A_61, %sub3A_66 : vector<16xi32>
        %broadcast_in_dim3A_68 = arith.constant true
        %broadcast_in_dim3A_69 = vector.broadcast %broadcast_in_dim3A_68 : i1 to vector<16xi1>
        %masked_cumsum3A = tpu.scan <sum>, %and3A_67 masked %broadcast_in_dim3A_69 : vector<16xi32>, vector<16xi1> -> vector<16xi32>
        %add3A_70 = vector.broadcast %scan3A_46 : i32 to vector<16xi32>
        %add3A_71 = arith.addi %add3A_70, %masked_cumsum3A : vector<16xi32>
        %sub3A_72 = arith.constant 1 : i32
        %sub3A_73 = vector.broadcast %sub3A_72 : i32 to vector<16xi32>
        %sub3A_74 = arith.subi %add3A_71, %sub3A_73 : vector<16xi32>
        %mul3A_75 = arith.muli %sub3A_74, %and3A_67 : vector<16xi32>
        %sub3A_76 = arith.subi %broadcast_in_dim3A_28, %and3A_67 : vector<16xi32>
        %mul3A_77 = arith.constant 2072 : i32
        %mul3A_78 = vector.broadcast %mul3A_77 : i32 to vector<16xi32>
        %mul3A_79 = arith.muli %mul3A_78, %sub3A_76 : vector<16xi32>
        %add3A_80 = arith.addi %mul3A_75, %mul3A_79 : vector<16xi32>
        tpu.vector_store_idx %arg9[%add3A_80], %get3A_54 : memref<2080xi32, #tpu.memory_space<vmem>>[vector<16xi32>], vector<16xi32>,
        tpu.vector_store_idx %arg10[%add3A_80], %sub3A_56 : memref<2080xi32, #tpu.memory_space<vmem>>[vector<16xi32>], vector<16xi32>,
        %slice3A = vector.extract_strided_slice %masked_cumsum3A {offsets = [15], sizes = [1], strides = [1]} : vector<16xi32> to vector<1xi32>
        %squeeze3A = vector.extract %slice3A[0] : i32 from vector<1xi32>
        %add3A_81 = arith.addi %scan3A_46, %squeeze3A : i32
        scf.yield %add3A_81 : i32
      }
      %scan3A_34 = arith.constant 125 : i32
      %and3A = arith.constant -8 : i32
      %and3A_35 = arith.andi %scan3A_33, %and3A : i32
      %multiple_of3A_36 = tpu.assume_multiple %scan3A_22, 8 : i32
      "tpu.region"() ({
        %run_scoped3A = tpu.sem_alloc : memref<!tpu.dma_semaphore, #tpu.memory_space<semaphore_mem>>
        %dma_start3A = arith.constant 0 : i32
        %dma_start3A_45 = tpu.memref_slice %arg9[%dma_start3A] : memref<2080xi32, #tpu.memory_space<vmem>> -> memref<2048xi32, #tpu.memory_space<vmem>>
        %dma_start3A_46 = tpu.memref_slice %arg4[%add3A, %multiple_of3A_36] : memref<32x322080xi32, #tpu.memory_space<hbm>> -> memref<1x2048xi32, #tpu.memory_space<hbm>>
        %dma_start3A_47 = tpu.memref_squeeze %dma_start3A_46 : memref<1x2048xi32, #tpu.memory_space<hbm>> -> memref<2048xi32, #tpu.memory_space<hbm>>
        %dma_start3A_48 = tpu.memref_slice %arg4[%add3A, %multiple_of3A_36] : memref<32x322080xi32, #tpu.memory_space<hbm>> -> memref<1x2048xi32, #tpu.memory_space<hbm>>
        %dma_start3A_49 = tpu.memref_squeeze %dma_start3A_48 : memref<1x2048xi32, #tpu.memory_space<hbm>> -> memref<2048xi32, #tpu.memory_space<hbm>>
        %dma_start3A_50 = arith.constant 0 : i32
        %dma_start3A_51 = tpu.memref_slice %arg9[%dma_start3A_50] : memref<2080xi32, #tpu.memory_space<vmem>> -> memref<2048xi32, #tpu.memory_space<vmem>>
        tpu.enqueue_dma source(%dma_start3A_51 : memref<2048xi32, #tpu.memory_space<vmem>>) target(%dma_start3A_49 : memref<2048xi32, #tpu.memory_space<hbm>>) target_semaphore(%run_scoped3A : memref<!tpu.dma_semaphore, #tpu.memory_space<semaphore_mem>>)
        %dma_wait3A = arith.constant 0 : i32
        %dma_wait3A_52 = tpu.memref_slice %arg9[%dma_wait3A] : memref<2080xi32, #tpu.memory_space<vmem>> -> memref<2048xi32, #tpu.memory_space<vmem>>
        %dma_wait3A_53 = tpu.memref_slice %arg4[%add3A, %multiple_of3A_36] : memref<32x322080xi32, #tpu.memory_space<hbm>> -> memref<1x2048xi32, #tpu.memory_space<hbm>>
        %dma_wait3A_54 = tpu.memref_squeeze %dma_wait3A_53 : memref<1x2048xi32, #tpu.memory_space<hbm>> -> memref<2048xi32, #tpu.memory_space<hbm>>
        %dma_wait3A_55 = tpu.memref_slice %arg4[%add3A, %multiple_of3A_36] : memref<32x322080xi32, #tpu.memory_space<hbm>> -> memref<1x2048xi32, #tpu.memory_space<hbm>>
        %dma_wait3A_56 = tpu.memref_squeeze %dma_wait3A_55 : memref<1x2048xi32, #tpu.memory_space<hbm>> -> memref<2048xi32, #tpu.memory_space<hbm>>
        %dma_wait3A_57 = arith.constant 0 : i32
        %dma_wait3A_58 = tpu.memref_slice %arg9[%dma_wait3A_57] : memref<2080xi32, #tpu.memory_space<vmem>> -> memref<2048xi32, #tpu.memory_space<vmem>>
        tpu.wait_dma2 semaphore(%run_scoped3A : memref<!tpu.dma_semaphore, #tpu.memory_space<semaphore_mem>>) src(%dma_wait3A_58 : memref<2048xi32, #tpu.memory_space<vmem>>) dst(%dma_wait3A_56 : memref<2048xi32, #tpu.memory_space<hbm>>)
        tpu.yield
      }) : () -> ()
      "tpu.region"() ({
        %run_scoped3A = tpu.sem_alloc : memref<!tpu.dma_semaphore, #tpu.memory_space<semaphore_mem>>
        %dma_start3A = arith.constant 0 : i32
        %dma_start3A_45 = tpu.memref_slice %arg10[%dma_start3A] : memref<2080xi32, #tpu.memory_space<vmem>> -> memref<2048xi32, #tpu.memory_space<vmem>>
        %dma_start3A_46 = tpu.memref_slice %arg5[%add3A, %multiple_of3A_36] : memref<32x322080xi32, #tpu.memory_space<hbm>> -> memref<1x2048xi32, #tpu.memory_space<hbm>>
        %dma_start3A_47 = tpu.memref_squeeze %dma_start3A_46 : memref<1x2048xi32, #tpu.memory_space<hbm>> -> memref<2048xi32, #tpu.memory_space<hbm>>
        %dma_start3A_48 = tpu.memref_slice %arg5[%add3A, %multiple_of3A_36] : memref<32x322080xi32, #tpu.memory_space<hbm>> -> memref<1x2048xi32, #tpu.memory_space<hbm>>
        %dma_start3A_49 = tpu.memref_squeeze %dma_start3A_48 : memref<1x2048xi32, #tpu.memory_space<hbm>> -> memref<2048xi32, #tpu.memory_space<hbm>>
        %dma_start3A_50 = arith.constant 0 : i32
        %dma_start3A_51 = tpu.memref_slice %arg10[%dma_start3A_50] : memref<2080xi32, #tpu.memory_space<vmem>> -> memref<2048xi32, #tpu.memory_space<vmem>>
        tpu.enqueue_dma source(%dma_start3A_51 : memref<2048xi32, #tpu.memory_space<vmem>>) target(%dma_start3A_49 : memref<2048xi32, #tpu.memory_space<hbm>>) target_semaphore(%run_scoped3A : memref<!tpu.dma_semaphore, #tpu.memory_space<semaphore_mem>>)
        %dma_wait3A = arith.constant 0 : i32
        %dma_wait3A_52 = tpu.memref_slice %arg10[%dma_wait3A] : memref<2080xi32, #tpu.memory_space<vmem>> -> memref<2048xi32, #tpu.memory_space<vmem>>
        %dma_wait3A_53 = tpu.memref_slice %arg5[%add3A, %multiple_of3A_36] : memref<32x322080xi32, #tpu.memory_space<hbm>> -> memref<1x2048xi32, #tpu.memory_space<hbm>>
        %dma_wait3A_54 = tpu.memref_squeeze %dma_wait3A_53 : memref<1x2048xi32, #tpu.memory_space<hbm>> -> memref<2048xi32, #tpu.memory_space<hbm>>
        %dma_wait3A_55 = tpu.memref_slice %arg5[%add3A, %multiple_of3A_36] : memref<32x322080xi32, #tpu.memory_space<hbm>> -> memref<1x2048xi32, #tpu.memory_space<hbm>>
        %dma_wait3A_56 = tpu.memref_squeeze %dma_wait3A_55 : memref<1x2048xi32, #tpu.memory_space<hbm>> -> memref<2048xi32, #tpu.memory_space<hbm>>
        %dma_wait3A_57 = arith.constant 0 : i32
        %dma_wait3A_58 = tpu.memref_slice %arg10[%dma_wait3A_57] : memref<2080xi32, #tpu.memory_space<vmem>> -> memref<2048xi32, #tpu.memory_space<vmem>>
        tpu.wait_dma2 semaphore(%run_scoped3A : memref<!tpu.dma_semaphore, #tpu.memory_space<semaphore_mem>>) src(%dma_wait3A_58 : memref<2048xi32, #tpu.memory_space<vmem>>) dst(%dma_wait3A_56 : memref<2048xi32, #tpu.memory_space<hbm>>)
        tpu.yield
      }) : () -> ()
      %get3A = arith.index_cast %and3A_35 : i32 to index
      %get3A_37 = tpu.vector_load %arg9[%get3A] {strides = array<i32>} : memref<2080xi32, #tpu.memory_space<vmem>>, vector<16xi32>,
      %get3A_38 = arith.index_cast %and3A_35 : i32 to index
      %get3A_39 = tpu.vector_load %arg10[%get3A_38] {strides = array<i32>} : memref<2080xi32, #tpu.memory_space<vmem>>, vector<16xi32>,
      %swap3A_40 = arith.constant 0 : index
      %swap3A_41 = tpu.vector_load %arg9[%swap3A_40] {strides = array<i32>} : memref<2080xi32, #tpu.memory_space<vmem>>, vector<16xi32>,
      tpu.vector_store %arg9[%swap3A_40], %get3A_37 {strides = array<i32>} : memref<2080xi32, #tpu.memory_space<vmem>>, vector<16xi32>,
      %swap3A_42 = arith.constant 0 : index
      %swap3A_43 = tpu.vector_load %arg10[%swap3A_42] {strides = array<i32>} : memref<2080xi32, #tpu.memory_space<vmem>>, vector<16xi32>,
      tpu.vector_store %arg10[%swap3A_42], %get3A_39 {strides = array<i32>} : memref<2080xi32, #tpu.memory_space<vmem>>, vector<16xi32>,
      %sub3A = arith.subi %scan3A_33, %and3A_35 : i32
      %add3A_44 = arith.addi %scan3A_22, %and3A_35 : i32
      scf.yield %sub3A, %add3A_44 : i32, i32
    }
    %scan3A_17 = arith.constant 160 : i32
    %multiple_of3A = tpu.assume_multiple %scan3A_16#1, 8 : i32
    "tpu.region"() ({
      %run_scoped3A = tpu.sem_alloc : memref<!tpu.dma_semaphore, #tpu.memory_space<semaphore_mem>>
      %dma_start3A = arith.constant 0 : i32
      %dma_start3A_20 = tpu.memref_slice %arg9[%dma_start3A] : memref<2080xi32, #tpu.memory_space<vmem>> -> memref<2048xi32, #tpu.memory_space<vmem>>
      %dma_start3A_21 = tpu.memref_slice %arg4[%add3A, %multiple_of3A] : memref<32x322080xi32, #tpu.memory_space<hbm>> -> memref<1x2048xi32, #tpu.memory_space<hbm>>
      %dma_start3A_22 = tpu.memref_squeeze %dma_start3A_21 : memref<1x2048xi32, #tpu.memory_space<hbm>> -> memref<2048xi32, #tpu.memory_space<hbm>>
      %dma_start3A_23 = tpu.memref_slice %arg4[%add3A, %multiple_of3A] : memref<32x322080xi32, #tpu.memory_space<hbm>> -> memref<1x2048xi32, #tpu.memory_space<hbm>>
      %dma_start3A_24 = tpu.memref_squeeze %dma_start3A_23 : memref<1x2048xi32, #tpu.memory_space<hbm>> -> memref<2048xi32, #tpu.memory_space<hbm>>
      %dma_start3A_25 = arith.constant 0 : i32
      %dma_start3A_26 = tpu.memref_slice %arg9[%dma_start3A_25] : memref<2080xi32, #tpu.memory_space<vmem>> -> memref<2048xi32, #tpu.memory_space<vmem>>
      tpu.enqueue_dma source(%dma_start3A_26 : memref<2048xi32, #tpu.memory_space<vmem>>) target(%dma_start3A_24 : memref<2048xi32, #tpu.memory_space<hbm>>) target_semaphore(%run_scoped3A : memref<!tpu.dma_semaphore, #tpu.memory_space<semaphore_mem>>)
      %dma_wait3A = arith.constant 0 : i32
      %dma_wait3A_27 = tpu.memref_slice %arg9[%dma_wait3A] : memref<2080xi32, #tpu.memory_space<vmem>> -> memref<2048xi32, #tpu.memory_space<vmem>>
      %dma_wait3A_28 = tpu.memref_slice %arg4[%add3A, %multiple_of3A] : memref<32x322080xi32, #tpu.memory_space<hbm>> -> memref<1x2048xi32, #tpu.memory_space<hbm>>
      %dma_wait3A_29 = tpu.memref_squeeze %dma_wait3A_28 : memref<1x2048xi32, #tpu.memory_space<hbm>> -> memref<2048xi32, #tpu.memory_space<hbm>>
      %dma_wait3A_30 = tpu.memref_slice %arg4[%add3A, %multiple_of3A] : memref<32x322080xi32, #tpu.memory_space<hbm>> -> memref<1x2048xi32, #tpu.memory_space<hbm>>
      %dma_wait3A_31 = tpu.memref_squeeze %dma_wait3A_30 : memref<1x2048xi32, #tpu.memory_space<hbm>> -> memref<2048xi32, #tpu.memory_space<hbm>>
      %dma_wait3A_32 = arith.constant 0 : i32
      %dma_wait3A_33 = tpu.memref_slice %arg9[%dma_wait3A_32] : memref<2080xi32, #tpu.memory_space<vmem>> -> memref<2048xi32, #tpu.memory_space<vmem>>
      tpu.wait_dma2 semaphore(%run_scoped3A : memref<!tpu.dma_semaphore, #tpu.memory_space<semaphore_mem>>) src(%dma_wait3A_33 : memref<2048xi32, #tpu.memory_space<vmem>>) dst(%dma_wait3A_31 : memref<2048xi32, #tpu.memory_space<hbm>>)
      tpu.yield
    }) : () -> ()
    "tpu.region"() ({
      %run_scoped3A = tpu.sem_alloc : memref<!tpu.dma_semaphore, #tpu.memory_space<semaphore_mem>>
      %dma_start3A = arith.constant 0 : i32
      %dma_start3A_20 = tpu.memref_slice %arg10[%dma_start3A] : memref<2080xi32, #tpu.memory_space<vmem>> -> memref<2048xi32, #tpu.memory_space<vmem>>
      %dma_start3A_21 = tpu.memref_slice %arg5[%add3A, %multiple_of3A] : memref<32x322080xi32, #tpu.memory_space<hbm>> -> memref<1x2048xi32, #tpu.memory_space<hbm>>
      %dma_start3A_22 = tpu.memref_squeeze %dma_start3A_21 : memref<1x2048xi32, #tpu.memory_space<hbm>> -> memref<2048xi32, #tpu.memory_space<hbm>>
      %dma_start3A_23 = tpu.memref_slice %arg5[%add3A, %multiple_of3A] : memref<32x322080xi32, #tpu.memory_space<hbm>> -> memref<1x2048xi32, #tpu.memory_space<hbm>>
      %dma_start3A_24 = tpu.memref_squeeze %dma_start3A_23 : memref<1x2048xi32, #tpu.memory_space<hbm>> -> memref<2048xi32, #tpu.memory_space<hbm>>
      %dma_start3A_25 = arith.constant 0 : i32
      %dma_start3A_26 = tpu.memref_slice %arg10[%dma_start3A_25] : memref<2080xi32, #tpu.memory_space<vmem>> -> memref<2048xi32, #tpu.memory_space<vmem>>
      tpu.enqueue_dma source(%dma_start3A_26 : memref<2048xi32, #tpu.memory_space<vmem>>) target(%dma_start3A_24 : memref<2048xi32, #tpu.memory_space<hbm>>) target_semaphore(%run_scoped3A : memref<!tpu.dma_semaphore, #tpu.memory_space<semaphore_mem>>)
      %dma_wait3A = arith.constant 0 : i32
      %dma_wait3A_27 = tpu.memref_slice %arg10[%dma_wait3A] : memref<2080xi32, #tpu.memory_space<vmem>> -> memref<2048xi32, #tpu.memory_space<vmem>>
      %dma_wait3A_28 = tpu.memref_slice %arg5[%add3A, %multiple_of3A] : memref<32x322080xi32, #tpu.memory_space<hbm>> -> memref<1x2048xi32, #tpu.memory_space<hbm>>
      %dma_wait3A_29 = tpu.memref_squeeze %dma_wait3A_28 : memref<1x2048xi32, #tpu.memory_space<hbm>> -> memref<2048xi32, #tpu.memory_space<hbm>>
      %dma_wait3A_30 = tpu.memref_slice %arg5[%add3A, %multiple_of3A] : memref<32x322080xi32, #tpu.memory_space<hbm>> -> memref<1x2048xi32, #tpu.memory_space<hbm>>
      %dma_wait3A_31 = tpu.memref_squeeze %dma_wait3A_30 : memref<1x2048xi32, #tpu.memory_space<hbm>> -> memref<2048xi32, #tpu.memory_space<hbm>>
      %dma_wait3A_32 = arith.constant 0 : i32
      %dma_wait3A_33 = tpu.memref_slice %arg10[%dma_wait3A_32] : memref<2080xi32, #tpu.memory_space<vmem>> -> memref<2048xi32, #tpu.memory_space<vmem>>
      tpu.wait_dma2 semaphore(%run_scoped3A : memref<!tpu.dma_semaphore, #tpu.memory_space<semaphore_mem>>) src(%dma_wait3A_33 : memref<2048xi32, #tpu.memory_space<vmem>>) dst(%dma_wait3A_31 : memref<2048xi32, #tpu.memory_space<hbm>>)
      tpu.yield
    }) : () -> ()
    %add3A_18 = arith.addi %scan3A_16#1, %scan3A_16#0 : i32
    %broadcast_in_dim3A = vector.broadcast %add3A_18 : i32 to vector<16xi32>
    %swap3A = arith.constant 0 : index
    %swap3A_19 = tpu.vector_load %arg11[%swap3A] {strides = array<i32>} : memref<16xi32, #tpu.memory_space<vmem>>, vector<16xi32>,
    tpu.vector_store %arg11[%swap3A], %broadcast_in_dim3A {strides = array<i32>} : memref<16xi32, #tpu.memory_space<vmem>>, vector<16xi32>,
    "tpu.region"() ({
      %run_scoped3A = tpu.sem_alloc : memref<!tpu.dma_semaphore, #tpu.memory_space<semaphore_mem>>
      %dma_start3A = arith.constant 0 : i32
      %dma_start3A_20 = tpu.memref_slice %arg6[%add3A, %dma_start3A] : memref<32x16xi32, #tpu.memory_space<hbm>> -> memref<1x16xi32, #tpu.memory_space<hbm>>
      %dma_start3A_21 = tpu.memref_squeeze %dma_start3A_20 : memref<1x16xi32, #tpu.memory_space<hbm>> -> memref<16xi32, #tpu.memory_space<hbm>>
      %dma_start3A_22 = arith.constant 0 : i32
      %dma_start3A_23 = tpu.memref_slice %arg6[%add3A, %dma_start3A_22] : memref<32x16xi32, #tpu.memory_space<hbm>> -> memref<1x16xi32, #tpu.memory_space<hbm>>
      %dma_start3A_24 = tpu.memref_squeeze %dma_start3A_23 : memref<1x16xi32, #tpu.memory_space<hbm>> -> memref<16xi32, #tpu.memory_space<hbm>>
      tpu.enqueue_dma source(%arg11 : memref<16xi32, #tpu.memory_space<vmem>>) target(%dma_start3A_24 : memref<16xi32, #tpu.memory_space<hbm>>) target_semaphore(%run_scoped3A : memref<!tpu.dma_semaphore, #tpu.memory_space<semaphore_mem>>)
      %dma_wait3A = arith.constant 0 : i32
      %dma_wait3A_25 = tpu.memref_slice %arg6[%add3A, %dma_wait3A] : memref<32x16xi32, #tpu.memory_space<hbm>> -> memref<1x16xi32, #tpu.memory_space<hbm>>
      %dma_wait3A_26 = tpu.memref_squeeze %dma_wait3A_25 : memref<1x16xi32, #tpu.memory_space<hbm>> -> memref<16xi32, #tpu.memory_space<hbm>>
      %dma_wait3A_27 = arith.constant 0 : i32
      %dma_wait3A_28 = tpu.memref_slice %arg6[%add3A, %dma_wait3A_27] : memref<32x16xi32, #tpu.memory_space<hbm>> -> memref<1x16xi32, #tpu.memory_space<hbm>>
      %dma_wait3A_29 = tpu.memref_squeeze %dma_wait3A_28 : memref<1x16xi32, #tpu.memory_space<hbm>> -> memref<16xi32, #tpu.memory_space<hbm>>
      tpu.wait_dma2 semaphore(%run_scoped3A : memref<!tpu.dma_semaphore, #tpu.memory_space<semaphore_mem>>) src(%arg11 : memref<16xi32, #tpu.memory_space<vmem>>) dst(%dma_wait3A_29 : memref<16xi32, #tpu.memory_space<hbm>>)
      tpu.yield
    }) : () -> ()
    return
  }
}

#map = affine_map<(d0, d1) -> (0, 0)>
module attributes {stable_mosaic.version = 14 : i64} {
  func.func @_agg_body(%arg0: i32, %arg1: i32, %arg2: memref<10000x128xf32, #tpu.memory_space<hbm>>, %arg3: memref<32x322080xi32, #tpu.memory_space<hbm>>, %arg4: memref<32x322080xi32, #tpu.memory_space<hbm>>, %arg5: memref<32x16xi32, #tpu.memory_space<hbm>>, %arg6: memref<10000x128xf32, #tpu.memory_space<hbm>>, %arg7: memref<80xi32, #tpu.memory_space<vmem>>, %arg8: memref<96xi32, #tpu.memory_space<vmem>>, %arg9: memref<80x128xf32, #tpu.memory_space<vmem>>, %arg10: memref<313x128xf32, #tpu.memory_space<vmem>>, %arg11: memref<16xi32, #tpu.memory_space<vmem>>, %arg12: memref<!tpu.dma_semaphore, #tpu.memory_space<semaphore_mem>>) attributes {dimension_semantics = [#tpu.dimension_semantics<core_parallel>, #tpu.dimension_semantics<subcore_parallel>], iteration_bounds = array<i64: 2, 16>, scalar_prefetch = 0 : i64, scratch_operands = 6 : i64, tpu.core_type = #tpu.core_type<sc_vector_subcore>, window_params = [{transform_indices = #map}, {transform_indices = #map}, {transform_indices = #map}, {transform_indices = #map}, {transform_indices = #map}]} {
    %mul3A = arith.constant 2 : i32
    %mul3A_0 = arith.muli %arg1, %mul3A : i32
    %add3A = arith.addi %mul3A_0, %arg0 : i32
    %scan3A = arith.constant 0 : i32
    %scan3A_1 = arith.constant 0 : i32
    %scan3A_2 = arith.constant 313 : i32
    %scan3A_3 = arith.addi %scan3A_1, %scan3A_2 : i32
    %scan3A_4 = arith.constant 1 : i32
    scf.for %scan3A_40 = %scan3A_1 to %scan3A_3 step %scan3A_4  : i32 {
      %broadcast_in_dim3A = arith.constant 0.000000e+00 : f32
      %broadcast_in_dim3A_41 = vector.broadcast %broadcast_in_dim3A : f32 to vector<16xf32>
      %swap3A = arith.index_cast %scan3A_40 : i32 to index
      %swap3A_42 = arith.constant 0 : index
      %swap3A_43 = tpu.vector_load %arg10[%swap3A, %swap3A_42] {strides = array<i32>} : memref<313x128xf32, #tpu.memory_space<vmem>>, vector<16xf32>,
      tpu.vector_store %arg10[%swap3A, %swap3A_42], %broadcast_in_dim3A_41 {strides = array<i32>} : memref<313x128xf32, #tpu.memory_space<vmem>>, vector<16xf32>,
      %broadcast_in_dim3A_44 = arith.constant 0.000000e+00 : f32
      %broadcast_in_dim3A_45 = vector.broadcast %broadcast_in_dim3A_44 : f32 to vector<16xf32>
      %swap3A_46 = arith.index_cast %scan3A_40 : i32 to index
      %swap3A_47 = arith.constant 16 : index
      %swap3A_48 = tpu.vector_load %arg10[%swap3A_46, %swap3A_47] {strides = array<i32>} : memref<313x128xf32, #tpu.memory_space<vmem>>, vector<16xf32>,
      tpu.vector_store %arg10[%swap3A_46, %swap3A_47], %broadcast_in_dim3A_45 {strides = array<i32>} : memref<313x128xf32, #tpu.memory_space<vmem>>, vector<16xf32>,
      %broadcast_in_dim3A_49 = arith.constant 0.000000e+00 : f32
      %broadcast_in_dim3A_50 = vector.broadcast %broadcast_in_dim3A_49 : f32 to vector<16xf32>
      %swap3A_51 = arith.index_cast %scan3A_40 : i32 to index
      %swap3A_52 = arith.constant 32 : index
      %swap3A_53 = tpu.vector_load %arg10[%swap3A_51, %swap3A_52] {strides = array<i32>} : memref<313x128xf32, #tpu.memory_space<vmem>>, vector<16xf32>,
      tpu.vector_store %arg10[%swap3A_51, %swap3A_52], %broadcast_in_dim3A_50 {strides = array<i32>} : memref<313x128xf32, #tpu.memory_space<vmem>>, vector<16xf32>,
      %broadcast_in_dim3A_54 = arith.constant 0.000000e+00 : f32
      %broadcast_in_dim3A_55 = vector.broadcast %broadcast_in_dim3A_54 : f32 to vector<16xf32>
      %swap3A_56 = arith.index_cast %scan3A_40 : i32 to index
      %swap3A_57 = arith.constant 48 : index
      %swap3A_58 = tpu.vector_load %arg10[%swap3A_56, %swap3A_57] {strides = array<i32>} : memref<313x128xf32, #tpu.memory_space<vmem>>, vector<16xf32>,
      tpu.vector_store %arg10[%swap3A_56, %swap3A_57], %broadcast_in_dim3A_55 {strides = array<i32>} : memref<313x128xf32, #tpu.memory_space<vmem>>, vector<16xf32>,
      %broadcast_in_dim3A_59 = arith.constant 0.000000e+00 : f32
      %broadcast_in_dim3A_60 = vector.broadcast %broadcast_in_dim3A_59 : f32 to vector<16xf32>
      %swap3A_61 = arith.index_cast %scan3A_40 : i32 to index
      %swap3A_62 = arith.constant 64 : index
      %swap3A_63 = tpu.vector_load %arg10[%swap3A_61, %swap3A_62] {strides = array<i32>} : memref<313x128xf32, #tpu.memory_space<vmem>>, vector<16xf32>,
      tpu.vector_store %arg10[%swap3A_61, %swap3A_62], %broadcast_in_dim3A_60 {strides = array<i32>} : memref<313x128xf32, #tpu.memory_space<vmem>>, vector<16xf32>,
      %broadcast_in_dim3A_64 = arith.constant 0.000000e+00 : f32
      %broadcast_in_dim3A_65 = vector.broadcast %broadcast_in_dim3A_64 : f32 to vector<16xf32>
      %swap3A_66 = arith.index_cast %scan3A_40 : i32 to index
      %swap3A_67 = arith.constant 80 : index
      %swap3A_68 = tpu.vector_load %arg10[%swap3A_66, %swap3A_67] {strides = array<i32>} : memref<313x128xf32, #tpu.memory_space<vmem>>, vector<16xf32>,
      tpu.vector_store %arg10[%swap3A_66, %swap3A_67], %broadcast_in_dim3A_65 {strides = array<i32>} : memref<313x128xf32, #tpu.memory_space<vmem>>, vector<16xf32>,
      %broadcast_in_dim3A_69 = arith.constant 0.000000e+00 : f32
      %broadcast_in_dim3A_70 = vector.broadcast %broadcast_in_dim3A_69 : f32 to vector<16xf32>
      %swap3A_71 = arith.index_cast %scan3A_40 : i32 to index
      %swap3A_72 = arith.constant 96 : index
      %swap3A_73 = tpu.vector_load %arg10[%swap3A_71, %swap3A_72] {strides = array<i32>} : memref<313x128xf32, #tpu.memory_space<vmem>>, vector<16xf32>,
      tpu.vector_store %arg10[%swap3A_71, %swap3A_72], %broadcast_in_dim3A_70 {strides = array<i32>} : memref<313x128xf32, #tpu.memory_space<vmem>>, vector<16xf32>,
      %broadcast_in_dim3A_74 = arith.constant 0.000000e+00 : f32
      %broadcast_in_dim3A_75 = vector.broadcast %broadcast_in_dim3A_74 : f32 to vector<16xf32>
      %swap3A_76 = arith.index_cast %scan3A_40 : i32 to index
      %swap3A_77 = arith.constant 112 : index
      %swap3A_78 = tpu.vector_load %arg10[%swap3A_76, %swap3A_77] {strides = array<i32>} : memref<313x128xf32, #tpu.memory_space<vmem>>, vector<16xf32>,
      tpu.vector_store %arg10[%swap3A_76, %swap3A_77], %broadcast_in_dim3A_75 {strides = array<i32>} : memref<313x128xf32, #tpu.memory_space<vmem>>, vector<16xf32>,
    }
    %scan3A_5 = arith.constant 313 : i32
    "tpu.region"() ({
      %run_scoped3A = tpu.sem_alloc : memref<!tpu.dma_semaphore, #tpu.memory_space<semaphore_mem>>
      %dma_start3A = arith.constant 0 : i32
      %dma_start3A_40 = tpu.memref_slice %arg5[%add3A, %dma_start3A] : memref<32x16xi32, #tpu.memory_space<hbm>> -> memref<1x16xi32, #tpu.memory_space<hbm>>
      %dma_start3A_41 = tpu.memref_squeeze %dma_start3A_40 : memref<1x16xi32, #tpu.memory_space<hbm>> -> memref<16xi32, #tpu.memory_space<hbm>>
      %dma_start3A_42 = arith.constant 0 : i32
      %dma_start3A_43 = tpu.memref_slice %arg5[%add3A, %dma_start3A_42] : memref<32x16xi32, #tpu.memory_space<hbm>> -> memref<1x16xi32, #tpu.memory_space<hbm>>
      %dma_start3A_44 = tpu.memref_squeeze %dma_start3A_43 : memref<1x16xi32, #tpu.memory_space<hbm>> -> memref<16xi32, #tpu.memory_space<hbm>>
      tpu.enqueue_dma source(%dma_start3A_44 : memref<16xi32, #tpu.memory_space<hbm>>) target(%arg11 : memref<16xi32, #tpu.memory_space<vmem>>) target_semaphore(%run_scoped3A : memref<!tpu.dma_semaphore, #tpu.memory_space<semaphore_mem>>)
      %dma_wait3A = arith.constant 0 : i32
      %dma_wait3A_45 = tpu.memref_slice %arg5[%add3A, %dma_wait3A] : memref<32x16xi32, #tpu.memory_space<hbm>> -> memref<1x16xi32, #tpu.memory_space<hbm>>
      %dma_wait3A_46 = tpu.memref_squeeze %dma_wait3A_45 : memref<1x16xi32, #tpu.memory_space<hbm>> -> memref<16xi32, #tpu.memory_space<hbm>>
      %dma_wait3A_47 = arith.constant 0 : i32
      %dma_wait3A_48 = tpu.memref_slice %arg5[%add3A, %dma_wait3A_47] : memref<32x16xi32, #tpu.memory_space<hbm>> -> memref<1x16xi32, #tpu.memory_space<hbm>>
      %dma_wait3A_49 = tpu.memref_squeeze %dma_wait3A_48 : memref<1x16xi32, #tpu.memory_space<hbm>> -> memref<16xi32, #tpu.memory_space<hbm>>
      tpu.wait_dma2 semaphore(%run_scoped3A : memref<!tpu.dma_semaphore, #tpu.memory_space<semaphore_mem>>) src(%dma_wait3A_49 : memref<16xi32, #tpu.memory_space<hbm>>) dst(%arg11 : memref<16xi32, #tpu.memory_space<vmem>>)
      tpu.yield
    }) : () -> ()
    %get3A = arith.constant 0 : index
    %get3A_6 = tpu.vector_load %arg11[%get3A] {strides = array<i32>} : memref<16xi32, #tpu.memory_space<vmem>>, vector<16xi32>,
    %slice3A = vector.extract_strided_slice %get3A_6 {offsets = [0], sizes = [1], strides = [1]} : vector<16xi32> to vector<1xi32>
    %squeeze3A = vector.extract %slice3A[0] : i32 from vector<1xi32>
    %add3A_7 = arith.constant 79 : i32
    %add3A_8 = arith.addi %squeeze3A, %add3A_7 : i32
    %jit3A = arith.constant 80 : i32
    %div3A = arith.divsi %add3A_8, %jit3A : i32
    %sign3A = arith.constant 0 : i32
    %sign3A_9 = arith.cmpi sgt, %add3A_8, %sign3A : i32
    %sign3A_10 = arith.extui %sign3A_9 : i1 to i32
    %sign3A_11 = arith.constant 0 : i32
    %sign3A_12 = arith.cmpi slt, %add3A_8, %sign3A_11 : i32
    %sign3A_13 = arith.extui %sign3A_12 : i1 to i32
    %sign3A_14 = arith.subi %sign3A_10, %sign3A_13 : i32
    %sign3A_15 = arith.constant 0 : i32
    %sign3A_16 = arith.cmpi sgt, %jit3A, %sign3A_15 : i32
    %sign3A_17 = arith.extui %sign3A_16 : i1 to i32
    %sign3A_18 = arith.constant 0 : i32
    %sign3A_19 = arith.cmpi slt, %jit3A, %sign3A_18 : i32
    %sign3A_20 = arith.extui %sign3A_19 : i1 to i32
    %sign3A_21 = arith.subi %sign3A_17, %sign3A_20 : i32
    %ne3A = arith.cmpi ne, %sign3A_14, %sign3A_21 : i32
    %rem3A = arith.remsi %add3A_8, %jit3A : i32
    %ne3A_22 = arith.constant 0 : i32
    %ne3A_23 = arith.cmpi ne, %rem3A, %ne3A_22 : i32
    %and3A = arith.andi %ne3A, %ne3A_23 : i1
    %sub3A = arith.constant 1 : i32
    %sub3A_24 = arith.subi %div3A, %sub3A : i32
    %select_n3A = arith.select %and3A, %sub3A_24, %div3A : i32
    %while3A = arith.constant 0 : i32
    %while3A_25 = arith.constant 0 : i32
    %while3A_26 = arith.subi %select_n3A, %while3A_25 : i32
    %while3A_27 = arith.addi %while3A_25, %while3A_26 : i32
    %while3A_28 = arith.constant 1 : i32
    %while3A_29 = arith.divsi %while3A_26, %while3A_28 : i32
    %while3A_30 = arith.muli %while3A_29, %while3A_28 : i32
    %while3A_31 = arith.addi %while3A_25, %while3A_30 : i32
    %while3A_32 = arith.constant 1 : i32
    scf.for %while3A_40 = %while3A_25 to %while3A_31 step %while3A_32  : i32 {
      %mul3A_41 = arith.constant 80 : i32
      %mul3A_42 = arith.muli %while3A_40, %mul3A_41 : i32
      "tpu.region"() ({
        %run_scoped3A = tpu.sem_alloc : memref<!tpu.dma_semaphore, #tpu.memory_space<semaphore_mem>>
        %dma_start3A_55 = tpu.memref_slice %arg3[%add3A, %mul3A_42] : memref<32x322080xi32, #tpu.memory_space<hbm>> -> memref<1x80xi32, #tpu.memory_space<hbm>>
        %dma_start3A_56 = tpu.memref_squeeze %dma_start3A_55 : memref<1x80xi32, #tpu.memory_space<hbm>> -> memref<80xi32, #tpu.memory_space<hbm>>
        %dma_start3A_57 = tpu.memref_slice %arg3[%add3A, %mul3A_42] : memref<32x322080xi32, #tpu.memory_space<hbm>> -> memref<1x80xi32, #tpu.memory_space<hbm>>
        %dma_start3A_58 = tpu.memref_squeeze %dma_start3A_57 : memref<1x80xi32, #tpu.memory_space<hbm>> -> memref<80xi32, #tpu.memory_space<hbm>>
        tpu.enqueue_dma source(%dma_start3A_58 : memref<80xi32, #tpu.memory_space<hbm>>) target(%arg7 : memref<80xi32, #tpu.memory_space<vmem>>) target_semaphore(%run_scoped3A : memref<!tpu.dma_semaphore, #tpu.memory_space<semaphore_mem>>)
        %dma_wait3A_59 = tpu.memref_slice %arg3[%add3A, %mul3A_42] : memref<32x322080xi32, #tpu.memory_space<hbm>> -> memref<1x80xi32, #tpu.memory_space<hbm>>
        %dma_wait3A_60 = tpu.memref_squeeze %dma_wait3A_59 : memref<1x80xi32, #tpu.memory_space<hbm>> -> memref<80xi32, #tpu.memory_space<hbm>>
        %dma_wait3A_61 = tpu.memref_slice %arg3[%add3A, %mul3A_42] : memref<32x322080xi32, #tpu.memory_space<hbm>> -> memref<1x80xi32, #tpu.memory_space<hbm>>
        %dma_wait3A_62 = tpu.memref_squeeze %dma_wait3A_61 : memref<1x80xi32, #tpu.memory_space<hbm>> -> memref<80xi32, #tpu.memory_space<hbm>>
        tpu.wait_dma2 semaphore(%run_scoped3A : memref<!tpu.dma_semaphore, #tpu.memory_space<semaphore_mem>>) src(%dma_wait3A_62 : memref<80xi32, #tpu.memory_space<hbm>>) dst(%arg7 : memref<80xi32, #tpu.memory_space<vmem>>)
        tpu.yield
      }) : () -> ()
      %mul3A_43 = arith.constant 80 : i32
      %mul3A_44 = arith.muli %while3A_40, %mul3A_43 : i32
      "tpu.region"() ({
        %run_scoped3A = tpu.sem_alloc : memref<!tpu.dma_semaphore, #tpu.memory_space<semaphore_mem>>
        %dma_start3A_55 = arith.constant 0 : i32
        %dma_start3A_56 = tpu.memref_slice %arg8[%dma_start3A_55] : memref<96xi32, #tpu.memory_space<vmem>> -> memref<80xi32, #tpu.memory_space<vmem>>
        %dma_start3A_57 = tpu.memref_slice %arg4[%add3A, %mul3A_44] : memref<32x322080xi32, #tpu.memory_space<hbm>> -> memref<1x80xi32, #tpu.memory_space<hbm>>
        %dma_start3A_58 = tpu.memref_squeeze %dma_start3A_57 : memref<1x80xi32, #tpu.memory_space<hbm>> -> memref<80xi32, #tpu.memory_space<hbm>>
        %dma_start3A_59 = arith.constant 0 : i32
        %dma_start3A_60 = tpu.memref_slice %arg8[%dma_start3A_59] : memref<96xi32, #tpu.memory_space<vmem>> -> memref<80xi32, #tpu.memory_space<vmem>>
        %dma_start3A_61 = tpu.memref_slice %arg4[%add3A, %mul3A_44] : memref<32x322080xi32, #tpu.memory_space<hbm>> -> memref<1x80xi32, #tpu.memory_space<hbm>>
        %dma_start3A_62 = tpu.memref_squeeze %dma_start3A_61 : memref<1x80xi32, #tpu.memory_space<hbm>> -> memref<80xi32, #tpu.memory_space<hbm>>
        tpu.enqueue_dma source(%dma_start3A_62 : memref<80xi32, #tpu.memory_space<hbm>>) target(%dma_start3A_60 : memref<80xi32, #tpu.memory_space<vmem>>) target_semaphore(%run_scoped3A : memref<!tpu.dma_semaphore, #tpu.memory_space<semaphore_mem>>)
        %dma_wait3A_63 = arith.constant 0 : i32
        %dma_wait3A_64 = tpu.memref_slice %arg8[%dma_wait3A_63] : memref<96xi32, #tpu.memory_space<vmem>> -> memref<80xi32, #tpu.memory_space<vmem>>
        %dma_wait3A_65 = tpu.memref_slice %arg4[%add3A, %mul3A_44] : memref<32x322080xi32, #tpu.memory_space<hbm>> -> memref<1x80xi32, #tpu.memory_space<hbm>>
        %dma_wait3A_66 = tpu.memref_squeeze %dma_wait3A_65 : memref<1x80xi32, #tpu.memory_space<hbm>> -> memref<80xi32, #tpu.memory_space<hbm>>
        %dma_wait3A_67 = arith.constant 0 : i32
        %dma_wait3A_68 = tpu.memref_slice %arg8[%dma_wait3A_67] : memref<96xi32, #tpu.memory_space<vmem>> -> memref<80xi32, #tpu.memory_space<vmem>>
        %dma_wait3A_69 = tpu.memref_slice %arg4[%add3A, %mul3A_44] : memref<32x322080xi32, #tpu.memory_space<hbm>> -> memref<1x80xi32, #tpu.memory_space<hbm>>
        %dma_wait3A_70 = tpu.memref_squeeze %dma_wait3A_69 : memref<1x80xi32, #tpu.memory_space<hbm>> -> memref<80xi32, #tpu.memory_space<hbm>>
        tpu.wait_dma2 semaphore(%run_scoped3A : memref<!tpu.dma_semaphore, #tpu.memory_space<semaphore_mem>>) src(%dma_wait3A_70 : memref<80xi32, #tpu.memory_space<hbm>>) dst(%dma_wait3A_68 : memref<80xi32, #tpu.memory_space<vmem>>)
        tpu.yield
      }) : () -> ()
      %dma_start3A = arith.constant 0 : i32
      %dma_start3A_45 = arith.constant 0 : i32
      %dma_start3A_46 = tpu.memref_slice %arg2[%dma_start3A, %dma_start3A_45] : memref<10000x128xf32, #tpu.memory_space<hbm>> -> memref<10000x128xf32, #tpu.memory_space<hbm>>
      tpu.enqueue_indirect_dma source(%dma_start3A_46 : memref<10000x128xf32, #tpu.memory_space<hbm>>) target(%arg9 : memref<80x128xf32, #tpu.memory_space<vmem>>) offsets(%arg7 : memref<80xi32, #tpu.memory_space<vmem>>) semaphore(%arg12 : memref<!tpu.dma_semaphore, #tpu.memory_space<semaphore_mem>>)
      %dma_wait3A = arith.constant 0 : i32
      %dma_wait3A_47 = arith.constant 0 : i32
      %dma_wait3A_48 = tpu.memref_slice %arg2[%dma_wait3A, %dma_wait3A_47] : memref<10000x128xf32, #tpu.memory_space<hbm>> -> memref<10000x128xf32, #tpu.memory_space<hbm>>
      tpu.wait_indirect_dma semaphore(%arg12 : memref<!tpu.dma_semaphore, #tpu.memory_space<semaphore_mem>>) src(%dma_wait3A_48 : memref<10000x128xf32, #tpu.memory_space<hbm>>) dst(%arg9 : memref<80x128xf32, #tpu.memory_space<vmem>>)
      %scan3A_49 = arith.constant 0 : i32
      %scan3A_50 = arith.constant 0 : i32
      %scan3A_51 = arith.constant 80 : i32
      %scan3A_52 = arith.addi %scan3A_50, %scan3A_51 : i32
      %scan3A_53 = arith.constant 1 : i32
      scf.for %scan3A_55 = %scan3A_50 to %scan3A_52 step %scan3A_53  : i32 {
        %mul3A_56 = arith.constant 80 : i32
        %mul3A_57 = arith.muli %while3A_40, %mul3A_56 : i32
        %add3A_58 = arith.addi %mul3A_57, %scan3A_55 : i32
        %lt3A_59 = arith.cmpi slt, %add3A_58, %squeeze3A : i32
        %convert_element_type3A_60 = arith.extui %lt3A_59 : i1 to i32
        %cond3A_61 = arith.constant 0 : i32
        %cond3A_62 = arith.cmpi ne, %convert_element_type3A_60, %cond3A_61 : i32
        scf.if %cond3A_62 {
          %get3A_63 = arith.index_cast %scan3A_55 : i32 to index
          %get3A_64 = tpu.vector_load %arg8[%get3A_63] {strides = array<i32>} : memref<96xi32, #tpu.memory_space<vmem>>, vector<16xi32>,
          %slice3A_65 = vector.extract_strided_slice %get3A_64 {offsets = [0], sizes = [1], strides = [1]} : vector<16xi32> to vector<1xi32>
          %squeeze3A_66 = vector.extract %slice3A_65[0] : i32 from vector<1xi32>
          %get3A_67 = arith.index_cast %scan3A_55 : i32 to index
          %get3A_68 = arith.constant 0 : index
          %get3A_69 = tpu.vector_load %arg9[%get3A_67, %get3A_68] {strides = array<i32>} : memref<80x128xf32, #tpu.memory_space<vmem>>, vector<16xf32>,
          %get3A_70 = arith.index_cast %squeeze3A_66 : i32 to index
          %get3A_71 = arith.constant 0 : index
          %get3A_72 = tpu.vector_load %arg10[%get3A_70, %get3A_71] {strides = array<i32>} : memref<313x128xf32, #tpu.memory_space<vmem>>, vector<16xf32>,
          %add3A_73 = arith.addf %get3A_72, %get3A_69 : vector<16xf32>
          %swap3A = arith.index_cast %squeeze3A_66 : i32 to index
          %swap3A_74 = arith.constant 0 : index
          %swap3A_75 = tpu.vector_load %arg10[%swap3A, %swap3A_74] {strides = array<i32>} : memref<313x128xf32, #tpu.memory_space<vmem>>, vector<16xf32>,
          tpu.vector_store %arg10[%swap3A, %swap3A_74], %add3A_73 {strides = array<i32>} : memref<313x128xf32, #tpu.memory_space<vmem>>, vector<16xf32>,
          %get3A_76 = arith.index_cast %scan3A_55 : i32 to index
          %get3A_77 = arith.constant 16 : index
          %get3A_78 = tpu.vector_load %arg9[%get3A_76, %get3A_77] {strides = array<i32>} : memref<80x128xf32, #tpu.memory_space<vmem>>, vector<16xf32>,
          %get3A_79 = arith.index_cast %squeeze3A_66 : i32 to index
          %get3A_80 = arith.constant 16 : index
          %get3A_81 = tpu.vector_load %arg10[%get3A_79, %get3A_80] {strides = array<i32>} : memref<313x128xf32, #tpu.memory_space<vmem>>, vector<16xf32>,
          %add3A_82 = arith.addf %get3A_81, %get3A_78 : vector<16xf32>
          %swap3A_83 = arith.index_cast %squeeze3A_66 : i32 to index
          %swap3A_84 = arith.constant 16 : index
          %swap3A_85 = tpu.vector_load %arg10[%swap3A_83, %swap3A_84] {strides = array<i32>} : memref<313x128xf32, #tpu.memory_space<vmem>>, vector<16xf32>,
          tpu.vector_store %arg10[%swap3A_83, %swap3A_84], %add3A_82 {strides = array<i32>} : memref<313x128xf32, #tpu.memory_space<vmem>>, vector<16xf32>,
          %get3A_86 = arith.index_cast %scan3A_55 : i32 to index
          %get3A_87 = arith.constant 32 : index
          %get3A_88 = tpu.vector_load %arg9[%get3A_86, %get3A_87] {strides = array<i32>} : memref<80x128xf32, #tpu.memory_space<vmem>>, vector<16xf32>,
          %get3A_89 = arith.index_cast %squeeze3A_66 : i32 to index
          %get3A_90 = arith.constant 32 : index
          %get3A_91 = tpu.vector_load %arg10[%get3A_89, %get3A_90] {strides = array<i32>} : memref<313x128xf32, #tpu.memory_space<vmem>>, vector<16xf32>,
          %add3A_92 = arith.addf %get3A_91, %get3A_88 : vector<16xf32>
          %swap3A_93 = arith.index_cast %squeeze3A_66 : i32 to index
          %swap3A_94 = arith.constant 32 : index
          %swap3A_95 = tpu.vector_load %arg10[%swap3A_93, %swap3A_94] {strides = array<i32>} : memref<313x128xf32, #tpu.memory_space<vmem>>, vector<16xf32>,
          tpu.vector_store %arg10[%swap3A_93, %swap3A_94], %add3A_92 {strides = array<i32>} : memref<313x128xf32, #tpu.memory_space<vmem>>, vector<16xf32>,
          %get3A_96 = arith.index_cast %scan3A_55 : i32 to index
          %get3A_97 = arith.constant 48 : index
          %get3A_98 = tpu.vector_load %arg9[%get3A_96, %get3A_97] {strides = array<i32>} : memref<80x128xf32, #tpu.memory_space<vmem>>, vector<16xf32>,
          %get3A_99 = arith.index_cast %squeeze3A_66 : i32 to index
          %get3A_100 = arith.constant 48 : index
          %get3A_101 = tpu.vector_load %arg10[%get3A_99, %get3A_100] {strides = array<i32>} : memref<313x128xf32, #tpu.memory_space<vmem>>, vector<16xf32>,
          %add3A_102 = arith.addf %get3A_101, %get3A_98 : vector<16xf32>
          %swap3A_103 = arith.index_cast %squeeze3A_66 : i32 to index
          %swap3A_104 = arith.constant 48 : index
          %swap3A_105 = tpu.vector_load %arg10[%swap3A_103, %swap3A_104] {strides = array<i32>} : memref<313x128xf32, #tpu.memory_space<vmem>>, vector<16xf32>,
          tpu.vector_store %arg10[%swap3A_103, %swap3A_104], %add3A_102 {strides = array<i32>} : memref<313x128xf32, #tpu.memory_space<vmem>>, vector<16xf32>,
          %get3A_106 = arith.index_cast %scan3A_55 : i32 to index
          %get3A_107 = arith.constant 64 : index
          %get3A_108 = tpu.vector_load %arg9[%get3A_106, %get3A_107] {strides = array<i32>} : memref<80x128xf32, #tpu.memory_space<vmem>>, vector<16xf32>,
          %get3A_109 = arith.index_cast %squeeze3A_66 : i32 to index
          %get3A_110 = arith.constant 64 : index
          %get3A_111 = tpu.vector_load %arg10[%get3A_109, %get3A_110] {strides = array<i32>} : memref<313x128xf32, #tpu.memory_space<vmem>>, vector<16xf32>,
          %add3A_112 = arith.addf %get3A_111, %get3A_108 : vector<16xf32>
          %swap3A_113 = arith.index_cast %squeeze3A_66 : i32 to index
          %swap3A_114 = arith.constant 64 : index
          %swap3A_115 = tpu.vector_load %arg10[%swap3A_113, %swap3A_114] {strides = array<i32>} : memref<313x128xf32, #tpu.memory_space<vmem>>, vector<16xf32>,
          tpu.vector_store %arg10[%swap3A_113, %swap3A_114], %add3A_112 {strides = array<i32>} : memref<313x128xf32, #tpu.memory_space<vmem>>, vector<16xf32>,
          %get3A_116 = arith.index_cast %scan3A_55 : i32 to index
          %get3A_117 = arith.constant 80 : index
          %get3A_118 = tpu.vector_load %arg9[%get3A_116, %get3A_117] {strides = array<i32>} : memref<80x128xf32, #tpu.memory_space<vmem>>, vector<16xf32>,
          %get3A_119 = arith.index_cast %squeeze3A_66 : i32 to index
          %get3A_120 = arith.constant 80 : index
          %get3A_121 = tpu.vector_load %arg10[%get3A_119, %get3A_120] {strides = array<i32>} : memref<313x128xf32, #tpu.memory_space<vmem>>, vector<16xf32>,
          %add3A_122 = arith.addf %get3A_121, %get3A_118 : vector<16xf32>
          %swap3A_123 = arith.index_cast %squeeze3A_66 : i32 to index
          %swap3A_124 = arith.constant 80 : index
          %swap3A_125 = tpu.vector_load %arg10[%swap3A_123, %swap3A_124] {strides = array<i32>} : memref<313x128xf32, #tpu.memory_space<vmem>>, vector<16xf32>,
          tpu.vector_store %arg10[%swap3A_123, %swap3A_124], %add3A_122 {strides = array<i32>} : memref<313x128xf32, #tpu.memory_space<vmem>>, vector<16xf32>,
          %get3A_126 = arith.index_cast %scan3A_55 : i32 to index
          %get3A_127 = arith.constant 96 : index
          %get3A_128 = tpu.vector_load %arg9[%get3A_126, %get3A_127] {strides = array<i32>} : memref<80x128xf32, #tpu.memory_space<vmem>>, vector<16xf32>,
          %get3A_129 = arith.index_cast %squeeze3A_66 : i32 to index
          %get3A_130 = arith.constant 96 : index
          %get3A_131 = tpu.vector_load %arg10[%get3A_129, %get3A_130] {strides = array<i32>} : memref<313x128xf32, #tpu.memory_space<vmem>>, vector<16xf32>,
          %add3A_132 = arith.addf %get3A_131, %get3A_128 : vector<16xf32>
          %swap3A_133 = arith.index_cast %squeeze3A_66 : i32 to index
          %swap3A_134 = arith.constant 96 : index
          %swap3A_135 = tpu.vector_load %arg10[%swap3A_133, %swap3A_134] {strides = array<i32>} : memref<313x128xf32, #tpu.memory_space<vmem>>, vector<16xf32>,
          tpu.vector_store %arg10[%swap3A_133, %swap3A_134], %add3A_132 {strides = array<i32>} : memref<313x128xf32, #tpu.memory_space<vmem>>, vector<16xf32>,
          %get3A_136 = arith.index_cast %scan3A_55 : i32 to index
          %get3A_137 = arith.constant 112 : index
          %get3A_138 = tpu.vector_load %arg9[%get3A_136, %get3A_137] {strides = array<i32>} : memref<80x128xf32, #tpu.memory_space<vmem>>, vector<16xf32>,
          %get3A_139 = arith.index_cast %squeeze3A_66 : i32 to index
          %get3A_140 = arith.constant 112 : index
          %get3A_141 = tpu.vector_load %arg10[%get3A_139, %get3A_140] {strides = array<i32>} : memref<313x128xf32, #tpu.memory_space<vmem>>, vector<16xf32>,
          %add3A_142 = arith.addf %get3A_141, %get3A_138 : vector<16xf32>
          %swap3A_143 = arith.index_cast %squeeze3A_66 : i32 to index
          %swap3A_144 = arith.constant 112 : index
          %swap3A_145 = tpu.vector_load %arg10[%swap3A_143, %swap3A_144] {strides = array<i32>} : memref<313x128xf32, #tpu.memory_space<vmem>>, vector<16xf32>,
          tpu.vector_store %arg10[%swap3A_143, %swap3A_144], %add3A_142 {strides = array<i32>} : memref<313x128xf32, #tpu.memory_space<vmem>>, vector<16xf32>,
        } else {
        }
      }
      %scan3A_54 = arith.constant 80 : i32
    }
    %while3A_33 = arith.constant 1 : i32
    scf.for %while3A_40 = %while3A_31 to %while3A_27 step %while3A_33  : i32 {
      %mul3A_41 = arith.constant 80 : i32
      %mul3A_42 = arith.muli %while3A_40, %mul3A_41 : i32
      "tpu.region"() ({
        %run_scoped3A = tpu.sem_alloc : memref<!tpu.dma_semaphore, #tpu.memory_space<semaphore_mem>>
        %dma_start3A_55 = tpu.memref_slice %arg3[%add3A, %mul3A_42] : memref<32x322080xi32, #tpu.memory_space<hbm>> -> memref<1x80xi32, #tpu.memory_space<hbm>>
        %dma_start3A_56 = tpu.memref_squeeze %dma_start3A_55 : memref<1x80xi32, #tpu.memory_space<hbm>> -> memref<80xi32, #tpu.memory_space<hbm>>
        %dma_start3A_57 = tpu.memref_slice %arg3[%add3A, %mul3A_42] : memref<32x322080xi32, #tpu.memory_space<hbm>> -> memref<1x80xi32, #tpu.memory_space<hbm>>
        %dma_start3A_58 = tpu.memref_squeeze %dma_start3A_57 : memref<1x80xi32, #tpu.memory_space<hbm>> -> memref<80xi32, #tpu.memory_space<hbm>>
        tpu.enqueue_dma source(%dma_start3A_58 : memref<80xi32, #tpu.memory_space<hbm>>) target(%arg7 : memref<80xi32, #tpu.memory_space<vmem>>) target_semaphore(%run_scoped3A : memref<!tpu.dma_semaphore, #tpu.memory_space<semaphore_mem>>)
        %dma_wait3A_59 = tpu.memref_slice %arg3[%add3A, %mul3A_42] : memref<32x322080xi32, #tpu.memory_space<hbm>> -> memref<1x80xi32, #tpu.memory_space<hbm>>
        %dma_wait3A_60 = tpu.memref_squeeze %dma_wait3A_59 : memref<1x80xi32, #tpu.memory_space<hbm>> -> memref<80xi32, #tpu.memory_space<hbm>>
        %dma_wait3A_61 = tpu.memref_slice %arg3[%add3A, %mul3A_42] : memref<32x322080xi32, #tpu.memory_space<hbm>> -> memref<1x80xi32, #tpu.memory_space<hbm>>
        %dma_wait3A_62 = tpu.memref_squeeze %dma_wait3A_61 : memref<1x80xi32, #tpu.memory_space<hbm>> -> memref<80xi32, #tpu.memory_space<hbm>>
        tpu.wait_dma2 semaphore(%run_scoped3A : memref<!tpu.dma_semaphore, #tpu.memory_space<semaphore_mem>>) src(%dma_wait3A_62 : memref<80xi32, #tpu.memory_space<hbm>>) dst(%arg7 : memref<80xi32, #tpu.memory_space<vmem>>)
        tpu.yield
      }) : () -> ()
      %mul3A_43 = arith.constant 80 : i32
      %mul3A_44 = arith.muli %while3A_40, %mul3A_43 : i32
      "tpu.region"() ({
        %run_scoped3A = tpu.sem_alloc : memref<!tpu.dma_semaphore, #tpu.memory_space<semaphore_mem>>
        %dma_start3A_55 = arith.constant 0 : i32
        %dma_start3A_56 = tpu.memref_slice %arg8[%dma_start3A_55] : memref<96xi32, #tpu.memory_space<vmem>> -> memref<80xi32, #tpu.memory_space<vmem>>
        %dma_start3A_57 = tpu.memref_slice %arg4[%add3A, %mul3A_44] : memref<32x322080xi32, #tpu.memory_space<hbm>> -> memref<1x80xi32, #tpu.memory_space<hbm>>
        %dma_start3A_58 = tpu.memref_squeeze %dma_start3A_57 : memref<1x80xi32, #tpu.memory_space<hbm>> -> memref<80xi32, #tpu.memory_space<hbm>>
        %dma_start3A_59 = arith.constant 0 : i32
        %dma_start3A_60 = tpu.memref_slice %arg8[%dma_start3A_59] : memref<96xi32, #tpu.memory_space<vmem>> -> memref<80xi32, #tpu.memory_space<vmem>>
        %dma_start3A_61 = tpu.memref_slice %arg4[%add3A, %mul3A_44] : memref<32x322080xi32, #tpu.memory_space<hbm>> -> memref<1x80xi32, #tpu.memory_space<hbm>>
        %dma_start3A_62 = tpu.memref_squeeze %dma_start3A_61 : memref<1x80xi32, #tpu.memory_space<hbm>> -> memref<80xi32, #tpu.memory_space<hbm>>
        tpu.enqueue_dma source(%dma_start3A_62 : memref<80xi32, #tpu.memory_space<hbm>>) target(%dma_start3A_60 : memref<80xi32, #tpu.memory_space<vmem>>) target_semaphore(%run_scoped3A : memref<!tpu.dma_semaphore, #tpu.memory_space<semaphore_mem>>)
        %dma_wait3A_63 = arith.constant 0 : i32
        %dma_wait3A_64 = tpu.memref_slice %arg8[%dma_wait3A_63] : memref<96xi32, #tpu.memory_space<vmem>> -> memref<80xi32, #tpu.memory_space<vmem>>
        %dma_wait3A_65 = tpu.memref_slice %arg4[%add3A, %mul3A_44] : memref<32x322080xi32, #tpu.memory_space<hbm>> -> memref<1x80xi32, #tpu.memory_space<hbm>>
        %dma_wait3A_66 = tpu.memref_squeeze %dma_wait3A_65 : memref<1x80xi32, #tpu.memory_space<hbm>> -> memref<80xi32, #tpu.memory_space<hbm>>
        %dma_wait3A_67 = arith.constant 0 : i32
        %dma_wait3A_68 = tpu.memref_slice %arg8[%dma_wait3A_67] : memref<96xi32, #tpu.memory_space<vmem>> -> memref<80xi32, #tpu.memory_space<vmem>>
        %dma_wait3A_69 = tpu.memref_slice %arg4[%add3A, %mul3A_44] : memref<32x322080xi32, #tpu.memory_space<hbm>> -> memref<1x80xi32, #tpu.memory_space<hbm>>
        %dma_wait3A_70 = tpu.memref_squeeze %dma_wait3A_69 : memref<1x80xi32, #tpu.memory_space<hbm>> -> memref<80xi32, #tpu.memory_space<hbm>>
        tpu.wait_dma2 semaphore(%run_scoped3A : memref<!tpu.dma_semaphore, #tpu.memory_space<semaphore_mem>>) src(%dma_wait3A_70 : memref<80xi32, #tpu.memory_space<hbm>>) dst(%dma_wait3A_68 : memref<80xi32, #tpu.memory_space<vmem>>)
        tpu.yield
      }) : () -> ()
      %dma_start3A = arith.constant 0 : i32
      %dma_start3A_45 = arith.constant 0 : i32
      %dma_start3A_46 = tpu.memref_slice %arg2[%dma_start3A, %dma_start3A_45] : memref<10000x128xf32, #tpu.memory_space<hbm>> -> memref<10000x128xf32, #tpu.memory_space<hbm>>
      tpu.enqueue_indirect_dma source(%dma_start3A_46 : memref<10000x128xf32, #tpu.memory_space<hbm>>) target(%arg9 : memref<80x128xf32, #tpu.memory_space<vmem>>) offsets(%arg7 : memref<80xi32, #tpu.memory_space<vmem>>) semaphore(%arg12 : memref<!tpu.dma_semaphore, #tpu.memory_space<semaphore_mem>>)
      %dma_wait3A = arith.constant 0 : i32
      %dma_wait3A_47 = arith.constant 0 : i32
      %dma_wait3A_48 = tpu.memref_slice %arg2[%dma_wait3A, %dma_wait3A_47] : memref<10000x128xf32, #tpu.memory_space<hbm>> -> memref<10000x128xf32, #tpu.memory_space<hbm>>
      tpu.wait_indirect_dma semaphore(%arg12 : memref<!tpu.dma_semaphore, #tpu.memory_space<semaphore_mem>>) src(%dma_wait3A_48 : memref<10000x128xf32, #tpu.memory_space<hbm>>) dst(%arg9 : memref<80x128xf32, #tpu.memory_space<vmem>>)
      %scan3A_49 = arith.constant 0 : i32
      %scan3A_50 = arith.constant 0 : i32
      %scan3A_51 = arith.constant 80 : i32
      %scan3A_52 = arith.addi %scan3A_50, %scan3A_51 : i32
      %scan3A_53 = arith.constant 1 : i32
      scf.for %scan3A_55 = %scan3A_50 to %scan3A_52 step %scan3A_53  : i32 {
        %mul3A_56 = arith.constant 80 : i32
        %mul3A_57 = arith.muli %while3A_40, %mul3A_56 : i32
        %add3A_58 = arith.addi %mul3A_57, %scan3A_55 : i32
        %lt3A_59 = arith.cmpi slt, %add3A_58, %squeeze3A : i32
        %convert_element_type3A_60 = arith.extui %lt3A_59 : i1 to i32
        %cond3A_61 = arith.constant 0 : i32
        %cond3A_62 = arith.cmpi ne, %convert_element_type3A_60, %cond3A_61 : i32
        scf.if %cond3A_62 {
          %get3A_63 = arith.index_cast %scan3A_55 : i32 to index
          %get3A_64 = tpu.vector_load %arg8[%get3A_63] {strides = array<i32>} : memref<96xi32, #tpu.memory_space<vmem>>, vector<16xi32>,
          %slice3A_65 = vector.extract_strided_slice %get3A_64 {offsets = [0], sizes = [1], strides = [1]} : vector<16xi32> to vector<1xi32>
          %squeeze3A_66 = vector.extract %slice3A_65[0] : i32 from vector<1xi32>
          %get3A_67 = arith.index_cast %scan3A_55 : i32 to index
          %get3A_68 = arith.constant 0 : index
          %get3A_69 = tpu.vector_load %arg9[%get3A_67, %get3A_68] {strides = array<i32>} : memref<80x128xf32, #tpu.memory_space<vmem>>, vector<16xf32>,
          %get3A_70 = arith.index_cast %squeeze3A_66 : i32 to index
          %get3A_71 = arith.constant 0 : index
          %get3A_72 = tpu.vector_load %arg10[%get3A_70, %get3A_71] {strides = array<i32>} : memref<313x128xf32, #tpu.memory_space<vmem>>, vector<16xf32>,
          %add3A_73 = arith.addf %get3A_72, %get3A_69 : vector<16xf32>
          %swap3A = arith.index_cast %squeeze3A_66 : i32 to index
          %swap3A_74 = arith.constant 0 : index
          %swap3A_75 = tpu.vector_load %arg10[%swap3A, %swap3A_74] {strides = array<i32>} : memref<313x128xf32, #tpu.memory_space<vmem>>, vector<16xf32>,
          tpu.vector_store %arg10[%swap3A, %swap3A_74], %add3A_73 {strides = array<i32>} : memref<313x128xf32, #tpu.memory_space<vmem>>, vector<16xf32>,
          %get3A_76 = arith.index_cast %scan3A_55 : i32 to index
          %get3A_77 = arith.constant 16 : index
          %get3A_78 = tpu.vector_load %arg9[%get3A_76, %get3A_77] {strides = array<i32>} : memref<80x128xf32, #tpu.memory_space<vmem>>, vector<16xf32>,
          %get3A_79 = arith.index_cast %squeeze3A_66 : i32 to index
          %get3A_80 = arith.constant 16 : index
          %get3A_81 = tpu.vector_load %arg10[%get3A_79, %get3A_80] {strides = array<i32>} : memref<313x128xf32, #tpu.memory_space<vmem>>, vector<16xf32>,
          %add3A_82 = arith.addf %get3A_81, %get3A_78 : vector<16xf32>
          %swap3A_83 = arith.index_cast %squeeze3A_66 : i32 to index
          %swap3A_84 = arith.constant 16 : index
          %swap3A_85 = tpu.vector_load %arg10[%swap3A_83, %swap3A_84] {strides = array<i32>} : memref<313x128xf32, #tpu.memory_space<vmem>>, vector<16xf32>,
          tpu.vector_store %arg10[%swap3A_83, %swap3A_84], %add3A_82 {strides = array<i32>} : memref<313x128xf32, #tpu.memory_space<vmem>>, vector<16xf32>,
          %get3A_86 = arith.index_cast %scan3A_55 : i32 to index
          %get3A_87 = arith.constant 32 : index
          %get3A_88 = tpu.vector_load %arg9[%get3A_86, %get3A_87] {strides = array<i32>} : memref<80x128xf32, #tpu.memory_space<vmem>>, vector<16xf32>,
          %get3A_89 = arith.index_cast %squeeze3A_66 : i32 to index
          %get3A_90 = arith.constant 32 : index
          %get3A_91 = tpu.vector_load %arg10[%get3A_89, %get3A_90] {strides = array<i32>} : memref<313x128xf32, #tpu.memory_space<vmem>>, vector<16xf32>,
          %add3A_92 = arith.addf %get3A_91, %get3A_88 : vector<16xf32>
          %swap3A_93 = arith.index_cast %squeeze3A_66 : i32 to index
          %swap3A_94 = arith.constant 32 : index
          %swap3A_95 = tpu.vector_load %arg10[%swap3A_93, %swap3A_94] {strides = array<i32>} : memref<313x128xf32, #tpu.memory_space<vmem>>, vector<16xf32>,
          tpu.vector_store %arg10[%swap3A_93, %swap3A_94], %add3A_92 {strides = array<i32>} : memref<313x128xf32, #tpu.memory_space<vmem>>, vector<16xf32>,
          %get3A_96 = arith.index_cast %scan3A_55 : i32 to index
          %get3A_97 = arith.constant 48 : index
          %get3A_98 = tpu.vector_load %arg9[%get3A_96, %get3A_97] {strides = array<i32>} : memref<80x128xf32, #tpu.memory_space<vmem>>, vector<16xf32>,
          %get3A_99 = arith.index_cast %squeeze3A_66 : i32 to index
          %get3A_100 = arith.constant 48 : index
          %get3A_101 = tpu.vector_load %arg10[%get3A_99, %get3A_100] {strides = array<i32>} : memref<313x128xf32, #tpu.memory_space<vmem>>, vector<16xf32>,
          %add3A_102 = arith.addf %get3A_101, %get3A_98 : vector<16xf32>
          %swap3A_103 = arith.index_cast %squeeze3A_66 : i32 to index
          %swap3A_104 = arith.constant 48 : index
          %swap3A_105 = tpu.vector_load %arg10[%swap3A_103, %swap3A_104] {strides = array<i32>} : memref<313x128xf32, #tpu.memory_space<vmem>>, vector<16xf32>,
          tpu.vector_store %arg10[%swap3A_103, %swap3A_104], %add3A_102 {strides = array<i32>} : memref<313x128xf32, #tpu.memory_space<vmem>>, vector<16xf32>,
          %get3A_106 = arith.index_cast %scan3A_55 : i32 to index
          %get3A_107 = arith.constant 64 : index
          %get3A_108 = tpu.vector_load %arg9[%get3A_106, %get3A_107] {strides = array<i32>} : memref<80x128xf32, #tpu.memory_space<vmem>>, vector<16xf32>,
          %get3A_109 = arith.index_cast %squeeze3A_66 : i32 to index
          %get3A_110 = arith.constant 64 : index
          %get3A_111 = tpu.vector_load %arg10[%get3A_109, %get3A_110] {strides = array<i32>} : memref<313x128xf32, #tpu.memory_space<vmem>>, vector<16xf32>,
          %add3A_112 = arith.addf %get3A_111, %get3A_108 : vector<16xf32>
          %swap3A_113 = arith.index_cast %squeeze3A_66 : i32 to index
          %swap3A_114 = arith.constant 64 : index
          %swap3A_115 = tpu.vector_load %arg10[%swap3A_113, %swap3A_114] {strides = array<i32>} : memref<313x128xf32, #tpu.memory_space<vmem>>, vector<16xf32>,
          tpu.vector_store %arg10[%swap3A_113, %swap3A_114], %add3A_112 {strides = array<i32>} : memref<313x128xf32, #tpu.memory_space<vmem>>, vector<16xf32>,
          %get3A_116 = arith.index_cast %scan3A_55 : i32 to index
          %get3A_117 = arith.constant 80 : index
          %get3A_118 = tpu.vector_load %arg9[%get3A_116, %get3A_117] {strides = array<i32>} : memref<80x128xf32, #tpu.memory_space<vmem>>, vector<16xf32>,
          %get3A_119 = arith.index_cast %squeeze3A_66 : i32 to index
          %get3A_120 = arith.constant 80 : index
          %get3A_121 = tpu.vector_load %arg10[%get3A_119, %get3A_120] {strides = array<i32>} : memref<313x128xf32, #tpu.memory_space<vmem>>, vector<16xf32>,
          %add3A_122 = arith.addf %get3A_121, %get3A_118 : vector<16xf32>
          %swap3A_123 = arith.index_cast %squeeze3A_66 : i32 to index
          %swap3A_124 = arith.constant 80 : index
          %swap3A_125 = tpu.vector_load %arg10[%swap3A_123, %swap3A_124] {strides = array<i32>} : memref<313x128xf32, #tpu.memory_space<vmem>>, vector<16xf32>,
          tpu.vector_store %arg10[%swap3A_123, %swap3A_124], %add3A_122 {strides = array<i32>} : memref<313x128xf32, #tpu.memory_space<vmem>>, vector<16xf32>,
          %get3A_126 = arith.index_cast %scan3A_55 : i32 to index
          %get3A_127 = arith.constant 96 : index
          %get3A_128 = tpu.vector_load %arg9[%get3A_126, %get3A_127] {strides = array<i32>} : memref<80x128xf32, #tpu.memory_space<vmem>>, vector<16xf32>,
          %get3A_129 = arith.index_cast %squeeze3A_66 : i32 to index
          %get3A_130 = arith.constant 96 : index
          %get3A_131 = tpu.vector_load %arg10[%get3A_129, %get3A_130] {strides = array<i32>} : memref<313x128xf32, #tpu.memory_space<vmem>>, vector<16xf32>,
          %add3A_132 = arith.addf %get3A_131, %get3A_128 : vector<16xf32>
          %swap3A_133 = arith.index_cast %squeeze3A_66 : i32 to index
          %swap3A_134 = arith.constant 96 : index
          %swap3A_135 = tpu.vector_load %arg10[%swap3A_133, %swap3A_134] {strides = array<i32>} : memref<313x128xf32, #tpu.memory_space<vmem>>, vector<16xf32>,
          tpu.vector_store %arg10[%swap3A_133, %swap3A_134], %add3A_132 {strides = array<i32>} : memref<313x128xf32, #tpu.memory_space<vmem>>, vector<16xf32>,
          %get3A_136 = arith.index_cast %scan3A_55 : i32 to index
          %get3A_137 = arith.constant 112 : index
          %get3A_138 = tpu.vector_load %arg9[%get3A_136, %get3A_137] {strides = array<i32>} : memref<80x128xf32, #tpu.memory_space<vmem>>, vector<16xf32>,
          %get3A_139 = arith.index_cast %squeeze3A_66 : i32 to index
          %get3A_140 = arith.constant 112 : index
          %get3A_141 = tpu.vector_load %arg10[%get3A_139, %get3A_140] {strides = array<i32>} : memref<313x128xf32, #tpu.memory_space<vmem>>, vector<16xf32>,
          %add3A_142 = arith.addf %get3A_141, %get3A_138 : vector<16xf32>
          %swap3A_143 = arith.index_cast %squeeze3A_66 : i32 to index
          %swap3A_144 = arith.constant 112 : index
          %swap3A_145 = tpu.vector_load %arg10[%swap3A_143, %swap3A_144] {strides = array<i32>} : memref<313x128xf32, #tpu.memory_space<vmem>>, vector<16xf32>,
          tpu.vector_store %arg10[%swap3A_143, %swap3A_144], %add3A_142 {strides = array<i32>} : memref<313x128xf32, #tpu.memory_space<vmem>>, vector<16xf32>,
        } else {
        }
      }
      %scan3A_54 = arith.constant 80 : i32
    }
    %lt3A = arith.constant 31 : i32
    %lt3A_34 = arith.cmpi slt, %add3A, %lt3A : i32
    %convert_element_type3A = arith.extui %lt3A_34 : i1 to i32
    %cond3A = arith.constant 0 : i32
    %cond3A_35 = arith.cmpi ne, %convert_element_type3A, %cond3A : i32
    scf.if %cond3A_35 {
      %mul3A_40 = arith.constant 313 : i32
      %mul3A_41 = arith.muli %add3A, %mul3A_40 : i32
      "tpu.region"() ({
        %run_scoped3A = tpu.sem_alloc : memref<!tpu.dma_semaphore, #tpu.memory_space<semaphore_mem>>
        %dma_start3A = arith.constant 0 : i32
        %dma_start3A_42 = arith.constant 0 : i32
        %dma_start3A_43 = tpu.memref_slice %arg10[%dma_start3A, %dma_start3A_42] : memref<313x128xf32, #tpu.memory_space<vmem>> -> memref<313x128xf32, #tpu.memory_space<vmem>>
        %dma_start3A_44 = arith.constant 0 : i32
        %dma_start3A_45 = tpu.memref_slice %arg6[%mul3A_41, %dma_start3A_44] : memref<10000x128xf32, #tpu.memory_space<hbm>> -> memref<313x128xf32, #tpu.memory_space<hbm>>
        %dma_start3A_46 = arith.constant 0 : i32
        %dma_start3A_47 = tpu.memref_slice %arg6[%mul3A_41, %dma_start3A_46] : memref<10000x128xf32, #tpu.memory_space<hbm>> -> memref<313x128xf32, #tpu.memory_space<hbm>>
        %dma_start3A_48 = arith.constant 0 : i32
        %dma_start3A_49 = arith.constant 0 : i32
        %dma_start3A_50 = tpu.memref_slice %arg10[%dma_start3A_48, %dma_start3A_49] : memref<313x128xf32, #tpu.memory_space<vmem>> -> memref<313x128xf32, #tpu.memory_space<vmem>>
        tpu.enqueue_dma source(%dma_start3A_50 : memref<313x128xf32, #tpu.memory_space<vmem>>) target(%dma_start3A_47 : memref<313x128xf32, #tpu.memory_space<hbm>>) target_semaphore(%run_scoped3A : memref<!tpu.dma_semaphore, #tpu.memory_space<semaphore_mem>>)
        %dma_wait3A = arith.constant 0 : i32
        %dma_wait3A_51 = arith.constant 0 : i32
        %dma_wait3A_52 = tpu.memref_slice %arg10[%dma_wait3A, %dma_wait3A_51] : memref<313x128xf32, #tpu.memory_space<vmem>> -> memref<313x128xf32, #tpu.memory_space<vmem>>
        %dma_wait3A_53 = arith.constant 0 : i32
        %dma_wait3A_54 = tpu.memref_slice %arg6[%mul3A_41, %dma_wait3A_53] : memref<10000x128xf32, #tpu.memory_space<hbm>> -> memref<313x128xf32, #tpu.memory_space<hbm>>
        %dma_wait3A_55 = arith.constant 0 : i32
        %dma_wait3A_56 = tpu.memref_slice %arg6[%mul3A_41, %dma_wait3A_55] : memref<10000x128xf32, #tpu.memory_space<hbm>> -> memref<313x128xf32, #tpu.memory_space<hbm>>
        %dma_wait3A_57 = arith.constant 0 : i32
        %dma_wait3A_58 = arith.constant 0 : i32
        %dma_wait3A_59 = tpu.memref_slice %arg10[%dma_wait3A_57, %dma_wait3A_58] : memref<313x128xf32, #tpu.memory_space<vmem>> -> memref<313x128xf32, #tpu.memory_space<vmem>>
        tpu.wait_dma2 semaphore(%run_scoped3A : memref<!tpu.dma_semaphore, #tpu.memory_space<semaphore_mem>>) src(%dma_wait3A_59 : memref<313x128xf32, #tpu.memory_space<vmem>>) dst(%dma_wait3A_56 : memref<313x128xf32, #tpu.memory_space<hbm>>)
        tpu.yield
      }) : () -> ()
    } else {
    }
    %eq3A = arith.constant 31 : i32
    %eq3A_36 = arith.cmpi eq, %add3A, %eq3A : i32
    %convert_element_type3A_37 = arith.extui %eq3A_36 : i1 to i32
    %cond3A_38 = arith.constant 0 : i32
    %cond3A_39 = arith.cmpi ne, %convert_element_type3A_37, %cond3A_38 : i32
    scf.if %cond3A_39 {
      "tpu.region"() ({
        %run_scoped3A = tpu.sem_alloc : memref<!tpu.dma_semaphore, #tpu.memory_space<semaphore_mem>>
        %dma_start3A = arith.constant 0 : i32
        %dma_start3A_40 = arith.constant 0 : i32
        %dma_start3A_41 = tpu.memref_slice %arg10[%dma_start3A, %dma_start3A_40] : memref<313x128xf32, #tpu.memory_space<vmem>> -> memref<297x128xf32, #tpu.memory_space<vmem>>
        %dma_start3A_42 = arith.constant 9703 : i32
        %dma_start3A_43 = arith.constant 0 : i32
        %dma_start3A_44 = tpu.memref_slice %arg6[%dma_start3A_42, %dma_start3A_43] : memref<10000x128xf32, #tpu.memory_space<hbm>> -> memref<297x128xf32, #tpu.memory_space<hbm>>
        %dma_start3A_45 = arith.constant 9703 : i32
        %dma_start3A_46 = arith.constant 0 : i32
        %dma_start3A_47 = tpu.memref_slice %arg6[%dma_start3A_45, %dma_start3A_46] : memref<10000x128xf32, #tpu.memory_space<hbm>> -> memref<297x128xf32, #tpu.memory_space<hbm>>
        %dma_start3A_48 = arith.constant 0 : i32
        %dma_start3A_49 = arith.constant 0 : i32
        %dma_start3A_50 = tpu.memref_slice %arg10[%dma_start3A_48, %dma_start3A_49] : memref<313x128xf32, #tpu.memory_space<vmem>> -> memref<297x128xf32, #tpu.memory_space<vmem>>
        tpu.enqueue_dma source(%dma_start3A_50 : memref<297x128xf32, #tpu.memory_space<vmem>>) target(%dma_start3A_47 : memref<297x128xf32, #tpu.memory_space<hbm>>) target_semaphore(%run_scoped3A : memref<!tpu.dma_semaphore, #tpu.memory_space<semaphore_mem>>)
        %dma_wait3A = arith.constant 0 : i32
        %dma_wait3A_51 = arith.constant 0 : i32
        %dma_wait3A_52 = tpu.memref_slice %arg10[%dma_wait3A, %dma_wait3A_51] : memref<313x128xf32, #tpu.memory_space<vmem>> -> memref<297x128xf32, #tpu.memory_space<vmem>>
        %dma_wait3A_53 = arith.constant 9703 : i32
        %dma_wait3A_54 = arith.constant 0 : i32
        %dma_wait3A_55 = tpu.memref_slice %arg6[%dma_wait3A_53, %dma_wait3A_54] : memref<10000x128xf32, #tpu.memory_space<hbm>> -> memref<297x128xf32, #tpu.memory_space<hbm>>
        %dma_wait3A_56 = arith.constant 9703 : i32
        %dma_wait3A_57 = arith.constant 0 : i32
        %dma_wait3A_58 = tpu.memref_slice %arg6[%dma_wait3A_56, %dma_wait3A_57] : memref<10000x128xf32, #tpu.memory_space<hbm>> -> memref<297x128xf32, #tpu.memory_space<hbm>>
        %dma_wait3A_59 = arith.constant 0 : i32
        %dma_wait3A_60 = arith.constant 0 : i32
        %dma_wait3A_61 = tpu.memref_slice %arg10[%dma_wait3A_59, %dma_wait3A_60] : memref<313x128xf32, #tpu.memory_space<vmem>> -> memref<297x128xf32, #tpu.memory_space<vmem>>
        tpu.wait_dma2 semaphore(%run_scoped3A : memref<!tpu.dma_semaphore, #tpu.memory_space<semaphore_mem>>) src(%dma_wait3A_61 : memref<297x128xf32, #tpu.memory_space<vmem>>) dst(%dma_wait3A_58 : memref<297x128xf32, #tpu.memory_space<hbm>>)
        tpu.yield
      }) : () -> ()
    } else {
    }
    return
  }
}

#map = affine_map<(d0, d1) -> (0, 0)>
module attributes {stable_mosaic.version = 14 : i64} {
  func.func @_agg_body(%arg0: i32, %arg1: i32, %arg2: memref<10000x128xf32, #tpu.memory_space<hbm>>, %arg3: memref<32x322080xi32, #tpu.memory_space<hbm>>, %arg4: memref<32x322080xi32, #tpu.memory_space<hbm>>, %arg5: memref<32x16xi32, #tpu.memory_space<hbm>>, %arg6: memref<10000x128xf32, #tpu.memory_space<hbm>>, %arg7: memref<80xi32, #tpu.memory_space<vmem>>, %arg8: memref<96xi32, #tpu.memory_space<vmem>>, %arg9: memref<80x128xf32, #tpu.memory_space<vmem>>, %arg10: memref<313x128xf32, #tpu.memory_space<vmem>>, %arg11: memref<16xi32, #tpu.memory_space<vmem>>, %arg12: memref<!tpu.dma_semaphore, #tpu.memory_space<semaphore_mem>>) attributes {dimension_semantics = [#tpu.dimension_semantics<core_parallel>, #tpu.dimension_semantics<subcore_parallel>], iteration_bounds = array<i64: 2, 16>, scalar_prefetch = 0 : i64, scratch_operands = 6 : i64, tpu.core_type = #tpu.core_type<sc_vector_subcore>, window_params = [{transform_indices = #map}, {transform_indices = #map}, {transform_indices = #map}, {transform_indices = #map}, {transform_indices = #map}]} {
    %mul3A = arith.constant 2 : i32
    %mul3A_0 = arith.muli %arg1, %mul3A : i32
    %add3A = arith.addi %mul3A_0, %arg0 : i32
    %scan3A = arith.constant 0 : i32
    %scan3A_1 = arith.constant 0 : i32
    %scan3A_2 = arith.constant 313 : i32
    %scan3A_3 = arith.addi %scan3A_1, %scan3A_2 : i32
    %scan3A_4 = arith.constant 1 : i32
    scf.for %scan3A_40 = %scan3A_1 to %scan3A_3 step %scan3A_4  : i32 {
      %broadcast_in_dim3A = arith.constant 0.000000e+00 : f32
      %broadcast_in_dim3A_41 = vector.broadcast %broadcast_in_dim3A : f32 to vector<16xf32>
      %swap3A = arith.index_cast %scan3A_40 : i32 to index
      %swap3A_42 = arith.constant 0 : index
      %swap3A_43 = tpu.vector_load %arg10[%swap3A, %swap3A_42] {strides = array<i32>} : memref<313x128xf32, #tpu.memory_space<vmem>>, vector<16xf32>,
      tpu.vector_store %arg10[%swap3A, %swap3A_42], %broadcast_in_dim3A_41 {strides = array<i32>} : memref<313x128xf32, #tpu.memory_space<vmem>>, vector<16xf32>,
      %broadcast_in_dim3A_44 = arith.constant 0.000000e+00 : f32
      %broadcast_in_dim3A_45 = vector.broadcast %broadcast_in_dim3A_44 : f32 to vector<16xf32>
      %swap3A_46 = arith.index_cast %scan3A_40 : i32 to index
      %swap3A_47 = arith.constant 16 : index
      %swap3A_48 = tpu.vector_load %arg10[%swap3A_46, %swap3A_47] {strides = array<i32>} : memref<313x128xf32, #tpu.memory_space<vmem>>, vector<16xf32>,
      tpu.vector_store %arg10[%swap3A_46, %swap3A_47], %broadcast_in_dim3A_45 {strides = array<i32>} : memref<313x128xf32, #tpu.memory_space<vmem>>, vector<16xf32>,
      %broadcast_in_dim3A_49 = arith.constant 0.000000e+00 : f32
      %broadcast_in_dim3A_50 = vector.broadcast %broadcast_in_dim3A_49 : f32 to vector<16xf32>
      %swap3A_51 = arith.index_cast %scan3A_40 : i32 to index
      %swap3A_52 = arith.constant 32 : index
      %swap3A_53 = tpu.vector_load %arg10[%swap3A_51, %swap3A_52] {strides = array<i32>} : memref<313x128xf32, #tpu.memory_space<vmem>>, vector<16xf32>,
      tpu.vector_store %arg10[%swap3A_51, %swap3A_52], %broadcast_in_dim3A_50 {strides = array<i32>} : memref<313x128xf32, #tpu.memory_space<vmem>>, vector<16xf32>,
      %broadcast_in_dim3A_54 = arith.constant 0.000000e+00 : f32
      %broadcast_in_dim3A_55 = vector.broadcast %broadcast_in_dim3A_54 : f32 to vector<16xf32>
      %swap3A_56 = arith.index_cast %scan3A_40 : i32 to index
      %swap3A_57 = arith.constant 48 : index
      %swap3A_58 = tpu.vector_load %arg10[%swap3A_56, %swap3A_57] {strides = array<i32>} : memref<313x128xf32, #tpu.memory_space<vmem>>, vector<16xf32>,
      tpu.vector_store %arg10[%swap3A_56, %swap3A_57], %broadcast_in_dim3A_55 {strides = array<i32>} : memref<313x128xf32, #tpu.memory_space<vmem>>, vector<16xf32>,
      %broadcast_in_dim3A_59 = arith.constant 0.000000e+00 : f32
      %broadcast_in_dim3A_60 = vector.broadcast %broadcast_in_dim3A_59 : f32 to vector<16xf32>
      %swap3A_61 = arith.index_cast %scan3A_40 : i32 to index
      %swap3A_62 = arith.constant 64 : index
      %swap3A_63 = tpu.vector_load %arg10[%swap3A_61, %swap3A_62] {strides = array<i32>} : memref<313x128xf32, #tpu.memory_space<vmem>>, vector<16xf32>,
      tpu.vector_store %arg10[%swap3A_61, %swap3A_62], %broadcast_in_dim3A_60 {strides = array<i32>} : memref<313x128xf32, #tpu.memory_space<vmem>>, vector<16xf32>,
      %broadcast_in_dim3A_64 = arith.constant 0.000000e+00 : f32
      %broadcast_in_dim3A_65 = vector.broadcast %broadcast_in_dim3A_64 : f32 to vector<16xf32>
      %swap3A_66 = arith.index_cast %scan3A_40 : i32 to index
      %swap3A_67 = arith.constant 80 : index
      %swap3A_68 = tpu.vector_load %arg10[%swap3A_66, %swap3A_67] {strides = array<i32>} : memref<313x128xf32, #tpu.memory_space<vmem>>, vector<16xf32>,
      tpu.vector_store %arg10[%swap3A_66, %swap3A_67], %broadcast_in_dim3A_65 {strides = array<i32>} : memref<313x128xf32, #tpu.memory_space<vmem>>, vector<16xf32>,
      %broadcast_in_dim3A_69 = arith.constant 0.000000e+00 : f32
      %broadcast_in_dim3A_70 = vector.broadcast %broadcast_in_dim3A_69 : f32 to vector<16xf32>
      %swap3A_71 = arith.index_cast %scan3A_40 : i32 to index
      %swap3A_72 = arith.constant 96 : index
      %swap3A_73 = tpu.vector_load %arg10[%swap3A_71, %swap3A_72] {strides = array<i32>} : memref<313x128xf32, #tpu.memory_space<vmem>>, vector<16xf32>,
      tpu.vector_store %arg10[%swap3A_71, %swap3A_72], %broadcast_in_dim3A_70 {strides = array<i32>} : memref<313x128xf32, #tpu.memory_space<vmem>>, vector<16xf32>,
      %broadcast_in_dim3A_74 = arith.constant 0.000000e+00 : f32
      %broadcast_in_dim3A_75 = vector.broadcast %broadcast_in_dim3A_74 : f32 to vector<16xf32>
      %swap3A_76 = arith.index_cast %scan3A_40 : i32 to index
      %swap3A_77 = arith.constant 112 : index
      %swap3A_78 = tpu.vector_load %arg10[%swap3A_76, %swap3A_77] {strides = array<i32>} : memref<313x128xf32, #tpu.memory_space<vmem>>, vector<16xf32>,
      tpu.vector_store %arg10[%swap3A_76, %swap3A_77], %broadcast_in_dim3A_75 {strides = array<i32>} : memref<313x128xf32, #tpu.memory_space<vmem>>, vector<16xf32>,
    }
    %scan3A_5 = arith.constant 313 : i32
    "tpu.region"() ({
      %run_scoped3A = tpu.sem_alloc : memref<!tpu.dma_semaphore, #tpu.memory_space<semaphore_mem>>
      %dma_start3A = arith.constant 0 : i32
      %dma_start3A_40 = tpu.memref_slice %arg5[%add3A, %dma_start3A] : memref<32x16xi32, #tpu.memory_space<hbm>> -> memref<1x16xi32, #tpu.memory_space<hbm>>
      %dma_start3A_41 = tpu.memref_squeeze %dma_start3A_40 : memref<1x16xi32, #tpu.memory_space<hbm>> -> memref<16xi32, #tpu.memory_space<hbm>>
      %dma_start3A_42 = arith.constant 0 : i32
      %dma_start3A_43 = tpu.memref_slice %arg5[%add3A, %dma_start3A_42] : memref<32x16xi32, #tpu.memory_space<hbm>> -> memref<1x16xi32, #tpu.memory_space<hbm>>
      %dma_start3A_44 = tpu.memref_squeeze %dma_start3A_43 : memref<1x16xi32, #tpu.memory_space<hbm>> -> memref<16xi32, #tpu.memory_space<hbm>>
      tpu.enqueue_dma source(%dma_start3A_44 : memref<16xi32, #tpu.memory_space<hbm>>) target(%arg11 : memref<16xi32, #tpu.memory_space<vmem>>) target_semaphore(%run_scoped3A : memref<!tpu.dma_semaphore, #tpu.memory_space<semaphore_mem>>)
      %dma_wait3A = arith.constant 0 : i32
      %dma_wait3A_45 = tpu.memref_slice %arg5[%add3A, %dma_wait3A] : memref<32x16xi32, #tpu.memory_space<hbm>> -> memref<1x16xi32, #tpu.memory_space<hbm>>
      %dma_wait3A_46 = tpu.memref_squeeze %dma_wait3A_45 : memref<1x16xi32, #tpu.memory_space<hbm>> -> memref<16xi32, #tpu.memory_space<hbm>>
      %dma_wait3A_47 = arith.constant 0 : i32
      %dma_wait3A_48 = tpu.memref_slice %arg5[%add3A, %dma_wait3A_47] : memref<32x16xi32, #tpu.memory_space<hbm>> -> memref<1x16xi32, #tpu.memory_space<hbm>>
      %dma_wait3A_49 = tpu.memref_squeeze %dma_wait3A_48 : memref<1x16xi32, #tpu.memory_space<hbm>> -> memref<16xi32, #tpu.memory_space<hbm>>
      tpu.wait_dma2 semaphore(%run_scoped3A : memref<!tpu.dma_semaphore, #tpu.memory_space<semaphore_mem>>) src(%dma_wait3A_49 : memref<16xi32, #tpu.memory_space<hbm>>) dst(%arg11 : memref<16xi32, #tpu.memory_space<vmem>>)
      tpu.yield
    }) : () -> ()
    %get3A = arith.constant 0 : index
    %get3A_6 = tpu.vector_load %arg11[%get3A] {strides = array<i32>} : memref<16xi32, #tpu.memory_space<vmem>>, vector<16xi32>,
    %slice3A = vector.extract_strided_slice %get3A_6 {offsets = [0], sizes = [1], strides = [1]} : vector<16xi32> to vector<1xi32>
    %squeeze3A = vector.extract %slice3A[0] : i32 from vector<1xi32>
    %add3A_7 = arith.constant 79 : i32
    %add3A_8 = arith.addi %squeeze3A, %add3A_7 : i32
    %jit3A = arith.constant 80 : i32
    %div3A = arith.divsi %add3A_8, %jit3A : i32
    %sign3A = arith.constant 0 : i32
    %sign3A_9 = arith.cmpi sgt, %add3A_8, %sign3A : i32
    %sign3A_10 = arith.extui %sign3A_9 : i1 to i32
    %sign3A_11 = arith.constant 0 : i32
    %sign3A_12 = arith.cmpi slt, %add3A_8, %sign3A_11 : i32
    %sign3A_13 = arith.extui %sign3A_12 : i1 to i32
    %sign3A_14 = arith.subi %sign3A_10, %sign3A_13 : i32
    %sign3A_15 = arith.constant 0 : i32
    %sign3A_16 = arith.cmpi sgt, %jit3A, %sign3A_15 : i32
    %sign3A_17 = arith.extui %sign3A_16 : i1 to i32
    %sign3A_18 = arith.constant 0 : i32
    %sign3A_19 = arith.cmpi slt, %jit3A, %sign3A_18 : i32
    %sign3A_20 = arith.extui %sign3A_19 : i1 to i32
    %sign3A_21 = arith.subi %sign3A_17, %sign3A_20 : i32
    %ne3A = arith.cmpi ne, %sign3A_14, %sign3A_21 : i32
    %rem3A = arith.remsi %add3A_8, %jit3A : i32
    %ne3A_22 = arith.constant 0 : i32
    %ne3A_23 = arith.cmpi ne, %rem3A, %ne3A_22 : i32
    %and3A = arith.andi %ne3A, %ne3A_23 : i1
    %sub3A = arith.constant 1 : i32
    %sub3A_24 = arith.subi %div3A, %sub3A : i32
    %select_n3A = arith.select %and3A, %sub3A_24, %div3A : i32
    %while3A = arith.constant 0 : i32
    %while3A_25 = arith.constant 0 : i32
    %while3A_26 = arith.subi %select_n3A, %while3A_25 : i32
    %while3A_27 = arith.addi %while3A_25, %while3A_26 : i32
    %while3A_28 = arith.constant 1 : i32
    %while3A_29 = arith.divsi %while3A_26, %while3A_28 : i32
    %while3A_30 = arith.muli %while3A_29, %while3A_28 : i32
    %while3A_31 = arith.addi %while3A_25, %while3A_30 : i32
    %while3A_32 = arith.constant 1 : i32
    scf.for %while3A_40 = %while3A_25 to %while3A_31 step %while3A_32  : i32 {
      %mul3A_41 = arith.constant 80 : i32
      %mul3A_42 = arith.muli %while3A_40, %mul3A_41 : i32
      "tpu.region"() ({
        %run_scoped3A = tpu.sem_alloc : memref<!tpu.dma_semaphore, #tpu.memory_space<semaphore_mem>>
        %dma_start3A_55 = tpu.memref_slice %arg3[%add3A, %mul3A_42] : memref<32x322080xi32, #tpu.memory_space<hbm>> -> memref<1x80xi32, #tpu.memory_space<hbm>>
        %dma_start3A_56 = tpu.memref_squeeze %dma_start3A_55 : memref<1x80xi32, #tpu.memory_space<hbm>> -> memref<80xi32, #tpu.memory_space<hbm>>
        %dma_start3A_57 = tpu.memref_slice %arg3[%add3A, %mul3A_42] : memref<32x322080xi32, #tpu.memory_space<hbm>> -> memref<1x80xi32, #tpu.memory_space<hbm>>
        %dma_start3A_58 = tpu.memref_squeeze %dma_start3A_57 : memref<1x80xi32, #tpu.memory_space<hbm>> -> memref<80xi32, #tpu.memory_space<hbm>>
        tpu.enqueue_dma source(%dma_start3A_58 : memref<80xi32, #tpu.memory_space<hbm>>) target(%arg7 : memref<80xi32, #tpu.memory_space<vmem>>) target_semaphore(%run_scoped3A : memref<!tpu.dma_semaphore, #tpu.memory_space<semaphore_mem>>)
        %dma_wait3A_59 = tpu.memref_slice %arg3[%add3A, %mul3A_42] : memref<32x322080xi32, #tpu.memory_space<hbm>> -> memref<1x80xi32, #tpu.memory_space<hbm>>
        %dma_wait3A_60 = tpu.memref_squeeze %dma_wait3A_59 : memref<1x80xi32, #tpu.memory_space<hbm>> -> memref<80xi32, #tpu.memory_space<hbm>>
        %dma_wait3A_61 = tpu.memref_slice %arg3[%add3A, %mul3A_42] : memref<32x322080xi32, #tpu.memory_space<hbm>> -> memref<1x80xi32, #tpu.memory_space<hbm>>
        %dma_wait3A_62 = tpu.memref_squeeze %dma_wait3A_61 : memref<1x80xi32, #tpu.memory_space<hbm>> -> memref<80xi32, #tpu.memory_space<hbm>>
        tpu.wait_dma2 semaphore(%run_scoped3A : memref<!tpu.dma_semaphore, #tpu.memory_space<semaphore_mem>>) src(%dma_wait3A_62 : memref<80xi32, #tpu.memory_space<hbm>>) dst(%arg7 : memref<80xi32, #tpu.memory_space<vmem>>)
        tpu.yield
      }) : () -> ()
      %mul3A_43 = arith.constant 80 : i32
      %mul3A_44 = arith.muli %while3A_40, %mul3A_43 : i32
      "tpu.region"() ({
        %run_scoped3A = tpu.sem_alloc : memref<!tpu.dma_semaphore, #tpu.memory_space<semaphore_mem>>
        %dma_start3A_55 = arith.constant 0 : i32
        %dma_start3A_56 = tpu.memref_slice %arg8[%dma_start3A_55] : memref<96xi32, #tpu.memory_space<vmem>> -> memref<80xi32, #tpu.memory_space<vmem>>
        %dma_start3A_57 = tpu.memref_slice %arg4[%add3A, %mul3A_44] : memref<32x322080xi32, #tpu.memory_space<hbm>> -> memref<1x80xi32, #tpu.memory_space<hbm>>
        %dma_start3A_58 = tpu.memref_squeeze %dma_start3A_57 : memref<1x80xi32, #tpu.memory_space<hbm>> -> memref<80xi32, #tpu.memory_space<hbm>>
        %dma_start3A_59 = arith.constant 0 : i32
        %dma_start3A_60 = tpu.memref_slice %arg8[%dma_start3A_59] : memref<96xi32, #tpu.memory_space<vmem>> -> memref<80xi32, #tpu.memory_space<vmem>>
        %dma_start3A_61 = tpu.memref_slice %arg4[%add3A, %mul3A_44] : memref<32x322080xi32, #tpu.memory_space<hbm>> -> memref<1x80xi32, #tpu.memory_space<hbm>>
        %dma_start3A_62 = tpu.memref_squeeze %dma_start3A_61 : memref<1x80xi32, #tpu.memory_space<hbm>> -> memref<80xi32, #tpu.memory_space<hbm>>
        tpu.enqueue_dma source(%dma_start3A_62 : memref<80xi32, #tpu.memory_space<hbm>>) target(%dma_start3A_60 : memref<80xi32, #tpu.memory_space<vmem>>) target_semaphore(%run_scoped3A : memref<!tpu.dma_semaphore, #tpu.memory_space<semaphore_mem>>)
        %dma_wait3A_63 = arith.constant 0 : i32
        %dma_wait3A_64 = tpu.memref_slice %arg8[%dma_wait3A_63] : memref<96xi32, #tpu.memory_space<vmem>> -> memref<80xi32, #tpu.memory_space<vmem>>
        %dma_wait3A_65 = tpu.memref_slice %arg4[%add3A, %mul3A_44] : memref<32x322080xi32, #tpu.memory_space<hbm>> -> memref<1x80xi32, #tpu.memory_space<hbm>>
        %dma_wait3A_66 = tpu.memref_squeeze %dma_wait3A_65 : memref<1x80xi32, #tpu.memory_space<hbm>> -> memref<80xi32, #tpu.memory_space<hbm>>
        %dma_wait3A_67 = arith.constant 0 : i32
        %dma_wait3A_68 = tpu.memref_slice %arg8[%dma_wait3A_67] : memref<96xi32, #tpu.memory_space<vmem>> -> memref<80xi32, #tpu.memory_space<vmem>>
        %dma_wait3A_69 = tpu.memref_slice %arg4[%add3A, %mul3A_44] : memref<32x322080xi32, #tpu.memory_space<hbm>> -> memref<1x80xi32, #tpu.memory_space<hbm>>
        %dma_wait3A_70 = tpu.memref_squeeze %dma_wait3A_69 : memref<1x80xi32, #tpu.memory_space<hbm>> -> memref<80xi32, #tpu.memory_space<hbm>>
        tpu.wait_dma2 semaphore(%run_scoped3A : memref<!tpu.dma_semaphore, #tpu.memory_space<semaphore_mem>>) src(%dma_wait3A_70 : memref<80xi32, #tpu.memory_space<hbm>>) dst(%dma_wait3A_68 : memref<80xi32, #tpu.memory_space<vmem>>)
        tpu.yield
      }) : () -> ()
      %dma_start3A = arith.constant 0 : i32
      %dma_start3A_45 = arith.constant 0 : i32
      %dma_start3A_46 = tpu.memref_slice %arg2[%dma_start3A, %dma_start3A_45] : memref<10000x128xf32, #tpu.memory_space<hbm>> -> memref<10000x128xf32, #tpu.memory_space<hbm>>
      tpu.enqueue_indirect_dma source(%dma_start3A_46 : memref<10000x128xf32, #tpu.memory_space<hbm>>) target(%arg9 : memref<80x128xf32, #tpu.memory_space<vmem>>) offsets(%arg7 : memref<80xi32, #tpu.memory_space<vmem>>) semaphore(%arg12 : memref<!tpu.dma_semaphore, #tpu.memory_space<semaphore_mem>>)
      %dma_wait3A = arith.constant 0 : i32
      %dma_wait3A_47 = arith.constant 0 : i32
      %dma_wait3A_48 = tpu.memref_slice %arg2[%dma_wait3A, %dma_wait3A_47] : memref<10000x128xf32, #tpu.memory_space<hbm>> -> memref<10000x128xf32, #tpu.memory_space<hbm>>
      tpu.wait_indirect_dma semaphore(%arg12 : memref<!tpu.dma_semaphore, #tpu.memory_space<semaphore_mem>>) src(%dma_wait3A_48 : memref<10000x128xf32, #tpu.memory_space<hbm>>) dst(%arg9 : memref<80x128xf32, #tpu.memory_space<vmem>>)
      %scan3A_49 = arith.constant 0 : i32
      %scan3A_50 = arith.constant 0 : i32
      %scan3A_51 = arith.constant 80 : i32
      %scan3A_52 = arith.addi %scan3A_50, %scan3A_51 : i32
      %scan3A_53 = arith.constant 1 : i32
      scf.for %scan3A_55 = %scan3A_50 to %scan3A_52 step %scan3A_53  : i32 {
        %mul3A_56 = arith.constant 80 : i32
        %mul3A_57 = arith.muli %while3A_40, %mul3A_56 : i32
        %add3A_58 = arith.addi %mul3A_57, %scan3A_55 : i32
        %lt3A_59 = arith.cmpi slt, %add3A_58, %squeeze3A : i32
        %convert_element_type3A_60 = arith.extui %lt3A_59 : i1 to i32
        %cond3A_61 = arith.constant 0 : i32
        %cond3A_62 = arith.cmpi ne, %convert_element_type3A_60, %cond3A_61 : i32
        scf.if %cond3A_62 {
          %get3A_63 = arith.index_cast %scan3A_55 : i32 to index
          %get3A_64 = tpu.vector_load %arg8[%get3A_63] {strides = array<i32>} : memref<96xi32, #tpu.memory_space<vmem>>, vector<16xi32>,
          %slice3A_65 = vector.extract_strided_slice %get3A_64 {offsets = [0], sizes = [1], strides = [1]} : vector<16xi32> to vector<1xi32>
          %squeeze3A_66 = vector.extract %slice3A_65[0] : i32 from vector<1xi32>
          %get3A_67 = arith.index_cast %scan3A_55 : i32 to index
          %get3A_68 = arith.constant 0 : index
          %get3A_69 = tpu.vector_load %arg9[%get3A_67, %get3A_68] {strides = array<i32>} : memref<80x128xf32, #tpu.memory_space<vmem>>, vector<16xf32>,
          %get3A_70 = arith.index_cast %squeeze3A_66 : i32 to index
          %get3A_71 = arith.constant 0 : index
          %get3A_72 = tpu.vector_load %arg10[%get3A_70, %get3A_71] {strides = array<i32>} : memref<313x128xf32, #tpu.memory_space<vmem>>, vector<16xf32>,
          %add3A_73 = arith.addf %get3A_72, %get3A_69 : vector<16xf32>
          %swap3A = arith.index_cast %squeeze3A_66 : i32 to index
          %swap3A_74 = arith.constant 0 : index
          %swap3A_75 = tpu.vector_load %arg10[%swap3A, %swap3A_74] {strides = array<i32>} : memref<313x128xf32, #tpu.memory_space<vmem>>, vector<16xf32>,
          tpu.vector_store %arg10[%swap3A, %swap3A_74], %add3A_73 {strides = array<i32>} : memref<313x128xf32, #tpu.memory_space<vmem>>, vector<16xf32>,
          %get3A_76 = arith.index_cast %scan3A_55 : i32 to index
          %get3A_77 = arith.constant 16 : index
          %get3A_78 = tpu.vector_load %arg9[%get3A_76, %get3A_77] {strides = array<i32>} : memref<80x128xf32, #tpu.memory_space<vmem>>, vector<16xf32>,
          %get3A_79 = arith.index_cast %squeeze3A_66 : i32 to index
          %get3A_80 = arith.constant 16 : index
          %get3A_81 = tpu.vector_load %arg10[%get3A_79, %get3A_80] {strides = array<i32>} : memref<313x128xf32, #tpu.memory_space<vmem>>, vector<16xf32>,
          %add3A_82 = arith.addf %get3A_81, %get3A_78 : vector<16xf32>
          %swap3A_83 = arith.index_cast %squeeze3A_66 : i32 to index
          %swap3A_84 = arith.constant 16 : index
          %swap3A_85 = tpu.vector_load %arg10[%swap3A_83, %swap3A_84] {strides = array<i32>} : memref<313x128xf32, #tpu.memory_space<vmem>>, vector<16xf32>,
          tpu.vector_store %arg10[%swap3A_83, %swap3A_84], %add3A_82 {strides = array<i32>} : memref<313x128xf32, #tpu.memory_space<vmem>>, vector<16xf32>,
          %get3A_86 = arith.index_cast %scan3A_55 : i32 to index
          %get3A_87 = arith.constant 32 : index
          %get3A_88 = tpu.vector_load %arg9[%get3A_86, %get3A_87] {strides = array<i32>} : memref<80x128xf32, #tpu.memory_space<vmem>>, vector<16xf32>,
          %get3A_89 = arith.index_cast %squeeze3A_66 : i32 to index
          %get3A_90 = arith.constant 32 : index
          %get3A_91 = tpu.vector_load %arg10[%get3A_89, %get3A_90] {strides = array<i32>} : memref<313x128xf32, #tpu.memory_space<vmem>>, vector<16xf32>,
          %add3A_92 = arith.addf %get3A_91, %get3A_88 : vector<16xf32>
          %swap3A_93 = arith.index_cast %squeeze3A_66 : i32 to index
          %swap3A_94 = arith.constant 32 : index
          %swap3A_95 = tpu.vector_load %arg10[%swap3A_93, %swap3A_94] {strides = array<i32>} : memref<313x128xf32, #tpu.memory_space<vmem>>, vector<16xf32>,
          tpu.vector_store %arg10[%swap3A_93, %swap3A_94], %add3A_92 {strides = array<i32>} : memref<313x128xf32, #tpu.memory_space<vmem>>, vector<16xf32>,
          %get3A_96 = arith.index_cast %scan3A_55 : i32 to index
          %get3A_97 = arith.constant 48 : index
          %get3A_98 = tpu.vector_load %arg9[%get3A_96, %get3A_97] {strides = array<i32>} : memref<80x128xf32, #tpu.memory_space<vmem>>, vector<16xf32>,
          %get3A_99 = arith.index_cast %squeeze3A_66 : i32 to index
          %get3A_100 = arith.constant 48 : index
          %get3A_101 = tpu.vector_load %arg10[%get3A_99, %get3A_100] {strides = array<i32>} : memref<313x128xf32, #tpu.memory_space<vmem>>, vector<16xf32>,
          %add3A_102 = arith.addf %get3A_101, %get3A_98 : vector<16xf32>
          %swap3A_103 = arith.index_cast %squeeze3A_66 : i32 to index
          %swap3A_104 = arith.constant 48 : index
          %swap3A_105 = tpu.vector_load %arg10[%swap3A_103, %swap3A_104] {strides = array<i32>} : memref<313x128xf32, #tpu.memory_space<vmem>>, vector<16xf32>,
          tpu.vector_store %arg10[%swap3A_103, %swap3A_104], %add3A_102 {strides = array<i32>} : memref<313x128xf32, #tpu.memory_space<vmem>>, vector<16xf32>,
          %get3A_106 = arith.index_cast %scan3A_55 : i32 to index
          %get3A_107 = arith.constant 64 : index
          %get3A_108 = tpu.vector_load %arg9[%get3A_106, %get3A_107] {strides = array<i32>} : memref<80x128xf32, #tpu.memory_space<vmem>>, vector<16xf32>,
          %get3A_109 = arith.index_cast %squeeze3A_66 : i32 to index
          %get3A_110 = arith.constant 64 : index
          %get3A_111 = tpu.vector_load %arg10[%get3A_109, %get3A_110] {strides = array<i32>} : memref<313x128xf32, #tpu.memory_space<vmem>>, vector<16xf32>,
          %add3A_112 = arith.addf %get3A_111, %get3A_108 : vector<16xf32>
          %swap3A_113 = arith.index_cast %squeeze3A_66 : i32 to index
          %swap3A_114 = arith.constant 64 : index
          %swap3A_115 = tpu.vector_load %arg10[%swap3A_113, %swap3A_114] {strides = array<i32>} : memref<313x128xf32, #tpu.memory_space<vmem>>, vector<16xf32>,
          tpu.vector_store %arg10[%swap3A_113, %swap3A_114], %add3A_112 {strides = array<i32>} : memref<313x128xf32, #tpu.memory_space<vmem>>, vector<16xf32>,
          %get3A_116 = arith.index_cast %scan3A_55 : i32 to index
          %get3A_117 = arith.constant 80 : index
          %get3A_118 = tpu.vector_load %arg9[%get3A_116, %get3A_117] {strides = array<i32>} : memref<80x128xf32, #tpu.memory_space<vmem>>, vector<16xf32>,
          %get3A_119 = arith.index_cast %squeeze3A_66 : i32 to index
          %get3A_120 = arith.constant 80 : index
          %get3A_121 = tpu.vector_load %arg10[%get3A_119, %get3A_120] {strides = array<i32>} : memref<313x128xf32, #tpu.memory_space<vmem>>, vector<16xf32>,
          %add3A_122 = arith.addf %get3A_121, %get3A_118 : vector<16xf32>
          %swap3A_123 = arith.index_cast %squeeze3A_66 : i32 to index
          %swap3A_124 = arith.constant 80 : index
          %swap3A_125 = tpu.vector_load %arg10[%swap3A_123, %swap3A_124] {strides = array<i32>} : memref<313x128xf32, #tpu.memory_space<vmem>>, vector<16xf32>,
          tpu.vector_store %arg10[%swap3A_123, %swap3A_124], %add3A_122 {strides = array<i32>} : memref<313x128xf32, #tpu.memory_space<vmem>>, vector<16xf32>,
          %get3A_126 = arith.index_cast %scan3A_55 : i32 to index
          %get3A_127 = arith.constant 96 : index
          %get3A_128 = tpu.vector_load %arg9[%get3A_126, %get3A_127] {strides = array<i32>} : memref<80x128xf32, #tpu.memory_space<vmem>>, vector<16xf32>,
          %get3A_129 = arith.index_cast %squeeze3A_66 : i32 to index
          %get3A_130 = arith.constant 96 : index
          %get3A_131 = tpu.vector_load %arg10[%get3A_129, %get3A_130] {strides = array<i32>} : memref<313x128xf32, #tpu.memory_space<vmem>>, vector<16xf32>,
          %add3A_132 = arith.addf %get3A_131, %get3A_128 : vector<16xf32>
          %swap3A_133 = arith.index_cast %squeeze3A_66 : i32 to index
          %swap3A_134 = arith.constant 96 : index
          %swap3A_135 = tpu.vector_load %arg10[%swap3A_133, %swap3A_134] {strides = array<i32>} : memref<313x128xf32, #tpu.memory_space<vmem>>, vector<16xf32>,
          tpu.vector_store %arg10[%swap3A_133, %swap3A_134], %add3A_132 {strides = array<i32>} : memref<313x128xf32, #tpu.memory_space<vmem>>, vector<16xf32>,
          %get3A_136 = arith.index_cast %scan3A_55 : i32 to index
          %get3A_137 = arith.constant 112 : index
          %get3A_138 = tpu.vector_load %arg9[%get3A_136, %get3A_137] {strides = array<i32>} : memref<80x128xf32, #tpu.memory_space<vmem>>, vector<16xf32>,
          %get3A_139 = arith.index_cast %squeeze3A_66 : i32 to index
          %get3A_140 = arith.constant 112 : index
          %get3A_141 = tpu.vector_load %arg10[%get3A_139, %get3A_140] {strides = array<i32>} : memref<313x128xf32, #tpu.memory_space<vmem>>, vector<16xf32>,
          %add3A_142 = arith.addf %get3A_141, %get3A_138 : vector<16xf32>
          %swap3A_143 = arith.index_cast %squeeze3A_66 : i32 to index
          %swap3A_144 = arith.constant 112 : index
          %swap3A_145 = tpu.vector_load %arg10[%swap3A_143, %swap3A_144] {strides = array<i32>} : memref<313x128xf32, #tpu.memory_space<vmem>>, vector<16xf32>,
          tpu.vector_store %arg10[%swap3A_143, %swap3A_144], %add3A_142 {strides = array<i32>} : memref<313x128xf32, #tpu.memory_space<vmem>>, vector<16xf32>,
        } else {
        }
      }
      %scan3A_54 = arith.constant 80 : i32
    }
    %while3A_33 = arith.constant 1 : i32
    scf.for %while3A_40 = %while3A_31 to %while3A_27 step %while3A_33  : i32 {
      %mul3A_41 = arith.constant 80 : i32
      %mul3A_42 = arith.muli %while3A_40, %mul3A_41 : i32
      "tpu.region"() ({
        %run_scoped3A = tpu.sem_alloc : memref<!tpu.dma_semaphore, #tpu.memory_space<semaphore_mem>>
        %dma_start3A_55 = tpu.memref_slice %arg3[%add3A, %mul3A_42] : memref<32x322080xi32, #tpu.memory_space<hbm>> -> memref<1x80xi32, #tpu.memory_space<hbm>>
        %dma_start3A_56 = tpu.memref_squeeze %dma_start3A_55 : memref<1x80xi32, #tpu.memory_space<hbm>> -> memref<80xi32, #tpu.memory_space<hbm>>
        %dma_start3A_57 = tpu.memref_slice %arg3[%add3A, %mul3A_42] : memref<32x322080xi32, #tpu.memory_space<hbm>> -> memref<1x80xi32, #tpu.memory_space<hbm>>
        %dma_start3A_58 = tpu.memref_squeeze %dma_start3A_57 : memref<1x80xi32, #tpu.memory_space<hbm>> -> memref<80xi32, #tpu.memory_space<hbm>>
        tpu.enqueue_dma source(%dma_start3A_58 : memref<80xi32, #tpu.memory_space<hbm>>) target(%arg7 : memref<80xi32, #tpu.memory_space<vmem>>) target_semaphore(%run_scoped3A : memref<!tpu.dma_semaphore, #tpu.memory_space<semaphore_mem>>)
        %dma_wait3A_59 = tpu.memref_slice %arg3[%add3A, %mul3A_42] : memref<32x322080xi32, #tpu.memory_space<hbm>> -> memref<1x80xi32, #tpu.memory_space<hbm>>
        %dma_wait3A_60 = tpu.memref_squeeze %dma_wait3A_59 : memref<1x80xi32, #tpu.memory_space<hbm>> -> memref<80xi32, #tpu.memory_space<hbm>>
        %dma_wait3A_61 = tpu.memref_slice %arg3[%add3A, %mul3A_42] : memref<32x322080xi32, #tpu.memory_space<hbm>> -> memref<1x80xi32, #tpu.memory_space<hbm>>
        %dma_wait3A_62 = tpu.memref_squeeze %dma_wait3A_61 : memref<1x80xi32, #tpu.memory_space<hbm>> -> memref<80xi32, #tpu.memory_space<hbm>>
        tpu.wait_dma2 semaphore(%run_scoped3A : memref<!tpu.dma_semaphore, #tpu.memory_space<semaphore_mem>>) src(%dma_wait3A_62 : memref<80xi32, #tpu.memory_space<hbm>>) dst(%arg7 : memref<80xi32, #tpu.memory_space<vmem>>)
        tpu.yield
      }) : () -> ()
      %mul3A_43 = arith.constant 80 : i32
      %mul3A_44 = arith.muli %while3A_40, %mul3A_43 : i32
      "tpu.region"() ({
        %run_scoped3A = tpu.sem_alloc : memref<!tpu.dma_semaphore, #tpu.memory_space<semaphore_mem>>
        %dma_start3A_55 = arith.constant 0 : i32
        %dma_start3A_56 = tpu.memref_slice %arg8[%dma_start3A_55] : memref<96xi32, #tpu.memory_space<vmem>> -> memref<80xi32, #tpu.memory_space<vmem>>
        %dma_start3A_57 = tpu.memref_slice %arg4[%add3A, %mul3A_44] : memref<32x322080xi32, #tpu.memory_space<hbm>> -> memref<1x80xi32, #tpu.memory_space<hbm>>
        %dma_start3A_58 = tpu.memref_squeeze %dma_start3A_57 : memref<1x80xi32, #tpu.memory_space<hbm>> -> memref<80xi32, #tpu.memory_space<hbm>>
        %dma_start3A_59 = arith.constant 0 : i32
        %dma_start3A_60 = tpu.memref_slice %arg8[%dma_start3A_59] : memref<96xi32, #tpu.memory_space<vmem>> -> memref<80xi32, #tpu.memory_space<vmem>>
        %dma_start3A_61 = tpu.memref_slice %arg4[%add3A, %mul3A_44] : memref<32x322080xi32, #tpu.memory_space<hbm>> -> memref<1x80xi32, #tpu.memory_space<hbm>>
        %dma_start3A_62 = tpu.memref_squeeze %dma_start3A_61 : memref<1x80xi32, #tpu.memory_space<hbm>> -> memref<80xi32, #tpu.memory_space<hbm>>
        tpu.enqueue_dma source(%dma_start3A_62 : memref<80xi32, #tpu.memory_space<hbm>>) target(%dma_start3A_60 : memref<80xi32, #tpu.memory_space<vmem>>) target_semaphore(%run_scoped3A : memref<!tpu.dma_semaphore, #tpu.memory_space<semaphore_mem>>)
        %dma_wait3A_63 = arith.constant 0 : i32
        %dma_wait3A_64 = tpu.memref_slice %arg8[%dma_wait3A_63] : memref<96xi32, #tpu.memory_space<vmem>> -> memref<80xi32, #tpu.memory_space<vmem>>
        %dma_wait3A_65 = tpu.memref_slice %arg4[%add3A, %mul3A_44] : memref<32x322080xi32, #tpu.memory_space<hbm>> -> memref<1x80xi32, #tpu.memory_space<hbm>>
        %dma_wait3A_66 = tpu.memref_squeeze %dma_wait3A_65 : memref<1x80xi32, #tpu.memory_space<hbm>> -> memref<80xi32, #tpu.memory_space<hbm>>
        %dma_wait3A_67 = arith.constant 0 : i32
        %dma_wait3A_68 = tpu.memref_slice %arg8[%dma_wait3A_67] : memref<96xi32, #tpu.memory_space<vmem>> -> memref<80xi32, #tpu.memory_space<vmem>>
        %dma_wait3A_69 = tpu.memref_slice %arg4[%add3A, %mul3A_44] : memref<32x322080xi32, #tpu.memory_space<hbm>> -> memref<1x80xi32, #tpu.memory_space<hbm>>
        %dma_wait3A_70 = tpu.memref_squeeze %dma_wait3A_69 : memref<1x80xi32, #tpu.memory_space<hbm>> -> memref<80xi32, #tpu.memory_space<hbm>>
        tpu.wait_dma2 semaphore(%run_scoped3A : memref<!tpu.dma_semaphore, #tpu.memory_space<semaphore_mem>>) src(%dma_wait3A_70 : memref<80xi32, #tpu.memory_space<hbm>>) dst(%dma_wait3A_68 : memref<80xi32, #tpu.memory_space<vmem>>)
        tpu.yield
      }) : () -> ()
      %dma_start3A = arith.constant 0 : i32
      %dma_start3A_45 = arith.constant 0 : i32
      %dma_start3A_46 = tpu.memref_slice %arg2[%dma_start3A, %dma_start3A_45] : memref<10000x128xf32, #tpu.memory_space<hbm>> -> memref<10000x128xf32, #tpu.memory_space<hbm>>
      tpu.enqueue_indirect_dma source(%dma_start3A_46 : memref<10000x128xf32, #tpu.memory_space<hbm>>) target(%arg9 : memref<80x128xf32, #tpu.memory_space<vmem>>) offsets(%arg7 : memref<80xi32, #tpu.memory_space<vmem>>) semaphore(%arg12 : memref<!tpu.dma_semaphore, #tpu.memory_space<semaphore_mem>>)
      %dma_wait3A = arith.constant 0 : i32
      %dma_wait3A_47 = arith.constant 0 : i32
      %dma_wait3A_48 = tpu.memref_slice %arg2[%dma_wait3A, %dma_wait3A_47] : memref<10000x128xf32, #tpu.memory_space<hbm>> -> memref<10000x128xf32, #tpu.memory_space<hbm>>
      tpu.wait_indirect_dma semaphore(%arg12 : memref<!tpu.dma_semaphore, #tpu.memory_space<semaphore_mem>>) src(%dma_wait3A_48 : memref<10000x128xf32, #tpu.memory_space<hbm>>) dst(%arg9 : memref<80x128xf32, #tpu.memory_space<vmem>>)
      %scan3A_49 = arith.constant 0 : i32
      %scan3A_50 = arith.constant 0 : i32
      %scan3A_51 = arith.constant 80 : i32
      %scan3A_52 = arith.addi %scan3A_50, %scan3A_51 : i32
      %scan3A_53 = arith.constant 1 : i32
      scf.for %scan3A_55 = %scan3A_50 to %scan3A_52 step %scan3A_53  : i32 {
        %mul3A_56 = arith.constant 80 : i32
        %mul3A_57 = arith.muli %while3A_40, %mul3A_56 : i32
        %add3A_58 = arith.addi %mul3A_57, %scan3A_55 : i32
        %lt3A_59 = arith.cmpi slt, %add3A_58, %squeeze3A : i32
        %convert_element_type3A_60 = arith.extui %lt3A_59 : i1 to i32
        %cond3A_61 = arith.constant 0 : i32
        %cond3A_62 = arith.cmpi ne, %convert_element_type3A_60, %cond3A_61 : i32
        scf.if %cond3A_62 {
          %get3A_63 = arith.index_cast %scan3A_55 : i32 to index
          %get3A_64 = tpu.vector_load %arg8[%get3A_63] {strides = array<i32>} : memref<96xi32, #tpu.memory_space<vmem>>, vector<16xi32>,
          %slice3A_65 = vector.extract_strided_slice %get3A_64 {offsets = [0], sizes = [1], strides = [1]} : vector<16xi32> to vector<1xi32>
          %squeeze3A_66 = vector.extract %slice3A_65[0] : i32 from vector<1xi32>
          %get3A_67 = arith.index_cast %scan3A_55 : i32 to index
          %get3A_68 = arith.constant 0 : index
          %get3A_69 = tpu.vector_load %arg9[%get3A_67, %get3A_68] {strides = array<i32>} : memref<80x128xf32, #tpu.memory_space<vmem>>, vector<16xf32>,
          %get3A_70 = arith.index_cast %squeeze3A_66 : i32 to index
          %get3A_71 = arith.constant 0 : index
          %get3A_72 = tpu.vector_load %arg10[%get3A_70, %get3A_71] {strides = array<i32>} : memref<313x128xf32, #tpu.memory_space<vmem>>, vector<16xf32>,
          %add3A_73 = arith.addf %get3A_72, %get3A_69 : vector<16xf32>
          %swap3A = arith.index_cast %squeeze3A_66 : i32 to index
          %swap3A_74 = arith.constant 0 : index
          %swap3A_75 = tpu.vector_load %arg10[%swap3A, %swap3A_74] {strides = array<i32>} : memref<313x128xf32, #tpu.memory_space<vmem>>, vector<16xf32>,
          tpu.vector_store %arg10[%swap3A, %swap3A_74], %add3A_73 {strides = array<i32>} : memref<313x128xf32, #tpu.memory_space<vmem>>, vector<16xf32>,
          %get3A_76 = arith.index_cast %scan3A_55 : i32 to index
          %get3A_77 = arith.constant 16 : index
          %get3A_78 = tpu.vector_load %arg9[%get3A_76, %get3A_77] {strides = array<i32>} : memref<80x128xf32, #tpu.memory_space<vmem>>, vector<16xf32>,
          %get3A_79 = arith.index_cast %squeeze3A_66 : i32 to index
          %get3A_80 = arith.constant 16 : index
          %get3A_81 = tpu.vector_load %arg10[%get3A_79, %get3A_80] {strides = array<i32>} : memref<313x128xf32, #tpu.memory_space<vmem>>, vector<16xf32>,
          %add3A_82 = arith.addf %get3A_81, %get3A_78 : vector<16xf32>
          %swap3A_83 = arith.index_cast %squeeze3A_66 : i32 to index
          %swap3A_84 = arith.constant 16 : index
          %swap3A_85 = tpu.vector_load %arg10[%swap3A_83, %swap3A_84] {strides = array<i32>} : memref<313x128xf32, #tpu.memory_space<vmem>>, vector<16xf32>,
          tpu.vector_store %arg10[%swap3A_83, %swap3A_84], %add3A_82 {strides = array<i32>} : memref<313x128xf32, #tpu.memory_space<vmem>>, vector<16xf32>,
          %get3A_86 = arith.index_cast %scan3A_55 : i32 to index
          %get3A_87 = arith.constant 32 : index
          %get3A_88 = tpu.vector_load %arg9[%get3A_86, %get3A_87] {strides = array<i32>} : memref<80x128xf32, #tpu.memory_space<vmem>>, vector<16xf32>,
          %get3A_89 = arith.index_cast %squeeze3A_66 : i32 to index
          %get3A_90 = arith.constant 32 : index
          %get3A_91 = tpu.vector_load %arg10[%get3A_89, %get3A_90] {strides = array<i32>} : memref<313x128xf32, #tpu.memory_space<vmem>>, vector<16xf32>,
          %add3A_92 = arith.addf %get3A_91, %get3A_88 : vector<16xf32>
          %swap3A_93 = arith.index_cast %squeeze3A_66 : i32 to index
          %swap3A_94 = arith.constant 32 : index
          %swap3A_95 = tpu.vector_load %arg10[%swap3A_93, %swap3A_94] {strides = array<i32>} : memref<313x128xf32, #tpu.memory_space<vmem>>, vector<16xf32>,
          tpu.vector_store %arg10[%swap3A_93, %swap3A_94], %add3A_92 {strides = array<i32>} : memref<313x128xf32, #tpu.memory_space<vmem>>, vector<16xf32>,
          %get3A_96 = arith.index_cast %scan3A_55 : i32 to index
          %get3A_97 = arith.constant 48 : index
          %get3A_98 = tpu.vector_load %arg9[%get3A_96, %get3A_97] {strides = array<i32>} : memref<80x128xf32, #tpu.memory_space<vmem>>, vector<16xf32>,
          %get3A_99 = arith.index_cast %squeeze3A_66 : i32 to index
          %get3A_100 = arith.constant 48 : index
          %get3A_101 = tpu.vector_load %arg10[%get3A_99, %get3A_100] {strides = array<i32>} : memref<313x128xf32, #tpu.memory_space<vmem>>, vector<16xf32>,
          %add3A_102 = arith.addf %get3A_101, %get3A_98 : vector<16xf32>
          %swap3A_103 = arith.index_cast %squeeze3A_66 : i32 to index
          %swap3A_104 = arith.constant 48 : index
          %swap3A_105 = tpu.vector_load %arg10[%swap3A_103, %swap3A_104] {strides = array<i32>} : memref<313x128xf32, #tpu.memory_space<vmem>>, vector<16xf32>,
          tpu.vector_store %arg10[%swap3A_103, %swap3A_104], %add3A_102 {strides = array<i32>} : memref<313x128xf32, #tpu.memory_space<vmem>>, vector<16xf32>,
          %get3A_106 = arith.index_cast %scan3A_55 : i32 to index
          %get3A_107 = arith.constant 64 : index
          %get3A_108 = tpu.vector_load %arg9[%get3A_106, %get3A_107] {strides = array<i32>} : memref<80x128xf32, #tpu.memory_space<vmem>>, vector<16xf32>,
          %get3A_109 = arith.index_cast %squeeze3A_66 : i32 to index
          %get3A_110 = arith.constant 64 : index
          %get3A_111 = tpu.vector_load %arg10[%get3A_109, %get3A_110] {strides = array<i32>} : memref<313x128xf32, #tpu.memory_space<vmem>>, vector<16xf32>,
          %add3A_112 = arith.addf %get3A_111, %get3A_108 : vector<16xf32>
          %swap3A_113 = arith.index_cast %squeeze3A_66 : i32 to index
          %swap3A_114 = arith.constant 64 : index
          %swap3A_115 = tpu.vector_load %arg10[%swap3A_113, %swap3A_114] {strides = array<i32>} : memref<313x128xf32, #tpu.memory_space<vmem>>, vector<16xf32>,
          tpu.vector_store %arg10[%swap3A_113, %swap3A_114], %add3A_112 {strides = array<i32>} : memref<313x128xf32, #tpu.memory_space<vmem>>, vector<16xf32>,
          %get3A_116 = arith.index_cast %scan3A_55 : i32 to index
          %get3A_117 = arith.constant 80 : index
          %get3A_118 = tpu.vector_load %arg9[%get3A_116, %get3A_117] {strides = array<i32>} : memref<80x128xf32, #tpu.memory_space<vmem>>, vector<16xf32>,
          %get3A_119 = arith.index_cast %squeeze3A_66 : i32 to index
          %get3A_120 = arith.constant 80 : index
          %get3A_121 = tpu.vector_load %arg10[%get3A_119, %get3A_120] {strides = array<i32>} : memref<313x128xf32, #tpu.memory_space<vmem>>, vector<16xf32>,
          %add3A_122 = arith.addf %get3A_121, %get3A_118 : vector<16xf32>
          %swap3A_123 = arith.index_cast %squeeze3A_66 : i32 to index
          %swap3A_124 = arith.constant 80 : index
          %swap3A_125 = tpu.vector_load %arg10[%swap3A_123, %swap3A_124] {strides = array<i32>} : memref<313x128xf32, #tpu.memory_space<vmem>>, vector<16xf32>,
          tpu.vector_store %arg10[%swap3A_123, %swap3A_124], %add3A_122 {strides = array<i32>} : memref<313x128xf32, #tpu.memory_space<vmem>>, vector<16xf32>,
          %get3A_126 = arith.index_cast %scan3A_55 : i32 to index
          %get3A_127 = arith.constant 96 : index
          %get3A_128 = tpu.vector_load %arg9[%get3A_126, %get3A_127] {strides = array<i32>} : memref<80x128xf32, #tpu.memory_space<vmem>>, vector<16xf32>,
          %get3A_129 = arith.index_cast %squeeze3A_66 : i32 to index
          %get3A_130 = arith.constant 96 : index
          %get3A_131 = tpu.vector_load %arg10[%get3A_129, %get3A_130] {strides = array<i32>} : memref<313x128xf32, #tpu.memory_space<vmem>>, vector<16xf32>,
          %add3A_132 = arith.addf %get3A_131, %get3A_128 : vector<16xf32>
          %swap3A_133 = arith.index_cast %squeeze3A_66 : i32 to index
          %swap3A_134 = arith.constant 96 : index
          %swap3A_135 = tpu.vector_load %arg10[%swap3A_133, %swap3A_134] {strides = array<i32>} : memref<313x128xf32, #tpu.memory_space<vmem>>, vector<16xf32>,
          tpu.vector_store %arg10[%swap3A_133, %swap3A_134], %add3A_132 {strides = array<i32>} : memref<313x128xf32, #tpu.memory_space<vmem>>, vector<16xf32>,
          %get3A_136 = arith.index_cast %scan3A_55 : i32 to index
          %get3A_137 = arith.constant 112 : index
          %get3A_138 = tpu.vector_load %arg9[%get3A_136, %get3A_137] {strides = array<i32>} : memref<80x128xf32, #tpu.memory_space<vmem>>, vector<16xf32>,
          %get3A_139 = arith.index_cast %squeeze3A_66 : i32 to index
          %get3A_140 = arith.constant 112 : index
          %get3A_141 = tpu.vector_load %arg10[%get3A_139, %get3A_140] {strides = array<i32>} : memref<313x128xf32, #tpu.memory_space<vmem>>, vector<16xf32>,
          %add3A_142 = arith.addf %get3A_141, %get3A_138 : vector<16xf32>
          %swap3A_143 = arith.index_cast %squeeze3A_66 : i32 to index
          %swap3A_144 = arith.constant 112 : index
          %swap3A_145 = tpu.vector_load %arg10[%swap3A_143, %swap3A_144] {strides = array<i32>} : memref<313x128xf32, #tpu.memory_space<vmem>>, vector<16xf32>,
          tpu.vector_store %arg10[%swap3A_143, %swap3A_144], %add3A_142 {strides = array<i32>} : memref<313x128xf32, #tpu.memory_space<vmem>>, vector<16xf32>,
        } else {
        }
      }
      %scan3A_54 = arith.constant 80 : i32
    }
    %lt3A = arith.constant 31 : i32
    %lt3A_34 = arith.cmpi slt, %add3A, %lt3A : i32
    %convert_element_type3A = arith.extui %lt3A_34 : i1 to i32
    %cond3A = arith.constant 0 : i32
    %cond3A_35 = arith.cmpi ne, %convert_element_type3A, %cond3A : i32
    scf.if %cond3A_35 {
      %mul3A_40 = arith.constant 313 : i32
      %mul3A_41 = arith.muli %add3A, %mul3A_40 : i32
      "tpu.region"() ({
        %run_scoped3A = tpu.sem_alloc : memref<!tpu.dma_semaphore, #tpu.memory_space<semaphore_mem>>
        %dma_start3A = arith.constant 0 : i32
        %dma_start3A_42 = arith.constant 0 : i32
        %dma_start3A_43 = tpu.memref_slice %arg10[%dma_start3A, %dma_start3A_42] : memref<313x128xf32, #tpu.memory_space<vmem>> -> memref<313x128xf32, #tpu.memory_space<vmem>>
        %dma_start3A_44 = arith.constant 0 : i32
        %dma_start3A_45 = tpu.memref_slice %arg6[%mul3A_41, %dma_start3A_44] : memref<10000x128xf32, #tpu.memory_space<hbm>> -> memref<313x128xf32, #tpu.memory_space<hbm>>
        %dma_start3A_46 = arith.constant 0 : i32
        %dma_start3A_47 = tpu.memref_slice %arg6[%mul3A_41, %dma_start3A_46] : memref<10000x128xf32, #tpu.memory_space<hbm>> -> memref<313x128xf32, #tpu.memory_space<hbm>>
        %dma_start3A_48 = arith.constant 0 : i32
        %dma_start3A_49 = arith.constant 0 : i32
        %dma_start3A_50 = tpu.memref_slice %arg10[%dma_start3A_48, %dma_start3A_49] : memref<313x128xf32, #tpu.memory_space<vmem>> -> memref<313x128xf32, #tpu.memory_space<vmem>>
        tpu.enqueue_dma source(%dma_start3A_50 : memref<313x128xf32, #tpu.memory_space<vmem>>) target(%dma_start3A_47 : memref<313x128xf32, #tpu.memory_space<hbm>>) target_semaphore(%run_scoped3A : memref<!tpu.dma_semaphore, #tpu.memory_space<semaphore_mem>>)
        %dma_wait3A = arith.constant 0 : i32
        %dma_wait3A_51 = arith.constant 0 : i32
        %dma_wait3A_52 = tpu.memref_slice %arg10[%dma_wait3A, %dma_wait3A_51] : memref<313x128xf32, #tpu.memory_space<vmem>> -> memref<313x128xf32, #tpu.memory_space<vmem>>
        %dma_wait3A_53 = arith.constant 0 : i32
        %dma_wait3A_54 = tpu.memref_slice %arg6[%mul3A_41, %dma_wait3A_53] : memref<10000x128xf32, #tpu.memory_space<hbm>> -> memref<313x128xf32, #tpu.memory_space<hbm>>
        %dma_wait3A_55 = arith.constant 0 : i32
        %dma_wait3A_56 = tpu.memref_slice %arg6[%mul3A_41, %dma_wait3A_55] : memref<10000x128xf32, #tpu.memory_space<hbm>> -> memref<313x128xf32, #tpu.memory_space<hbm>>
        %dma_wait3A_57 = arith.constant 0 : i32
        %dma_wait3A_58 = arith.constant 0 : i32
        %dma_wait3A_59 = tpu.memref_slice %arg10[%dma_wait3A_57, %dma_wait3A_58] : memref<313x128xf32, #tpu.memory_space<vmem>> -> memref<313x128xf32, #tpu.memory_space<vmem>>
        tpu.wait_dma2 semaphore(%run_scoped3A : memref<!tpu.dma_semaphore, #tpu.memory_space<semaphore_mem>>) src(%dma_wait3A_59 : memref<313x128xf32, #tpu.memory_space<vmem>>) dst(%dma_wait3A_56 : memref<313x128xf32, #tpu.memory_space<hbm>>)
        tpu.yield
      }) : () -> ()
    } else {
    }
    %eq3A = arith.constant 31 : i32
    %eq3A_36 = arith.cmpi eq, %add3A, %eq3A : i32
    %convert_element_type3A_37 = arith.extui %eq3A_36 : i1 to i32
    %cond3A_38 = arith.constant 0 : i32
    %cond3A_39 = arith.cmpi ne, %convert_element_type3A_37, %cond3A_38 : i32
    scf.if %cond3A_39 {
      "tpu.region"() ({
        %run_scoped3A = tpu.sem_alloc : memref<!tpu.dma_semaphore, #tpu.memory_space<semaphore_mem>>
        %dma_start3A = arith.constant 0 : i32
        %dma_start3A_40 = arith.constant 0 : i32
        %dma_start3A_41 = tpu.memref_slice %arg10[%dma_start3A, %dma_start3A_40] : memref<313x128xf32, #tpu.memory_space<vmem>> -> memref<297x128xf32, #tpu.memory_space<vmem>>
        %dma_start3A_42 = arith.constant 9703 : i32
        %dma_start3A_43 = arith.constant 0 : i32
        %dma_start3A_44 = tpu.memref_slice %arg6[%dma_start3A_42, %dma_start3A_43] : memref<10000x128xf32, #tpu.memory_space<hbm>> -> memref<297x128xf32, #tpu.memory_space<hbm>>
        %dma_start3A_45 = arith.constant 9703 : i32
        %dma_start3A_46 = arith.constant 0 : i32
        %dma_start3A_47 = tpu.memref_slice %arg6[%dma_start3A_45, %dma_start3A_46] : memref<10000x128xf32, #tpu.memory_space<hbm>> -> memref<297x128xf32, #tpu.memory_space<hbm>>
        %dma_start3A_48 = arith.constant 0 : i32
        %dma_start3A_49 = arith.constant 0 : i32
        %dma_start3A_50 = tpu.memref_slice %arg10[%dma_start3A_48, %dma_start3A_49] : memref<313x128xf32, #tpu.memory_space<vmem>> -> memref<297x128xf32, #tpu.memory_space<vmem>>
        tpu.enqueue_dma source(%dma_start3A_50 : memref<297x128xf32, #tpu.memory_space<vmem>>) target(%dma_start3A_47 : memref<297x128xf32, #tpu.memory_space<hbm>>) target_semaphore(%run_scoped3A : memref<!tpu.dma_semaphore, #tpu.memory_space<semaphore_mem>>)
        %dma_wait3A = arith.constant 0 : i32
        %dma_wait3A_51 = arith.constant 0 : i32
        %dma_wait3A_52 = tpu.memref_slice %arg10[%dma_wait3A, %dma_wait3A_51] : memref<313x128xf32, #tpu.memory_space<vmem>> -> memref<297x128xf32, #tpu.memory_space<vmem>>
        %dma_wait3A_53 = arith.constant 9703 : i32
        %dma_wait3A_54 = arith.constant 0 : i32
        %dma_wait3A_55 = tpu.memref_slice %arg6[%dma_wait3A_53, %dma_wait3A_54] : memref<10000x128xf32, #tpu.memory_space<hbm>> -> memref<297x128xf32, #tpu.memory_space<hbm>>
        %dma_wait3A_56 = arith.constant 9703 : i32
        %dma_wait3A_57 = arith.constant 0 : i32
        %dma_wait3A_58 = tpu.memref_slice %arg6[%dma_wait3A_56, %dma_wait3A_57] : memref<10000x128xf32, #tpu.memory_space<hbm>> -> memref<297x128xf32, #tpu.memory_space<hbm>>
        %dma_wait3A_59 = arith.constant 0 : i32
        %dma_wait3A_60 = arith.constant 0 : i32
        %dma_wait3A_61 = tpu.memref_slice %arg10[%dma_wait3A_59, %dma_wait3A_60] : memref<313x128xf32, #tpu.memory_space<vmem>> -> memref<297x128xf32, #tpu.memory_space<vmem>>
        tpu.wait_dma2 semaphore(%run_scoped3A : memref<!tpu.dma_semaphore, #tpu.memory_space<semaphore_mem>>) src(%dma_wait3A_61 : memref<297x128xf32, #tpu.memory_space<vmem>>) dst(%dma_wait3A_58 : memref<297x128xf32, #tpu.memory_space<hbm>>)
        tpu.yield
      }) : () -> ()
    } else {
    }
    return
  }
}

#map = affine_map<(d0, d1) -> (0, 0)>
#map1 = affine_map<(d0, d1) -> (0)>
module attributes {stable_mosaic.version = 14 : i64} {
  func.func @_pool_body(%arg0: i32, %arg1: i32, %arg2: memref<10064x128xf32, #tpu.memory_space<hbm>>, %arg3: memref<10000xi32, #tpu.memory_space<hbm>>, %arg4: memref<16x128xf32, #tpu.memory_space<hbm>>, %arg5: memref<10000xi32, #tpu.memory_space<vmem>>, %arg6: memref<64x128xf32, #tpu.memory_space<vmem>>, %arg7: memref<128xf32, #tpu.memory_space<vmem>>, %arg8: memref<!tpu.dma_semaphore, #tpu.memory_space<semaphore_mem>>) attributes {dimension_semantics = [#tpu.dimension_semantics<core_parallel>, #tpu.dimension_semantics<subcore_parallel>], iteration_bounds = array<i64: 2, 16>, scalar_prefetch = 0 : i64, scratch_operands = 4 : i64, tpu.core_type = #tpu.core_type<sc_vector_subcore>, window_params = [{transform_indices = #map}, {transform_indices = #map1}, {transform_indices = #map}]} {
    %mul3A = arith.constant 2 : i32
    %mul3A_0 = arith.muli %arg1, %mul3A : i32
    %add3A = arith.addi %mul3A_0, %arg0 : i32
    %lt3A = arith.constant 16 : i32
    %lt3A_1 = arith.cmpi slt, %add3A, %lt3A : i32
    %convert_element_type3A = arith.extui %lt3A_1 : i1 to i32
    %cond3A = arith.constant 0 : i32
    %cond3A_2 = arith.cmpi ne, %convert_element_type3A, %cond3A : i32
    scf.if %cond3A_2 {
      "tpu.region"() ({
        %run_scoped3A = tpu.sem_alloc : memref<!tpu.dma_semaphore, #tpu.memory_space<semaphore_mem>>
        tpu.enqueue_dma source(%arg3 : memref<10000xi32, #tpu.memory_space<hbm>>) target(%arg5 : memref<10000xi32, #tpu.memory_space<vmem>>) target_semaphore(%run_scoped3A : memref<!tpu.dma_semaphore, #tpu.memory_space<semaphore_mem>>)
        tpu.wait_dma2 semaphore(%run_scoped3A : memref<!tpu.dma_semaphore, #tpu.memory_space<semaphore_mem>>) src(%arg3 : memref<10000xi32, #tpu.memory_space<hbm>>) dst(%arg5 : memref<10000xi32, #tpu.memory_space<vmem>>)
        tpu.yield
      }) : () -> ()
      %broadcast_in_dim3A = arith.constant 1 : i32
      %broadcast_in_dim3A_3 = vector.broadcast %broadcast_in_dim3A : i32 to vector<16xi32>
      %scan3A = arith.constant 0 : i32
      %scan3A_4 = arith.constant 0 : i32
      %scan3A_5 = arith.constant 0 : i32
      %scan3A_6 = arith.constant 625 : i32
      %scan3A_7 = arith.addi %scan3A_5, %scan3A_6 : i32
      %scan3A_8 = arith.constant 1 : i32
      %scan3A_9:2 = scf.for %scan3A_71 = %scan3A_5 to %scan3A_7 step %scan3A_8 iter_args(%scan3A_72 = %scan3A, %scan3A_73 = %scan3A_4) -> (i32, i32)  : i32 {
        %mul3A_74 = arith.constant 16 : i32
        %mul3A_75 = arith.muli %scan3A_71, %mul3A_74 : i32
        %get3A = arith.index_cast %mul3A_75 : i32 to index
        %get3A_76 = tpu.vector_load %arg5[%get3A] {strides = array<i32>} : memref<10000xi32, #tpu.memory_space<vmem>>, vector<16xi32>,
        %sub3A_77 = vector.broadcast %add3A : i32 to vector<16xi32>
        %sub3A_78 = arith.subi %get3A_76, %sub3A_77 : vector<16xi32>
        %shift_right_logical3A = arith.constant 31 : i32
        %shift_right_logical3A_79 = vector.broadcast %shift_right_logical3A : i32 to vector<16xi32>
        %shift_right_logical3A_80 = arith.shrui %sub3A_78, %shift_right_logical3A_79 : vector<16xi32>
        %and3A_81 = arith.andi %shift_right_logical3A_80, %broadcast_in_dim3A_3 : vector<16xi32>
        %add3A_82 = arith.constant 1 : i32
        %add3A_83 = arith.addi %add3A, %add3A_82 : i32
        %sub3A_84 = vector.broadcast %add3A_83 : i32 to vector<16xi32>
        %sub3A_85 = arith.subi %get3A_76, %sub3A_84 : vector<16xi32>
        %shift_right_logical3A_86 = arith.constant 31 : i32
        %shift_right_logical3A_87 = vector.broadcast %shift_right_logical3A_86 : i32 to vector<16xi32>
        %shift_right_logical3A_88 = arith.shrui %sub3A_85, %shift_right_logical3A_87 : vector<16xi32>
        %and3A_89 = arith.andi %shift_right_logical3A_88, %broadcast_in_dim3A_3 : vector<16xi32>
        %broadcast_in_dim3A_90 = arith.constant true
        %broadcast_in_dim3A_91 = vector.broadcast %broadcast_in_dim3A_90 : i1 to vector<16xi1>
        %masked_cumsum3A = tpu.scan <sum>, %and3A_81 masked %broadcast_in_dim3A_91 : vector<16xi32>, vector<16xi1> -> vector<16xi32>
        %slice3A = vector.extract_strided_slice %masked_cumsum3A {offsets = [15], sizes = [1], strides = [1]} : vector<16xi32> to vector<1xi32>
        %squeeze3A = vector.extract %slice3A[0] : i32 from vector<1xi32>
        %add3A_92 = arith.addi %scan3A_72, %squeeze3A : i32
        %broadcast_in_dim3A_93 = arith.constant true
        %broadcast_in_dim3A_94 = vector.broadcast %broadcast_in_dim3A_93 : i1 to vector<16xi1>
        %masked_cumsum3A_95 = tpu.scan <sum>, %and3A_89 masked %broadcast_in_dim3A_94 : vector<16xi32>, vector<16xi1> -> vector<16xi32>
        %slice3A_96 = vector.extract_strided_slice %masked_cumsum3A_95 {offsets = [15], sizes = [1], strides = [1]} : vector<16xi32> to vector<1xi32>
        %squeeze3A_97 = vector.extract %slice3A_96[0] : i32 from vector<1xi32>
        %add3A_98 = arith.addi %scan3A_73, %squeeze3A_97 : i32
        scf.yield %add3A_92, %add3A_98 : i32, i32
      }
      %scan3A_10 = arith.constant 625 : i32
      %sub3A = arith.subi %scan3A_9#1, %scan3A_9#0 : i32
      %add3A_11 = arith.constant 63 : i32
      %add3A_12 = arith.addi %sub3A, %add3A_11 : i32
      %jit3A = arith.constant 64 : i32
      %div3A = arith.divsi %add3A_12, %jit3A : i32
      %sign3A = arith.constant 0 : i32
      %sign3A_13 = arith.cmpi sgt, %add3A_12, %sign3A : i32
      %sign3A_14 = arith.extui %sign3A_13 : i1 to i32
      %sign3A_15 = arith.constant 0 : i32
      %sign3A_16 = arith.cmpi slt, %add3A_12, %sign3A_15 : i32
      %sign3A_17 = arith.extui %sign3A_16 : i1 to i32
      %sign3A_18 = arith.subi %sign3A_14, %sign3A_17 : i32
      %sign3A_19 = arith.constant 0 : i32
      %sign3A_20 = arith.cmpi sgt, %jit3A, %sign3A_19 : i32
      %sign3A_21 = arith.extui %sign3A_20 : i1 to i32
      %sign3A_22 = arith.constant 0 : i32
      %sign3A_23 = arith.cmpi slt, %jit3A, %sign3A_22 : i32
      %sign3A_24 = arith.extui %sign3A_23 : i1 to i32
      %sign3A_25 = arith.subi %sign3A_21, %sign3A_24 : i32
      %ne3A = arith.cmpi ne, %sign3A_18, %sign3A_25 : i32
      %rem3A = arith.remsi %add3A_12, %jit3A : i32
      %ne3A_26 = arith.constant 0 : i32
      %ne3A_27 = arith.cmpi ne, %rem3A, %ne3A_26 : i32
      %and3A = arith.andi %ne3A, %ne3A_27 : i1
      %sub3A_28 = arith.constant 1 : i32
      %sub3A_29 = arith.subi %div3A, %sub3A_28 : i32
      %select_n3A = arith.select %and3A, %sub3A_29, %div3A : i32
      %broadcast_in_dim3A_30 = arith.constant 0.000000e+00 : f32
      %broadcast_in_dim3A_31 = vector.broadcast %broadcast_in_dim3A_30 : f32 to vector<16xf32>
      %broadcast_in_dim3A_32 = arith.constant 0.000000e+00 : f32
      %broadcast_in_dim3A_33 = vector.broadcast %broadcast_in_dim3A_32 : f32 to vector<16xf32>
      %broadcast_in_dim3A_34 = arith.constant 0.000000e+00 : f32
      %broadcast_in_dim3A_35 = vector.broadcast %broadcast_in_dim3A_34 : f32 to vector<16xf32>
      %broadcast_in_dim3A_36 = arith.constant 0.000000e+00 : f32
      %broadcast_in_dim3A_37 = vector.broadcast %broadcast_in_dim3A_36 : f32 to vector<16xf32>
      %broadcast_in_dim3A_38 = arith.constant 0.000000e+00 : f32
      %broadcast_in_dim3A_39 = vector.broadcast %broadcast_in_dim3A_38 : f32 to vector<16xf32>
      %broadcast_in_dim3A_40 = arith.constant 0.000000e+00 : f32
      %broadcast_in_dim3A_41 = vector.broadcast %broadcast_in_dim3A_40 : f32 to vector<16xf32>
      %broadcast_in_dim3A_42 = arith.constant 0.000000e+00 : f32
      %broadcast_in_dim3A_43 = vector.broadcast %broadcast_in_dim3A_42 : f32 to vector<16xf32>
      %broadcast_in_dim3A_44 = arith.constant 0.000000e+00 : f32
      %broadcast_in_dim3A_45 = vector.broadcast %broadcast_in_dim3A_44 : f32 to vector<16xf32>
      %while3A = arith.constant 0 : i32
      %while3A_46 = arith.subi %select_n3A, %while3A : i32
      %while3A_47 = arith.addi %while3A, %while3A_46 : i32
      %while3A_48 = arith.constant 1 : i32
      %while3A_49 = arith.divsi %while3A_46, %while3A_48 : i32
      %while3A_50 = arith.muli %while3A_49, %while3A_48 : i32
      %while3A_51 = arith.addi %while3A, %while3A_50 : i32
      %while3A_52 = arith.constant 1 : i32
      %while3A_53:8 = scf.for %while3A_71 = %while3A to %while3A_51 step %while3A_52 iter_args(%while3A_72 = %broadcast_in_dim3A_31, %while3A_73 = %broadcast_in_dim3A_33, %while3A_74 = %broadcast_in_dim3A_35, %while3A_75 = %broadcast_in_dim3A_37, %while3A_76 = %broadcast_in_dim3A_39, %while3A_77 = %broadcast_in_dim3A_41, %while3A_78 = %broadcast_in_dim3A_43, %while3A_79 = %broadcast_in_dim3A_45) -> (vector<16xf32>, vector<16xf32>, vector<16xf32>, vector<16xf32>, vector<16xf32>, vector<16xf32>, vector<16xf32>, vector<16xf32>)  : i32 {
        %mul3A_80 = arith.constant 64 : i32
        %mul3A_81 = arith.muli %while3A_71, %mul3A_80 : i32
        %add3A_82 = arith.addi %scan3A_9#0, %mul3A_81 : i32
        "tpu.region"() ({
          %run_scoped3A = tpu.sem_alloc : memref<!tpu.dma_semaphore, #tpu.memory_space<semaphore_mem>>
          %dma_start3A = arith.constant 0 : i32
          %dma_start3A_89 = tpu.memref_slice %arg2[%add3A_82, %dma_start3A] : memref<10064x128xf32, #tpu.memory_space<hbm>> -> memref<64x128xf32, #tpu.memory_space<hbm>>
          %dma_start3A_90 = arith.constant 0 : i32
          %dma_start3A_91 = tpu.memref_slice %arg2[%add3A_82, %dma_start3A_90] : memref<10064x128xf32, #tpu.memory_space<hbm>> -> memref<64x128xf32, #tpu.memory_space<hbm>>
          tpu.enqueue_dma source(%dma_start3A_91 : memref<64x128xf32, #tpu.memory_space<hbm>>) target(%arg6 : memref<64x128xf32, #tpu.memory_space<vmem>>) target_semaphore(%run_scoped3A : memref<!tpu.dma_semaphore, #tpu.memory_space<semaphore_mem>>)
          %dma_wait3A = arith.constant 0 : i32
          %dma_wait3A_92 = tpu.memref_slice %arg2[%add3A_82, %dma_wait3A] : memref<10064x128xf32, #tpu.memory_space<hbm>> -> memref<64x128xf32, #tpu.memory_space<hbm>>
          %dma_wait3A_93 = arith.constant 0 : i32
          %dma_wait3A_94 = tpu.memref_slice %arg2[%add3A_82, %dma_wait3A_93] : memref<10064x128xf32, #tpu.memory_space<hbm>> -> memref<64x128xf32, #tpu.memory_space<hbm>>
          tpu.wait_dma2 semaphore(%run_scoped3A : memref<!tpu.dma_semaphore, #tpu.memory_space<semaphore_mem>>) src(%dma_wait3A_94 : memref<64x128xf32, #tpu.memory_space<hbm>>) dst(%arg6 : memref<64x128xf32, #tpu.memory_space<vmem>>)
          tpu.yield
        }) : () -> ()
        %scan3A_83 = arith.constant 0 : i32
        %scan3A_84 = arith.constant 64 : i32
        %scan3A_85 = arith.addi %scan3A_83, %scan3A_84 : i32
        %scan3A_86 = arith.constant 1 : i32
        %scan3A_87:8 = scf.for %scan3A_89 = %scan3A_83 to %scan3A_85 step %scan3A_86 iter_args(%scan3A_90 = %while3A_72, %scan3A_91 = %while3A_73, %scan3A_92 = %while3A_74, %scan3A_93 = %while3A_75, %scan3A_94 = %while3A_76, %scan3A_95 = %while3A_77, %scan3A_96 = %while3A_78, %scan3A_97 = %while3A_79) -> (vector<16xf32>, vector<16xf32>, vector<16xf32>, vector<16xf32>, vector<16xf32>, vector<16xf32>, vector<16xf32>, vector<16xf32>)  : i32 {
          %mul3A_98 = arith.constant 64 : i32
          %mul3A_99 = arith.muli %while3A_71, %mul3A_98 : i32
          %add3A_100 = arith.addi %scan3A_9#0, %mul3A_99 : i32
          %add3A_101 = arith.addi %add3A_100, %scan3A_89 : i32
          %lt3A_102 = arith.cmpi slt, %add3A_101, %scan3A_9#1 : i32
          %convert_element_type3A_103 = arith.extui %lt3A_102 : i1 to i32
          %cond3A_104 = arith.constant 0 : i32
          %cond3A_105 = arith.cmpi ne, %convert_element_type3A_103, %cond3A_104 : i32
          %cond3A_106:8 = scf.if %cond3A_105 -> (vector<16xf32>, vector<16xf32>, vector<16xf32>, vector<16xf32>, vector<16xf32>, vector<16xf32>, vector<16xf32>, vector<16xf32>) {
            %get3A = arith.index_cast %scan3A_89 : i32 to index
            %get3A_107 = arith.constant 0 : index
            %get3A_108 = tpu.vector_load %arg6[%get3A, %get3A_107] {strides = array<i32>} : memref<64x128xf32, #tpu.memory_space<vmem>>, vector<16xf32>,
            %add3A_109 = arith.addf %scan3A_90, %get3A_108 : vector<16xf32>
            %get3A_110 = arith.index_cast %scan3A_89 : i32 to index
            %get3A_111 = arith.constant 16 : index
            %get3A_112 = tpu.vector_load %arg6[%get3A_110, %get3A_111] {strides = array<i32>} : memref<64x128xf32, #tpu.memory_space<vmem>>, vector<16xf32>,
            %add3A_113 = arith.addf %scan3A_91, %get3A_112 : vector<16xf32>
            %get3A_114 = arith.index_cast %scan3A_89 : i32 to index
            %get3A_115 = arith.constant 32 : index
            %get3A_116 = tpu.vector_load %arg6[%get3A_114, %get3A_115] {strides = array<i32>} : memref<64x128xf32, #tpu.memory_space<vmem>>, vector<16xf32>,
            %add3A_117 = arith.addf %scan3A_92, %get3A_116 : vector<16xf32>
            %get3A_118 = arith.index_cast %scan3A_89 : i32 to index
            %get3A_119 = arith.constant 48 : index
            %get3A_120 = tpu.vector_load %arg6[%get3A_118, %get3A_119] {strides = array<i32>} : memref<64x128xf32, #tpu.memory_space<vmem>>, vector<16xf32>,
            %add3A_121 = arith.addf %scan3A_93, %get3A_120 : vector<16xf32>
            %get3A_122 = arith.index_cast %scan3A_89 : i32 to index
            %get3A_123 = arith.constant 64 : index
            %get3A_124 = tpu.vector_load %arg6[%get3A_122, %get3A_123] {strides = array<i32>} : memref<64x128xf32, #tpu.memory_space<vmem>>, vector<16xf32>,
            %add3A_125 = arith.addf %scan3A_94, %get3A_124 : vector<16xf32>
            %get3A_126 = arith.index_cast %scan3A_89 : i32 to index
            %get3A_127 = arith.constant 80 : index
            %get3A_128 = tpu.vector_load %arg6[%get3A_126, %get3A_127] {strides = array<i32>} : memref<64x128xf32, #tpu.memory_space<vmem>>, vector<16xf32>,
            %add3A_129 = arith.addf %scan3A_95, %get3A_128 : vector<16xf32>
            %get3A_130 = arith.index_cast %scan3A_89 : i32 to index
            %get3A_131 = arith.constant 96 : index
            %get3A_132 = tpu.vector_load %arg6[%get3A_130, %get3A_131] {strides = array<i32>} : memref<64x128xf32, #tpu.memory_space<vmem>>, vector<16xf32>,
            %add3A_133 = arith.addf %scan3A_96, %get3A_132 : vector<16xf32>
            %get3A_134 = arith.index_cast %scan3A_89 : i32 to index
            %get3A_135 = arith.constant 112 : index
            %get3A_136 = tpu.vector_load %arg6[%get3A_134, %get3A_135] {strides = array<i32>} : memref<64x128xf32, #tpu.memory_space<vmem>>, vector<16xf32>,
            %add3A_137 = arith.addf %scan3A_97, %get3A_136 : vector<16xf32>
            scf.yield %add3A_109, %add3A_113, %add3A_117, %add3A_121, %add3A_125, %add3A_129, %add3A_133, %add3A_137 : vector<16xf32>, vector<16xf32>, vector<16xf32>, vector<16xf32>, vector<16xf32>, vector<16xf32>, vector<16xf32>, vector<16xf32>
          } else {
            scf.yield %scan3A_90, %scan3A_91, %scan3A_92, %scan3A_93, %scan3A_94, %scan3A_95, %scan3A_96, %scan3A_97 : vector<16xf32>, vector<16xf32>, vector<16xf32>, vector<16xf32>, vector<16xf32>, vector<16xf32>, vector<16xf32>, vector<16xf32>
          }
          scf.yield %cond3A_106#0, %cond3A_106#1, %cond3A_106#2, %cond3A_106#3, %cond3A_106#4, %cond3A_106#5, %cond3A_106#6, %cond3A_106#7 : vector<16xf32>, vector<16xf32>, vector<16xf32>, vector<16xf32>, vector<16xf32>, vector<16xf32>, vector<16xf32>, vector<16xf32>
        }
        %scan3A_88 = arith.constant 64 : i32
        scf.yield %scan3A_87#0, %scan3A_87#1, %scan3A_87#2, %scan3A_87#3, %scan3A_87#4, %scan3A_87#5, %scan3A_87#6, %scan3A_87#7 : vector<16xf32>, vector<16xf32>, vector<16xf32>, vector<16xf32>, vector<16xf32>, vector<16xf32>, vector<16xf32>, vector<16xf32>
      }
      %while3A_54 = arith.constant 1 : i32
      %while3A_55:8 = scf.for %while3A_71 = %while3A_51 to %while3A_47 step %while3A_54 iter_args(%while3A_72 = %while3A_53#0, %while3A_73 = %while3A_53#1, %while3A_74 = %while3A_53#2, %while3A_75 = %while3A_53#3, %while3A_76 = %while3A_53#4, %while3A_77 = %while3A_53#5, %while3A_78 = %while3A_53#6, %while3A_79 = %while3A_53#7) -> (vector<16xf32>, vector<16xf32>, vector<16xf32>, vector<16xf32>, vector<16xf32>, vector<16xf32>, vector<16xf32>, vector<16xf32>)  : i32 {
        %mul3A_80 = arith.constant 64 : i32
        %mul3A_81 = arith.muli %while3A_71, %mul3A_80 : i32
        %add3A_82 = arith.addi %scan3A_9#0, %mul3A_81 : i32
        "tpu.region"() ({
          %run_scoped3A = tpu.sem_alloc : memref<!tpu.dma_semaphore, #tpu.memory_space<semaphore_mem>>
          %dma_start3A = arith.constant 0 : i32
          %dma_start3A_89 = tpu.memref_slice %arg2[%add3A_82, %dma_start3A] : memref<10064x128xf32, #tpu.memory_space<hbm>> -> memref<64x128xf32, #tpu.memory_space<hbm>>
          %dma_start3A_90 = arith.constant 0 : i32
          %dma_start3A_91 = tpu.memref_slice %arg2[%add3A_82, %dma_start3A_90] : memref<10064x128xf32, #tpu.memory_space<hbm>> -> memref<64x128xf32, #tpu.memory_space<hbm>>
          tpu.enqueue_dma source(%dma_start3A_91 : memref<64x128xf32, #tpu.memory_space<hbm>>) target(%arg6 : memref<64x128xf32, #tpu.memory_space<vmem>>) target_semaphore(%run_scoped3A : memref<!tpu.dma_semaphore, #tpu.memory_space<semaphore_mem>>)
          %dma_wait3A = arith.constant 0 : i32
          %dma_wait3A_92 = tpu.memref_slice %arg2[%add3A_82, %dma_wait3A] : memref<10064x128xf32, #tpu.memory_space<hbm>> -> memref<64x128xf32, #tpu.memory_space<hbm>>
          %dma_wait3A_93 = arith.constant 0 : i32
          %dma_wait3A_94 = tpu.memref_slice %arg2[%add3A_82, %dma_wait3A_93] : memref<10064x128xf32, #tpu.memory_space<hbm>> -> memref<64x128xf32, #tpu.memory_space<hbm>>
          tpu.wait_dma2 semaphore(%run_scoped3A : memref<!tpu.dma_semaphore, #tpu.memory_space<semaphore_mem>>) src(%dma_wait3A_94 : memref<64x128xf32, #tpu.memory_space<hbm>>) dst(%arg6 : memref<64x128xf32, #tpu.memory_space<vmem>>)
          tpu.yield
        }) : () -> ()
        %scan3A_83 = arith.constant 0 : i32
        %scan3A_84 = arith.constant 64 : i32
        %scan3A_85 = arith.addi %scan3A_83, %scan3A_84 : i32
        %scan3A_86 = arith.constant 1 : i32
        %scan3A_87:8 = scf.for %scan3A_89 = %scan3A_83 to %scan3A_85 step %scan3A_86 iter_args(%scan3A_90 = %while3A_72, %scan3A_91 = %while3A_73, %scan3A_92 = %while3A_74, %scan3A_93 = %while3A_75, %scan3A_94 = %while3A_76, %scan3A_95 = %while3A_77, %scan3A_96 = %while3A_78, %scan3A_97 = %while3A_79) -> (vector<16xf32>, vector<16xf32>, vector<16xf32>, vector<16xf32>, vector<16xf32>, vector<16xf32>, vector<16xf32>, vector<16xf32>)  : i32 {
          %mul3A_98 = arith.constant 64 : i32
          %mul3A_99 = arith.muli %while3A_71, %mul3A_98 : i32
          %add3A_100 = arith.addi %scan3A_9#0, %mul3A_99 : i32
          %add3A_101 = arith.addi %add3A_100, %scan3A_89 : i32
          %lt3A_102 = arith.cmpi slt, %add3A_101, %scan3A_9#1 : i32
          %convert_element_type3A_103 = arith.extui %lt3A_102 : i1 to i32
          %cond3A_104 = arith.constant 0 : i32
          %cond3A_105 = arith.cmpi ne, %convert_element_type3A_103, %cond3A_104 : i32
          %cond3A_106:8 = scf.if %cond3A_105 -> (vector<16xf32>, vector<16xf32>, vector<16xf32>, vector<16xf32>, vector<16xf32>, vector<16xf32>, vector<16xf32>, vector<16xf32>) {
            %get3A = arith.index_cast %scan3A_89 : i32 to index
            %get3A_107 = arith.constant 0 : index
            %get3A_108 = tpu.vector_load %arg6[%get3A, %get3A_107] {strides = array<i32>} : memref<64x128xf32, #tpu.memory_space<vmem>>, vector<16xf32>,
            %add3A_109 = arith.addf %scan3A_90, %get3A_108 : vector<16xf32>
            %get3A_110 = arith.index_cast %scan3A_89 : i32 to index
            %get3A_111 = arith.constant 16 : index
            %get3A_112 = tpu.vector_load %arg6[%get3A_110, %get3A_111] {strides = array<i32>} : memref<64x128xf32, #tpu.memory_space<vmem>>, vector<16xf32>,
            %add3A_113 = arith.addf %scan3A_91, %get3A_112 : vector<16xf32>
            %get3A_114 = arith.index_cast %scan3A_89 : i32 to index
            %get3A_115 = arith.constant 32 : index
            %get3A_116 = tpu.vector_load %arg6[%get3A_114, %get3A_115] {strides = array<i32>} : memref<64x128xf32, #tpu.memory_space<vmem>>, vector<16xf32>,
            %add3A_117 = arith.addf %scan3A_92, %get3A_116 : vector<16xf32>
            %get3A_118 = arith.index_cast %scan3A_89 : i32 to index
            %get3A_119 = arith.constant 48 : index
            %get3A_120 = tpu.vector_load %arg6[%get3A_118, %get3A_119] {strides = array<i32>} : memref<64x128xf32, #tpu.memory_space<vmem>>, vector<16xf32>,
            %add3A_121 = arith.addf %scan3A_93, %get3A_120 : vector<16xf32>
            %get3A_122 = arith.index_cast %scan3A_89 : i32 to index
            %get3A_123 = arith.constant 64 : index
            %get3A_124 = tpu.vector_load %arg6[%get3A_122, %get3A_123] {strides = array<i32>} : memref<64x128xf32, #tpu.memory_space<vmem>>, vector<16xf32>,
            %add3A_125 = arith.addf %scan3A_94, %get3A_124 : vector<16xf32>
            %get3A_126 = arith.index_cast %scan3A_89 : i32 to index
            %get3A_127 = arith.constant 80 : index
            %get3A_128 = tpu.vector_load %arg6[%get3A_126, %get3A_127] {strides = array<i32>} : memref<64x128xf32, #tpu.memory_space<vmem>>, vector<16xf32>,
            %add3A_129 = arith.addf %scan3A_95, %get3A_128 : vector<16xf32>
            %get3A_130 = arith.index_cast %scan3A_89 : i32 to index
            %get3A_131 = arith.constant 96 : index
            %get3A_132 = tpu.vector_load %arg6[%get3A_130, %get3A_131] {strides = array<i32>} : memref<64x128xf32, #tpu.memory_space<vmem>>, vector<16xf32>,
            %add3A_133 = arith.addf %scan3A_96, %get3A_132 : vector<16xf32>
            %get3A_134 = arith.index_cast %scan3A_89 : i32 to index
            %get3A_135 = arith.constant 112 : index
            %get3A_136 = tpu.vector_load %arg6[%get3A_134, %get3A_135] {strides = array<i32>} : memref<64x128xf32, #tpu.memory_space<vmem>>, vector<16xf32>,
            %add3A_137 = arith.addf %scan3A_97, %get3A_136 : vector<16xf32>
            scf.yield %add3A_109, %add3A_113, %add3A_117, %add3A_121, %add3A_125, %add3A_129, %add3A_133, %add3A_137 : vector<16xf32>, vector<16xf32>, vector<16xf32>, vector<16xf32>, vector<16xf32>, vector<16xf32>, vector<16xf32>, vector<16xf32>
          } else {
            scf.yield %scan3A_90, %scan3A_91, %scan3A_92, %scan3A_93, %scan3A_94, %scan3A_95, %scan3A_96, %scan3A_97 : vector<16xf32>, vector<16xf32>, vector<16xf32>, vector<16xf32>, vector<16xf32>, vector<16xf32>, vector<16xf32>, vector<16xf32>
          }
          scf.yield %cond3A_106#0, %cond3A_106#1, %cond3A_106#2, %cond3A_106#3, %cond3A_106#4, %cond3A_106#5, %cond3A_106#6, %cond3A_106#7 : vector<16xf32>, vector<16xf32>, vector<16xf32>, vector<16xf32>, vector<16xf32>, vector<16xf32>, vector<16xf32>, vector<16xf32>
        }
        %scan3A_88 = arith.constant 64 : i32
        scf.yield %scan3A_87#0, %scan3A_87#1, %scan3A_87#2, %scan3A_87#3, %scan3A_87#4, %scan3A_87#5, %scan3A_87#6, %scan3A_87#7 : vector<16xf32>, vector<16xf32>, vector<16xf32>, vector<16xf32>, vector<16xf32>, vector<16xf32>, vector<16xf32>, vector<16xf32>
      }
      %swap3A = arith.constant 0 : index
      %swap3A_56 = tpu.vector_load %arg7[%swap3A] {strides = array<i32>} : memref<128xf32, #tpu.memory_space<vmem>>, vector<16xf32>,
      tpu.vector_store %arg7[%swap3A], %while3A_55#0 {strides = array<i32>} : memref<128xf32, #tpu.memory_space<vmem>>, vector<16xf32>,
      %swap3A_57 = arith.constant 16 : index
      %swap3A_58 = tpu.vector_load %arg7[%swap3A_57] {strides = array<i32>} : memref<128xf32, #tpu.memory_space<vmem>>, vector<16xf32>,
      tpu.vector_store %arg7[%swap3A_57], %while3A_55#1 {strides = array<i32>} : memref<128xf32, #tpu.memory_space<vmem>>, vector<16xf32>,
      %swap3A_59 = arith.constant 32 : index
      %swap3A_60 = tpu.vector_load %arg7[%swap3A_59] {strides = array<i32>} : memref<128xf32, #tpu.memory_space<vmem>>, vector<16xf32>,
      tpu.vector_store %arg7[%swap3A_59], %while3A_55#2 {strides = array<i32>} : memref<128xf32, #tpu.memory_space<vmem>>, vector<16xf32>,
      %swap3A_61 = arith.constant 48 : index
      %swap3A_62 = tpu.vector_load %arg7[%swap3A_61] {strides = array<i32>} : memref<128xf32, #tpu.memory_space<vmem>>, vector<16xf32>,
      tpu.vector_store %arg7[%swap3A_61], %while3A_55#3 {strides = array<i32>} : memref<128xf32, #tpu.memory_space<vmem>>, vector<16xf32>,
      %swap3A_63 = arith.constant 64 : index
      %swap3A_64 = tpu.vector_load %arg7[%swap3A_63] {strides = array<i32>} : memref<128xf32, #tpu.memory_space<vmem>>, vector<16xf32>,
      tpu.vector_store %arg7[%swap3A_63], %while3A_55#4 {strides = array<i32>} : memref<128xf32, #tpu.memory_space<vmem>>, vector<16xf32>,
      %swap3A_65 = arith.constant 80 : index
      %swap3A_66 = tpu.vector_load %arg7[%swap3A_65] {strides = array<i32>} : memref<128xf32, #tpu.memory_space<vmem>>, vector<16xf32>,
      tpu.vector_store %arg7[%swap3A_65], %while3A_55#5 {strides = array<i32>} : memref<128xf32, #tpu.memory_space<vmem>>, vector<16xf32>,
      %swap3A_67 = arith.constant 96 : index
      %swap3A_68 = tpu.vector_load %arg7[%swap3A_67] {strides = array<i32>} : memref<128xf32, #tpu.memory_space<vmem>>, vector<16xf32>,
      tpu.vector_store %arg7[%swap3A_67], %while3A_55#6 {strides = array<i32>} : memref<128xf32, #tpu.memory_space<vmem>>, vector<16xf32>,
      %swap3A_69 = arith.constant 112 : index
      %swap3A_70 = tpu.vector_load %arg7[%swap3A_69] {strides = array<i32>} : memref<128xf32, #tpu.memory_space<vmem>>, vector<16xf32>,
      tpu.vector_store %arg7[%swap3A_69], %while3A_55#7 {strides = array<i32>} : memref<128xf32, #tpu.memory_space<vmem>>, vector<16xf32>,
      "tpu.region"() ({
        %run_scoped3A = tpu.sem_alloc : memref<!tpu.dma_semaphore, #tpu.memory_space<semaphore_mem>>
        %dma_start3A = arith.constant 0 : i32
        %dma_start3A_71 = tpu.memref_slice %arg4[%add3A, %dma_start3A] : memref<16x128xf32, #tpu.memory_space<hbm>> -> memref<1x128xf32, #tpu.memory_space<hbm>>
        %dma_start3A_72 = tpu.memref_squeeze %dma_start3A_71 : memref<1x128xf32, #tpu.memory_space<hbm>> -> memref<128xf32, #tpu.memory_space<hbm>>
        %dma_start3A_73 = arith.constant 0 : i32
        %dma_start3A_74 = tpu.memref_slice %arg4[%add3A, %dma_start3A_73] : memref<16x128xf32, #tpu.memory_space<hbm>> -> memref<1x128xf32, #tpu.memory_space<hbm>>
        %dma_start3A_75 = tpu.memref_squeeze %dma_start3A_74 : memref<1x128xf32, #tpu.memory_space<hbm>> -> memref<128xf32, #tpu.memory_space<hbm>>
        tpu.enqueue_dma source(%arg7 : memref<128xf32, #tpu.memory_space<vmem>>) target(%dma_start3A_75 : memref<128xf32, #tpu.memory_space<hbm>>) target_semaphore(%run_scoped3A : memref<!tpu.dma_semaphore, #tpu.memory_space<semaphore_mem>>)
        %dma_wait3A = arith.constant 0 : i32
        %dma_wait3A_76 = tpu.memref_slice %arg4[%add3A, %dma_wait3A] : memref<16x128xf32, #tpu.memory_space<hbm>> -> memref<1x128xf32, #tpu.memory_space<hbm>>
        %dma_wait3A_77 = tpu.memref_squeeze %dma_wait3A_76 : memref<1x128xf32, #tpu.memory_space<hbm>> -> memref<128xf32, #tpu.memory_space<hbm>>
        %dma_wait3A_78 = arith.constant 0 : i32
        %dma_wait3A_79 = tpu.memref_slice %arg4[%add3A, %dma_wait3A_78] : memref<16x128xf32, #tpu.memory_space<hbm>> -> memref<1x128xf32, #tpu.memory_space<hbm>>
        %dma_wait3A_80 = tpu.memref_squeeze %dma_wait3A_79 : memref<1x128xf32, #tpu.memory_space<hbm>> -> memref<128xf32, #tpu.memory_space<hbm>>
        tpu.wait_dma2 semaphore(%run_scoped3A : memref<!tpu.dma_semaphore, #tpu.memory_space<semaphore_mem>>) src(%arg7 : memref<128xf32, #tpu.memory_space<vmem>>) dst(%dma_wait3A_80 : memref<128xf32, #tpu.memory_space<hbm>>)
        tpu.yield
      }) : () -> ()
    } else {
    }
    return
  }
}

#map = affine_map<(d0, d1) -> (0, 0)>
module attributes {stable_mosaic.version = 14 : i64} {
  func.func @_agg_body(%arg0: i32, %arg1: i32, %arg2: memref<10000x128xf32, #tpu.memory_space<hbm>>, %arg3: memref<32x322080xi32, #tpu.memory_space<hbm>>, %arg4: memref<32x322080xi32, #tpu.memory_space<hbm>>, %arg5: memref<32x16xi32, #tpu.memory_space<hbm>>, %arg6: memref<10000x128xf32, #tpu.memory_space<hbm>>, %arg7: memref<80xi32, #tpu.memory_space<vmem>>, %arg8: memref<96xi32, #tpu.memory_space<vmem>>, %arg9: memref<80x128xf32, #tpu.memory_space<vmem>>, %arg10: memref<313x128xf32, #tpu.memory_space<vmem>>, %arg11: memref<16xi32, #tpu.memory_space<vmem>>, %arg12: memref<!tpu.dma_semaphore, #tpu.memory_space<semaphore_mem>>) attributes {dimension_semantics = [#tpu.dimension_semantics<core_parallel>, #tpu.dimension_semantics<subcore_parallel>], iteration_bounds = array<i64: 2, 16>, scalar_prefetch = 0 : i64, scratch_operands = 6 : i64, tpu.core_type = #tpu.core_type<sc_vector_subcore>, window_params = [{transform_indices = #map}, {transform_indices = #map}, {transform_indices = #map}, {transform_indices = #map}, {transform_indices = #map}]} {
    %mul3A = arith.constant 2 : i32
    %mul3A_0 = arith.muli %arg1, %mul3A : i32
    %add3A = arith.addi %mul3A_0, %arg0 : i32
    %scan3A = arith.constant 0 : i32
    %scan3A_1 = arith.constant 0 : i32
    %scan3A_2 = arith.constant 313 : i32
    %scan3A_3 = arith.addi %scan3A_1, %scan3A_2 : i32
    %scan3A_4 = arith.constant 1 : i32
    scf.for %scan3A_40 = %scan3A_1 to %scan3A_3 step %scan3A_4  : i32 {
      %broadcast_in_dim3A = arith.constant 0.000000e+00 : f32
      %broadcast_in_dim3A_41 = vector.broadcast %broadcast_in_dim3A : f32 to vector<16xf32>
      %swap3A = arith.index_cast %scan3A_40 : i32 to index
      %swap3A_42 = arith.constant 0 : index
      %swap3A_43 = tpu.vector_load %arg10[%swap3A, %swap3A_42] {strides = array<i32>} : memref<313x128xf32, #tpu.memory_space<vmem>>, vector<16xf32>,
      tpu.vector_store %arg10[%swap3A, %swap3A_42], %broadcast_in_dim3A_41 {strides = array<i32>} : memref<313x128xf32, #tpu.memory_space<vmem>>, vector<16xf32>,
      %broadcast_in_dim3A_44 = arith.constant 0.000000e+00 : f32
      %broadcast_in_dim3A_45 = vector.broadcast %broadcast_in_dim3A_44 : f32 to vector<16xf32>
      %swap3A_46 = arith.index_cast %scan3A_40 : i32 to index
      %swap3A_47 = arith.constant 16 : index
      %swap3A_48 = tpu.vector_load %arg10[%swap3A_46, %swap3A_47] {strides = array<i32>} : memref<313x128xf32, #tpu.memory_space<vmem>>, vector<16xf32>,
      tpu.vector_store %arg10[%swap3A_46, %swap3A_47], %broadcast_in_dim3A_45 {strides = array<i32>} : memref<313x128xf32, #tpu.memory_space<vmem>>, vector<16xf32>,
      %broadcast_in_dim3A_49 = arith.constant 0.000000e+00 : f32
      %broadcast_in_dim3A_50 = vector.broadcast %broadcast_in_dim3A_49 : f32 to vector<16xf32>
      %swap3A_51 = arith.index_cast %scan3A_40 : i32 to index
      %swap3A_52 = arith.constant 32 : index
      %swap3A_53 = tpu.vector_load %arg10[%swap3A_51, %swap3A_52] {strides = array<i32>} : memref<313x128xf32, #tpu.memory_space<vmem>>, vector<16xf32>,
      tpu.vector_store %arg10[%swap3A_51, %swap3A_52], %broadcast_in_dim3A_50 {strides = array<i32>} : memref<313x128xf32, #tpu.memory_space<vmem>>, vector<16xf32>,
      %broadcast_in_dim3A_54 = arith.constant 0.000000e+00 : f32
      %broadcast_in_dim3A_55 = vector.broadcast %broadcast_in_dim3A_54 : f32 to vector<16xf32>
      %swap3A_56 = arith.index_cast %scan3A_40 : i32 to index
      %swap3A_57 = arith.constant 48 : index
      %swap3A_58 = tpu.vector_load %arg10[%swap3A_56, %swap3A_57] {strides = array<i32>} : memref<313x128xf32, #tpu.memory_space<vmem>>, vector<16xf32>,
      tpu.vector_store %arg10[%swap3A_56, %swap3A_57], %broadcast_in_dim3A_55 {strides = array<i32>} : memref<313x128xf32, #tpu.memory_space<vmem>>, vector<16xf32>,
      %broadcast_in_dim3A_59 = arith.constant 0.000000e+00 : f32
      %broadcast_in_dim3A_60 = vector.broadcast %broadcast_in_dim3A_59 : f32 to vector<16xf32>
      %swap3A_61 = arith.index_cast %scan3A_40 : i32 to index
      %swap3A_62 = arith.constant 64 : index
      %swap3A_63 = tpu.vector_load %arg10[%swap3A_61, %swap3A_62] {strides = array<i32>} : memref<313x128xf32, #tpu.memory_space<vmem>>, vector<16xf32>,
      tpu.vector_store %arg10[%swap3A_61, %swap3A_62], %broadcast_in_dim3A_60 {strides = array<i32>} : memref<313x128xf32, #tpu.memory_space<vmem>>, vector<16xf32>,
      %broadcast_in_dim3A_64 = arith.constant 0.000000e+00 : f32
      %broadcast_in_dim3A_65 = vector.broadcast %broadcast_in_dim3A_64 : f32 to vector<16xf32>
      %swap3A_66 = arith.index_cast %scan3A_40 : i32 to index
      %swap3A_67 = arith.constant 80 : index
      %swap3A_68 = tpu.vector_load %arg10[%swap3A_66, %swap3A_67] {strides = array<i32>} : memref<313x128xf32, #tpu.memory_space<vmem>>, vector<16xf32>,
      tpu.vector_store %arg10[%swap3A_66, %swap3A_67], %broadcast_in_dim3A_65 {strides = array<i32>} : memref<313x128xf32, #tpu.memory_space<vmem>>, vector<16xf32>,
      %broadcast_in_dim3A_69 = arith.constant 0.000000e+00 : f32
      %broadcast_in_dim3A_70 = vector.broadcast %broadcast_in_dim3A_69 : f32 to vector<16xf32>
      %swap3A_71 = arith.index_cast %scan3A_40 : i32 to index
      %swap3A_72 = arith.constant 96 : index
      %swap3A_73 = tpu.vector_load %arg10[%swap3A_71, %swap3A_72] {strides = array<i32>} : memref<313x128xf32, #tpu.memory_space<vmem>>, vector<16xf32>,
      tpu.vector_store %arg10[%swap3A_71, %swap3A_72], %broadcast_in_dim3A_70 {strides = array<i32>} : memref<313x128xf32, #tpu.memory_space<vmem>>, vector<16xf32>,
      %broadcast_in_dim3A_74 = arith.constant 0.000000e+00 : f32
      %broadcast_in_dim3A_75 = vector.broadcast %broadcast_in_dim3A_74 : f32 to vector<16xf32>
      %swap3A_76 = arith.index_cast %scan3A_40 : i32 to index
      %swap3A_77 = arith.constant 112 : index
      %swap3A_78 = tpu.vector_load %arg10[%swap3A_76, %swap3A_77] {strides = array<i32>} : memref<313x128xf32, #tpu.memory_space<vmem>>, vector<16xf32>,
      tpu.vector_store %arg10[%swap3A_76, %swap3A_77], %broadcast_in_dim3A_75 {strides = array<i32>} : memref<313x128xf32, #tpu.memory_space<vmem>>, vector<16xf32>,
    }
    %scan3A_5 = arith.constant 313 : i32
    "tpu.region"() ({
      %run_scoped3A = tpu.sem_alloc : memref<!tpu.dma_semaphore, #tpu.memory_space<semaphore_mem>>
      %dma_start3A = arith.constant 0 : i32
      %dma_start3A_40 = tpu.memref_slice %arg5[%add3A, %dma_start3A] : memref<32x16xi32, #tpu.memory_space<hbm>> -> memref<1x16xi32, #tpu.memory_space<hbm>>
      %dma_start3A_41 = tpu.memref_squeeze %dma_start3A_40 : memref<1x16xi32, #tpu.memory_space<hbm>> -> memref<16xi32, #tpu.memory_space<hbm>>
      %dma_start3A_42 = arith.constant 0 : i32
      %dma_start3A_43 = tpu.memref_slice %arg5[%add3A, %dma_start3A_42] : memref<32x16xi32, #tpu.memory_space<hbm>> -> memref<1x16xi32, #tpu.memory_space<hbm>>
      %dma_start3A_44 = tpu.memref_squeeze %dma_start3A_43 : memref<1x16xi32, #tpu.memory_space<hbm>> -> memref<16xi32, #tpu.memory_space<hbm>>
      tpu.enqueue_dma source(%dma_start3A_44 : memref<16xi32, #tpu.memory_space<hbm>>) target(%arg11 : memref<16xi32, #tpu.memory_space<vmem>>) target_semaphore(%run_scoped3A : memref<!tpu.dma_semaphore, #tpu.memory_space<semaphore_mem>>)
      %dma_wait3A = arith.constant 0 : i32
      %dma_wait3A_45 = tpu.memref_slice %arg5[%add3A, %dma_wait3A] : memref<32x16xi32, #tpu.memory_space<hbm>> -> memref<1x16xi32, #tpu.memory_space<hbm>>
      %dma_wait3A_46 = tpu.memref_squeeze %dma_wait3A_45 : memref<1x16xi32, #tpu.memory_space<hbm>> -> memref<16xi32, #tpu.memory_space<hbm>>
      %dma_wait3A_47 = arith.constant 0 : i32
      %dma_wait3A_48 = tpu.memref_slice %arg5[%add3A, %dma_wait3A_47] : memref<32x16xi32, #tpu.memory_space<hbm>> -> memref<1x16xi32, #tpu.memory_space<hbm>>
      %dma_wait3A_49 = tpu.memref_squeeze %dma_wait3A_48 : memref<1x16xi32, #tpu.memory_space<hbm>> -> memref<16xi32, #tpu.memory_space<hbm>>
      tpu.wait_dma2 semaphore(%run_scoped3A : memref<!tpu.dma_semaphore, #tpu.memory_space<semaphore_mem>>) src(%dma_wait3A_49 : memref<16xi32, #tpu.memory_space<hbm>>) dst(%arg11 : memref<16xi32, #tpu.memory_space<vmem>>)
      tpu.yield
    }) : () -> ()
    %get3A = arith.constant 0 : index
    %get3A_6 = tpu.vector_load %arg11[%get3A] {strides = array<i32>} : memref<16xi32, #tpu.memory_space<vmem>>, vector<16xi32>,
    %slice3A = vector.extract_strided_slice %get3A_6 {offsets = [0], sizes = [1], strides = [1]} : vector<16xi32> to vector<1xi32>
    %squeeze3A = vector.extract %slice3A[0] : i32 from vector<1xi32>
    %add3A_7 = arith.constant 79 : i32
    %add3A_8 = arith.addi %squeeze3A, %add3A_7 : i32
    %jit3A = arith.constant 80 : i32
    %div3A = arith.divsi %add3A_8, %jit3A : i32
    %sign3A = arith.constant 0 : i32
    %sign3A_9 = arith.cmpi sgt, %add3A_8, %sign3A : i32
    %sign3A_10 = arith.extui %sign3A_9 : i1 to i32
    %sign3A_11 = arith.constant 0 : i32
    %sign3A_12 = arith.cmpi slt, %add3A_8, %sign3A_11 : i32
    %sign3A_13 = arith.extui %sign3A_12 : i1 to i32
    %sign3A_14 = arith.subi %sign3A_10, %sign3A_13 : i32
    %sign3A_15 = arith.constant 0 : i32
    %sign3A_16 = arith.cmpi sgt, %jit3A, %sign3A_15 : i32
    %sign3A_17 = arith.extui %sign3A_16 : i1 to i32
    %sign3A_18 = arith.constant 0 : i32
    %sign3A_19 = arith.cmpi slt, %jit3A, %sign3A_18 : i32
    %sign3A_20 = arith.extui %sign3A_19 : i1 to i32
    %sign3A_21 = arith.subi %sign3A_17, %sign3A_20 : i32
    %ne3A = arith.cmpi ne, %sign3A_14, %sign3A_21 : i32
    %rem3A = arith.remsi %add3A_8, %jit3A : i32
    %ne3A_22 = arith.constant 0 : i32
    %ne3A_23 = arith.cmpi ne, %rem3A, %ne3A_22 : i32
    %and3A = arith.andi %ne3A, %ne3A_23 : i1
    %sub3A = arith.constant 1 : i32
    %sub3A_24 = arith.subi %div3A, %sub3A : i32
    %select_n3A = arith.select %and3A, %sub3A_24, %div3A : i32
    %while3A = arith.constant 0 : i32
    %while3A_25 = arith.constant 0 : i32
    %while3A_26 = arith.subi %select_n3A, %while3A_25 : i32
    %while3A_27 = arith.addi %while3A_25, %while3A_26 : i32
    %while3A_28 = arith.constant 1 : i32
    %while3A_29 = arith.divsi %while3A_26, %while3A_28 : i32
    %while3A_30 = arith.muli %while3A_29, %while3A_28 : i32
    %while3A_31 = arith.addi %while3A_25, %while3A_30 : i32
    %while3A_32 = arith.constant 1 : i32
    scf.for %while3A_40 = %while3A_25 to %while3A_31 step %while3A_32  : i32 {
      %mul3A_41 = arith.constant 80 : i32
      %mul3A_42 = arith.muli %while3A_40, %mul3A_41 : i32
      "tpu.region"() ({
        %run_scoped3A = tpu.sem_alloc : memref<!tpu.dma_semaphore, #tpu.memory_space<semaphore_mem>>
        %dma_start3A_55 = tpu.memref_slice %arg3[%add3A, %mul3A_42] : memref<32x322080xi32, #tpu.memory_space<hbm>> -> memref<1x80xi32, #tpu.memory_space<hbm>>
        %dma_start3A_56 = tpu.memref_squeeze %dma_start3A_55 : memref<1x80xi32, #tpu.memory_space<hbm>> -> memref<80xi32, #tpu.memory_space<hbm>>
        %dma_start3A_57 = tpu.memref_slice %arg3[%add3A, %mul3A_42] : memref<32x322080xi32, #tpu.memory_space<hbm>> -> memref<1x80xi32, #tpu.memory_space<hbm>>
        %dma_start3A_58 = tpu.memref_squeeze %dma_start3A_57 : memref<1x80xi32, #tpu.memory_space<hbm>> -> memref<80xi32, #tpu.memory_space<hbm>>
        tpu.enqueue_dma source(%dma_start3A_58 : memref<80xi32, #tpu.memory_space<hbm>>) target(%arg7 : memref<80xi32, #tpu.memory_space<vmem>>) target_semaphore(%run_scoped3A : memref<!tpu.dma_semaphore, #tpu.memory_space<semaphore_mem>>)
        %dma_wait3A_59 = tpu.memref_slice %arg3[%add3A, %mul3A_42] : memref<32x322080xi32, #tpu.memory_space<hbm>> -> memref<1x80xi32, #tpu.memory_space<hbm>>
        %dma_wait3A_60 = tpu.memref_squeeze %dma_wait3A_59 : memref<1x80xi32, #tpu.memory_space<hbm>> -> memref<80xi32, #tpu.memory_space<hbm>>
        %dma_wait3A_61 = tpu.memref_slice %arg3[%add3A, %mul3A_42] : memref<32x322080xi32, #tpu.memory_space<hbm>> -> memref<1x80xi32, #tpu.memory_space<hbm>>
        %dma_wait3A_62 = tpu.memref_squeeze %dma_wait3A_61 : memref<1x80xi32, #tpu.memory_space<hbm>> -> memref<80xi32, #tpu.memory_space<hbm>>
        tpu.wait_dma2 semaphore(%run_scoped3A : memref<!tpu.dma_semaphore, #tpu.memory_space<semaphore_mem>>) src(%dma_wait3A_62 : memref<80xi32, #tpu.memory_space<hbm>>) dst(%arg7 : memref<80xi32, #tpu.memory_space<vmem>>)
        tpu.yield
      }) : () -> ()
      %mul3A_43 = arith.constant 80 : i32
      %mul3A_44 = arith.muli %while3A_40, %mul3A_43 : i32
      "tpu.region"() ({
        %run_scoped3A = tpu.sem_alloc : memref<!tpu.dma_semaphore, #tpu.memory_space<semaphore_mem>>
        %dma_start3A_55 = arith.constant 0 : i32
        %dma_start3A_56 = tpu.memref_slice %arg8[%dma_start3A_55] : memref<96xi32, #tpu.memory_space<vmem>> -> memref<80xi32, #tpu.memory_space<vmem>>
        %dma_start3A_57 = tpu.memref_slice %arg4[%add3A, %mul3A_44] : memref<32x322080xi32, #tpu.memory_space<hbm>> -> memref<1x80xi32, #tpu.memory_space<hbm>>
        %dma_start3A_58 = tpu.memref_squeeze %dma_start3A_57 : memref<1x80xi32, #tpu.memory_space<hbm>> -> memref<80xi32, #tpu.memory_space<hbm>>
        %dma_start3A_59 = arith.constant 0 : i32
        %dma_start3A_60 = tpu.memref_slice %arg8[%dma_start3A_59] : memref<96xi32, #tpu.memory_space<vmem>> -> memref<80xi32, #tpu.memory_space<vmem>>
        %dma_start3A_61 = tpu.memref_slice %arg4[%add3A, %mul3A_44] : memref<32x322080xi32, #tpu.memory_space<hbm>> -> memref<1x80xi32, #tpu.memory_space<hbm>>
        %dma_start3A_62 = tpu.memref_squeeze %dma_start3A_61 : memref<1x80xi32, #tpu.memory_space<hbm>> -> memref<80xi32, #tpu.memory_space<hbm>>
        tpu.enqueue_dma source(%dma_start3A_62 : memref<80xi32, #tpu.memory_space<hbm>>) target(%dma_start3A_60 : memref<80xi32, #tpu.memory_space<vmem>>) target_semaphore(%run_scoped3A : memref<!tpu.dma_semaphore, #tpu.memory_space<semaphore_mem>>)
        %dma_wait3A_63 = arith.constant 0 : i32
        %dma_wait3A_64 = tpu.memref_slice %arg8[%dma_wait3A_63] : memref<96xi32, #tpu.memory_space<vmem>> -> memref<80xi32, #tpu.memory_space<vmem>>
        %dma_wait3A_65 = tpu.memref_slice %arg4[%add3A, %mul3A_44] : memref<32x322080xi32, #tpu.memory_space<hbm>> -> memref<1x80xi32, #tpu.memory_space<hbm>>
        %dma_wait3A_66 = tpu.memref_squeeze %dma_wait3A_65 : memref<1x80xi32, #tpu.memory_space<hbm>> -> memref<80xi32, #tpu.memory_space<hbm>>
        %dma_wait3A_67 = arith.constant 0 : i32
        %dma_wait3A_68 = tpu.memref_slice %arg8[%dma_wait3A_67] : memref<96xi32, #tpu.memory_space<vmem>> -> memref<80xi32, #tpu.memory_space<vmem>>
        %dma_wait3A_69 = tpu.memref_slice %arg4[%add3A, %mul3A_44] : memref<32x322080xi32, #tpu.memory_space<hbm>> -> memref<1x80xi32, #tpu.memory_space<hbm>>
        %dma_wait3A_70 = tpu.memref_squeeze %dma_wait3A_69 : memref<1x80xi32, #tpu.memory_space<hbm>> -> memref<80xi32, #tpu.memory_space<hbm>>
        tpu.wait_dma2 semaphore(%run_scoped3A : memref<!tpu.dma_semaphore, #tpu.memory_space<semaphore_mem>>) src(%dma_wait3A_70 : memref<80xi32, #tpu.memory_space<hbm>>) dst(%dma_wait3A_68 : memref<80xi32, #tpu.memory_space<vmem>>)
        tpu.yield
      }) : () -> ()
      %dma_start3A = arith.constant 0 : i32
      %dma_start3A_45 = arith.constant 0 : i32
      %dma_start3A_46 = tpu.memref_slice %arg2[%dma_start3A, %dma_start3A_45] : memref<10000x128xf32, #tpu.memory_space<hbm>> -> memref<10000x128xf32, #tpu.memory_space<hbm>>
      tpu.enqueue_indirect_dma source(%dma_start3A_46 : memref<10000x128xf32, #tpu.memory_space<hbm>>) target(%arg9 : memref<80x128xf32, #tpu.memory_space<vmem>>) offsets(%arg7 : memref<80xi32, #tpu.memory_space<vmem>>) semaphore(%arg12 : memref<!tpu.dma_semaphore, #tpu.memory_space<semaphore_mem>>)
      %dma_wait3A = arith.constant 0 : i32
      %dma_wait3A_47 = arith.constant 0 : i32
      %dma_wait3A_48 = tpu.memref_slice %arg2[%dma_wait3A, %dma_wait3A_47] : memref<10000x128xf32, #tpu.memory_space<hbm>> -> memref<10000x128xf32, #tpu.memory_space<hbm>>
      tpu.wait_indirect_dma semaphore(%arg12 : memref<!tpu.dma_semaphore, #tpu.memory_space<semaphore_mem>>) src(%dma_wait3A_48 : memref<10000x128xf32, #tpu.memory_space<hbm>>) dst(%arg9 : memref<80x128xf32, #tpu.memory_space<vmem>>)
      %scan3A_49 = arith.constant 0 : i32
      %scan3A_50 = arith.constant 0 : i32
      %scan3A_51 = arith.constant 80 : i32
      %scan3A_52 = arith.addi %scan3A_50, %scan3A_51 : i32
      %scan3A_53 = arith.constant 1 : i32
      scf.for %scan3A_55 = %scan3A_50 to %scan3A_52 step %scan3A_53  : i32 {
        %mul3A_56 = arith.constant 80 : i32
        %mul3A_57 = arith.muli %while3A_40, %mul3A_56 : i32
        %add3A_58 = arith.addi %mul3A_57, %scan3A_55 : i32
        %lt3A_59 = arith.cmpi slt, %add3A_58, %squeeze3A : i32
        %convert_element_type3A_60 = arith.extui %lt3A_59 : i1 to i32
        %cond3A_61 = arith.constant 0 : i32
        %cond3A_62 = arith.cmpi ne, %convert_element_type3A_60, %cond3A_61 : i32
        scf.if %cond3A_62 {
          %get3A_63 = arith.index_cast %scan3A_55 : i32 to index
          %get3A_64 = tpu.vector_load %arg8[%get3A_63] {strides = array<i32>} : memref<96xi32, #tpu.memory_space<vmem>>, vector<16xi32>,
          %slice3A_65 = vector.extract_strided_slice %get3A_64 {offsets = [0], sizes = [1], strides = [1]} : vector<16xi32> to vector<1xi32>
          %squeeze3A_66 = vector.extract %slice3A_65[0] : i32 from vector<1xi32>
          %get3A_67 = arith.index_cast %scan3A_55 : i32 to index
          %get3A_68 = arith.constant 0 : index
          %get3A_69 = tpu.vector_load %arg9[%get3A_67, %get3A_68] {strides = array<i32>} : memref<80x128xf32, #tpu.memory_space<vmem>>, vector<16xf32>,
          %get3A_70 = arith.index_cast %squeeze3A_66 : i32 to index
          %get3A_71 = arith.constant 0 : index
          %get3A_72 = tpu.vector_load %arg10[%get3A_70, %get3A_71] {strides = array<i32>} : memref<313x128xf32, #tpu.memory_space<vmem>>, vector<16xf32>,
          %add3A_73 = arith.addf %get3A_72, %get3A_69 : vector<16xf32>
          %swap3A = arith.index_cast %squeeze3A_66 : i32 to index
          %swap3A_74 = arith.constant 0 : index
          %swap3A_75 = tpu.vector_load %arg10[%swap3A, %swap3A_74] {strides = array<i32>} : memref<313x128xf32, #tpu.memory_space<vmem>>, vector<16xf32>,
          tpu.vector_store %arg10[%swap3A, %swap3A_74], %add3A_73 {strides = array<i32>} : memref<313x128xf32, #tpu.memory_space<vmem>>, vector<16xf32>,
          %get3A_76 = arith.index_cast %scan3A_55 : i32 to index
          %get3A_77 = arith.constant 16 : index
          %get3A_78 = tpu.vector_load %arg9[%get3A_76, %get3A_77] {strides = array<i32>} : memref<80x128xf32, #tpu.memory_space<vmem>>, vector<16xf32>,
          %get3A_79 = arith.index_cast %squeeze3A_66 : i32 to index
          %get3A_80 = arith.constant 16 : index
          %get3A_81 = tpu.vector_load %arg10[%get3A_79, %get3A_80] {strides = array<i32>} : memref<313x128xf32, #tpu.memory_space<vmem>>, vector<16xf32>,
          %add3A_82 = arith.addf %get3A_81, %get3A_78 : vector<16xf32>
          %swap3A_83 = arith.index_cast %squeeze3A_66 : i32 to index
          %swap3A_84 = arith.constant 16 : index
          %swap3A_85 = tpu.vector_load %arg10[%swap3A_83, %swap3A_84] {strides = array<i32>} : memref<313x128xf32, #tpu.memory_space<vmem>>, vector<16xf32>,
          tpu.vector_store %arg10[%swap3A_83, %swap3A_84], %add3A_82 {strides = array<i32>} : memref<313x128xf32, #tpu.memory_space<vmem>>, vector<16xf32>,
          %get3A_86 = arith.index_cast %scan3A_55 : i32 to index
          %get3A_87 = arith.constant 32 : index
          %get3A_88 = tpu.vector_load %arg9[%get3A_86, %get3A_87] {strides = array<i32>} : memref<80x128xf32, #tpu.memory_space<vmem>>, vector<16xf32>,
          %get3A_89 = arith.index_cast %squeeze3A_66 : i32 to index
          %get3A_90 = arith.constant 32 : index
          %get3A_91 = tpu.vector_load %arg10[%get3A_89, %get3A_90] {strides = array<i32>} : memref<313x128xf32, #tpu.memory_space<vmem>>, vector<16xf32>,
          %add3A_92 = arith.addf %get3A_91, %get3A_88 : vector<16xf32>
          %swap3A_93 = arith.index_cast %squeeze3A_66 : i32 to index
          %swap3A_94 = arith.constant 32 : index
          %swap3A_95 = tpu.vector_load %arg10[%swap3A_93, %swap3A_94] {strides = array<i32>} : memref<313x128xf32, #tpu.memory_space<vmem>>, vector<16xf32>,
          tpu.vector_store %arg10[%swap3A_93, %swap3A_94], %add3A_92 {strides = array<i32>} : memref<313x128xf32, #tpu.memory_space<vmem>>, vector<16xf32>,
          %get3A_96 = arith.index_cast %scan3A_55 : i32 to index
          %get3A_97 = arith.constant 48 : index
          %get3A_98 = tpu.vector_load %arg9[%get3A_96, %get3A_97] {strides = array<i32>} : memref<80x128xf32, #tpu.memory_space<vmem>>, vector<16xf32>,
          %get3A_99 = arith.index_cast %squeeze3A_66 : i32 to index
          %get3A_100 = arith.constant 48 : index
          %get3A_101 = tpu.vector_load %arg10[%get3A_99, %get3A_100] {strides = array<i32>} : memref<313x128xf32, #tpu.memory_space<vmem>>, vector<16xf32>,
          %add3A_102 = arith.addf %get3A_101, %get3A_98 : vector<16xf32>
          %swap3A_103 = arith.index_cast %squeeze3A_66 : i32 to index
          %swap3A_104 = arith.constant 48 : index
          %swap3A_105 = tpu.vector_load %arg10[%swap3A_103, %swap3A_104] {strides = array<i32>} : memref<313x128xf32, #tpu.memory_space<vmem>>, vector<16xf32>,
          tpu.vector_store %arg10[%swap3A_103, %swap3A_104], %add3A_102 {strides = array<i32>} : memref<313x128xf32, #tpu.memory_space<vmem>>, vector<16xf32>,
          %get3A_106 = arith.index_cast %scan3A_55 : i32 to index
          %get3A_107 = arith.constant 64 : index
          %get3A_108 = tpu.vector_load %arg9[%get3A_106, %get3A_107] {strides = array<i32>} : memref<80x128xf32, #tpu.memory_space<vmem>>, vector<16xf32>,
          %get3A_109 = arith.index_cast %squeeze3A_66 : i32 to index
          %get3A_110 = arith.constant 64 : index
          %get3A_111 = tpu.vector_load %arg10[%get3A_109, %get3A_110] {strides = array<i32>} : memref<313x128xf32, #tpu.memory_space<vmem>>, vector<16xf32>,
          %add3A_112 = arith.addf %get3A_111, %get3A_108 : vector<16xf32>
          %swap3A_113 = arith.index_cast %squeeze3A_66 : i32 to index
          %swap3A_114 = arith.constant 64 : index
          %swap3A_115 = tpu.vector_load %arg10[%swap3A_113, %swap3A_114] {strides = array<i32>} : memref<313x128xf32, #tpu.memory_space<vmem>>, vector<16xf32>,
          tpu.vector_store %arg10[%swap3A_113, %swap3A_114], %add3A_112 {strides = array<i32>} : memref<313x128xf32, #tpu.memory_space<vmem>>, vector<16xf32>,
          %get3A_116 = arith.index_cast %scan3A_55 : i32 to index
          %get3A_117 = arith.constant 80 : index
          %get3A_118 = tpu.vector_load %arg9[%get3A_116, %get3A_117] {strides = array<i32>} : memref<80x128xf32, #tpu.memory_space<vmem>>, vector<16xf32>,
          %get3A_119 = arith.index_cast %squeeze3A_66 : i32 to index
          %get3A_120 = arith.constant 80 : index
          %get3A_121 = tpu.vector_load %arg10[%get3A_119, %get3A_120] {strides = array<i32>} : memref<313x128xf32, #tpu.memory_space<vmem>>, vector<16xf32>,
          %add3A_122 = arith.addf %get3A_121, %get3A_118 : vector<16xf32>
          %swap3A_123 = arith.index_cast %squeeze3A_66 : i32 to index
          %swap3A_124 = arith.constant 80 : index
          %swap3A_125 = tpu.vector_load %arg10[%swap3A_123, %swap3A_124] {strides = array<i32>} : memref<313x128xf32, #tpu.memory_space<vmem>>, vector<16xf32>,
          tpu.vector_store %arg10[%swap3A_123, %swap3A_124], %add3A_122 {strides = array<i32>} : memref<313x128xf32, #tpu.memory_space<vmem>>, vector<16xf32>,
          %get3A_126 = arith.index_cast %scan3A_55 : i32 to index
          %get3A_127 = arith.constant 96 : index
          %get3A_128 = tpu.vector_load %arg9[%get3A_126, %get3A_127] {strides = array<i32>} : memref<80x128xf32, #tpu.memory_space<vmem>>, vector<16xf32>,
          %get3A_129 = arith.index_cast %squeeze3A_66 : i32 to index
          %get3A_130 = arith.constant 96 : index
          %get3A_131 = tpu.vector_load %arg10[%get3A_129, %get3A_130] {strides = array<i32>} : memref<313x128xf32, #tpu.memory_space<vmem>>, vector<16xf32>,
          %add3A_132 = arith.addf %get3A_131, %get3A_128 : vector<16xf32>
          %swap3A_133 = arith.index_cast %squeeze3A_66 : i32 to index
          %swap3A_134 = arith.constant 96 : index
          %swap3A_135 = tpu.vector_load %arg10[%swap3A_133, %swap3A_134] {strides = array<i32>} : memref<313x128xf32, #tpu.memory_space<vmem>>, vector<16xf32>,
          tpu.vector_store %arg10[%swap3A_133, %swap3A_134], %add3A_132 {strides = array<i32>} : memref<313x128xf32, #tpu.memory_space<vmem>>, vector<16xf32>,
          %get3A_136 = arith.index_cast %scan3A_55 : i32 to index
          %get3A_137 = arith.constant 112 : index
          %get3A_138 = tpu.vector_load %arg9[%get3A_136, %get3A_137] {strides = array<i32>} : memref<80x128xf32, #tpu.memory_space<vmem>>, vector<16xf32>,
          %get3A_139 = arith.index_cast %squeeze3A_66 : i32 to index
          %get3A_140 = arith.constant 112 : index
          %get3A_141 = tpu.vector_load %arg10[%get3A_139, %get3A_140] {strides = array<i32>} : memref<313x128xf32, #tpu.memory_space<vmem>>, vector<16xf32>,
          %add3A_142 = arith.addf %get3A_141, %get3A_138 : vector<16xf32>
          %swap3A_143 = arith.index_cast %squeeze3A_66 : i32 to index
          %swap3A_144 = arith.constant 112 : index
          %swap3A_145 = tpu.vector_load %arg10[%swap3A_143, %swap3A_144] {strides = array<i32>} : memref<313x128xf32, #tpu.memory_space<vmem>>, vector<16xf32>,
          tpu.vector_store %arg10[%swap3A_143, %swap3A_144], %add3A_142 {strides = array<i32>} : memref<313x128xf32, #tpu.memory_space<vmem>>, vector<16xf32>,
        } else {
        }
      }
      %scan3A_54 = arith.constant 80 : i32
    }
    %while3A_33 = arith.constant 1 : i32
    scf.for %while3A_40 = %while3A_31 to %while3A_27 step %while3A_33  : i32 {
      %mul3A_41 = arith.constant 80 : i32
      %mul3A_42 = arith.muli %while3A_40, %mul3A_41 : i32
      "tpu.region"() ({
        %run_scoped3A = tpu.sem_alloc : memref<!tpu.dma_semaphore, #tpu.memory_space<semaphore_mem>>
        %dma_start3A_55 = tpu.memref_slice %arg3[%add3A, %mul3A_42] : memref<32x322080xi32, #tpu.memory_space<hbm>> -> memref<1x80xi32, #tpu.memory_space<hbm>>
        %dma_start3A_56 = tpu.memref_squeeze %dma_start3A_55 : memref<1x80xi32, #tpu.memory_space<hbm>> -> memref<80xi32, #tpu.memory_space<hbm>>
        %dma_start3A_57 = tpu.memref_slice %arg3[%add3A, %mul3A_42] : memref<32x322080xi32, #tpu.memory_space<hbm>> -> memref<1x80xi32, #tpu.memory_space<hbm>>
        %dma_start3A_58 = tpu.memref_squeeze %dma_start3A_57 : memref<1x80xi32, #tpu.memory_space<hbm>> -> memref<80xi32, #tpu.memory_space<hbm>>
        tpu.enqueue_dma source(%dma_start3A_58 : memref<80xi32, #tpu.memory_space<hbm>>) target(%arg7 : memref<80xi32, #tpu.memory_space<vmem>>) target_semaphore(%run_scoped3A : memref<!tpu.dma_semaphore, #tpu.memory_space<semaphore_mem>>)
        %dma_wait3A_59 = tpu.memref_slice %arg3[%add3A, %mul3A_42] : memref<32x322080xi32, #tpu.memory_space<hbm>> -> memref<1x80xi32, #tpu.memory_space<hbm>>
        %dma_wait3A_60 = tpu.memref_squeeze %dma_wait3A_59 : memref<1x80xi32, #tpu.memory_space<hbm>> -> memref<80xi32, #tpu.memory_space<hbm>>
        %dma_wait3A_61 = tpu.memref_slice %arg3[%add3A, %mul3A_42] : memref<32x322080xi32, #tpu.memory_space<hbm>> -> memref<1x80xi32, #tpu.memory_space<hbm>>
        %dma_wait3A_62 = tpu.memref_squeeze %dma_wait3A_61 : memref<1x80xi32, #tpu.memory_space<hbm>> -> memref<80xi32, #tpu.memory_space<hbm>>
        tpu.wait_dma2 semaphore(%run_scoped3A : memref<!tpu.dma_semaphore, #tpu.memory_space<semaphore_mem>>) src(%dma_wait3A_62 : memref<80xi32, #tpu.memory_space<hbm>>) dst(%arg7 : memref<80xi32, #tpu.memory_space<vmem>>)
        tpu.yield
      }) : () -> ()
      %mul3A_43 = arith.constant 80 : i32
      %mul3A_44 = arith.muli %while3A_40, %mul3A_43 : i32
      "tpu.region"() ({
        %run_scoped3A = tpu.sem_alloc : memref<!tpu.dma_semaphore, #tpu.memory_space<semaphore_mem>>
        %dma_start3A_55 = arith.constant 0 : i32
        %dma_start3A_56 = tpu.memref_slice %arg8[%dma_start3A_55] : memref<96xi32, #tpu.memory_space<vmem>> -> memref<80xi32, #tpu.memory_space<vmem>>
        %dma_start3A_57 = tpu.memref_slice %arg4[%add3A, %mul3A_44] : memref<32x322080xi32, #tpu.memory_space<hbm>> -> memref<1x80xi32, #tpu.memory_space<hbm>>
        %dma_start3A_58 = tpu.memref_squeeze %dma_start3A_57 : memref<1x80xi32, #tpu.memory_space<hbm>> -> memref<80xi32, #tpu.memory_space<hbm>>
        %dma_start3A_59 = arith.constant 0 : i32
        %dma_start3A_60 = tpu.memref_slice %arg8[%dma_start3A_59] : memref<96xi32, #tpu.memory_space<vmem>> -> memref<80xi32, #tpu.memory_space<vmem>>
        %dma_start3A_61 = tpu.memref_slice %arg4[%add3A, %mul3A_44] : memref<32x322080xi32, #tpu.memory_space<hbm>> -> memref<1x80xi32, #tpu.memory_space<hbm>>
        %dma_start3A_62 = tpu.memref_squeeze %dma_start3A_61 : memref<1x80xi32, #tpu.memory_space<hbm>> -> memref<80xi32, #tpu.memory_space<hbm>>
        tpu.enqueue_dma source(%dma_start3A_62 : memref<80xi32, #tpu.memory_space<hbm>>) target(%dma_start3A_60 : memref<80xi32, #tpu.memory_space<vmem>>) target_semaphore(%run_scoped3A : memref<!tpu.dma_semaphore, #tpu.memory_space<semaphore_mem>>)
        %dma_wait3A_63 = arith.constant 0 : i32
        %dma_wait3A_64 = tpu.memref_slice %arg8[%dma_wait3A_63] : memref<96xi32, #tpu.memory_space<vmem>> -> memref<80xi32, #tpu.memory_space<vmem>>
        %dma_wait3A_65 = tpu.memref_slice %arg4[%add3A, %mul3A_44] : memref<32x322080xi32, #tpu.memory_space<hbm>> -> memref<1x80xi32, #tpu.memory_space<hbm>>
        %dma_wait3A_66 = tpu.memref_squeeze %dma_wait3A_65 : memref<1x80xi32, #tpu.memory_space<hbm>> -> memref<80xi32, #tpu.memory_space<hbm>>
        %dma_wait3A_67 = arith.constant 0 : i32
        %dma_wait3A_68 = tpu.memref_slice %arg8[%dma_wait3A_67] : memref<96xi32, #tpu.memory_space<vmem>> -> memref<80xi32, #tpu.memory_space<vmem>>
        %dma_wait3A_69 = tpu.memref_slice %arg4[%add3A, %mul3A_44] : memref<32x322080xi32, #tpu.memory_space<hbm>> -> memref<1x80xi32, #tpu.memory_space<hbm>>
        %dma_wait3A_70 = tpu.memref_squeeze %dma_wait3A_69 : memref<1x80xi32, #tpu.memory_space<hbm>> -> memref<80xi32, #tpu.memory_space<hbm>>
        tpu.wait_dma2 semaphore(%run_scoped3A : memref<!tpu.dma_semaphore, #tpu.memory_space<semaphore_mem>>) src(%dma_wait3A_70 : memref<80xi32, #tpu.memory_space<hbm>>) dst(%dma_wait3A_68 : memref<80xi32, #tpu.memory_space<vmem>>)
        tpu.yield
      }) : () -> ()
      %dma_start3A = arith.constant 0 : i32
      %dma_start3A_45 = arith.constant 0 : i32
      %dma_start3A_46 = tpu.memref_slice %arg2[%dma_start3A, %dma_start3A_45] : memref<10000x128xf32, #tpu.memory_space<hbm>> -> memref<10000x128xf32, #tpu.memory_space<hbm>>
      tpu.enqueue_indirect_dma source(%dma_start3A_46 : memref<10000x128xf32, #tpu.memory_space<hbm>>) target(%arg9 : memref<80x128xf32, #tpu.memory_space<vmem>>) offsets(%arg7 : memref<80xi32, #tpu.memory_space<vmem>>) semaphore(%arg12 : memref<!tpu.dma_semaphore, #tpu.memory_space<semaphore_mem>>)
      %dma_wait3A = arith.constant 0 : i32
      %dma_wait3A_47 = arith.constant 0 : i32
      %dma_wait3A_48 = tpu.memref_slice %arg2[%dma_wait3A, %dma_wait3A_47] : memref<10000x128xf32, #tpu.memory_space<hbm>> -> memref<10000x128xf32, #tpu.memory_space<hbm>>
      tpu.wait_indirect_dma semaphore(%arg12 : memref<!tpu.dma_semaphore, #tpu.memory_space<semaphore_mem>>) src(%dma_wait3A_48 : memref<10000x128xf32, #tpu.memory_space<hbm>>) dst(%arg9 : memref<80x128xf32, #tpu.memory_space<vmem>>)
      %scan3A_49 = arith.constant 0 : i32
      %scan3A_50 = arith.constant 0 : i32
      %scan3A_51 = arith.constant 80 : i32
      %scan3A_52 = arith.addi %scan3A_50, %scan3A_51 : i32
      %scan3A_53 = arith.constant 1 : i32
      scf.for %scan3A_55 = %scan3A_50 to %scan3A_52 step %scan3A_53  : i32 {
        %mul3A_56 = arith.constant 80 : i32
        %mul3A_57 = arith.muli %while3A_40, %mul3A_56 : i32
        %add3A_58 = arith.addi %mul3A_57, %scan3A_55 : i32
        %lt3A_59 = arith.cmpi slt, %add3A_58, %squeeze3A : i32
        %convert_element_type3A_60 = arith.extui %lt3A_59 : i1 to i32
        %cond3A_61 = arith.constant 0 : i32
        %cond3A_62 = arith.cmpi ne, %convert_element_type3A_60, %cond3A_61 : i32
        scf.if %cond3A_62 {
          %get3A_63 = arith.index_cast %scan3A_55 : i32 to index
          %get3A_64 = tpu.vector_load %arg8[%get3A_63] {strides = array<i32>} : memref<96xi32, #tpu.memory_space<vmem>>, vector<16xi32>,
          %slice3A_65 = vector.extract_strided_slice %get3A_64 {offsets = [0], sizes = [1], strides = [1]} : vector<16xi32> to vector<1xi32>
          %squeeze3A_66 = vector.extract %slice3A_65[0] : i32 from vector<1xi32>
          %get3A_67 = arith.index_cast %scan3A_55 : i32 to index
          %get3A_68 = arith.constant 0 : index
          %get3A_69 = tpu.vector_load %arg9[%get3A_67, %get3A_68] {strides = array<i32>} : memref<80x128xf32, #tpu.memory_space<vmem>>, vector<16xf32>,
          %get3A_70 = arith.index_cast %squeeze3A_66 : i32 to index
          %get3A_71 = arith.constant 0 : index
          %get3A_72 = tpu.vector_load %arg10[%get3A_70, %get3A_71] {strides = array<i32>} : memref<313x128xf32, #tpu.memory_space<vmem>>, vector<16xf32>,
          %add3A_73 = arith.addf %get3A_72, %get3A_69 : vector<16xf32>
          %swap3A = arith.index_cast %squeeze3A_66 : i32 to index
          %swap3A_74 = arith.constant 0 : index
          %swap3A_75 = tpu.vector_load %arg10[%swap3A, %swap3A_74] {strides = array<i32>} : memref<313x128xf32, #tpu.memory_space<vmem>>, vector<16xf32>,
          tpu.vector_store %arg10[%swap3A, %swap3A_74], %add3A_73 {strides = array<i32>} : memref<313x128xf32, #tpu.memory_space<vmem>>, vector<16xf32>,
          %get3A_76 = arith.index_cast %scan3A_55 : i32 to index
          %get3A_77 = arith.constant 16 : index
          %get3A_78 = tpu.vector_load %arg9[%get3A_76, %get3A_77] {strides = array<i32>} : memref<80x128xf32, #tpu.memory_space<vmem>>, vector<16xf32>,
          %get3A_79 = arith.index_cast %squeeze3A_66 : i32 to index
          %get3A_80 = arith.constant 16 : index
          %get3A_81 = tpu.vector_load %arg10[%get3A_79, %get3A_80] {strides = array<i32>} : memref<313x128xf32, #tpu.memory_space<vmem>>, vector<16xf32>,
          %add3A_82 = arith.addf %get3A_81, %get3A_78 : vector<16xf32>
          %swap3A_83 = arith.index_cast %squeeze3A_66 : i32 to index
          %swap3A_84 = arith.constant 16 : index
          %swap3A_85 = tpu.vector_load %arg10[%swap3A_83, %swap3A_84] {strides = array<i32>} : memref<313x128xf32, #tpu.memory_space<vmem>>, vector<16xf32>,
          tpu.vector_store %arg10[%swap3A_83, %swap3A_84], %add3A_82 {strides = array<i32>} : memref<313x128xf32, #tpu.memory_space<vmem>>, vector<16xf32>,
          %get3A_86 = arith.index_cast %scan3A_55 : i32 to index
          %get3A_87 = arith.constant 32 : index
          %get3A_88 = tpu.vector_load %arg9[%get3A_86, %get3A_87] {strides = array<i32>} : memref<80x128xf32, #tpu.memory_space<vmem>>, vector<16xf32>,
          %get3A_89 = arith.index_cast %squeeze3A_66 : i32 to index
          %get3A_90 = arith.constant 32 : index
          %get3A_91 = tpu.vector_load %arg10[%get3A_89, %get3A_90] {strides = array<i32>} : memref<313x128xf32, #tpu.memory_space<vmem>>, vector<16xf32>,
          %add3A_92 = arith.addf %get3A_91, %get3A_88 : vector<16xf32>
          %swap3A_93 = arith.index_cast %squeeze3A_66 : i32 to index
          %swap3A_94 = arith.constant 32 : index
          %swap3A_95 = tpu.vector_load %arg10[%swap3A_93, %swap3A_94] {strides = array<i32>} : memref<313x128xf32, #tpu.memory_space<vmem>>, vector<16xf32>,
          tpu.vector_store %arg10[%swap3A_93, %swap3A_94], %add3A_92 {strides = array<i32>} : memref<313x128xf32, #tpu.memory_space<vmem>>, vector<16xf32>,
          %get3A_96 = arith.index_cast %scan3A_55 : i32 to index
          %get3A_97 = arith.constant 48 : index
          %get3A_98 = tpu.vector_load %arg9[%get3A_96, %get3A_97] {strides = array<i32>} : memref<80x128xf32, #tpu.memory_space<vmem>>, vector<16xf32>,
          %get3A_99 = arith.index_cast %squeeze3A_66 : i32 to index
          %get3A_100 = arith.constant 48 : index
          %get3A_101 = tpu.vector_load %arg10[%get3A_99, %get3A_100] {strides = array<i32>} : memref<313x128xf32, #tpu.memory_space<vmem>>, vector<16xf32>,
          %add3A_102 = arith.addf %get3A_101, %get3A_98 : vector<16xf32>
          %swap3A_103 = arith.index_cast %squeeze3A_66 : i32 to index
          %swap3A_104 = arith.constant 48 : index
          %swap3A_105 = tpu.vector_load %arg10[%swap3A_103, %swap3A_104] {strides = array<i32>} : memref<313x128xf32, #tpu.memory_space<vmem>>, vector<16xf32>,
          tpu.vector_store %arg10[%swap3A_103, %swap3A_104], %add3A_102 {strides = array<i32>} : memref<313x128xf32, #tpu.memory_space<vmem>>, vector<16xf32>,
          %get3A_106 = arith.index_cast %scan3A_55 : i32 to index
          %get3A_107 = arith.constant 64 : index
          %get3A_108 = tpu.vector_load %arg9[%get3A_106, %get3A_107] {strides = array<i32>} : memref<80x128xf32, #tpu.memory_space<vmem>>, vector<16xf32>,
          %get3A_109 = arith.index_cast %squeeze3A_66 : i32 to index
          %get3A_110 = arith.constant 64 : index
          %get3A_111 = tpu.vector_load %arg10[%get3A_109, %get3A_110] {strides = array<i32>} : memref<313x128xf32, #tpu.memory_space<vmem>>, vector<16xf32>,
          %add3A_112 = arith.addf %get3A_111, %get3A_108 : vector<16xf32>
          %swap3A_113 = arith.index_cast %squeeze3A_66 : i32 to index
          %swap3A_114 = arith.constant 64 : index
          %swap3A_115 = tpu.vector_load %arg10[%swap3A_113, %swap3A_114] {strides = array<i32>} : memref<313x128xf32, #tpu.memory_space<vmem>>, vector<16xf32>,
          tpu.vector_store %arg10[%swap3A_113, %swap3A_114], %add3A_112 {strides = array<i32>} : memref<313x128xf32, #tpu.memory_space<vmem>>, vector<16xf32>,
          %get3A_116 = arith.index_cast %scan3A_55 : i32 to index
          %get3A_117 = arith.constant 80 : index
          %get3A_118 = tpu.vector_load %arg9[%get3A_116, %get3A_117] {strides = array<i32>} : memref<80x128xf32, #tpu.memory_space<vmem>>, vector<16xf32>,
          %get3A_119 = arith.index_cast %squeeze3A_66 : i32 to index
          %get3A_120 = arith.constant 80 : index
          %get3A_121 = tpu.vector_load %arg10[%get3A_119, %get3A_120] {strides = array<i32>} : memref<313x128xf32, #tpu.memory_space<vmem>>, vector<16xf32>,
          %add3A_122 = arith.addf %get3A_121, %get3A_118 : vector<16xf32>
          %swap3A_123 = arith.index_cast %squeeze3A_66 : i32 to index
          %swap3A_124 = arith.constant 80 : index
          %swap3A_125 = tpu.vector_load %arg10[%swap3A_123, %swap3A_124] {strides = array<i32>} : memref<313x128xf32, #tpu.memory_space<vmem>>, vector<16xf32>,
          tpu.vector_store %arg10[%swap3A_123, %swap3A_124], %add3A_122 {strides = array<i32>} : memref<313x128xf32, #tpu.memory_space<vmem>>, vector<16xf32>,
          %get3A_126 = arith.index_cast %scan3A_55 : i32 to index
          %get3A_127 = arith.constant 96 : index
          %get3A_128 = tpu.vector_load %arg9[%get3A_126, %get3A_127] {strides = array<i32>} : memref<80x128xf32, #tpu.memory_space<vmem>>, vector<16xf32>,
          %get3A_129 = arith.index_cast %squeeze3A_66 : i32 to index
          %get3A_130 = arith.constant 96 : index
          %get3A_131 = tpu.vector_load %arg10[%get3A_129, %get3A_130] {strides = array<i32>} : memref<313x128xf32, #tpu.memory_space<vmem>>, vector<16xf32>,
          %add3A_132 = arith.addf %get3A_131, %get3A_128 : vector<16xf32>
          %swap3A_133 = arith.index_cast %squeeze3A_66 : i32 to index
          %swap3A_134 = arith.constant 96 : index
          %swap3A_135 = tpu.vector_load %arg10[%swap3A_133, %swap3A_134] {strides = array<i32>} : memref<313x128xf32, #tpu.memory_space<vmem>>, vector<16xf32>,
          tpu.vector_store %arg10[%swap3A_133, %swap3A_134], %add3A_132 {strides = array<i32>} : memref<313x128xf32, #tpu.memory_space<vmem>>, vector<16xf32>,
          %get3A_136 = arith.index_cast %scan3A_55 : i32 to index
          %get3A_137 = arith.constant 112 : index
          %get3A_138 = tpu.vector_load %arg9[%get3A_136, %get3A_137] {strides = array<i32>} : memref<80x128xf32, #tpu.memory_space<vmem>>, vector<16xf32>,
          %get3A_139 = arith.index_cast %squeeze3A_66 : i32 to index
          %get3A_140 = arith.constant 112 : index
          %get3A_141 = tpu.vector_load %arg10[%get3A_139, %get3A_140] {strides = array<i32>} : memref<313x128xf32, #tpu.memory_space<vmem>>, vector<16xf32>,
          %add3A_142 = arith.addf %get3A_141, %get3A_138 : vector<16xf32>
          %swap3A_143 = arith.index_cast %squeeze3A_66 : i32 to index
          %swap3A_144 = arith.constant 112 : index
          %swap3A_145 = tpu.vector_load %arg10[%swap3A_143, %swap3A_144] {strides = array<i32>} : memref<313x128xf32, #tpu.memory_space<vmem>>, vector<16xf32>,
          tpu.vector_store %arg10[%swap3A_143, %swap3A_144], %add3A_142 {strides = array<i32>} : memref<313x128xf32, #tpu.memory_space<vmem>>, vector<16xf32>,
        } else {
        }
      }
      %scan3A_54 = arith.constant 80 : i32
    }
    %lt3A = arith.constant 31 : i32
    %lt3A_34 = arith.cmpi slt, %add3A, %lt3A : i32
    %convert_element_type3A = arith.extui %lt3A_34 : i1 to i32
    %cond3A = arith.constant 0 : i32
    %cond3A_35 = arith.cmpi ne, %convert_element_type3A, %cond3A : i32
    scf.if %cond3A_35 {
      %mul3A_40 = arith.constant 313 : i32
      %mul3A_41 = arith.muli %add3A, %mul3A_40 : i32
      "tpu.region"() ({
        %run_scoped3A = tpu.sem_alloc : memref<!tpu.dma_semaphore, #tpu.memory_space<semaphore_mem>>
        %dma_start3A = arith.constant 0 : i32
        %dma_start3A_42 = arith.constant 0 : i32
        %dma_start3A_43 = tpu.memref_slice %arg10[%dma_start3A, %dma_start3A_42] : memref<313x128xf32, #tpu.memory_space<vmem>> -> memref<313x128xf32, #tpu.memory_space<vmem>>
        %dma_start3A_44 = arith.constant 0 : i32
        %dma_start3A_45 = tpu.memref_slice %arg6[%mul3A_41, %dma_start3A_44] : memref<10000x128xf32, #tpu.memory_space<hbm>> -> memref<313x128xf32, #tpu.memory_space<hbm>>
        %dma_start3A_46 = arith.constant 0 : i32
        %dma_start3A_47 = tpu.memref_slice %arg6[%mul3A_41, %dma_start3A_46] : memref<10000x128xf32, #tpu.memory_space<hbm>> -> memref<313x128xf32, #tpu.memory_space<hbm>>
        %dma_start3A_48 = arith.constant 0 : i32
        %dma_start3A_49 = arith.constant 0 : i32
        %dma_start3A_50 = tpu.memref_slice %arg10[%dma_start3A_48, %dma_start3A_49] : memref<313x128xf32, #tpu.memory_space<vmem>> -> memref<313x128xf32, #tpu.memory_space<vmem>>
        tpu.enqueue_dma source(%dma_start3A_50 : memref<313x128xf32, #tpu.memory_space<vmem>>) target(%dma_start3A_47 : memref<313x128xf32, #tpu.memory_space<hbm>>) target_semaphore(%run_scoped3A : memref<!tpu.dma_semaphore, #tpu.memory_space<semaphore_mem>>)
        %dma_wait3A = arith.constant 0 : i32
        %dma_wait3A_51 = arith.constant 0 : i32
        %dma_wait3A_52 = tpu.memref_slice %arg10[%dma_wait3A, %dma_wait3A_51] : memref<313x128xf32, #tpu.memory_space<vmem>> -> memref<313x128xf32, #tpu.memory_space<vmem>>
        %dma_wait3A_53 = arith.constant 0 : i32
        %dma_wait3A_54 = tpu.memref_slice %arg6[%mul3A_41, %dma_wait3A_53] : memref<10000x128xf32, #tpu.memory_space<hbm>> -> memref<313x128xf32, #tpu.memory_space<hbm>>
        %dma_wait3A_55 = arith.constant 0 : i32
        %dma_wait3A_56 = tpu.memref_slice %arg6[%mul3A_41, %dma_wait3A_55] : memref<10000x128xf32, #tpu.memory_space<hbm>> -> memref<313x128xf32, #tpu.memory_space<hbm>>
        %dma_wait3A_57 = arith.constant 0 : i32
        %dma_wait3A_58 = arith.constant 0 : i32
        %dma_wait3A_59 = tpu.memref_slice %arg10[%dma_wait3A_57, %dma_wait3A_58] : memref<313x128xf32, #tpu.memory_space<vmem>> -> memref<313x128xf32, #tpu.memory_space<vmem>>
        tpu.wait_dma2 semaphore(%run_scoped3A : memref<!tpu.dma_semaphore, #tpu.memory_space<semaphore_mem>>) src(%dma_wait3A_59 : memref<313x128xf32, #tpu.memory_space<vmem>>) dst(%dma_wait3A_56 : memref<313x128xf32, #tpu.memory_space<hbm>>)
        tpu.yield
      }) : () -> ()
    } else {
    }
    %eq3A = arith.constant 31 : i32
    %eq3A_36 = arith.cmpi eq, %add3A, %eq3A : i32
    %convert_element_type3A_37 = arith.extui %eq3A_36 : i1 to i32
    %cond3A_38 = arith.constant 0 : i32
    %cond3A_39 = arith.cmpi ne, %convert_element_type3A_37, %cond3A_38 : i32
    scf.if %cond3A_39 {
      "tpu.region"() ({
        %run_scoped3A = tpu.sem_alloc : memref<!tpu.dma_semaphore, #tpu.memory_space<semaphore_mem>>
        %dma_start3A = arith.constant 0 : i32
        %dma_start3A_40 = arith.constant 0 : i32
        %dma_start3A_41 = tpu.memref_slice %arg10[%dma_start3A, %dma_start3A_40] : memref<313x128xf32, #tpu.memory_space<vmem>> -> memref<297x128xf32, #tpu.memory_space<vmem>>
        %dma_start3A_42 = arith.constant 9703 : i32
        %dma_start3A_43 = arith.constant 0 : i32
        %dma_start3A_44 = tpu.memref_slice %arg6[%dma_start3A_42, %dma_start3A_43] : memref<10000x128xf32, #tpu.memory_space<hbm>> -> memref<297x128xf32, #tpu.memory_space<hbm>>
        %dma_start3A_45 = arith.constant 9703 : i32
        %dma_start3A_46 = arith.constant 0 : i32
        %dma_start3A_47 = tpu.memref_slice %arg6[%dma_start3A_45, %dma_start3A_46] : memref<10000x128xf32, #tpu.memory_space<hbm>> -> memref<297x128xf32, #tpu.memory_space<hbm>>
        %dma_start3A_48 = arith.constant 0 : i32
        %dma_start3A_49 = arith.constant 0 : i32
        %dma_start3A_50 = tpu.memref_slice %arg10[%dma_start3A_48, %dma_start3A_49] : memref<313x128xf32, #tpu.memory_space<vmem>> -> memref<297x128xf32, #tpu.memory_space<vmem>>
        tpu.enqueue_dma source(%dma_start3A_50 : memref<297x128xf32, #tpu.memory_space<vmem>>) target(%dma_start3A_47 : memref<297x128xf32, #tpu.memory_space<hbm>>) target_semaphore(%run_scoped3A : memref<!tpu.dma_semaphore, #tpu.memory_space<semaphore_mem>>)
        %dma_wait3A = arith.constant 0 : i32
        %dma_wait3A_51 = arith.constant 0 : i32
        %dma_wait3A_52 = tpu.memref_slice %arg10[%dma_wait3A, %dma_wait3A_51] : memref<313x128xf32, #tpu.memory_space<vmem>> -> memref<297x128xf32, #tpu.memory_space<vmem>>
        %dma_wait3A_53 = arith.constant 9703 : i32
        %dma_wait3A_54 = arith.constant 0 : i32
        %dma_wait3A_55 = tpu.memref_slice %arg6[%dma_wait3A_53, %dma_wait3A_54] : memref<10000x128xf32, #tpu.memory_space<hbm>> -> memref<297x128xf32, #tpu.memory_space<hbm>>
        %dma_wait3A_56 = arith.constant 9703 : i32
        %dma_wait3A_57 = arith.constant 0 : i32
        %dma_wait3A_58 = tpu.memref_slice %arg6[%dma_wait3A_56, %dma_wait3A_57] : memref<10000x128xf32, #tpu.memory_space<hbm>> -> memref<297x128xf32, #tpu.memory_space<hbm>>
        %dma_wait3A_59 = arith.constant 0 : i32
        %dma_wait3A_60 = arith.constant 0 : i32
        %dma_wait3A_61 = tpu.memref_slice %arg10[%dma_wait3A_59, %dma_wait3A_60] : memref<313x128xf32, #tpu.memory_space<vmem>> -> memref<297x128xf32, #tpu.memory_space<vmem>>
        tpu.wait_dma2 semaphore(%run_scoped3A : memref<!tpu.dma_semaphore, #tpu.memory_space<semaphore_mem>>) src(%dma_wait3A_61 : memref<297x128xf32, #tpu.memory_space<vmem>>) dst(%dma_wait3A_58 : memref<297x128xf32, #tpu.memory_space<hbm>>)
        tpu.yield
      }) : () -> ()
    } else {
    }
    return
  }
}

module attributes {stable_mosaic.version = 14 : i64} {
  func.func @_dense_vn_body(%arg0: memref<10000x128xf32, #tpu.memory_space<vmem>>, %arg1: memref<10000x128xf32, #tpu.memory_space<vmem>>, %arg2: memref<128x128xf32, #tpu.memory_space<vmem>>, %arg3: memref<128x128xf32, #tpu.memory_space<vmem>>, %arg4: memref<1x128xf32, #tpu.memory_space<vmem>>, %arg5: memref<1x128xf32, #tpu.memory_space<vmem>>, %arg6: memref<1x128xf32, #tpu.memory_space<vmem>>, %arg7: memref<10064x128xf32, #tpu.memory_space<vmem>>) attributes {dimension_semantics = [], scalar_prefetch = 0 : i64, scratch_operands = 0 : i64, tpu.core_type = #tpu.core_type<tc>} {
    %get3A = arith.constant 0 : index
    %get3A_0 = arith.constant 0 : index
    %get3A_1 = vector.load %arg0[%get3A, %get3A_0] : memref<10000x128xf32, #tpu.memory_space<vmem>>, vector<10000x128xf32>
    %get3A_2 = arith.constant 0 : index
    %get3A_3 = arith.constant 0 : index
    %get3A_4 = vector.load %arg2[%get3A_2, %get3A_3] : memref<128x128xf32, #tpu.memory_space<vmem>>, vector<128x128xf32>
    %dot_general3A = arith.constant dense<0.000000e+00> : vector<10000x128xf32>
    %dot_general3A_5 = tpu.matmul %get3A_1, %get3A_4, %dot_general3A {dimension_numbers = #tpu.dot_dimension_numbers<[1], [0], [0], [1], [0, 0, 1, 1], [], []>, transpose_lhs_hint = false} : vector<10000x128xf32>, vector<128x128xf32>, vector<10000x128xf32> -> vector<10000x128xf32>
    %get3A_6 = arith.constant 0 : index
    %get3A_7 = arith.constant 0 : index
    %get3A_8 = vector.load %arg1[%get3A_6, %get3A_7] : memref<10000x128xf32, #tpu.memory_space<vmem>>, vector<10000x128xf32>
    %get3A_9 = arith.constant 0 : index
    %get3A_10 = arith.constant 0 : index
    %get3A_11 = vector.load %arg3[%get3A_9, %get3A_10] : memref<128x128xf32, #tpu.memory_space<vmem>>, vector<128x128xf32>
    %dot_general3A_12 = arith.constant dense<0.000000e+00> : vector<10000x128xf32>
    %dot_general3A_13 = tpu.matmul %get3A_8, %get3A_11, %dot_general3A_12 {dimension_numbers = #tpu.dot_dimension_numbers<[1], [0], [0], [1], [0, 0, 1, 1], [], []>, transpose_lhs_hint = false} : vector<10000x128xf32>, vector<128x128xf32>, vector<10000x128xf32> -> vector<10000x128xf32>
    %add3A = arith.addf %dot_general3A_5, %dot_general3A_13 : vector<10000x128xf32>
    %get3A_14 = arith.constant 0 : index
    %get3A_15 = arith.constant 0 : index
    %get3A_16 = vector.load %arg4[%get3A_14, %get3A_15] : memref<1x128xf32, #tpu.memory_space<vmem>>, vector<1x128xf32>
    %add3A_17 = vector.broadcast %get3A_16 : vector<1x128xf32> to vector<10000x128xf32>
    %add3A_18 = arith.addf %add3A, %add3A_17 : vector<10000x128xf32>
    %reduce_sum3A = arith.constant dense<0.000000e+00> : vector<128xf32>
    %reduce_sum3A_19 = vector.multi_reduction <add>, %add3A_18, %reduce_sum3A [0] : vector<10000x128xf32> to vector<128xf32>
    %broadcast_in_dim3A = vector.shape_cast %reduce_sum3A_19 : vector<128xf32> to vector<1x128xf32>
    %div3A = arith.constant 1.000000e+04 : f32
    %div3A_20 = vector.broadcast %div3A : f32 to vector<1x128xf32>
    %div3A_21 = arith.divf %broadcast_in_dim3A, %div3A_20 : vector<1x128xf32>
    %sub3A = vector.broadcast %div3A_21 : vector<1x128xf32> to vector<10000x128xf32>
    %sub3A_22 = arith.subf %add3A_18, %sub3A : vector<10000x128xf32>
    %mul3A = arith.mulf %sub3A_22, %sub3A_22 : vector<10000x128xf32>
    %reduce_sum3A_23 = arith.constant dense<0.000000e+00> : vector<128xf32>
    %reduce_sum3A_24 = vector.multi_reduction <add>, %mul3A, %reduce_sum3A_23 [0] : vector<10000x128xf32> to vector<128xf32>
    %broadcast_in_dim3A_25 = vector.shape_cast %reduce_sum3A_24 : vector<128xf32> to vector<1x128xf32>
    %div3A_26 = arith.constant 1.000000e+04 : f32
    %div3A_27 = vector.broadcast %div3A_26 : f32 to vector<1x128xf32>
    %div3A_28 = arith.divf %broadcast_in_dim3A_25, %div3A_27 : vector<1x128xf32>
    %add3A_29 = arith.constant 9.99999974E-6 : f32
    %add3A_30 = vector.broadcast %add3A_29 : f32 to vector<1x128xf32>
    %add3A_31 = arith.addf %div3A_28, %add3A_30 : vector<1x128xf32>
    %sqrt3A = math.sqrt %add3A_31 : vector<1x128xf32>
    %div3A_32 = vector.broadcast %sqrt3A : vector<1x128xf32> to vector<10000x128xf32>
    %div3A_33 = arith.divf %sub3A_22, %div3A_32 : vector<10000x128xf32>
    %get3A_34 = arith.constant 0 : index
    %get3A_35 = arith.constant 0 : index
    %get3A_36 = vector.load %arg5[%get3A_34, %get3A_35] : memref<1x128xf32, #tpu.memory_space<vmem>>, vector<1x128xf32>
    %mul3A_37 = vector.broadcast %get3A_36 : vector<1x128xf32> to vector<10000x128xf32>
    %mul3A_38 = arith.mulf %div3A_33, %mul3A_37 : vector<10000x128xf32>
    %get3A_39 = arith.constant 0 : index
    %get3A_40 = arith.constant 0 : index
    %get3A_41 = vector.load %arg6[%get3A_39, %get3A_40] : memref<1x128xf32, #tpu.memory_space<vmem>>, vector<1x128xf32>
    %add3A_42 = vector.broadcast %get3A_41 : vector<1x128xf32> to vector<10000x128xf32>
    %add3A_43 = arith.addf %mul3A_38, %add3A_42 : vector<10000x128xf32>
    %max3A = arith.constant 0.000000e+00 : f32
    %max3A_44 = vector.broadcast %max3A : f32 to vector<10000x128xf32>
    %max3A_45 = arith.maximumf %add3A_43, %max3A_44 : vector<10000x128xf32>
    %swap3A = arith.constant 0 : index
    %swap3A_46 = arith.constant 0 : index
    %swap3A_47 = vector.load %arg7[%swap3A, %swap3A_46] : memref<10064x128xf32, #tpu.memory_space<vmem>>, vector<10000x128xf32>
    tpu.vector_store %arg7[%swap3A, %swap3A_46], %max3A_45 {strides = array<i32>} : memref<10064x128xf32, #tpu.memory_space<vmem>>, vector<10000x128xf32>,
    %broadcast_in_dim3A_48 = arith.constant 0.000000e+00 : f32
    %broadcast_in_dim3A_49 = vector.broadcast %broadcast_in_dim3A_48 : f32 to vector<64x128xf32>
    %swap3A_50 = arith.constant 10000 : index
    %swap3A_51 = arith.constant 0 : index
    %swap3A_52 = vector.load %arg7[%swap3A_50, %swap3A_51] : memref<10064x128xf32, #tpu.memory_space<vmem>>, vector<64x128xf32>
    tpu.vector_store %arg7[%swap3A_50, %swap3A_51], %broadcast_in_dim3A_49 {strides = array<i32>} : memref<10064x128xf32, #tpu.memory_space<vmem>>, vector<64x128xf32>,
    return
  }
}

module attributes {stable_mosaic.version = 14 : i64} {
  func.func @_mlp_bcast_body(%arg0: memref<10064x128xf32, #tpu.memory_space<vmem>>, %arg1: memref<16x128xf32, #tpu.memory_space<vmem>>, %arg2: memref<16x128xf32, #tpu.memory_space<vmem>>, %arg3: memref<128x256xf32, #tpu.memory_space<vmem>>, %arg4: memref<1x256xf32, #tpu.memory_space<vmem>>, %arg5: memref<256x128xf32, #tpu.memory_space<vmem>>, %arg6: memref<1x128xf32, #tpu.memory_space<vmem>>, %arg7: memref<10000x1xi32, #tpu.memory_space<vmem>>, %arg8: memref<10000x128xf32, #tpu.memory_space<vmem>>, %arg9: memref<16x128xf32, #tpu.memory_space<vmem>>) attributes {dimension_semantics = [], scalar_prefetch = 0 : i64, scratch_operands = 0 : i64, tpu.core_type = #tpu.core_type<tc>} {
    %get3A = arith.constant 0 : index
    %get3A_0 = arith.constant 0 : index
    %get3A_1 = vector.load %arg1[%get3A, %get3A_0] : memref<16x128xf32, #tpu.memory_space<vmem>>, vector<16x128xf32>
    %get3A_2 = arith.constant 0 : index
    %get3A_3 = arith.constant 0 : index
    %get3A_4 = vector.load %arg2[%get3A_2, %get3A_3] : memref<16x128xf32, #tpu.memory_space<vmem>>, vector<16x128xf32>
    %add3A = arith.addf %get3A_1, %get3A_4 : vector<16x128xf32>
    %get3A_5 = arith.constant 0 : index
    %get3A_6 = arith.constant 0 : index
    %get3A_7 = vector.load %arg3[%get3A_5, %get3A_6] : memref<128x256xf32, #tpu.memory_space<vmem>>, vector<128x256xf32>
    %dot_general3A = arith.constant dense<0.000000e+00> : vector<16x256xf32>
    %dot_general3A_8 = tpu.matmul %add3A, %get3A_7, %dot_general3A {dimension_numbers = #tpu.dot_dimension_numbers<[1], [0], [0], [1], [0, 0, 1, 1], [], []>, transpose_lhs_hint = false} : vector<16x128xf32>, vector<128x256xf32>, vector<16x256xf32> -> vector<16x256xf32>
    %get3A_9 = arith.constant 0 : index
    %get3A_10 = arith.constant 0 : index
    %get3A_11 = vector.load %arg4[%get3A_9, %get3A_10] : memref<1x256xf32, #tpu.memory_space<vmem>>, vector<1x256xf32>
    %add3A_12 = vector.broadcast %get3A_11 : vector<1x256xf32> to vector<16x256xf32>
    %add3A_13 = arith.addf %dot_general3A_8, %add3A_12 : vector<16x256xf32>
    %max3A = arith.constant 0.000000e+00 : f32
    %max3A_14 = vector.broadcast %max3A : f32 to vector<16x256xf32>
    %max3A_15 = arith.maximumf %add3A_13, %max3A_14 : vector<16x256xf32>
    %get3A_16 = arith.constant 0 : index
    %get3A_17 = arith.constant 0 : index
    %get3A_18 = vector.load %arg5[%get3A_16, %get3A_17] : memref<256x128xf32, #tpu.memory_space<vmem>>, vector<256x128xf32>
    %dot_general3A_19 = arith.constant dense<0.000000e+00> : vector<16x128xf32>
    %dot_general3A_20 = tpu.matmul %max3A_15, %get3A_18, %dot_general3A_19 {dimension_numbers = #tpu.dot_dimension_numbers<[1], [0], [0], [1], [0, 0, 1, 1], [], []>, transpose_lhs_hint = false} : vector<16x256xf32>, vector<256x128xf32>, vector<16x128xf32> -> vector<16x128xf32>
    %get3A_21 = arith.constant 0 : index
    %get3A_22 = arith.constant 0 : index
    %get3A_23 = vector.load %arg6[%get3A_21, %get3A_22] : memref<1x128xf32, #tpu.memory_space<vmem>>, vector<1x128xf32>
    %add3A_24 = vector.broadcast %get3A_23 : vector<1x128xf32> to vector<16x128xf32>
    %add3A_25 = arith.addf %dot_general3A_20, %add3A_24 : vector<16x128xf32>
    %swap3A = arith.constant 0 : index
    %swap3A_26 = arith.constant 0 : index
    %swap3A_27 = vector.load %arg9[%swap3A, %swap3A_26] : memref<16x128xf32, #tpu.memory_space<vmem>>, vector<16x128xf32>
    tpu.vector_store %arg9[%swap3A, %swap3A_26], %add3A_25 {strides = array<i32>} : memref<16x128xf32, #tpu.memory_space<vmem>>, vector<16x128xf32>,
    %get3A_28 = arith.constant 0 : index
    %get3A_29 = arith.constant 0 : index
    %get3A_30 = vector.load %arg0[%get3A_28, %get3A_29] : memref<10064x128xf32, #tpu.memory_space<vmem>>, vector<10000x128xf32>
    %get3A_31 = arith.constant 0 : index
    %get3A_32 = arith.constant 0 : index
    %get3A_33 = vector.load %arg7[%get3A_31, %get3A_32] : memref<10000x1xi32, #tpu.memory_space<vmem>>, vector<10000x1xi32>
    %broadcast_in_dim3A = vector.shape_cast %get3A_33 : vector<10000x1xi32> to vector<10000x1xi32>
    %broadcast_in_dim3A_34 = vector.broadcast %broadcast_in_dim3A : vector<10000x1xi32> to vector<10000x128xi32>
    %slice3A = vector.extract_strided_slice %add3A_25 {offsets = [0, 0], sizes = [1, 128], strides = [1, 1]} : vector<16x128xf32> to vector<1x128xf32>
    %broadcast_in_dim3A_35 = vector.shape_cast %slice3A : vector<1x128xf32> to vector<1x128xf32>
    %broadcast_in_dim3A_36 = vector.broadcast %broadcast_in_dim3A_35 : vector<1x128xf32> to vector<10000x128xf32>
    %eq3A = arith.constant 0 : i32
    %eq3A_37 = vector.broadcast %eq3A : i32 to vector<10000x128xi32>
    %eq3A_38 = arith.cmpi eq, %broadcast_in_dim3A_34, %eq3A_37 : vector<10000x128xi32>
    %jit3A = arith.constant 0.000000e+00 : f32
    %broadcast_in_dim3A_39 = vector.broadcast %jit3A : f32 to vector<10000x128xf32>
    %select_n3A = arith.select %eq3A_38, %broadcast_in_dim3A_36, %broadcast_in_dim3A_39 : vector<10000x128xi1>, vector<10000x128xf32>
    %add3A_40 = arith.addf %get3A_30, %select_n3A : vector<10000x128xf32>
    %slice3A_41 = vector.extract_strided_slice %add3A_25 {offsets = [1, 0], sizes = [1, 128], strides = [1, 1]} : vector<16x128xf32> to vector<1x128xf32>
    %broadcast_in_dim3A_42 = vector.shape_cast %slice3A_41 : vector<1x128xf32> to vector<1x128xf32>
    %broadcast_in_dim3A_43 = vector.broadcast %broadcast_in_dim3A_42 : vector<1x128xf32> to vector<10000x128xf32>
    %eq3A_44 = arith.constant 1 : i32
    %eq3A_45 = vector.broadcast %eq3A_44 : i32 to vector<10000x128xi32>
    %eq3A_46 = arith.cmpi eq, %broadcast_in_dim3A_34, %eq3A_45 : vector<10000x128xi32>
    %jit3A_47 = arith.constant 0.000000e+00 : f32
    %broadcast_in_dim3A_48 = vector.broadcast %jit3A_47 : f32 to vector<10000x128xf32>
    %select_n3A_49 = arith.select %eq3A_46, %broadcast_in_dim3A_43, %broadcast_in_dim3A_48 : vector<10000x128xi1>, vector<10000x128xf32>
    %add3A_50 = arith.addf %add3A_40, %select_n3A_49 : vector<10000x128xf32>
    %slice3A_51 = vector.extract_strided_slice %add3A_25 {offsets = [2, 0], sizes = [1, 128], strides = [1, 1]} : vector<16x128xf32> to vector<1x128xf32>
    %broadcast_in_dim3A_52 = vector.shape_cast %slice3A_51 : vector<1x128xf32> to vector<1x128xf32>
    %broadcast_in_dim3A_53 = vector.broadcast %broadcast_in_dim3A_52 : vector<1x128xf32> to vector<10000x128xf32>
    %eq3A_54 = arith.constant 2 : i32
    %eq3A_55 = vector.broadcast %eq3A_54 : i32 to vector<10000x128xi32>
    %eq3A_56 = arith.cmpi eq, %broadcast_in_dim3A_34, %eq3A_55 : vector<10000x128xi32>
    %jit3A_57 = arith.constant 0.000000e+00 : f32
    %broadcast_in_dim3A_58 = vector.broadcast %jit3A_57 : f32 to vector<10000x128xf32>
    %select_n3A_59 = arith.select %eq3A_56, %broadcast_in_dim3A_53, %broadcast_in_dim3A_58 : vector<10000x128xi1>, vector<10000x128xf32>
    %add3A_60 = arith.addf %add3A_50, %select_n3A_59 : vector<10000x128xf32>
    %slice3A_61 = vector.extract_strided_slice %add3A_25 {offsets = [3, 0], sizes = [1, 128], strides = [1, 1]} : vector<16x128xf32> to vector<1x128xf32>
    %broadcast_in_dim3A_62 = vector.shape_cast %slice3A_61 : vector<1x128xf32> to vector<1x128xf32>
    %broadcast_in_dim3A_63 = vector.broadcast %broadcast_in_dim3A_62 : vector<1x128xf32> to vector<10000x128xf32>
    %eq3A_64 = arith.constant 3 : i32
    %eq3A_65 = vector.broadcast %eq3A_64 : i32 to vector<10000x128xi32>
    %eq3A_66 = arith.cmpi eq, %broadcast_in_dim3A_34, %eq3A_65 : vector<10000x128xi32>
    %jit3A_67 = arith.constant 0.000000e+00 : f32
    %broadcast_in_dim3A_68 = vector.broadcast %jit3A_67 : f32 to vector<10000x128xf32>
    %select_n3A_69 = arith.select %eq3A_66, %broadcast_in_dim3A_63, %broadcast_in_dim3A_68 : vector<10000x128xi1>, vector<10000x128xf32>
    %add3A_70 = arith.addf %add3A_60, %select_n3A_69 : vector<10000x128xf32>
    %slice3A_71 = vector.extract_strided_slice %add3A_25 {offsets = [4, 0], sizes = [1, 128], strides = [1, 1]} : vector<16x128xf32> to vector<1x128xf32>
    %broadcast_in_dim3A_72 = vector.shape_cast %slice3A_71 : vector<1x128xf32> to vector<1x128xf32>
    %broadcast_in_dim3A_73 = vector.broadcast %broadcast_in_dim3A_72 : vector<1x128xf32> to vector<10000x128xf32>
    %eq3A_74 = arith.constant 4 : i32
    %eq3A_75 = vector.broadcast %eq3A_74 : i32 to vector<10000x128xi32>
    %eq3A_76 = arith.cmpi eq, %broadcast_in_dim3A_34, %eq3A_75 : vector<10000x128xi32>
    %jit3A_77 = arith.constant 0.000000e+00 : f32
    %broadcast_in_dim3A_78 = vector.broadcast %jit3A_77 : f32 to vector<10000x128xf32>
    %select_n3A_79 = arith.select %eq3A_76, %broadcast_in_dim3A_73, %broadcast_in_dim3A_78 : vector<10000x128xi1>, vector<10000x128xf32>
    %add3A_80 = arith.addf %add3A_70, %select_n3A_79 : vector<10000x128xf32>
    %slice3A_81 = vector.extract_strided_slice %add3A_25 {offsets = [5, 0], sizes = [1, 128], strides = [1, 1]} : vector<16x128xf32> to vector<1x128xf32>
    %broadcast_in_dim3A_82 = vector.shape_cast %slice3A_81 : vector<1x128xf32> to vector<1x128xf32>
    %broadcast_in_dim3A_83 = vector.broadcast %broadcast_in_dim3A_82 : vector<1x128xf32> to vector<10000x128xf32>
    %eq3A_84 = arith.constant 5 : i32
    %eq3A_85 = vector.broadcast %eq3A_84 : i32 to vector<10000x128xi32>
    %eq3A_86 = arith.cmpi eq, %broadcast_in_dim3A_34, %eq3A_85 : vector<10000x128xi32>
    %jit3A_87 = arith.constant 0.000000e+00 : f32
    %broadcast_in_dim3A_88 = vector.broadcast %jit3A_87 : f32 to vector<10000x128xf32>
    %select_n3A_89 = arith.select %eq3A_86, %broadcast_in_dim3A_83, %broadcast_in_dim3A_88 : vector<10000x128xi1>, vector<10000x128xf32>
    %add3A_90 = arith.addf %add3A_80, %select_n3A_89 : vector<10000x128xf32>
    %slice3A_91 = vector.extract_strided_slice %add3A_25 {offsets = [6, 0], sizes = [1, 128], strides = [1, 1]} : vector<16x128xf32> to vector<1x128xf32>
    %broadcast_in_dim3A_92 = vector.shape_cast %slice3A_91 : vector<1x128xf32> to vector<1x128xf32>
    %broadcast_in_dim3A_93 = vector.broadcast %broadcast_in_dim3A_92 : vector<1x128xf32> to vector<10000x128xf32>
    %eq3A_94 = arith.constant 6 : i32
    %eq3A_95 = vector.broadcast %eq3A_94 : i32 to vector<10000x128xi32>
    %eq3A_96 = arith.cmpi eq, %broadcast_in_dim3A_34, %eq3A_95 : vector<10000x128xi32>
    %jit3A_97 = arith.constant 0.000000e+00 : f32
    %broadcast_in_dim3A_98 = vector.broadcast %jit3A_97 : f32 to vector<10000x128xf32>
    %select_n3A_99 = arith.select %eq3A_96, %broadcast_in_dim3A_93, %broadcast_in_dim3A_98 : vector<10000x128xi1>, vector<10000x128xf32>
    %add3A_100 = arith.addf %add3A_90, %select_n3A_99 : vector<10000x128xf32>
    %slice3A_101 = vector.extract_strided_slice %add3A_25 {offsets = [7, 0], sizes = [1, 128], strides = [1, 1]} : vector<16x128xf32> to vector<1x128xf32>
    %broadcast_in_dim3A_102 = vector.shape_cast %slice3A_101 : vector<1x128xf32> to vector<1x128xf32>
    %broadcast_in_dim3A_103 = vector.broadcast %broadcast_in_dim3A_102 : vector<1x128xf32> to vector<10000x128xf32>
    %eq3A_104 = arith.constant 7 : i32
    %eq3A_105 = vector.broadcast %eq3A_104 : i32 to vector<10000x128xi32>
    %eq3A_106 = arith.cmpi eq, %broadcast_in_dim3A_34, %eq3A_105 : vector<10000x128xi32>
    %jit3A_107 = arith.constant 0.000000e+00 : f32
    %broadcast_in_dim3A_108 = vector.broadcast %jit3A_107 : f32 to vector<10000x128xf32>
    %select_n3A_109 = arith.select %eq3A_106, %broadcast_in_dim3A_103, %broadcast_in_dim3A_108 : vector<10000x128xi1>, vector<10000x128xf32>
    %add3A_110 = arith.addf %add3A_100, %select_n3A_109 : vector<10000x128xf32>
    %slice3A_111 = vector.extract_strided_slice %add3A_25 {offsets = [8, 0], sizes = [1, 128], strides = [1, 1]} : vector<16x128xf32> to vector<1x128xf32>
    %broadcast_in_dim3A_112 = vector.shape_cast %slice3A_111 : vector<1x128xf32> to vector<1x128xf32>
    %broadcast_in_dim3A_113 = vector.broadcast %broadcast_in_dim3A_112 : vector<1x128xf32> to vector<10000x128xf32>
    %eq3A_114 = arith.constant 8 : i32
    %eq3A_115 = vector.broadcast %eq3A_114 : i32 to vector<10000x128xi32>
    %eq3A_116 = arith.cmpi eq, %broadcast_in_dim3A_34, %eq3A_115 : vector<10000x128xi32>
    %jit3A_117 = arith.constant 0.000000e+00 : f32
    %broadcast_in_dim3A_118 = vector.broadcast %jit3A_117 : f32 to vector<10000x128xf32>
    %select_n3A_119 = arith.select %eq3A_116, %broadcast_in_dim3A_113, %broadcast_in_dim3A_118 : vector<10000x128xi1>, vector<10000x128xf32>
    %add3A_120 = arith.addf %add3A_110, %select_n3A_119 : vector<10000x128xf32>
    %slice3A_121 = vector.extract_strided_slice %add3A_25 {offsets = [9, 0], sizes = [1, 128], strides = [1, 1]} : vector<16x128xf32> to vector<1x128xf32>
    %broadcast_in_dim3A_122 = vector.shape_cast %slice3A_121 : vector<1x128xf32> to vector<1x128xf32>
    %broadcast_in_dim3A_123 = vector.broadcast %broadcast_in_dim3A_122 : vector<1x128xf32> to vector<10000x128xf32>
    %eq3A_124 = arith.constant 9 : i32
    %eq3A_125 = vector.broadcast %eq3A_124 : i32 to vector<10000x128xi32>
    %eq3A_126 = arith.cmpi eq, %broadcast_in_dim3A_34, %eq3A_125 : vector<10000x128xi32>
    %jit3A_127 = arith.constant 0.000000e+00 : f32
    %broadcast_in_dim3A_128 = vector.broadcast %jit3A_127 : f32 to vector<10000x128xf32>
    %select_n3A_129 = arith.select %eq3A_126, %broadcast_in_dim3A_123, %broadcast_in_dim3A_128 : vector<10000x128xi1>, vector<10000x128xf32>
    %add3A_130 = arith.addf %add3A_120, %select_n3A_129 : vector<10000x128xf32>
    %swap3A_131 = arith.constant 0 : index
    %swap3A_132 = arith.constant 0 : index
    %swap3A_133 = vector.load %arg8[%swap3A_131, %swap3A_132] : memref<10000x128xf32, #tpu.memory_space<vmem>>, vector<10000x128xf32>
    tpu.vector_store %arg8[%swap3A_131, %swap3A_132], %add3A_130 {strides = array<i32>} : memref<10000x128xf32, #tpu.memory_space<vmem>>, vector<10000x128xf32>,
    return
  }
}

module attributes {stable_mosaic.version = 14 : i64} {
  func.func @_mlp_bcast_body(%arg0: memref<10064x128xf32, #tpu.memory_space<vmem>>, %arg1: memref<16x128xf32, #tpu.memory_space<vmem>>, %arg2: memref<16x128xf32, #tpu.memory_space<vmem>>, %arg3: memref<128x256xf32, #tpu.memory_space<vmem>>, %arg4: memref<1x256xf32, #tpu.memory_space<vmem>>, %arg5: memref<256x128xf32, #tpu.memory_space<vmem>>, %arg6: memref<1x128xf32, #tpu.memory_space<vmem>>, %arg7: memref<10000x1xi32, #tpu.memory_space<vmem>>, %arg8: memref<10000x128xf32, #tpu.memory_space<vmem>>, %arg9: memref<16x128xf32, #tpu.memory_space<vmem>>) attributes {dimension_semantics = [], scalar_prefetch = 0 : i64, scratch_operands = 0 : i64, tpu.core_type = #tpu.core_type<tc>} {
    %get3A = arith.constant 0 : index
    %get3A_0 = arith.constant 0 : index
    %get3A_1 = vector.load %arg1[%get3A, %get3A_0] : memref<16x128xf32, #tpu.memory_space<vmem>>, vector<16x128xf32>
    %get3A_2 = arith.constant 0 : index
    %get3A_3 = arith.constant 0 : index
    %get3A_4 = vector.load %arg2[%get3A_2, %get3A_3] : memref<16x128xf32, #tpu.memory_space<vmem>>, vector<16x128xf32>
    %add3A = arith.addf %get3A_1, %get3A_4 : vector<16x128xf32>
    %get3A_5 = arith.constant 0 : index
    %get3A_6 = arith.constant 0 : index
    %get3A_7 = vector.load %arg3[%get3A_5, %get3A_6] : memref<128x256xf32, #tpu.memory_space<vmem>>, vector<128x256xf32>
    %dot_general3A = arith.constant dense<0.000000e+00> : vector<16x256xf32>
    %dot_general3A_8 = tpu.matmul %add3A, %get3A_7, %dot_general3A {dimension_numbers = #tpu.dot_dimension_numbers<[1], [0], [0], [1], [0, 0, 1, 1], [], []>, transpose_lhs_hint = false} : vector<16x128xf32>, vector<128x256xf32>, vector<16x256xf32> -> vector<16x256xf32>
    %get3A_9 = arith.constant 0 : index
    %get3A_10 = arith.constant 0 : index
    %get3A_11 = vector.load %arg4[%get3A_9, %get3A_10] : memref<1x256xf32, #tpu.memory_space<vmem>>, vector<1x256xf32>
    %add3A_12 = vector.broadcast %get3A_11 : vector<1x256xf32> to vector<16x256xf32>
    %add3A_13 = arith.addf %dot_general3A_8, %add3A_12 : vector<16x256xf32>
    %max3A = arith.constant 0.000000e+00 : f32
    %max3A_14 = vector.broadcast %max3A : f32 to vector<16x256xf32>
    %max3A_15 = arith.maximumf %add3A_13, %max3A_14 : vector<16x256xf32>
    %get3A_16 = arith.constant 0 : index
    %get3A_17 = arith.constant 0 : index
    %get3A_18 = vector.load %arg5[%get3A_16, %get3A_17] : memref<256x128xf32, #tpu.memory_space<vmem>>, vector<256x128xf32>
    %dot_general3A_19 = arith.constant dense<0.000000e+00> : vector<16x128xf32>
    %dot_general3A_20 = tpu.matmul %max3A_15, %get3A_18, %dot_general3A_19 {dimension_numbers = #tpu.dot_dimension_numbers<[1], [0], [0], [1], [0, 0, 1, 1], [], []>, transpose_lhs_hint = false} : vector<16x256xf32>, vector<256x128xf32>, vector<16x128xf32> -> vector<16x128xf32>
    %get3A_21 = arith.constant 0 : index
    %get3A_22 = arith.constant 0 : index
    %get3A_23 = vector.load %arg6[%get3A_21, %get3A_22] : memref<1x128xf32, #tpu.memory_space<vmem>>, vector<1x128xf32>
    %add3A_24 = vector.broadcast %get3A_23 : vector<1x128xf32> to vector<16x128xf32>
    %add3A_25 = arith.addf %dot_general3A_20, %add3A_24 : vector<16x128xf32>
    %swap3A = arith.constant 0 : index
    %swap3A_26 = arith.constant 0 : index
    %swap3A_27 = vector.load %arg9[%swap3A, %swap3A_26] : memref<16x128xf32, #tpu.memory_space<vmem>>, vector<16x128xf32>
    tpu.vector_store %arg9[%swap3A, %swap3A_26], %add3A_25 {strides = array<i32>} : memref<16x128xf32, #tpu.memory_space<vmem>>, vector<16x128xf32>,
    %get3A_28 = arith.constant 0 : index
    %get3A_29 = arith.constant 0 : index
    %get3A_30 = vector.load %arg0[%get3A_28, %get3A_29] : memref<10064x128xf32, #tpu.memory_space<vmem>>, vector<10000x128xf32>
    %get3A_31 = arith.constant 0 : index
    %get3A_32 = arith.constant 0 : index
    %get3A_33 = vector.load %arg7[%get3A_31, %get3A_32] : memref<10000x1xi32, #tpu.memory_space<vmem>>, vector<10000x1xi32>
    %broadcast_in_dim3A = vector.shape_cast %get3A_33 : vector<10000x1xi32> to vector<10000x1xi32>
    %broadcast_in_dim3A_34 = vector.broadcast %broadcast_in_dim3A : vector<10000x1xi32> to vector<10000x128xi32>
    %slice3A = vector.extract_strided_slice %add3A_25 {offsets = [0, 0], sizes = [1, 128], strides = [1, 1]} : vector<16x128xf32> to vector<1x128xf32>
    %broadcast_in_dim3A_35 = vector.shape_cast %slice3A : vector<1x128xf32> to vector<1x128xf32>
    %broadcast_in_dim3A_36 = vector.broadcast %broadcast_in_dim3A_35 : vector<1x128xf32> to vector<10000x128xf32>
    %eq3A = arith.constant 0 : i32
    %eq3A_37 = vector.broadcast %eq3A : i32 to vector<10000x128xi32>
    %eq3A_38 = arith.cmpi eq, %broadcast_in_dim3A_34, %eq3A_37 : vector<10000x128xi32>
    %jit3A = arith.constant 0.000000e+00 : f32
    %broadcast_in_dim3A_39 = vector.broadcast %jit3A : f32 to vector<10000x128xf32>
    %select_n3A = arith.select %eq3A_38, %broadcast_in_dim3A_36, %broadcast_in_dim3A_39 : vector<10000x128xi1>, vector<10000x128xf32>
    %add3A_40 = arith.addf %get3A_30, %select_n3A : vector<10000x128xf32>
    %slice3A_41 = vector.extract_strided_slice %add3A_25 {offsets = [1, 0], sizes = [1, 128], strides = [1, 1]} : vector<16x128xf32> to vector<1x128xf32>
    %broadcast_in_dim3A_42 = vector.shape_cast %slice3A_41 : vector<1x128xf32> to vector<1x128xf32>
    %broadcast_in_dim3A_43 = vector.broadcast %broadcast_in_dim3A_42 : vector<1x128xf32> to vector<10000x128xf32>
    %eq3A_44 = arith.constant 1 : i32
    %eq3A_45 = vector.broadcast %eq3A_44 : i32 to vector<10000x128xi32>
    %eq3A_46 = arith.cmpi eq, %broadcast_in_dim3A_34, %eq3A_45 : vector<10000x128xi32>
    %jit3A_47 = arith.constant 0.000000e+00 : f32
    %broadcast_in_dim3A_48 = vector.broadcast %jit3A_47 : f32 to vector<10000x128xf32>
    %select_n3A_49 = arith.select %eq3A_46, %broadcast_in_dim3A_43, %broadcast_in_dim3A_48 : vector<10000x128xi1>, vector<10000x128xf32>
    %add3A_50 = arith.addf %add3A_40, %select_n3A_49 : vector<10000x128xf32>
    %slice3A_51 = vector.extract_strided_slice %add3A_25 {offsets = [2, 0], sizes = [1, 128], strides = [1, 1]} : vector<16x128xf32> to vector<1x128xf32>
    %broadcast_in_dim3A_52 = vector.shape_cast %slice3A_51 : vector<1x128xf32> to vector<1x128xf32>
    %broadcast_in_dim3A_53 = vector.broadcast %broadcast_in_dim3A_52 : vector<1x128xf32> to vector<10000x128xf32>
    %eq3A_54 = arith.constant 2 : i32
    %eq3A_55 = vector.broadcast %eq3A_54 : i32 to vector<10000x128xi32>
    %eq3A_56 = arith.cmpi eq, %broadcast_in_dim3A_34, %eq3A_55 : vector<10000x128xi32>
    %jit3A_57 = arith.constant 0.000000e+00 : f32
    %broadcast_in_dim3A_58 = vector.broadcast %jit3A_57 : f32 to vector<10000x128xf32>
    %select_n3A_59 = arith.select %eq3A_56, %broadcast_in_dim3A_53, %broadcast_in_dim3A_58 : vector<10000x128xi1>, vector<10000x128xf32>
    %add3A_60 = arith.addf %add3A_50, %select_n3A_59 : vector<10000x128xf32>
    %slice3A_61 = vector.extract_strided_slice %add3A_25 {offsets = [3, 0], sizes = [1, 128], strides = [1, 1]} : vector<16x128xf32> to vector<1x128xf32>
    %broadcast_in_dim3A_62 = vector.shape_cast %slice3A_61 : vector<1x128xf32> to vector<1x128xf32>
    %broadcast_in_dim3A_63 = vector.broadcast %broadcast_in_dim3A_62 : vector<1x128xf32> to vector<10000x128xf32>
    %eq3A_64 = arith.constant 3 : i32
    %eq3A_65 = vector.broadcast %eq3A_64 : i32 to vector<10000x128xi32>
    %eq3A_66 = arith.cmpi eq, %broadcast_in_dim3A_34, %eq3A_65 : vector<10000x128xi32>
    %jit3A_67 = arith.constant 0.000000e+00 : f32
    %broadcast_in_dim3A_68 = vector.broadcast %jit3A_67 : f32 to vector<10000x128xf32>
    %select_n3A_69 = arith.select %eq3A_66, %broadcast_in_dim3A_63, %broadcast_in_dim3A_68 : vector<10000x128xi1>, vector<10000x128xf32>
    %add3A_70 = arith.addf %add3A_60, %select_n3A_69 : vector<10000x128xf32>
    %slice3A_71 = vector.extract_strided_slice %add3A_25 {offsets = [4, 0], sizes = [1, 128], strides = [1, 1]} : vector<16x128xf32> to vector<1x128xf32>
    %broadcast_in_dim3A_72 = vector.shape_cast %slice3A_71 : vector<1x128xf32> to vector<1x128xf32>
    %broadcast_in_dim3A_73 = vector.broadcast %broadcast_in_dim3A_72 : vector<1x128xf32> to vector<10000x128xf32>
    %eq3A_74 = arith.constant 4 : i32
    %eq3A_75 = vector.broadcast %eq3A_74 : i32 to vector<10000x128xi32>
    %eq3A_76 = arith.cmpi eq, %broadcast_in_dim3A_34, %eq3A_75 : vector<10000x128xi32>
    %jit3A_77 = arith.constant 0.000000e+00 : f32
    %broadcast_in_dim3A_78 = vector.broadcast %jit3A_77 : f32 to vector<10000x128xf32>
    %select_n3A_79 = arith.select %eq3A_76, %broadcast_in_dim3A_73, %broadcast_in_dim3A_78 : vector<10000x128xi1>, vector<10000x128xf32>
    %add3A_80 = arith.addf %add3A_70, %select_n3A_79 : vector<10000x128xf32>
    %slice3A_81 = vector.extract_strided_slice %add3A_25 {offsets = [5, 0], sizes = [1, 128], strides = [1, 1]} : vector<16x128xf32> to vector<1x128xf32>
    %broadcast_in_dim3A_82 = vector.shape_cast %slice3A_81 : vector<1x128xf32> to vector<1x128xf32>
    %broadcast_in_dim3A_83 = vector.broadcast %broadcast_in_dim3A_82 : vector<1x128xf32> to vector<10000x128xf32>
    %eq3A_84 = arith.constant 5 : i32
    %eq3A_85 = vector.broadcast %eq3A_84 : i32 to vector<10000x128xi32>
    %eq3A_86 = arith.cmpi eq, %broadcast_in_dim3A_34, %eq3A_85 : vector<10000x128xi32>
    %jit3A_87 = arith.constant 0.000000e+00 : f32
    %broadcast_in_dim3A_88 = vector.broadcast %jit3A_87 : f32 to vector<10000x128xf32>
    %select_n3A_89 = arith.select %eq3A_86, %broadcast_in_dim3A_83, %broadcast_in_dim3A_88 : vector<10000x128xi1>, vector<10000x128xf32>
    %add3A_90 = arith.addf %add3A_80, %select_n3A_89 : vector<10000x128xf32>
    %slice3A_91 = vector.extract_strided_slice %add3A_25 {offsets = [6, 0], sizes = [1, 128], strides = [1, 1]} : vector<16x128xf32> to vector<1x128xf32>
    %broadcast_in_dim3A_92 = vector.shape_cast %slice3A_91 : vector<1x128xf32> to vector<1x128xf32>
    %broadcast_in_dim3A_93 = vector.broadcast %broadcast_in_dim3A_92 : vector<1x128xf32> to vector<10000x128xf32>
    %eq3A_94 = arith.constant 6 : i32
    %eq3A_95 = vector.broadcast %eq3A_94 : i32 to vector<10000x128xi32>
    %eq3A_96 = arith.cmpi eq, %broadcast_in_dim3A_34, %eq3A_95 : vector<10000x128xi32>
    %jit3A_97 = arith.constant 0.000000e+00 : f32
    %broadcast_in_dim3A_98 = vector.broadcast %jit3A_97 : f32 to vector<10000x128xf32>
    %select_n3A_99 = arith.select %eq3A_96, %broadcast_in_dim3A_93, %broadcast_in_dim3A_98 : vector<10000x128xi1>, vector<10000x128xf32>
    %add3A_100 = arith.addf %add3A_90, %select_n3A_99 : vector<10000x128xf32>
    %slice3A_101 = vector.extract_strided_slice %add3A_25 {offsets = [7, 0], sizes = [1, 128], strides = [1, 1]} : vector<16x128xf32> to vector<1x128xf32>
    %broadcast_in_dim3A_102 = vector.shape_cast %slice3A_101 : vector<1x128xf32> to vector<1x128xf32>
    %broadcast_in_dim3A_103 = vector.broadcast %broadcast_in_dim3A_102 : vector<1x128xf32> to vector<10000x128xf32>
    %eq3A_104 = arith.constant 7 : i32
    %eq3A_105 = vector.broadcast %eq3A_104 : i32 to vector<10000x128xi32>
    %eq3A_106 = arith.cmpi eq, %broadcast_in_dim3A_34, %eq3A_105 : vector<10000x128xi32>
    %jit3A_107 = arith.constant 0.000000e+00 : f32
    %broadcast_in_dim3A_108 = vector.broadcast %jit3A_107 : f32 to vector<10000x128xf32>
    %select_n3A_109 = arith.select %eq3A_106, %broadcast_in_dim3A_103, %broadcast_in_dim3A_108 : vector<10000x128xi1>, vector<10000x128xf32>
    %add3A_110 = arith.addf %add3A_100, %select_n3A_109 : vector<10000x128xf32>
    %slice3A_111 = vector.extract_strided_slice %add3A_25 {offsets = [8, 0], sizes = [1, 128], strides = [1, 1]} : vector<16x128xf32> to vector<1x128xf32>
    %broadcast_in_dim3A_112 = vector.shape_cast %slice3A_111 : vector<1x128xf32> to vector<1x128xf32>
    %broadcast_in_dim3A_113 = vector.broadcast %broadcast_in_dim3A_112 : vector<1x128xf32> to vector<10000x128xf32>
    %eq3A_114 = arith.constant 8 : i32
    %eq3A_115 = vector.broadcast %eq3A_114 : i32 to vector<10000x128xi32>
    %eq3A_116 = arith.cmpi eq, %broadcast_in_dim3A_34, %eq3A_115 : vector<10000x128xi32>
    %jit3A_117 = arith.constant 0.000000e+00 : f32
    %broadcast_in_dim3A_118 = vector.broadcast %jit3A_117 : f32 to vector<10000x128xf32>
    %select_n3A_119 = arith.select %eq3A_116, %broadcast_in_dim3A_113, %broadcast_in_dim3A_118 : vector<10000x128xi1>, vector<10000x128xf32>
    %add3A_120 = arith.addf %add3A_110, %select_n3A_119 : vector<10000x128xf32>
    %slice3A_121 = vector.extract_strided_slice %add3A_25 {offsets = [9, 0], sizes = [1, 128], strides = [1, 1]} : vector<16x128xf32> to vector<1x128xf32>
    %broadcast_in_dim3A_122 = vector.shape_cast %slice3A_121 : vector<1x128xf32> to vector<1x128xf32>
    %broadcast_in_dim3A_123 = vector.broadcast %broadcast_in_dim3A_122 : vector<1x128xf32> to vector<10000x128xf32>
    %eq3A_124 = arith.constant 9 : i32
    %eq3A_125 = vector.broadcast %eq3A_124 : i32 to vector<10000x128xi32>
    %eq3A_126 = arith.cmpi eq, %broadcast_in_dim3A_34, %eq3A_125 : vector<10000x128xi32>
    %jit3A_127 = arith.constant 0.000000e+00 : f32
    %broadcast_in_dim3A_128 = vector.broadcast %jit3A_127 : f32 to vector<10000x128xf32>
    %select_n3A_129 = arith.select %eq3A_126, %broadcast_in_dim3A_123, %broadcast_in_dim3A_128 : vector<10000x128xi1>, vector<10000x128xf32>
    %add3A_130 = arith.addf %add3A_120, %select_n3A_129 : vector<10000x128xf32>
    %swap3A_131 = arith.constant 0 : index
    %swap3A_132 = arith.constant 0 : index
    %swap3A_133 = vector.load %arg8[%swap3A_131, %swap3A_132] : memref<10000x128xf32, #tpu.memory_space<vmem>>, vector<10000x128xf32>
    tpu.vector_store %arg8[%swap3A_131, %swap3A_132], %add3A_130 {strides = array<i32>} : memref<10000x128xf32, #tpu.memory_space<vmem>>, vector<10000x128xf32>,
    return
  }
}

module attributes {stable_mosaic.version = 14 : i64} {
  func.func @_dense_last_body(%arg0: memref<10000x128xf32, #tpu.memory_space<vmem>>, %arg1: memref<10000x128xf32, #tpu.memory_space<vmem>>, %arg2: memref<128x128xf32, #tpu.memory_space<vmem>>, %arg3: memref<128x128xf32, #tpu.memory_space<vmem>>, %arg4: memref<1x128xf32, #tpu.memory_space<vmem>>, %arg5: memref<1x128xf32, #tpu.memory_space<vmem>>, %arg6: memref<1x128xf32, #tpu.memory_space<vmem>>, %arg7: memref<10000x128xf32, #tpu.memory_space<vmem>>) attributes {dimension_semantics = [], scalar_prefetch = 0 : i64, scratch_operands = 0 : i64, tpu.core_type = #tpu.core_type<tc>} {
    %get3A = arith.constant 0 : index
    %get3A_0 = arith.constant 0 : index
    %get3A_1 = vector.load %arg0[%get3A, %get3A_0] : memref<10000x128xf32, #tpu.memory_space<vmem>>, vector<10000x128xf32>
    %get3A_2 = arith.constant 0 : index
    %get3A_3 = arith.constant 0 : index
    %get3A_4 = vector.load %arg2[%get3A_2, %get3A_3] : memref<128x128xf32, #tpu.memory_space<vmem>>, vector<128x128xf32>
    %dot_general3A = arith.constant dense<0.000000e+00> : vector<10000x128xf32>
    %dot_general3A_5 = tpu.matmul %get3A_1, %get3A_4, %dot_general3A {dimension_numbers = #tpu.dot_dimension_numbers<[1], [0], [0], [1], [0, 0, 1, 1], [], []>, transpose_lhs_hint = false} : vector<10000x128xf32>, vector<128x128xf32>, vector<10000x128xf32> -> vector<10000x128xf32>
    %get3A_6 = arith.constant 0 : index
    %get3A_7 = arith.constant 0 : index
    %get3A_8 = vector.load %arg1[%get3A_6, %get3A_7] : memref<10000x128xf32, #tpu.memory_space<vmem>>, vector<10000x128xf32>
    %get3A_9 = arith.constant 0 : index
    %get3A_10 = arith.constant 0 : index
    %get3A_11 = vector.load %arg3[%get3A_9, %get3A_10] : memref<128x128xf32, #tpu.memory_space<vmem>>, vector<128x128xf32>
    %dot_general3A_12 = arith.constant dense<0.000000e+00> : vector<10000x128xf32>
    %dot_general3A_13 = tpu.matmul %get3A_8, %get3A_11, %dot_general3A_12 {dimension_numbers = #tpu.dot_dimension_numbers<[1], [0], [0], [1], [0, 0, 1, 1], [], []>, transpose_lhs_hint = false} : vector<10000x128xf32>, vector<128x128xf32>, vector<10000x128xf32> -> vector<10000x128xf32>
    %add3A = arith.addf %dot_general3A_5, %dot_general3A_13 : vector<10000x128xf32>
    %get3A_14 = arith.constant 0 : index
    %get3A_15 = arith.constant 0 : index
    %get3A_16 = vector.load %arg4[%get3A_14, %get3A_15] : memref<1x128xf32, #tpu.memory_space<vmem>>, vector<1x128xf32>
    %add3A_17 = vector.broadcast %get3A_16 : vector<1x128xf32> to vector<10000x128xf32>
    %add3A_18 = arith.addf %add3A, %add3A_17 : vector<10000x128xf32>
    %reduce_sum3A = arith.constant dense<0.000000e+00> : vector<128xf32>
    %reduce_sum3A_19 = vector.multi_reduction <add>, %add3A_18, %reduce_sum3A [0] : vector<10000x128xf32> to vector<128xf32>
    %broadcast_in_dim3A = vector.shape_cast %reduce_sum3A_19 : vector<128xf32> to vector<1x128xf32>
    %div3A = arith.constant 1.000000e+04 : f32
    %div3A_20 = vector.broadcast %div3A : f32 to vector<1x128xf32>
    %div3A_21 = arith.divf %broadcast_in_dim3A, %div3A_20 : vector<1x128xf32>
    %sub3A = vector.broadcast %div3A_21 : vector<1x128xf32> to vector<10000x128xf32>
    %sub3A_22 = arith.subf %add3A_18, %sub3A : vector<10000x128xf32>
    %mul3A = arith.mulf %sub3A_22, %sub3A_22 : vector<10000x128xf32>
    %reduce_sum3A_23 = arith.constant dense<0.000000e+00> : vector<128xf32>
    %reduce_sum3A_24 = vector.multi_reduction <add>, %mul3A, %reduce_sum3A_23 [0] : vector<10000x128xf32> to vector<128xf32>
    %broadcast_in_dim3A_25 = vector.shape_cast %reduce_sum3A_24 : vector<128xf32> to vector<1x128xf32>
    %div3A_26 = arith.constant 1.000000e+04 : f32
    %div3A_27 = vector.broadcast %div3A_26 : f32 to vector<1x128xf32>
    %div3A_28 = arith.divf %broadcast_in_dim3A_25, %div3A_27 : vector<1x128xf32>
    %add3A_29 = arith.constant 9.99999974E-6 : f32
    %add3A_30 = vector.broadcast %add3A_29 : f32 to vector<1x128xf32>
    %add3A_31 = arith.addf %div3A_28, %add3A_30 : vector<1x128xf32>
    %sqrt3A = math.sqrt %add3A_31 : vector<1x128xf32>
    %div3A_32 = vector.broadcast %sqrt3A : vector<1x128xf32> to vector<10000x128xf32>
    %div3A_33 = arith.divf %sub3A_22, %div3A_32 : vector<10000x128xf32>
    %get3A_34 = arith.constant 0 : index
    %get3A_35 = arith.constant 0 : index
    %get3A_36 = vector.load %arg5[%get3A_34, %get3A_35] : memref<1x128xf32, #tpu.memory_space<vmem>>, vector<1x128xf32>
    %mul3A_37 = vector.broadcast %get3A_36 : vector<1x128xf32> to vector<10000x128xf32>
    %mul3A_38 = arith.mulf %div3A_33, %mul3A_37 : vector<10000x128xf32>
    %get3A_39 = arith.constant 0 : index
    %get3A_40 = arith.constant 0 : index
    %get3A_41 = vector.load %arg6[%get3A_39, %get3A_40] : memref<1x128xf32, #tpu.memory_space<vmem>>, vector<1x128xf32>
    %add3A_42 = vector.broadcast %get3A_41 : vector<1x128xf32> to vector<10000x128xf32>
    %add3A_43 = arith.addf %mul3A_38, %add3A_42 : vector<10000x128xf32>
    %swap3A = arith.constant 0 : index
    %swap3A_44 = arith.constant 0 : index
    %swap3A_45 = vector.load %arg7[%swap3A, %swap3A_44] : memref<10000x128xf32, #tpu.memory_space<vmem>>, vector<10000x128xf32>
    tpu.vector_store %arg7[%swap3A, %swap3A_44], %add3A_43 {strides = array<i32>} : memref<10000x128xf32, #tpu.memory_space<vmem>>, vector<10000x128xf32>,
    return
  }
}

</mosaic_0001>

<sc_bundles>
// kernel: kernel.13.cloned.1.call-start
scs
__scs_entry_jumppad:
0x0: {  	(pc) =	sbr.rel $0x88, $3  }
0x1: {  	(tag) =	ssettag $0x0;
	lr =	simm.s32 $0x1  }
0x2: {  	[smem:$0x3F94] =	sst lr;
	_ =	strace $0xD0000000  }
0x3: {  	_ = 	snop  }
0x4: {  	_ = 	snop  }
0x5: {  	_ = 	snop  }
0x6: {  	_ = 	snop  }
0x7: {  	_ = 	snop  }
__scs_overlays_trampoline_lowered:
0x8: {  	[smem:$0x3FA3] =	sst s0  }
0x9: {  	[smem:$0x3FA4] =	sst s1  }
0xa: {  	[smem:$0x3FA5] =	sst s2  }
0xb: {  	[smem:$0x3FA6] =	sst s3  }
0xc: {  	[smem:$0x3FA7] =	sst s4  }
0xd: {  	[smem:$0x3FA8] =	sst s5  }
0xe: {  	[smem:$0x3FA9] =	sst s6  }
0xf: {  	[smem:$0x3FAA] =	sst s7  }
0x10: {  	[smem:$0x3FAB] =	sst s8  }
0x11: {  	[smem:$0x3FAC] =	sst s9;
	s0 =	simm.s32 @!p0 $0x0  }
0x12: {  	s1 =	sld [smem:$0x3F92];
	s0 =	simm.s32 @p0 $0x1  }
0x13: {  	[smem:$0x3FAD] =	sst s0;
	s0 =	simm.s32 @!p1 $0x0  }
0x14: {  	s2 =	sld [smem:$0x3F91];
	s0 =	simm.s32 @p1 $0x1  }
0x15: {  	[smem:$0x3FAE] =	sst s0;
	s0 =	simm.s32 @!p2 $0x0  }
0x16: {  	s3 =	sld [smem:$0x3FDB];
	s0 =	simm.s32 @p2 $0x1  }
0x17: {  	s4 =	simm.s32 $0x1BF5;
	[smem:$0x3FB0] =	sst s0  }
0x18: {  	s0 =	sld [smem:$0x3F93];
	_ =	swait.ge [sflag:s4], $0x0  }
0x19: {  	s7 =	sld [smem:$0x3F94]  }
0x1a: {  	s8 =	sadd.s32 $0xFFFFE003, lr  }
0x1b: {  	s9 =	sadd.s32 $0xFFFFFEF7, lr;
	s5 =	simm.s32 $0xFFFFFFFF;
	p2 =	slt.u32 s8, $0xFFFFF086  }
0x1c: {  	p1 =	slt.u32 s9, $0xF7A;
	s5 =	simm.s32 @!p2 $0x0  }
0x1d: {  	s5 =	simm.s32 @p1 $0x1;
	p0 =	seq.s32 s7, s2  }
0x1e: {  	s7 =	smul.u32 @!p0 $0xF7A, s2;
	p2 =	seq.s32 @!p0 s5, $0x0  }
0x1f: {  	s9 =	smul.u32 $0xF7A, s1;
	s8 =	simm.s32 @!p0 $0x1BF5;
	p2 =	por !p2, p0  }
0x20: {  	[sflag:s8] =	ssyncset.s32 @!p0 $0xFFFFF086;
	s6 =	sadd.s32 @!p0 s3, s7;
	s7 =	simm.s32 @!p0 $0x108  }
0x21: {  	s3 =	sadd.s32 s3, s9;
	s6 =	sadd.s32 @!p0 $0x88, s6;
	s7 =	simm.s32 @p2 $0x1082  }
0x22: {  	[simem:s7], [sflag:s8] =	dma.local @!p0 [hbm:s6], $0xF7A  }
0x23: {  	s9 =	sor.u32 $0xD0000000, s2;
	s6 =	simm.s32 $0x108;
	_ =	swait.ge @!p0 [sflag:s8], $0x0  }
0x24: {  	s3 =	sadd.s32 $0x88, s3;
	s6 =	simm.s32 @!p1 $0x1082;
	[sflag:s4] =	ssyncset.s32 $0xFFFFF086  }
0x25: {  	[simem:s6], [sflag:s4] =	dma.local [hbm:s3], $0xF7A  }
0x26: {  	[smem:$0x3F94] =	sst s1;
	(tag) =	ssettag s2;
	_ =	strace s9  }
0x27: {  	s1 =	sld [smem:$0x3FA4]  }
0x28: {  	s2 =	sld [smem:$0x3FA5]  }
0x29: {  	s4 =	sld [smem:$0x3FA7]  }
0x2a: {  	p0 =	seq.s32 s5, $0x0;
	s5 =	sld [smem:$0x3FA8]  }
0x2b: {  	s6 =	sld [smem:$0x3FA9]  }
0x2c: {  	s7 =	sld [smem:$0x3FAA]  }
0x2d: {  	s3 =	simm.s32 $0x108;
	s8 =	sld [smem:$0x3FAB]  }
0x2e: {  	s3 =	simm.s32 @!p0 $0x1082;
	s9 =	sld [smem:$0x3FAC]  }
0x2f: {  	lr =	sadd.s32 s0, s3;
	s0 =	sld [smem:$0x3FA3]  }
0x30: {  	s3 =	sld [smem:$0x3FA6]  }
0x31: {  	[smem:$0x3FAF] =	sst s10  }
0x32: {  	s10 =	sld [smem:$0x3FAD];
	_ =	sdelay $0x3  }
0x33: {  	p0 =	seq.s32 s10, $0x1;
	s10 =	sld [smem:$0x3FAF];
	_ =	sdelay $0x3  }
0x34: {  	[smem:$0x3FAF] =	sst s10  }
0x35: {  	s10 =	sld [smem:$0x3FAE];
	_ =	sdelay $0x3  }
0x36: {  	p1 =	seq.s32 s10, $0x1;
	s10 =	sld [smem:$0x3FAF];
	_ =	sdelay $0x3  }
0x37: {  	[smem:$0x3FAF] =	sst s10  }
0x38: {  	s10 =	sld [smem:$0x3FB0]  }
0x39: {  	_ = 	snop;
	(pc) =	sbr.ind lr, $3  }
0x3a: {  	_ = 	snop  }
0x3b: {  	_ = 	snop  }
0x3c: {  	p2 =	seq.s32 s10, $0x1;
	s10 =	sld [smem:$0x3FAF]  }
0x3d: {  	_ =	shalt  }
0x3e: {  	_ =	shalt  }
0x3f: {  	_ =	shalt  }
0x40: {  	_ =	shalt  }
0x41: {  	_ =	shalt  }
0x42: {  	_ =	shalt  }
0x43: {  	_ =	shalt  }
0x44: {  	_ =	shalt  }
0x45: {  	_ =	shalt  }
0x46: {  	_ =	shalt  }
0x47: {  	_ =	shalt  }
0x48: {  	_ =	shalt  }
0x49: {  	_ =	shalt  }
0x4a: {  	_ =	shalt  }
0x4b: {  	_ =	shalt  }
0x4c: {  	_ =	shalt  }
0x4d: {  	_ =	shalt  }
0x4e: {  	_ =	shalt  }
0x4f: {  	_ =	shalt  }
0x50: {  	_ =	shalt  }
0x51: {  	_ =	shalt  }
0x52: {  	_ =	shalt  }
0x53: {  	_ =	shalt  }
0x54: {  	_ =	shalt  }
0x55: {  	_ =	shalt  }
0x56: {  	_ =	shalt  }
0x57: {  	_ =	shalt  }
0x58: {  	_ =	shalt  }
0x59: {  	_ =	shalt  }
0x5a: {  	_ =	shalt  }
0x5b: {  	_ =	shalt  }
0x5c: {  	_ =	shalt  }
0x5d: {  	_ =	shalt  }
0x5e: {  	_ =	shalt  }
0x5f: {  	_ =	shalt  }
0x60: {  	_ =	shalt  }
0x61: {  	_ =	shalt  }
0x62: {  	_ =	shalt  }
0x63: {  	_ =	shalt  }
0x64: {  	_ =	shalt  }
0x65: {  	_ =	shalt  }
0x66: {  	_ =	shalt  }
0x67: {  	_ =	shalt  }
0x68: {  	_ =	shalt  }
0x69: {  	_ =	shalt  }
0x6a: {  	_ =	shalt  }
0x6b: {  	_ =	shalt  }
0x6c: {  	_ =	shalt  }
0x6d: {  	_ =	shalt  }
0x6e: {  	_ =	shalt  }
0x6f: {  	_ =	shalt  }
0x70: {  	_ =	shalt  }
0x71: {  	_ =	shalt  }
0x72: {  	_ =	shalt  }
0x73: {  	_ =	shalt  }
0x74: {  	_ =	shalt  }
0x75: {  	_ =	shalt  }
0x76: {  	_ =	shalt  }
0x77: {  	_ =	shalt  }
0x78: {  	_ =	shalt  }
0x79: {  	_ =	shalt  }
0x7a: {  	_ =	shalt  }
0x7b: {  	_ =	shalt  }
0x7c: {  	_ =	shalt  }
0x7d: {  	_ =	shalt  }
0x7e: {  	_ =	shalt  }
0x7f: {  	_ =	shalt  }
0x80: {  	_ =	shalt  }
0x81: {  	_ =	shalt  }
0x82: {  	_ =	shalt  }
0x83: {  	_ =	shalt  }
0x84: {  	_ =	shalt  }
0x85: {  	_ =	shalt  }
0x86: {  	_ =	shalt  }
0x87: {  	_ =	shalt  }
.Lfunc_end0:
.L_simem_size_0:
called_computation_lowered:
.L_overlay_start_0:
0x88: {  	s2 =	sld [smem:$0x3FD9]  }
0x89: {  	s3 =	sld [smem:$0x3FFE];
	_ =	sdelay $0x1  }
0x8a: {  	s1 =	srdreg.scid  }
0x8b: {  	s0 =	sand.u32 $0x1, s1  }
0x8c: {  	s17 =	sshll.u32 s0, $0xA;
	s2 =	sadd.s32 s3, s2  }
0x8d: {  	s2 =	sadd.s32 s2, s17  }
0x8e: {  	[smem:$0x3FBB] =	sst s2  }
0x8f: {  	_ = 	snop  }
0x90: {  	s2 =	sld [smem:$0x3FD0];
	(tm) =	ssettm $0x1  }
0x91: {  	s18 =	sld [smem:$0x3FFB];
	_ =	sdelay $0x3  }
0x92: {  	_ =	strace s18  }
0x93: {  	s3 =	sld [smem:$0x3FFC];
	_ =	sdelay $0x3  }
0x94: {  	_ =	strace s3  }
0x95: {  	s3 =	sld [smem:$0x3FFD];
	_ =	sdelay $0x3  }
0x96: {  	_ =	strace s3  }
0x97: {  	_ =	strace $0x8FFFFFFF  }
0x98: {  	s19 =	sld [smem:$0x3FDB];
	_ =	sdelay $0x1  }
0x99: {  	s4 =	simm.s32 $_scs_section_size  }
0x9a: {  	s5 =	simm.s32 $_size__tile_overlayer_lowered;
	s6 =	simm.s32 $_tile_overlayer_lowered  }
0x9b: {  	s22 =	simm.s32 $0x1BFF;
	s21 =	sshll.u32 s6, $0x1;
	s3 =	sadd.s32 s4, s19  }
0x9c: {  	s7 =	simm.s32 $0x0;
	s20 =	sshll.u32 s5, $0x1;
	s5 =	sadd.s32 s21, s3  }
0x9d: {  	[timem:s7], [sflag:s22] =	dma.local [hbm:s5], s20  }
0x9e: {  	_ =	swait.ge [sflag:s22], s20  }
0x9f: {  	s4 =	ssub.s32 $0x0, s20;
	[sflag:s22] =	ssyncset.done $0x0  }
0xa0: {  	[sflag:s22] =	ssyncadd.s32 s4;
	_ =	sdelay $0x1  }
0xa1: {  	s23 =	simm.s32 $0x1B8B  }
0xa2: {  	_ =	swait.ge [sflag:s23], $0x1  }
0xa3: {  	[sflag:s23] =	ssyncset.done $0x0  }
0xa4: {  	s25 =	simm.s32 $0x1B8E;
	s24 =	sld [smem:$0x3FFE];
	[sflag:s23] =	ssyncadd.s32 $0xFFFFFFFF  }
0xa5: {  	s26 =	simm.s32 $execute0_lowered;
	[smem:$0x3FD2] =	sst s25  }
0xa6: {  	s5 =	sshll.u32 s26, $0x1;
	_ =	strace $0x80000046;
	[dreg:$0x1] =	wrdreg $0xFFFFFFFF  }
0xa7: {  	s28 =	simm.s32 $_size_execute0_lowered;
	s3 =	sadd.s32 s3, s5;
	[dreg:$0x0] =	wrdreg $0x0  }
0xa8: {  	s5 =	sshll.u32 s28, $0x1;
	[dreg:$0x2] =	wrdreg s3  }
0xa9: {  	[dreg:$0x3] =	wrdreg s5  }
0xaa: {  	[dreg:$0x4] =	wrdreg $0xC0  }
0xab: {  	_ =	task [dreg:s7], $0x5FFFF  }
0xac: {  	[dreg:$0x1] =	wrdreg $0xFFFFFFFF  }
0xad: {  	[dreg:$0x0] =	wrdreg $0x60  }
0xae: {  	[dreg:$0x2] =	wrdreg s24  }
0xaf: {  	[dreg:$0x3] =	wrdreg s2  }
0xb0: {  	[dreg:$0x4] =	wrdreg $0x9  }
0xb1: {  	_ =	task.clear_ibuf [dreg:s7], $0x5FFFF;
	_ =	strace $0x90000046  }
0xb2: {  	s29 =	simm.s32 $0x9;
	_ =	strace $0x80000048  }
0xb3: {  	_ =	swait.ge [sflag:s29], $0x1  }
0xb4: {  	[sflag:s29] =	ssyncadd.s32 $0xFFFFFFFF  }
0xb5: {  	_ =	strace $0x90000048  }
0xb6: {  	_ =	sfence  }
0xb7: {  	s30 =	sld [smem:$0x0];
	_ =	sdelay $0x2  }
0xb8: {  	s31 =	sshll.u32 s1, $0xD;
	s1 =	sshrl.u32 s1, $0x2  }
0xb9: {  	s3 =	sand.u32 $0x4000, s31;
	s1 =	sadd.s32 s1, s30  }
0xba: {  	s0 =	sor.u32 s3, s0;
	s1 =	sshll.u32 s1, $0x11  }
0xbb: {  	s0 =	sor.u32 s1, s0  }
0xbc: {  	s0 =	sadd.s32 $0x8F2B, s0  }
0xbd: {  	[sflag:s0] =	ssyncadd.remote.s32 $0x1  }
0xbe: {  	_ =	sfence.sel $0xFFFF  }
0xbf: {  	[dreg:$0x0] =	wrdreg $0xFFFFFFFF;
	(pc) =	sbr.abs _section_cstart, $3  }
0xc0: {  	[dreg:$0x1] =	wrdreg $0xFFFFFFFF  }
0xc1: {  	_ =	task.clear_ibuf [dreg:s7], $0x2FFFF;
	_ =	strace $0x9FFFFFFF  }
0xc2: {  	(tm) =	ssettm $0x7FFFFFFF  }
0xc3: {  	_ =	shalt  }
tec
execute0_lowered:
.L_overlay_start_1:
0x0: {  	(tag) =	ssettag $0x1  }
0x1: {  	s7 =	rddreg [dreg:$0x0]  }
0x2: {  	s2 =	rddreg [dreg:$0x1]  }
0x3: {  	s0 =	rddreg [dreg:$0x2]  }
0x4: {  	s3 =	simm.s32 $0x0;
	s4 =	srdreg.scid;
	s1 =	stileid.u32  }
0x5: {  	s12 =	simm.s32 $0xFA0;
	s15 =	simm.s32 $0x0;
	[smem:$0x7FF] =	sst s3  }
0x6: {  	s6 =	sand.u32 $0x1, s4;
	s5 =	sshll.u32 s1, $0x1;
	s4 =	sadd.s32 $0x6800, s7  }
0x7: {  	_ =	strace $0x80000047;
	s8 =	sor.u32 s6, s5;
	s5 =	sadd.s32 $0x10600, s7  }
0x8: {  	s9 =	ssub.s32 $0x2, s6;
	s6 =	sadd.s32 $0x14B000, s7;
	s10 =	sshll.u32 s8, $0x1  }
0x9: {  	s13 =	smul.u32 $0x139, s8;
	s11 =	sshrl.u32 s9, $0x1;
	s10 =	sadd.s32 s10, s7  }
0xa: {  	s9 =	ssub.s32 s9, s11;
	s7 =	smul.u32 $0x4EA20, s8;
	s11 =	simm.s32 $0x7D0  }
0xb: {  	s14 =	sadd.s32 $0x139, s13;
	s8 =	sadd.s32 $0x285A00, s10;
	s9 =	smax.u32 s9, $0x1  }
0xc: {  	v2 =	vimm.s32 $0x0;
	s10 =	simm.s32 $0x1;
	v0 =	vmov s13;
	s13 =	simm.s32 $0x17C0;
	v1 =	vmov s14;
	s14 =	simm.s32 $0x1FE0  }
.LBB2_1:
0xd: {  	s16 =	simm.s32 $0x40;
	s18 =	simm.s32 $0x0  }
.LBB2_2:
0xe: {  	p0 =	sne.s32 s16, $0x2040;
	[tilespmem:s18+$0xFA0] =	vst v2;
	s17 =	smov.u32 s16;
	s16 =	sadd.s32 $0x40, s16  }
.Ltmp0:
0xf: {  	[tilespmem:s18+$0x17C0] =	vst v2;
	(pc) =	sbr.rel @p0 .LBB2_2-.Ltmp0, $2  }
0x10: {  	_ =	sdelay $0x2  }
0x11: {  	s18 =	sshra.s32 s17, $0x2  }
0x12: {  	[tilespmem:s18+$0xFA0] =	vst v2;
	s17 =	simm.s32 $0x0  }
0x13: {  	[tilespmem:s18+$0x17C0] =	vst v2;
	s16 =	simm.s32 $0x0;
	s19 =	simm.s32 $0x0;
	s18 =	simm.s32 $0x0  }
.LBB2_4:
0x14: {  	s20 =	smul.u32 $0xFA, s18;
	_ =	sdelay $0x1  }
0x15: {  	s21 =	sadd.s32 s4, s20  }
0x16: {  	[tilespmem:s17], [sflag:$0x1] =	stream.linear.gather [hbm4b:s21+s17], $0x7D0, $0x38;
	[tilespmem:$0x1FF0] =	vst v63  }
0x17: {  	_ =	swait.ge [sflag:s10], $0x7D0  }
0x18: {  	[sflag:s10] =	ssyncset.done $0x0  }
0x19: {  	s20 =	sadd.s32 s2, s20;
	[sflag:s10] =	ssyncadd.s32 $0xFFFFF830  }
0x1a: {  	[tilespmem:s11], [sflag:$0x1] =	stream.linear.gather [hbm4b:s20+s17], $0x7D0, $0x38;
	[tilespmem:$0x1FF0] =	vst v63  }
0x1b: {  	_ =	swait.ge [sflag:s10], $0x7D0  }
0x1c: {  	[sflag:s10] =	ssyncset.done $0x0  }
0x1d: {  	s31 =	simm.s32 $0x0;
	[sflag:s10] =	ssyncadd.s32 $0xFFFFF830  }
0x1e: {  	v3 =	vld [tilespmem:s31+$0x7D0];
	_ =	sdelay $0x4  }
0x1f: {  	v4 =	vsub.s32 v3, v0;
	v3 =	vsub.s32 v3, v1  }
0x20: {  	vm0 =	vgt.s32 v4, $0xFFFFFFFF;
	vm1 =	vlt.s32 v3, $0x0  }
0x21: {  	vm0 =	vmand vm1, vm0  }
0x22: {  	v3 =	vsel vm0, $0x1, v2  }
0x23: {  	(xrf0) =	vadd.scan.msk.s32 $0xffff, v3;
	_ =	sdelay $0x2  }
0x24: {  	v3 =	vmov s19  }
0x25: {  	v3 =	vadd.s32 $0xFFFFFFFF, v3  }
0x26: {  	v3 =	vbroadcast v3, $0x0  }
0x27: {  	v5, _, _ =	vpop (xrf0)  }
0x28: {  	v3 =	vadd.s32 v5, v3;
	(v2sf) =	vpush v5, $0xF  }
0x29: {  	v6 =	vld [tilespmem:s31+$0x0];
	v3 =	vnsel vm0, $0x818, v3;
	_ =	sdelay $0x4  }
0x2a: {  	[tilespmem:v3+s12+$0x0] =	vst.idx.msk $0xffff, v6  }
0x2b: {  	s21 =	simm.s32 $0x80;
	s20 =	simm.s32 $0x10;
	[tilespmem:v3+s13+$0x0] =	vst.idx.msk $0xffff, v4  }
.LBB2_5:
0x2c: {  	p0 =	sne.s32 s21, $0x1F00;
	v3 =	vld [tilespmem:s20+$0x7D0];
	_ =	sdelay $0x4  }
0x2d: {  	v4 =	vsub.s32 v3, v0;
	v3 =	vsub.s32 v3, v1  }
0x2e: {  	vm0 =	vgt.s32 v4, $0xFFFFFFFF;
	vm1 =	vlt.s32 v3, $0x0  }
0x2f: {  	vm0 =	vmand vm1, vm0;
	s22 =	spop (v2sf)  }
0x30: {  	v3 =	vsel vm0, $0x1, v2;
	s19 =	sadd.s32 s19, s22  }
0x31: {  	v5 =	vmov s19;
	(xrf0) =	vadd.scan.msk.s32 $0xffff, v3  }
0x32: {  	v3 =	vadd.s32 $0xFFFFFFFF, v5  }
0x33: {  	v3 =	vbroadcast v3, $0x0;
	_ =	sdelay $0x3  }
0x34: {  	v5, _, _ =	vpop (xrf0)  }
0x35: {  	v3 =	vadd.s32 v5, v3;
	(v2sf) =	vpush v5, $0xF  }
0x36: {  	v5 =	vld [tilespmem:s20+$0x0];
	v3 =	vnsel vm0, $0x818, v3;
	_ =	sdelay $0x1  }
.Ltmp1:
0x37: {  	(pc) =	sbr.rel @p0 .LBB2_5-.Ltmp1, $3  }
0x38: {  	_ =	sdelay $0x1  }
0x39: {  	[tilespmem:v3+s12+$0x0] =	vst.idx.msk $0xffff, v5  }
0x3a: {  	s20 =	sshra.s32 s21, $0x2;
	s21 =	sadd.s32 $0x40, s21;
	[tilespmem:v3+s13+$0x0] =	vst.idx.msk $0xffff, v4  }
0x3b: {  	v3 =	vld [tilespmem:s20+$0x7D0];
	_ =	sdelay $0x4  }
0x3c: {  	v4 =	vsub.s32 v3, v0;
	v3 =	vsub.s32 v3, v1  }
0x3d: {  	vm0 =	vgt.s32 v4, $0xFFFFFFFF;
	vm1 =	vlt.s32 v3, $0x0  }
0x3e: {  	vm0 =	vmand vm1, vm0  }
0x3f: {  	v3 =	vsel vm0, $0x1, v2  }
0x40: {  	(xrf0) =	vadd.scan.msk.s32 $0xffff, v3;
	_ =	sdelay $0x5  }
0x41: {  	v3, _, _ =	vpop (xrf0)  }
0x42: {  	s21 =	spop (v2sf);
	(v2sf) =	vpush v3, $0xF  }
0x43: {  	s19 =	sadd.s32 s19, s21  }
0x44: {  	v5 =	vmov s19  }
0x45: {  	v5 =	vadd.s32 $0xFFFFFFFF, v5  }
0x46: {  	v5 =	vbroadcast v5, $0x0;
	_ =	sdelay $0x1  }
0x47: {  	v3 =	vadd.s32 v3, v5  }
0x48: {  	v62 =	vld [tilespmem:s20+$0x0];
	v3 =	vnsel vm0, $0x818, v3;
	_ =	sdelay $0x3  }
0x49: {  	s29 =	sadd.s32 s7, s16  }
0x4a: {  	s20 =	sshrl.u32 s29, $0x3;
	[tilespmem:v3+s12+$0x0] =	vst.idx.msk $0xffff, v62  }
0x4b: {  	s22 =	sadd.s32 s5, s20;
	[tilespmem:v3+s13+$0x0] =	vst.idx.msk $0xffff, v4  }
0x4c: {  	[hbm4b:s22+s3] =	stream.linear.scatter [tilespmem:s12], [sflag:$0x1], $0x800, $0x38;
	[tilespmem:$0x1FF0] =	vst v63  }
0x4d: {  	s30 =	spop (v2sf)  }
0x4e: {  	_ =	swait.ge [sflag:s10], $0x800  }
0x4f: {  	[sflag:s10] =	ssyncset.done $0x0  }
0x50: {  	s20 =	sadd.s32 s6, s20;
	[sflag:s10] =	ssyncadd.s32 $0xFFFFF800  }
0x51: {  	[hbm4b:s20+s3] =	stream.linear.scatter [tilespmem:s13], [sflag:$0x1], $0x800, $0x38;
	[tilespmem:$0x1FF0] =	vst v63  }
0x52: {  	_ =	swait.ge [sflag:s10], $0x800  }
0x53: {  	s19 =	sadd.s32 s19, s30;
	[sflag:s10] =	ssyncset.done $0x0  }
0x54: {  	s31 =	sand.u32 $0xFFFFFFF8, s19;
	[sflag:s10] =	ssyncadd.s32 $0xFFFFF800  }
0x55: {  	s18 =	sadd.s32 $0x1, s18;
	v3 =	vld [tilespmem:s31+$0xFA0]  }
0x56: {  	p0 =	sne.s32 s18, $0xA0;
	v63 =	vld [tilespmem:s31+$0x17C0]  }
.Ltmp2:
0x57: {  	_ = 	snop;
	(pc) =	sbr.rel @p0 .LBB2_4-.Ltmp2, $3  }
0x58: {  	_ =	sdelay $0x1  }
0x59: {  	[tilespmem:$0xFA0] =	vst v3  }
0x5a: {  	s19 =	sand.u32 $0x7, s19;
	s16 =	sadd.s32 s16, s31;
	[tilespmem:$0x17C0] =	vst v63  }
0x5b: {  	s17 =	sadd.s32 s7, s16  }
0x5c: {  	s17 =	sshrl.u32 s17, $0x3  }
0x5d: {  	s18 =	sadd.s32 s5, s17  }
0x5e: {  	[hbm4b:s18+s3] =	stream.linear.scatter [tilespmem:s12], [sflag:$0x1], $0x800, $0x38;
	[tilespmem:$0x1FF0] =	vst v63  }
0x5f: {  	_ =	swait.ge [sflag:s10], $0x800  }
0x60: {  	[sflag:s10] =	ssyncset.done $0x0  }
0x61: {  	s17 =	sadd.s32 s6, s17;
	[sflag:s10] =	ssyncadd.s32 $0xFFFFF800  }
0x62: {  	[hbm4b:s17+s3] =	stream.linear.scatter [tilespmem:s13], [sflag:$0x1], $0x800, $0x38;
	[tilespmem:$0x1FF0] =	vst v63  }
0x63: {  	_ =	swait.ge [sflag:s10], $0x800  }
0x64: {  	s31 =	sor.u32 s19, s16;
	s15 =	sadd.s32 $0x1, s15;
	[sflag:s10] =	ssyncset.done $0x0  }
0x65: {  	v3 =	vmov s31;
	p0 =	sne.s32 s15, s9;
	[sflag:s10] =	ssyncadd.s32 $0xFFFFF800  }
.Ltmp3:
0x66: {  	[tilespmem:$0x1FE0] =	vst v3;
	(pc) =	sbr.rel @p0 .LBB2_1-.Ltmp3, $4  }
0x67: {  	[hbm4b:s8+s3] =	stream.linear.scatter [tilespmem:s14], [sflag:$0x1], $0x10, $0x38;
	[tilespmem:$0x1FF0] =	vst v63  }
0x68: {  	_ =	swait.ge [sflag:s10], $0x10  }
0x69: {  	[sflag:s10] =	ssyncset.done $0x0  }
0x6a: {  	[sflag:s10] =	ssyncadd.s32 $0xFFFFFFF0  }
0x6b: {  	_ =	sfence.sel $0x180000  }
0x6c: {  	[bflag:$0x0] =	sbarrier.arrive $0xFFFF  }
0x6d: {  	p0 =	sne.s32 s1, $0x0;
	_ =	strace $0x90000047  }
0x6e: {  	s0 =	sadd.s32 @!p0 $0x100000, s0;
	[bflag:$0x2] =	sbarrier.arrive $0xFFFF  }
0x6f: {  	[sflag:s0] =	ssyncadd.tile.s32 @!p0 $0x1;
	_ =	shalt  }
.Lfunc_end2:
_tile_overlayer_lowered:
.L_overlay_start_2:
0x70: {  	(tag) =	ssettag $0x2  }
0x71: {  	s0 =	rddreg [dreg:$0x0];
	s2 =	stileid.u32  }
0x72: {  	s1 =	rddreg [dreg:$0x1];
	p0 =	sne.s32 s2, $0x0  }
0x73: {  	s3 =	rddreg [dreg:$0x2];
	[bflag:$0x3] =	sbarrier.arrive $0xFFFF;
	s2 =	simm.s32 @!p0 $0x1C01  }
0x74: {  	[timem:s3], [sflag:s2] =	dma.local @!p0 [hbm:s0], s1  }
0x75: {  	s0 =	simm.s32 @!p0 $0x1  }
0x76: {  	_ =	swait.ge @!p0 [sflag:s0], s1  }
0x77: {  	s1 =	ssub.s32 @!p0 $0x0, s1;
	[sflag:s0] =	ssyncset.done @!p0 $0x0  }
0x78: {  	[sflag:s0] =	ssyncadd.s32 @!p0 s1  }
0x79: {  	[bflag:$0x3] =	sbarrier.arrive $0xFFFF  }
0x7a: {  	_ =	shalt  }

// kernel: kernel.16.cloned.1.call-start
scs
__scs_entry_jumppad:
0x0: {  	(pc) =	sbr.rel $0x88, $3  }
0x1: {  	(tag) =	ssettag $0x0;
	lr =	simm.s32 $0x1  }
0x2: {  	[smem:$0x3F94] =	sst lr;
	_ =	strace $0xD0000000  }
0x3: {  	_ = 	snop  }
0x4: {  	_ = 	snop  }
0x5: {  	_ = 	snop  }
0x6: {  	_ = 	snop  }
0x7: {  	_ = 	snop  }
__scs_overlays_trampoline_lowered:
0x8: {  	[smem:$0x3FA3] =	sst s0  }
0x9: {  	[smem:$0x3FA4] =	sst s1  }
0xa: {  	[smem:$0x3FA5] =	sst s2  }
0xb: {  	[smem:$0x3FA6] =	sst s3  }
0xc: {  	[smem:$0x3FA7] =	sst s4  }
0xd: {  	[smem:$0x3FA8] =	sst s5  }
0xe: {  	[smem:$0x3FA9] =	sst s6  }
0xf: {  	[smem:$0x3FAA] =	sst s7  }
0x10: {  	[smem:$0x3FAB] =	sst s8  }
0x11: {  	[smem:$0x3FAC] =	sst s9;
	s0 =	simm.s32 @!p0 $0x0  }
0x12: {  	s1 =	sld [smem:$0x3F92];
	s0 =	simm.s32 @p0 $0x1  }
0x13: {  	[smem:$0x3FAD] =	sst s0;
	s0 =	simm.s32 @!p1 $0x0  }
0x14: {  	s2 =	sld [smem:$0x3F91];
	s0 =	simm.s32 @p1 $0x1  }
0x15: {  	[smem:$0x3FAE] =	sst s0;
	s0 =	simm.s32 @!p2 $0x0  }
0x16: {  	s3 =	sld [smem:$0x3FDB];
	s0 =	simm.s32 @p2 $0x1  }
0x17: {  	s4 =	simm.s32 $0x1BF5;
	[smem:$0x3FB0] =	sst s0  }
0x18: {  	s0 =	sld [smem:$0x3F93];
	_ =	swait.ge [sflag:s4], $0x0  }
0x19: {  	s7 =	sld [smem:$0x3F94]  }
0x1a: {  	s8 =	sadd.s32 $0xFFFFE003, lr  }
0x1b: {  	s9 =	sadd.s32 $0xFFFFFEF7, lr;
	s5 =	simm.s32 $0xFFFFFFFF;
	p2 =	slt.u32 s8, $0xFFFFF086  }
0x1c: {  	p1 =	slt.u32 s9, $0xF7A;
	s5 =	simm.s32 @!p2 $0x0  }
0x1d: {  	s5 =	simm.s32 @p1 $0x1;
	p0 =	seq.s32 s7, s2  }
0x1e: {  	s7 =	smul.u32 @!p0 $0xF7A, s2;
	p2 =	seq.s32 @!p0 s5, $0x0  }
0x1f: {  	s9 =	smul.u32 $0xF7A, s1;
	s8 =	simm.s32 @!p0 $0x1BF5;
	p2 =	por !p2, p0  }
0x20: {  	[sflag:s8] =	ssyncset.s32 @!p0 $0xFFFFF086;
	s6 =	sadd.s32 @!p0 s3, s7;
	s7 =	simm.s32 @!p0 $0x108  }
0x21: {  	s3 =	sadd.s32 s3, s9;
	s6 =	sadd.s32 @!p0 $0x88, s6;
	s7 =	simm.s32 @p2 $0x1082  }
0x22: {  	[simem:s7], [sflag:s8] =	dma.local @!p0 [hbm:s6], $0xF7A  }
0x23: {  	s9 =	sor.u32 $0xD0000000, s2;
	s6 =	simm.s32 $0x108;
	_ =	swait.ge @!p0 [sflag:s8], $0x0  }
0x24: {  	s3 =	sadd.s32 $0x88, s3;
	s6 =	simm.s32 @!p1 $0x1082;
	[sflag:s4] =	ssyncset.s32 $0xFFFFF086  }
0x25: {  	[simem:s6], [sflag:s4] =	dma.local [hbm:s3], $0xF7A  }
0x26: {  	[smem:$0x3F94] =	sst s1;
	(tag) =	ssettag s2;
	_ =	strace s9  }
0x27: {  	s1 =	sld [smem:$0x3FA4]  }
0x28: {  	s2 =	sld [smem:$0x3FA5]  }
0x29: {  	s4 =	sld [smem:$0x3FA7]  }
0x2a: {  	p0 =	seq.s32 s5, $0x0;
	s5 =	sld [smem:$0x3FA8]  }
0x2b: {  	s6 =	sld [smem:$0x3FA9]  }
0x2c: {  	s7 =	sld [smem:$0x3FAA]  }
0x2d: {  	s3 =	simm.s32 $0x108;
	s8 =	sld [smem:$0x3FAB]  }
0x2e: {  	s3 =	simm.s32 @!p0 $0x1082;
	s9 =	sld [smem:$0x3FAC]  }
0x2f: {  	lr =	sadd.s32 s0, s3;
	s0 =	sld [smem:$0x3FA3]  }
0x30: {  	s3 =	sld [smem:$0x3FA6]  }
0x31: {  	[smem:$0x3FAF] =	sst s10  }
0x32: {  	s10 =	sld [smem:$0x3FAD];
	_ =	sdelay $0x3  }
0x33: {  	p0 =	seq.s32 s10, $0x1;
	s10 =	sld [smem:$0x3FAF];
	_ =	sdelay $0x3  }
0x34: {  	[smem:$0x3FAF] =	sst s10  }
0x35: {  	s10 =	sld [smem:$0x3FAE];
	_ =	sdelay $0x3  }
0x36: {  	p1 =	seq.s32 s10, $0x1;
	s10 =	sld [smem:$0x3FAF];
	_ =	sdelay $0x3  }
0x37: {  	[smem:$0x3FAF] =	sst s10  }
0x38: {  	s10 =	sld [smem:$0x3FB0]  }
0x39: {  	_ = 	snop;
	(pc) =	sbr.ind lr, $3  }
0x3a: {  	_ = 	snop  }
0x3b: {  	_ = 	snop  }
0x3c: {  	p2 =	seq.s32 s10, $0x1;
	s10 =	sld [smem:$0x3FAF]  }
0x3d: {  	_ =	shalt  }
0x3e: {  	_ =	shalt  }
0x3f: {  	_ =	shalt  }
0x40: {  	_ =	shalt  }
0x41: {  	_ =	shalt  }
0x42: {  	_ =	shalt  }
0x43: {  	_ =	shalt  }
0x44: {  	_ =	shalt  }
0x45: {  	_ =	shalt  }
0x46: {  	_ =	shalt  }
0x47: {  	_ =	shalt  }
0x48: {  	_ =	shalt  }
0x49: {  	_ =	shalt  }
0x4a: {  	_ =	shalt  }
0x4b: {  	_ =	shalt  }
0x4c: {  	_ =	shalt  }
0x4d: {  	_ =	shalt  }
0x4e: {  	_ =	shalt  }
0x4f: {  	_ =	shalt  }
0x50: {  	_ =	shalt  }
0x51: {  	_ =	shalt  }
0x52: {  	_ =	shalt  }
0x53: {  	_ =	shalt  }
0x54: {  	_ =	shalt  }
0x55: {  	_ =	shalt  }
0x56: {  	_ =	shalt  }
0x57: {  	_ =	shalt  }
0x58: {  	_ =	shalt  }
0x59: {  	_ =	shalt  }
0x5a: {  	_ =	shalt  }
0x5b: {  	_ =	shalt  }
0x5c: {  	_ =	shalt  }
0x5d: {  	_ =	shalt  }
0x5e: {  	_ =	shalt  }
0x5f: {  	_ =	shalt  }
0x60: {  	_ =	shalt  }
0x61: {  	_ =	shalt  }
0x62: {  	_ =	shalt  }
0x63: {  	_ =	shalt  }
0x64: {  	_ =	shalt  }
0x65: {  	_ =	shalt  }
0x66: {  	_ =	shalt  }
0x67: {  	_ =	shalt  }
0x68: {  	_ =	shalt  }
0x69: {  	_ =	shalt  }
0x6a: {  	_ =	shalt  }
0x6b: {  	_ =	shalt  }
0x6c: {  	_ =	shalt  }
0x6d: {  	_ =	shalt  }
0x6e: {  	_ =	shalt  }
0x6f: {  	_ =	shalt  }
0x70: {  	_ =	shalt  }
0x71: {  	_ =	shalt  }
0x72: {  	_ =	shalt  }
0x73: {  	_ =	shalt  }
0x74: {  	_ =	shalt  }
0x75: {  	_ =	shalt  }
0x76: {  	_ =	shalt  }
0x77: {  	_ =	shalt  }
0x78: {  	_ =	shalt  }
0x79: {  	_ =	shalt  }
0x7a: {  	_ =	shalt  }
0x7b: {  	_ =	shalt  }
0x7c: {  	_ =	shalt  }
0x7d: {  	_ =	shalt  }
0x7e: {  	_ =	shalt  }
0x7f: {  	_ =	shalt  }
0x80: {  	_ =	shalt  }
0x81: {  	_ =	shalt  }
0x82: {  	_ =	shalt  }
0x83: {  	_ =	shalt  }
0x84: {  	_ =	shalt  }
0x85: {  	_ =	shalt  }
0x86: {  	_ =	shalt  }
0x87: {  	_ =	shalt  }
.Lfunc_end0:
.L_simem_size_0:
called_computation.1_lowered:
.L_overlay_start_0:
0x88: {  	s2 =	sld [smem:$0x3FD9]  }
0x89: {  	s3 =	sld [smem:$0x3FFE];
	_ =	sdelay $0x1  }
0x8a: {  	s1 =	srdreg.scid  }
0x8b: {  	s0 =	sand.u32 $0x1, s1  }
0x8c: {  	s17 =	sshll.u32 s0, $0xA;
	s2 =	sadd.s32 s3, s2  }
0x8d: {  	s2 =	sadd.s32 s2, s17  }
0x8e: {  	[smem:$0x3FBB] =	sst s2  }
0x8f: {  	_ = 	snop  }
0x90: {  	s2 =	sld [smem:$0x3FC9]  }
0x91: {  	s18 =	sld [smem:$0x3FD0];
	(tm) =	ssettm $0x1  }
0x92: {  	s4 =	sld [smem:$0x3FFB];
	_ =	sdelay $0x3  }
0x93: {  	_ =	strace s4  }
0x94: {  	s4 =	sld [smem:$0x3FFC];
	_ =	sdelay $0x3  }
0x95: {  	_ =	strace s4  }
0x96: {  	s4 =	sld [smem:$0x3FFD];
	_ =	sdelay $0x3  }
0x97: {  	_ =	strace s4  }
0x98: {  	_ =	strace $0x8FFFFFFF  }
0x99: {  	s19 =	sld [smem:$0x3FDB];
	_ =	sdelay $0x1  }
0x9a: {  	s5 =	simm.s32 $_scs_section_size  }
0x9b: {  	s6 =	simm.s32 $_size__tile_overlayer_lowered;
	s7 =	simm.s32 $_tile_overlayer_lowered  }
0x9c: {  	s22 =	simm.s32 $0x1BFF;
	s21 =	sshll.u32 s7, $0x1;
	s4 =	sadd.s32 s5, s19  }
0x9d: {  	s8 =	simm.s32 $0x0;
	s20 =	sshll.u32 s6, $0x1;
	s6 =	sadd.s32 s21, s4  }
0x9e: {  	[timem:s8], [sflag:s22] =	dma.local [hbm:s6], s20  }
0x9f: {  	_ =	swait.ge [sflag:s22], s20  }
0xa0: {  	s5 =	ssub.s32 $0x0, s20;
	[sflag:s22] =	ssyncset.done $0x0  }
0xa1: {  	[sflag:s22] =	ssyncadd.s32 s5;
	_ =	sdelay $0x1  }
0xa2: {  	s23 =	simm.s32 $0x1B8B  }
0xa3: {  	_ =	swait.ge [sflag:s23], $0x1  }
0xa4: {  	[sflag:s23] =	ssyncset.done $0x0  }
0xa5: {  	s25 =	simm.s32 $0x1B8E;
	s24 =	sld [smem:$0x3FFE];
	[sflag:s23] =	ssyncadd.s32 $0xFFFFFFFF  }
0xa6: {  	s26 =	simm.s32 $execute0_lowered;
	[smem:$0x3FD2] =	sst s25  }
0xa7: {  	s6 =	sshll.u32 s26, $0x1;
	_ =	strace $0x80000049;
	[dreg:$0x1] =	wrdreg $0xFFFFFFFF  }
0xa8: {  	s28 =	simm.s32 $_size_execute0_lowered;
	s4 =	sadd.s32 s4, s6;
	[dreg:$0x0] =	wrdreg $0x0  }
0xa9: {  	s6 =	sshll.u32 s28, $0x1;
	[dreg:$0x2] =	wrdreg s4  }
0xaa: {  	[dreg:$0x3] =	wrdreg s6  }
0xab: {  	[dreg:$0x4] =	wrdreg $0xC0  }
0xac: {  	_ =	task [dreg:s8], $0x5FFFF  }
0xad: {  	[dreg:$0x1] =	wrdreg $0xFFFFFFFF  }
0xae: {  	[dreg:$0x0] =	wrdreg $0x60  }
0xaf: {  	[dreg:$0x2] =	wrdreg s2  }
0xb0: {  	[dreg:$0x3] =	wrdreg s24  }
0xb1: {  	[dreg:$0x4] =	wrdreg s18  }
0xb2: {  	[dreg:$0x5] =	wrdreg $0x9  }
0xb3: {  	_ =	task.clear_ibuf [dreg:s8], $0x6FFFF;
	_ =	strace $0x90000049  }
0xb4: {  	s29 =	simm.s32 $0x9;
	_ =	strace $0x8000004B  }
0xb5: {  	_ =	swait.ge [sflag:s29], $0x1  }
0xb6: {  	[sflag:s29] =	ssyncadd.s32 $0xFFFFFFFF  }
0xb7: {  	_ =	strace $0x9000004B  }
0xb8: {  	_ =	sfence  }
0xb9: {  	s30 =	sld [smem:$0x0];
	_ =	sdelay $0x2  }
0xba: {  	s31 =	sshll.u32 s1, $0xD;
	s1 =	sshrl.u32 s1, $0x2  }
0xbb: {  	s3 =	sand.u32 $0x4000, s31;
	s1 =	sadd.s32 s1, s30  }
0xbc: {  	s0 =	sor.u32 s3, s0;
	s1 =	sshll.u32 s1, $0x11  }
0xbd: {  	s0 =	sor.u32 s1, s0  }
0xbe: {  	s0 =	sadd.s32 $0x8F2B, s0  }
0xbf: {  	[sflag:s0] =	ssyncadd.remote.s32 $0x1  }
0xc0: {  	_ =	sfence.sel $0xFFFF  }
0xc1: {  	[dreg:$0x0] =	wrdreg $0xFFFFFFFF;
	(pc) =	sbr.abs _section_cstart, $3  }
0xc2: {  	[dreg:$0x1] =	wrdreg $0xFFFFFFFF  }
0xc3: {  	_ =	task.clear_ibuf [dreg:s8], $0x2FFFF;
	_ =	strace $0x9FFFFFFF  }
0xc4: {  	(tm) =	ssettm $0x7FFFFFFF  }
0xc5: {  	_ =	shalt  }
tec
execute0_lowered:
.L_overlay_start_1:
0x0: {  	(tag) =	ssettag $0x1  }
0x1: {  	s1 =	rddreg [dreg:$0x0]  }
0x2: {  	s6 =	rddreg [dreg:$0x1]  }
0x3: {  	s9 =	rddreg [dreg:$0x2]  }
0x4: {  	s0 =	rddreg [dreg:$0x3];
	s3 =	simm.s32 $0x0  }
0x5: {  	s4 =	srdreg.scid;
	s2 =	stileid.u32;
	s12 =	simm.s32 $0x2  }
0x6: {  	s13 =	simm.s32 $0x1;
	s14 =	simm.s32 $0x50;
	s15 =	simm.s32 $0xB0  }
0x7: {  	[smem:$0x7FF] =	sst s3;
	s7 =	sand.u32 $0x1, s4;
	s5 =	sshll.u32 s2, $0x1  }
0x8: {  	s4 =	sadd.s32 $0x10600, s6;
	_ =	strace $0x8000004A;
	s16 =	sor.u32 s7, s5  }
.Ltmp0:
0x9: {  	s5 =	sadd.s32 $0x14B000, s6;
	s7 =	ssub.s32 $0x2, s7;
	(pc) =	sbr.rel .LBB2_1-.Ltmp0, $4  }
0xa: {  	s8 =	sshll.u32 s16, $0x1;
	s31 =	sshrl.u32 s7, $0x1;
	s10 =	smul.u32 $0x1390, s16  }
0xb: {  	p0 =	seq.s32 s16, $0x1F;
	s6 =	sadd.s32 s8, s6;
	s11 =	ssub.s32 s7, s31  }
0xc: {  	s7 =	smul.u32 $0x4EA20, s16;
	s6 =	sadd.s32 $0x285A00, s6;
	s8 =	sadd.s32 s9, s10  }
0xd: {  	v0 =	vimm.f32 $0.0e+00;
	s9 =	sadd.s32 $0x25E70, s9;
	s10 =	smax.u32 s11, $0x1;
	s11 =	simm.s32 $0xC530  }
.LBB2_7:
0xe: {  	s16 =	simm.s32 @p0 $0x0;
	s17 =	simm.s32 @p0 $0x28B0  }
0xf: {  	[hbm4b:s9+s16] =	stream.linear.scatter @p0 [tilespmem:s17], [sflag:$0x2], $0x9480, $0x38;
	[tilespmem:$0xC540] =	vst v63  }
0x10: {  	s16 =	simm.s32 @p0 $0x2  }
0x11: {  	_ =	swait.ge @p0 [sflag:s16], $0x9480  }
0x12: {  	s3 =	sadd.s32 $0x1, s3;
	s17 =	simm.s32 @!p0 $0x28B0;
	[sflag:s16] =	ssyncset.done @p0 $0x0  }
0x13: {  	p1 =	sne.s32 s3, s10;
	[sflag:s16] =	ssyncadd.s32 @p0 $0xFFFF6B80;
	s16 =	simm.s32 @!p0 $0x0  }
0x14: {  	[hbm4b:s8+s16] =	stream.linear.scatter @!p0 [tilespmem:s17], [sflag:$0x2], $0x9C80, $0x38;
	[tilespmem:$0xC540] =	vst v63  }
.Ltmp1:
0x15: {  	_ = 	snop;
	(pc) =	sbr.rel @!p1 .LBB2_8-.Ltmp1, $4  }
0x16: {  	s16 =	simm.s32 @!p0 $0x2  }
0x17: {  	_ =	swait.ge @!p0 [sflag:s16], $0x9C80  }
0x18: {  	[sflag:s16] =	ssyncset.done @!p0 $0x0  }
0x19: {  	[sflag:s16] =	ssyncadd.s32 @!p0 $0xFFFF6380  }
.LBB2_1:
0x1a: {  	s16 =	simm.s32 $0x0;
	s17 =	simm.s32 $0x200  }
.LBB2_2:
0x1b: {  	p1 =	sne.s32 s17, $0x27000;
	[tilespmem:s16+$0x2920] =	vst v0  }
0x1c: {  	[tilespmem:s16+$0x28B0] =	vst v0  }
0x1d: {  	[tilespmem:s16+$0x28C0] =	vst v0  }
.Ltmp2:
0x1e: {  	[tilespmem:s16+$0x28D0] =	vst v0;
	(pc) =	sbr.rel @p1 .LBB2_2-.Ltmp2, $4  }
0x1f: {  	[tilespmem:s16+$0x28E0] =	vst v0  }
0x20: {  	[tilespmem:s16+$0x28F0] =	vst v0  }
0x21: {  	[tilespmem:s16+$0x2900] =	vst v0  }
0x22: {  	[tilespmem:s16+$0x2910] =	vst v0;
	s16 =	sshra.s32 s17, $0x2;
	s17 =	sadd.s32 $0x200, s17  }
0x23: {  	[tilespmem:s16+$0x2920] =	vst v0  }
0x24: {  	[tilespmem:s16+$0x28B0] =	vst v0  }
0x25: {  	[tilespmem:s16+$0x28C0] =	vst v0  }
0x26: {  	[tilespmem:s16+$0x28D0] =	vst v0  }
0x27: {  	[tilespmem:s16+$0x28E0] =	vst v0  }
0x28: {  	[tilespmem:s16+$0x28F0] =	vst v0  }
0x29: {  	[tilespmem:s16+$0x2900] =	vst v0  }
0x2a: {  	[tilespmem:s16+$0x2910] =	vst v0;
	s16 =	simm.s32 $0x0  }
0x2b: {  	[tilespmem:s11], [sflag:$0x2] =	stream.linear.gather [hbm4b:s6+s16], $0x10, $0x38;
	[tilespmem:$0xC540] =	vst v63  }
0x2c: {  	_ =	swait.ge [sflag:s12], $0x10  }
0x2d: {  	[sflag:s12] =	ssyncset.done $0x0  }
0x2e: {  	[sflag:s12] =	ssyncadd.s32 $0xFFFFFFF0  }
0x2f: {  	v1 =	vld [tilespmem:$0xC530];
	_ =	sdelay $0x4  }
0x30: {  	(v2sf) =	vpush v1, $0x0;
	_ =	sdelay $0xe  }
0x31: {  	s17 =	spop (v2sf)  }
0x32: {  	s18 =	sadd.s32 $0x4F, s17  }
0x33: {  	s19 =	smulhi.u32 $0x66666667, s18;
	s20 =	sshra.s32 s18, $0x1F  }
0x34: {  	s20 =	smul.u32 $0x66666667, s20;
	_ =	sdelay $0x1  }
0x35: {  	s19 =	sadd.s32 s20, s19  }
0x36: {  	s20 =	sshrl.u32 s19, $0x1F;
	s19 =	sshra.s32 s19, $0x5  }
0x37: {  	s19 =	sadd.s32 s20, s19  }
0x38: {  	s20 =	smul.u32 $0xFFFFFFB0, s19  }
0x39: {  	s21 =	ssub.s32 $0xFFFFFFB1, s17  }
0x3a: {  	p1 =	slt.s32 s18, $0x1;
	p2 =	sne.s32 s20, s21  }
0x3b: {  	p1 =	por !p1, !p2  }
0x3c: {  	s18 =	simm.s32 $0x1;
	p1 =	por !p1, !p1  }
0x3d: {  	s18 =	simm.s32 @!p1 $0x0  }
0x3e: {  	s18 =	ssub.s32 s19, s18  }
0x3f: {  	p1 =	slt.s32 s18, $0x1  }
.Ltmp3:
0x40: {  	_ = 	snop;
	(pc) =	sbr.rel @p1 .LBB2_7-.Ltmp3, $2  }
0x41: {  	_ =	sdelay $0x2  }
0x42: {  	s20 =	simm.s32 $0x0;
	s19 =	simm.s32 $0x0  }
.LBB2_4:
0x43: {  	s21 =	smul.u32 $0x50, s20;
	_ =	sdelay $0x1  }
0x44: {  	s21 =	sadd.s32 s7, s21  }
0x45: {  	s21 =	sshrl.u32 s21, $0x3  }
0x46: {  	s22 =	sadd.s32 s4, s21  }
0x47: {  	[tilespmem:s16], [sflag:$0x2] =	stream.linear.gather [hbm4b:s22+s16], $0x50, $0x38;
	[tilespmem:$0xC540] =	vst v63  }
0x48: {  	_ =	swait.ge [sflag:s12], $0x50  }
0x49: {  	[sflag:s12] =	ssyncset.done $0x0  }
0x4a: {  	s21 =	sadd.s32 s5, s21;
	[sflag:s12] =	ssyncadd.s32 $0xFFFFFFB0  }
0x4b: {  	[tilespmem:s14], [sflag:$0x2] =	stream.linear.gather [hbm4b:s21+s16], $0x50, $0x38;
	[tilespmem:$0xC540] =	vst v63  }
0x4c: {  	_ =	swait.ge [sflag:s12], $0x50  }
0x4d: {  	[sflag:s12] =	ssyncset.done $0x0  }
0x4e: {  	[sflag:s12] =	ssyncadd.s32 $0xFFFFFFB0  }
0x4f: {  	[tilespmem:s15], [sflag:$0x1] =	stream.indirect.gather [hbm4b:s1+s14], $0x80, s16, s14, $0xb8;
	[tilespmem:$0xC540] =	vst v63  }
0x50: {  	_ =	swait.ge [sflag:s13], $0x2800  }
0x51: {  	p2 =	sge.s32 s19, s17;
	[sflag:s13] =	ssyncset.done $0x0  }
0x52: {  	p1 =	por p2, p2;
	s21 =	simm.s32 @!p2 $0x0;
	[sflag:s13] =	ssyncadd.s32 $0xFFFFD800  }
0x53: {  	v1 =	vld @!p1 [tilespmem:s21+$0x50];
	_ =	sdelay $0x4  }
0x54: {  	(v2sf) =	vpush @!p1 v1, $0x0;
	_ =	sdelay $0xe  }
0x55: {  	s22 =	spop @!p2 (v2sf)  }
0x56: {  	s21 =	simm.s32 $0xF0;
	s22 =	sshll.u32 @!p1 s22, $0x9  }
0x57: {  	v1 =	vld @!p1 [tilespmem:s21+$0xFFFFFFC0];
	s23 =	sshra.s32 @!p1 s22, $0x2  }
0x58: {  	v2 =	vld @!p1 [tilespmem:s23+$0x28B0];
	_ =	sdelay $0x4  }
0x59: {  	v1 =	vadd.f32 @!p1 v2, v1;
	_ =	sdelay $0x1  }
0x5a: {  	[tilespmem:s23+$0x28B0] =	vst @!p1 v1;
	v1 =	vld @!p1 [tilespmem:s23+$0x28C0]  }
0x5b: {  	v2 =	vld @!p1 [tilespmem:s21+$0xFFFFFFD0];
	_ =	sdelay $0x4  }
0x5c: {  	v1 =	vadd.f32 @!p1 v1, v2;
	_ =	sdelay $0x1  }
0x5d: {  	[tilespmem:s23+$0x28C0] =	vst @!p1 v1;
	v1 =	vld @!p1 [tilespmem:s23+$0x28D0]  }
0x5e: {  	v2 =	vld @!p1 [tilespmem:s21+$0xFFFFFFE0];
	_ =	sdelay $0x4  }
0x5f: {  	v1 =	vadd.f32 @!p1 v1, v2;
	_ =	sdelay $0x1  }
0x60: {  	[tilespmem:s23+$0x28D0] =	vst @!p1 v1;
	v1 =	vld @!p1 [tilespmem:s23+$0x28E0]  }
0x61: {  	v2 =	vld @!p1 [tilespmem:s21+$0xFFFFFFF0];
	_ =	sdelay $0x4  }
0x62: {  	v1 =	vadd.f32 @!p1 v1, v2;
	_ =	sdelay $0x1  }
0x63: {  	[tilespmem:s23+$0x28E0] =	vst @!p1 v1;
	v1 =	vld @!p1 [tilespmem:s23+$0x28F0]  }
0x64: {  	v2 =	vld @!p1 [tilespmem:s21+$0x0];
	_ =	sdelay $0x4  }
0x65: {  	v1 =	vadd.f32 @!p1 v1, v2;
	_ =	sdelay $0x1  }
0x66: {  	[tilespmem:s23+$0x28F0] =	vst @!p1 v1;
	v1 =	vld @!p1 [tilespmem:s23+$0x2900]  }
0x67: {  	v2 =	vld @!p1 [tilespmem:s21+$0x10];
	_ =	sdelay $0x4  }
0x68: {  	v1 =	vadd.f32 @!p1 v1, v2;
	_ =	sdelay $0x1  }
0x69: {  	[tilespmem:s23+$0x2900] =	vst @!p1 v1;
	v1 =	vld @!p1 [tilespmem:s23+$0x2910]  }
0x6a: {  	v2 =	vld @!p1 [tilespmem:s21+$0x20];
	_ =	sdelay $0x4  }
0x6b: {  	v1 =	vadd.f32 @!p1 v1, v2;
	_ =	sdelay $0x1  }
0x6c: {  	[tilespmem:s23+$0x2910] =	vst @!p1 v1;
	v1 =	vld @!p1 [tilespmem:s23+$0x2920]  }
0x6d: {  	v2 =	vld @!p1 [tilespmem:s21+$0x30];
	_ =	sdelay $0x3  }
0x6e: {  	s22 =	sadd.s32 $0x1, s19  }
0x6f: {  	s25 =	simm.s32 $0x4;
	s24 =	simm.s32 $0x8;
	p3 =	sge.s32 s22, s17;
	v1 =	vadd.f32 @!p1 v1, v2  }
.LBB2_5:
0x70: {  	s26 =	sshra.s32 @!p3 s25, $0x2;
	s21 =	sadd.s32 $0x80, s21  }
0x71: {  	[tilespmem:s23+$0x2920] =	vst @!p1 v1;
	s25 =	smov.u32 s24;
	s24 =	sadd.s32 $0x4, s24;
	p1 =	por p3, p3  }
0x72: {  	p2 =	sne.s32 s24, $0x140;
	v1 =	vld @!p1 [tilespmem:s26+$0x50];
	_ =	sdelay $0x4  }
0x73: {  	(v2sf) =	vpush @!p1 v1, $0x0;
	_ =	sdelay $0xe  }
0x74: {  	s23 =	spop @!p3 (v2sf)  }
0x75: {  	s23 =	sshll.u32 @!p1 s23, $0x9  }
0x76: {  	v1 =	vld @!p1 [tilespmem:s21+$0xFFFFFFC0];
	s23 =	sshra.s32 @!p1 s23, $0x2  }
0x77: {  	v2 =	vld @!p1 [tilespmem:s23+$0x28B0];
	_ =	sdelay $0x4  }
0x78: {  	v1 =	vadd.f32 @!p1 v2, v1;
	_ =	sdelay $0x1  }
0x79: {  	[tilespmem:s23+$0x28B0] =	vst @!p1 v1;
	v1 =	vld @!p1 [tilespmem:s23+$0x28C0]  }
0x7a: {  	v2 =	vld @!p1 [tilespmem:s21+$0xFFFFFFD0];
	_ =	sdelay $0x4  }
0x7b: {  	v1 =	vadd.f32 @!p1 v1, v2;
	_ =	sdelay $0x1  }
0x7c: {  	[tilespmem:s23+$0x28C0] =	vst @!p1 v1;
	v1 =	vld @!p1 [tilespmem:s23+$0x28D0]  }
0x7d: {  	v2 =	vld @!p1 [tilespmem:s21+$0xFFFFFFE0];
	_ =	sdelay $0x4  }
0x7e: {  	v1 =	vadd.f32 @!p1 v1, v2;
	_ =	sdelay $0x1  }
0x7f: {  	[tilespmem:s23+$0x28D0] =	vst @!p1 v1;
	v1 =	vld @!p1 [tilespmem:s23+$0x28E0]  }
0x80: {  	v2 =	vld @!p1 [tilespmem:s21+$0xFFFFFFF0];
	_ =	sdelay $0x4  }
0x81: {  	v1 =	vadd.f32 @!p1 v1, v2;
	_ =	sdelay $0x1  }
0x82: {  	[tilespmem:s23+$0x28E0] =	vst @!p1 v1;
	v1 =	vld @!p1 [tilespmem:s23+$0x28F0]  }
0x83: {  	v2 =	vld @!p1 [tilespmem:s21+$0x0];
	_ =	sdelay $0x4  }
0x84: {  	v1 =	vadd.f32 @!p1 v1, v2;
	_ =	sdelay $0x1  }
0x85: {  	[tilespmem:s23+$0x28F0] =	vst @!p1 v1;
	v1 =	vld @!p1 [tilespmem:s23+$0x2900]  }
0x86: {  	v2 =	vld @!p1 [tilespmem:s21+$0x10];
	_ =	sdelay $0x4  }
0x87: {  	v1 =	vadd.f32 @!p1 v1, v2;
	_ =	sdelay $0x1  }
0x88: {  	[tilespmem:s23+$0x2900] =	vst @!p1 v1;
	v1 =	vld @!p1 [tilespmem:s23+$0x2910]  }
0x89: {  	v2 =	vld @!p1 [tilespmem:s21+$0x20];
	_ =	sdelay $0x4  }
0x8a: {  	v1 =	vadd.f32 @!p1 v1, v2;
	_ =	sdelay $0x1  }
0x8b: {  	[tilespmem:s23+$0x2910] =	vst @!p1 v1;
	v1 =	vld @!p1 [tilespmem:s23+$0x2920]  }
0x8c: {  	v2 =	vld @!p1 [tilespmem:s21+$0x30];
	_ =	sdelay $0x1  }
.Ltmp4:
0x8d: {  	(pc) =	sbr.rel @p2 .LBB2_5-.Ltmp4, $3  }
0x8e: {  	_ =	sdelay $0x1  }
0x8f: {  	s22 =	sadd.s32 $0x1, s22;
	v1 =	vadd.f32 @!p1 v1, v2  }
0x90: {  	p3 =	sge.s32 s22, s17  }
0x91: {  	s22 =	sshra.s32 @!p3 s25, $0x2;
	[tilespmem:s23+$0x2920] =	vst @!p1 v1;
	p1 =	por p3, p3  }
0x92: {  	v1 =	vld @!p1 [tilespmem:s22+$0x50];
	_ =	sdelay $0x4  }
0x93: {  	(v2sf) =	vpush @!p1 v1, $0x0;
	_ =	sdelay $0xe  }
0x94: {  	s22 =	spop @!p3 (v2sf)  }
0x95: {  	s21 =	sadd.s32 $0x80, s21;
	s22 =	sshll.u32 @!p1 s22, $0x9  }
0x96: {  	v1 =	vld @!p1 [tilespmem:s21+$0xFFFFFFC0];
	s22 =	sshra.s32 @!p1 s22, $0x2  }
0x97: {  	v2 =	vld @!p1 [tilespmem:s22+$0x28B0];
	_ =	sdelay $0x4  }
0x98: {  	v1 =	vadd.f32 @!p1 v2, v1;
	_ =	sdelay $0x1  }
0x99: {  	[tilespmem:s22+$0x28B0] =	vst @!p1 v1;
	v1 =	vld @!p1 [tilespmem:s22+$0x28C0]  }
0x9a: {  	v2 =	vld @!p1 [tilespmem:s21+$0xFFFFFFD0];
	_ =	sdelay $0x4  }
0x9b: {  	v1 =	vadd.f32 @!p1 v1, v2;
	_ =	sdelay $0x1  }
0x9c: {  	[tilespmem:s22+$0x28C0] =	vst @!p1 v1;
	v1 =	vld @!p1 [tilespmem:s22+$0x28D0]  }
0x9d: {  	v2 =	vld @!p1 [tilespmem:s21+$0xFFFFFFE0];
	_ =	sdelay $0x4  }
0x9e: {  	v1 =	vadd.f32 @!p1 v1, v2;
	_ =	sdelay $0x1  }
0x9f: {  	[tilespmem:s22+$0x28D0] =	vst @!p1 v1;
	v1 =	vld @!p1 [tilespmem:s22+$0x28E0]  }
0xa0: {  	v2 =	vld @!p1 [tilespmem:s21+$0xFFFFFFF0];
	_ =	sdelay $0x4  }
0xa1: {  	v1 =	vadd.f32 @!p1 v1, v2;
	_ =	sdelay $0x1  }
0xa2: {  	[tilespmem:s22+$0x28E0] =	vst @!p1 v1;
	v1 =	vld @!p1 [tilespmem:s22+$0x28F0]  }
0xa3: {  	v2 =	vld @!p1 [tilespmem:s21+$0x0];
	_ =	sdelay $0x4  }
0xa4: {  	v1 =	vadd.f32 @!p1 v1, v2;
	_ =	sdelay $0x1  }
0xa5: {  	[tilespmem:s22+$0x28F0] =	vst @!p1 v1;
	v1 =	vld @!p1 [tilespmem:s22+$0x2900]  }
0xa6: {  	v2 =	vld @!p1 [tilespmem:s21+$0x10];
	_ =	sdelay $0x4  }
0xa7: {  	v1 =	vadd.f32 @!p1 v1, v2;
	_ =	sdelay $0x1  }
0xa8: {  	[tilespmem:s22+$0x2900] =	vst @!p1 v1;
	v1 =	vld @!p1 [tilespmem:s22+$0x2910]  }
0xa9: {  	v2 =	vld @!p1 [tilespmem:s21+$0x20];
	_ =	sdelay $0x4  }
0xaa: {  	v1 =	vadd.f32 @!p1 v1, v2;
	_ =	sdelay $0x1  }
0xab: {  	[tilespmem:s22+$0x2910] =	vst @!p1 v1;
	v1 =	vld @!p1 [tilespmem:s22+$0x2920]  }
0xac: {  	v2 =	vld @!p1 [tilespmem:s21+$0x30]  }
0xad: {  	s20 =	sadd.s32 $0x1, s20  }
0xae: {  	p2 =	sne.s32 s20, s18  }
.Ltmp5:
0xaf: {  	_ = 	snop;
	(pc) =	sbr.rel @p2 .LBB2_4-.Ltmp5, $4  }
.Ltmp6:
0xb0: {  	_ = 	snop;
	(pc) =	sbr.rel @!p2 .LBB2_7-.Ltmp6, $4  }
0xb1: {  	v1 =	vadd.f32 @!p1 v1, v2  }
0xb2: {  	_ = 	snop  }
0xb3: {  	s19 =	sadd.s32 $0x50, s19;
	[tilespmem:s22+$0x2920] =	vst @!p1 v1  }
0xb4: {  	_ = 	snop  }
.LBB2_8:
0xb5: {  	_ =	sfence.sel $0x180000  }
0xb6: {  	[bflag:$0x0] =	sbarrier.arrive $0xFFFF  }
0xb7: {  	p0 =	sne.s32 s2, $0x0;
	_ =	strace $0x9000004A  }
0xb8: {  	s0 =	sadd.s32 @!p0 $0x100000, s0;
	[bflag:$0x2] =	sbarrier.arrive $0xFFFF  }
0xb9: {  	[sflag:s0] =	ssyncadd.tile.s32 @!p0 $0x1;
	_ =	shalt  }
.Lfunc_end2:
_tile_overlayer_lowered:
.L_overlay_start_2:
0xba: {  	(tag) =	ssettag $0x2  }
0xbb: {  	s0 =	rddreg [dreg:$0x0];
	s2 =	stileid.u32  }
0xbc: {  	s1 =	rddreg [dreg:$0x1];
	p0 =	sne.s32 s2, $0x0  }
0xbd: {  	s3 =	rddreg [dreg:$0x2];
	[bflag:$0x3] =	sbarrier.arrive $0xFFFF;
	s2 =	simm.s32 @!p0 $0x1C02  }
0xbe: {  	[timem:s3], [sflag:s2] =	dma.local @!p0 [hbm:s0], s1  }
0xbf: {  	s0 =	simm.s32 @!p0 $0x2  }
0xc0: {  	_ =	swait.ge @!p0 [sflag:s0], s1  }
0xc1: {  	s1 =	ssub.s32 @!p0 $0x0, s1;
	[sflag:s0] =	ssyncset.done @!p0 $0x0  }
0xc2: {  	[sflag:s0] =	ssyncadd.s32 @!p0 s1  }
0xc3: {  	[bflag:$0x3] =	sbarrier.arrive $0xFFFF  }
0xc4: {  	_ =	shalt  }

// kernel: kernel.19.cloned.1.call-start
scs
__scs_entry_jumppad:
0x0: {  	(pc) =	sbr.rel $0x88, $3  }
0x1: {  	(tag) =	ssettag $0x0;
	lr =	simm.s32 $0x1  }
0x2: {  	[smem:$0x3F94] =	sst lr;
	_ =	strace $0xD0000000  }
0x3: {  	_ = 	snop  }
0x4: {  	_ = 	snop  }
0x5: {  	_ = 	snop  }
0x6: {  	_ = 	snop  }
0x7: {  	_ = 	snop  }
__scs_overlays_trampoline_lowered:
0x8: {  	[smem:$0x3FA3] =	sst s0  }
0x9: {  	[smem:$0x3FA4] =	sst s1  }
0xa: {  	[smem:$0x3FA5] =	sst s2  }
0xb: {  	[smem:$0x3FA6] =	sst s3  }
0xc: {  	[smem:$0x3FA7] =	sst s4  }
0xd: {  	[smem:$0x3FA8] =	sst s5  }
0xe: {  	[smem:$0x3FA9] =	sst s6  }
0xf: {  	[smem:$0x3FAA] =	sst s7  }
0x10: {  	[smem:$0x3FAB] =	sst s8  }
0x11: {  	[smem:$0x3FAC] =	sst s9;
	s0 =	simm.s32 @!p0 $0x0  }
0x12: {  	s1 =	sld [smem:$0x3F92];
	s0 =	simm.s32 @p0 $0x1  }
0x13: {  	[smem:$0x3FAD] =	sst s0;
	s0 =	simm.s32 @!p1 $0x0  }
0x14: {  	s2 =	sld [smem:$0x3F91];
	s0 =	simm.s32 @p1 $0x1  }
0x15: {  	[smem:$0x3FAE] =	sst s0;
	s0 =	simm.s32 @!p2 $0x0  }
0x16: {  	s3 =	sld [smem:$0x3FDB];
	s0 =	simm.s32 @p2 $0x1  }
0x17: {  	s4 =	simm.s32 $0x1BF5;
	[smem:$0x3FB0] =	sst s0  }
0x18: {  	s0 =	sld [smem:$0x3F93];
	_ =	swait.ge [sflag:s4], $0x0  }
0x19: {  	s7 =	sld [smem:$0x3F94]  }
0x1a: {  	s8 =	sadd.s32 $0xFFFFE003, lr  }
0x1b: {  	s9 =	sadd.s32 $0xFFFFFEF7, lr;
	s5 =	simm.s32 $0xFFFFFFFF;
	p2 =	slt.u32 s8, $0xFFFFF086  }
0x1c: {  	p1 =	slt.u32 s9, $0xF7A;
	s5 =	simm.s32 @!p2 $0x0  }
0x1d: {  	s5 =	simm.s32 @p1 $0x1;
	p0 =	seq.s32 s7, s2  }
0x1e: {  	s7 =	smul.u32 @!p0 $0xF7A, s2;
	p2 =	seq.s32 @!p0 s5, $0x0  }
0x1f: {  	s9 =	smul.u32 $0xF7A, s1;
	s8 =	simm.s32 @!p0 $0x1BF5;
	p2 =	por !p2, p0  }
0x20: {  	[sflag:s8] =	ssyncset.s32 @!p0 $0xFFFFF086;
	s6 =	sadd.s32 @!p0 s3, s7;
	s7 =	simm.s32 @!p0 $0x108  }
0x21: {  	s3 =	sadd.s32 s3, s9;
	s6 =	sadd.s32 @!p0 $0x88, s6;
	s7 =	simm.s32 @p2 $0x1082  }
0x22: {  	[simem:s7], [sflag:s8] =	dma.local @!p0 [hbm:s6], $0xF7A  }
0x23: {  	s9 =	sor.u32 $0xD0000000, s2;
	s6 =	simm.s32 $0x108;
	_ =	swait.ge @!p0 [sflag:s8], $0x0  }
0x24: {  	s3 =	sadd.s32 $0x88, s3;
	s6 =	simm.s32 @!p1 $0x1082;
	[sflag:s4] =	ssyncset.s32 $0xFFFFF086  }
0x25: {  	[simem:s6], [sflag:s4] =	dma.local [hbm:s3], $0xF7A  }
0x26: {  	[smem:$0x3F94] =	sst s1;
	(tag) =	ssettag s2;
	_ =	strace s9  }
0x27: {  	s1 =	sld [smem:$0x3FA4]  }
0x28: {  	s2 =	sld [smem:$0x3FA5]  }
0x29: {  	s4 =	sld [smem:$0x3FA7]  }
0x2a: {  	p0 =	seq.s32 s5, $0x0;
	s5 =	sld [smem:$0x3FA8]  }
0x2b: {  	s6 =	sld [smem:$0x3FA9]  }
0x2c: {  	s7 =	sld [smem:$0x3FAA]  }
0x2d: {  	s3 =	simm.s32 $0x108;
	s8 =	sld [smem:$0x3FAB]  }
0x2e: {  	s3 =	simm.s32 @!p0 $0x1082;
	s9 =	sld [smem:$0x3FAC]  }
0x2f: {  	lr =	sadd.s32 s0, s3;
	s0 =	sld [smem:$0x3FA3]  }
0x30: {  	s3 =	sld [smem:$0x3FA6]  }
0x31: {  	[smem:$0x3FAF] =	sst s10  }
0x32: {  	s10 =	sld [smem:$0x3FAD];
	_ =	sdelay $0x3  }
0x33: {  	p0 =	seq.s32 s10, $0x1;
	s10 =	sld [smem:$0x3FAF];
	_ =	sdelay $0x3  }
0x34: {  	[smem:$0x3FAF] =	sst s10  }
0x35: {  	s10 =	sld [smem:$0x3FAE];
	_ =	sdelay $0x3  }
0x36: {  	p1 =	seq.s32 s10, $0x1;
	s10 =	sld [smem:$0x3FAF];
	_ =	sdelay $0x3  }
0x37: {  	[smem:$0x3FAF] =	sst s10  }
0x38: {  	s10 =	sld [smem:$0x3FB0]  }
0x39: {  	_ = 	snop;
	(pc) =	sbr.ind lr, $3  }
0x3a: {  	_ = 	snop  }
0x3b: {  	_ = 	snop  }
0x3c: {  	p2 =	seq.s32 s10, $0x1;
	s10 =	sld [smem:$0x3FAF]  }
0x3d: {  	_ =	shalt  }
0x3e: {  	_ =	shalt  }
0x3f: {  	_ =	shalt  }
0x40: {  	_ =	shalt  }
0x41: {  	_ =	shalt  }
0x42: {  	_ =	shalt  }
0x43: {  	_ =	shalt  }
0x44: {  	_ =	shalt  }
0x45: {  	_ =	shalt  }
0x46: {  	_ =	shalt  }
0x47: {  	_ =	shalt  }
0x48: {  	_ =	shalt  }
0x49: {  	_ =	shalt  }
0x4a: {  	_ =	shalt  }
0x4b: {  	_ =	shalt  }
0x4c: {  	_ =	shalt  }
0x4d: {  	_ =	shalt  }
0x4e: {  	_ =	shalt  }
0x4f: {  	_ =	shalt  }
0x50: {  	_ =	shalt  }
0x51: {  	_ =	shalt  }
0x52: {  	_ =	shalt  }
0x53: {  	_ =	shalt  }
0x54: {  	_ =	shalt  }
0x55: {  	_ =	shalt  }
0x56: {  	_ =	shalt  }
0x57: {  	_ =	shalt  }
0x58: {  	_ =	shalt  }
0x59: {  	_ =	shalt  }
0x5a: {  	_ =	shalt  }
0x5b: {  	_ =	shalt  }
0x5c: {  	_ =	shalt  }
0x5d: {  	_ =	shalt  }
0x5e: {  	_ =	shalt  }
0x5f: {  	_ =	shalt  }
0x60: {  	_ =	shalt  }
0x61: {  	_ =	shalt  }
0x62: {  	_ =	shalt  }
0x63: {  	_ =	shalt  }
0x64: {  	_ =	shalt  }
0x65: {  	_ =	shalt  }
0x66: {  	_ =	shalt  }
0x67: {  	_ =	shalt  }
0x68: {  	_ =	shalt  }
0x69: {  	_ =	shalt  }
0x6a: {  	_ =	shalt  }
0x6b: {  	_ =	shalt  }
0x6c: {  	_ =	shalt  }
0x6d: {  	_ =	shalt  }
0x6e: {  	_ =	shalt  }
0x6f: {  	_ =	shalt  }
0x70: {  	_ =	shalt  }
0x71: {  	_ =	shalt  }
0x72: {  	_ =	shalt  }
0x73: {  	_ =	shalt  }
0x74: {  	_ =	shalt  }
0x75: {  	_ =	shalt  }
0x76: {  	_ =	shalt  }
0x77: {  	_ =	shalt  }
0x78: {  	_ =	shalt  }
0x79: {  	_ =	shalt  }
0x7a: {  	_ =	shalt  }
0x7b: {  	_ =	shalt  }
0x7c: {  	_ =	shalt  }
0x7d: {  	_ =	shalt  }
0x7e: {  	_ =	shalt  }
0x7f: {  	_ =	shalt  }
0x80: {  	_ =	shalt  }
0x81: {  	_ =	shalt  }
0x82: {  	_ =	shalt  }
0x83: {  	_ =	shalt  }
0x84: {  	_ =	shalt  }
0x85: {  	_ =	shalt  }
0x86: {  	_ =	shalt  }
0x87: {  	_ =	shalt  }
.Lfunc_end0:
.L_simem_size_0:
called_computation.2_lowered:
.L_overlay_start_0:
0x88: {  	s2 =	sld [smem:$0x3FD9]  }
0x89: {  	s3 =	sld [smem:$0x3FFE];
	_ =	sdelay $0x1  }
0x8a: {  	s1 =	srdreg.scid  }
0x8b: {  	s0 =	sand.u32 $0x1, s1  }
0x8c: {  	s17 =	sshll.u32 s0, $0xA;
	s2 =	sadd.s32 s3, s2  }
0x8d: {  	s2 =	sadd.s32 s2, s17  }
0x8e: {  	[smem:$0x3FBB] =	sst s2  }
0x8f: {  	_ = 	snop  }
0x90: {  	s2 =	sld [smem:$0x3FC7]  }
0x91: {  	s18 =	sld [smem:$0x3FD0];
	(tm) =	ssettm $0x1  }
0x92: {  	s4 =	sld [smem:$0x3FFB];
	_ =	sdelay $0x3  }
0x93: {  	_ =	strace s4  }
0x94: {  	s4 =	sld [smem:$0x3FFC];
	_ =	sdelay $0x3  }
0x95: {  	_ =	strace s4  }
0x96: {  	s4 =	sld [smem:$0x3FFD];
	_ =	sdelay $0x3  }
0x97: {  	_ =	strace s4  }
0x98: {  	_ =	strace $0x8FFFFFFF  }
0x99: {  	s19 =	sld [smem:$0x3FDB];
	_ =	sdelay $0x1  }
0x9a: {  	s5 =	simm.s32 $_scs_section_size  }
0x9b: {  	s6 =	simm.s32 $_size__tile_overlayer_lowered;
	s7 =	simm.s32 $_tile_overlayer_lowered  }
0x9c: {  	s22 =	simm.s32 $0x1BFF;
	s21 =	sshll.u32 s7, $0x1;
	s4 =	sadd.s32 s5, s19  }
0x9d: {  	s8 =	simm.s32 $0x0;
	s20 =	sshll.u32 s6, $0x1;
	s6 =	sadd.s32 s21, s4  }
0x9e: {  	[timem:s8], [sflag:s22] =	dma.local [hbm:s6], s20  }
0x9f: {  	_ =	swait.ge [sflag:s22], s20  }
0xa0: {  	s5 =	ssub.s32 $0x0, s20;
	[sflag:s22] =	ssyncset.done $0x0  }
0xa1: {  	[sflag:s22] =	ssyncadd.s32 s5;
	_ =	sdelay $0x1  }
0xa2: {  	s23 =	simm.s32 $0x1B8B  }
0xa3: {  	_ =	swait.ge [sflag:s23], $0x1  }
0xa4: {  	[sflag:s23] =	ssyncset.done $0x0  }
0xa5: {  	s25 =	simm.s32 $0x1B8E;
	s24 =	sld [smem:$0x3FFE];
	[sflag:s23] =	ssyncadd.s32 $0xFFFFFFFF  }
0xa6: {  	s26 =	simm.s32 $execute0_lowered;
	[smem:$0x3FD2] =	sst s25  }
0xa7: {  	s6 =	sshll.u32 s26, $0x1;
	_ =	strace $0x8000004C;
	[dreg:$0x1] =	wrdreg $0xFFFFFFFF  }
0xa8: {  	s28 =	simm.s32 $_size_execute0_lowered;
	s4 =	sadd.s32 s4, s6;
	[dreg:$0x0] =	wrdreg $0x0  }
0xa9: {  	s6 =	sshll.u32 s28, $0x1;
	[dreg:$0x2] =	wrdreg s4  }
0xaa: {  	[dreg:$0x3] =	wrdreg s6  }
0xab: {  	[dreg:$0x4] =	wrdreg $0xC0  }
0xac: {  	_ =	task [dreg:s8], $0x5FFFF  }
0xad: {  	[dreg:$0x1] =	wrdreg $0xFFFFFFFF  }
0xae: {  	[dreg:$0x0] =	wrdreg $0x60  }
0xaf: {  	[dreg:$0x2] =	wrdreg s24  }
0xb0: {  	[dreg:$0x3] =	wrdreg s2  }
0xb1: {  	[dreg:$0x4] =	wrdreg s18  }
0xb2: {  	[dreg:$0x5] =	wrdreg $0x9  }
0xb3: {  	_ =	task.clear_ibuf [dreg:s8], $0x6FFFF;
	_ =	strace $0x9000004C  }
0xb4: {  	s29 =	simm.s32 $0x9;
	_ =	strace $0x8000004E  }
0xb5: {  	_ =	swait.ge [sflag:s29], $0x1  }
0xb6: {  	[sflag:s29] =	ssyncadd.s32 $0xFFFFFFFF  }
0xb7: {  	_ =	strace $0x9000004E  }
0xb8: {  	_ =	sfence  }
0xb9: {  	s30 =	sld [smem:$0x0];
	_ =	sdelay $0x2  }
0xba: {  	s31 =	sshll.u32 s1, $0xD;
	s1 =	sshrl.u32 s1, $0x2  }
0xbb: {  	s3 =	sand.u32 $0x4000, s31;
	s1 =	sadd.s32 s1, s30  }
0xbc: {  	s0 =	sor.u32 s3, s0;
	s1 =	sshll.u32 s1, $0x11  }
0xbd: {  	s0 =	sor.u32 s1, s0  }
0xbe: {  	s0 =	sadd.s32 $0x8F2B, s0  }
0xbf: {  	[sflag:s0] =	ssyncadd.remote.s32 $0x1  }
0xc0: {  	_ =	sfence.sel $0xFFFF  }
0xc1: {  	[dreg:$0x0] =	wrdreg $0xFFFFFFFF;
	(pc) =	sbr.abs _section_cstart, $3  }
0xc2: {  	[dreg:$0x1] =	wrdreg $0xFFFFFFFF  }
0xc3: {  	_ =	task.clear_ibuf [dreg:s8], $0x2FFFF;
	_ =	strace $0x9FFFFFFF  }
0xc4: {  	(tm) =	ssettm $0x7FFFFFFF  }
0xc5: {  	_ =	shalt  }
tec
execute0_lowered:
.L_overlay_start_1:
0x0: {  	(tag) =	ssettag $0x1  }
0x1: {  	s1 =	stileid.u32  }
0x2: {  	p0 =	sgt.u32 s1, $0x7  }
.Ltmp0:
0x3: {  	s4 =	rddreg [dreg:$0x0];
	(pc) =	sbr.rel @p0 .LBB2_11-.Ltmp0, $4  }
0x4: {  	s2 =	rddreg [dreg:$0x1]  }
0x5: {  	s5 =	rddreg [dreg:$0x2];
	s3 =	simm.s32 $0x0  }
0x6: {  	[smem:$0x7FF] =	sst s3  }
0x7: {  	s0 =	rddreg [dreg:$0x3];
	_ =	strace $0x8000004D  }
0x8: {  	s6 =	srdreg.scid  }
0x9: {  	s6 =	sand.u32 $0x1, s6  }
.Ltmp1:
0xa: {  	s7 =	sshll.u32 s1, $0x1;
	s8 =	ssub.s32 $0x2, s6;
	(pc) =	sbr.rel .LBB2_2-.Ltmp1, $4  }
0xb: {  	s4 =	sadd.s32 $0x285C00, s4;
	s9 =	sor.u32 s6, s7;
	s31 =	sshrl.u32 s8, $0x1  }
0xc: {  	s10 =	sxor.u32 $0xFFFFFFFF, s9;
	s7 =	sshll.u32 s9, $0x4;
	v0 =	vmov s9;
	s9 =	simm.s32 $0x4710  }
0xd: {  	s6 =	ssub.s32 s8, s31;
	s5 =	sadd.s32 s5, s7;
	s7 =	simm.s32 $0x1  }
0xe: {  	v1 =	vmov s10;
	s8 =	simm.s32 $0x2710;
	s10 =	simm.s32 $0x0;
	s6 =	smax.u32 s6, $0x1  }
.LBB2_5:
0xf: {  	v8 =	vimm.f32 $0.0e+00;
	v3 =	vimm.f32 $0.0e+00  }
0x10: {  	v7 =	vimm.f32 $0.0e+00;
	v5 =	vimm.f32 $0.0e+00;
	v9 =	vimm.f32 $0.0e+00  }
0x11: {  	v6 =	vimm.f32 $0.0e+00;
	v4 =	vimm.f32 $0.0e+00;
	v2 =	vimm.f32 $0.0e+00  }
.LBB2_10:
0x12: {  	[tilespmem:$0x4710] =	vst v8  }
0x13: {  	[tilespmem:$0x4720] =	vst v3  }
0x14: {  	[tilespmem:$0x4730] =	vst v7  }
0x15: {  	[tilespmem:$0x4740] =	vst v5  }
0x16: {  	[tilespmem:$0x4750] =	vst v9  }
0x17: {  	[tilespmem:$0x4760] =	vst v6;
	s10 =	sadd.s32 $0x1, s10  }
0x18: {  	[tilespmem:$0x4770] =	vst v4;
	p0 =	sne.s32 s10, s6  }
.Ltmp2:
0x19: {  	[tilespmem:$0x4780] =	vst v2;
	(pc) =	sbr.rel @!p0 .LBB2_11-.Ltmp2, $4  }
0x1a: {  	[hbm4b:s5+s3] =	stream.linear.scatter [tilespmem:s9], [sflag:$0x1], $0x80, $0x38;
	[tilespmem:$0x4790] =	vst v63  }
0x1b: {  	_ =	swait.ge [sflag:s7], $0x80  }
0x1c: {  	[sflag:s7] =	ssyncset.done $0x0  }
0x1d: {  	[sflag:s7] =	ssyncadd.s32 $0xFFFFFF80  }
.LBB2_2:
0x1e: {  	s11 =	simm.s32 $0x0  }
0x1f: {  	[tilespmem:s11], [sflag:$0x1] =	stream.linear.gather [hbm4b:s2+s11], $0x2710, $0x38;
	[tilespmem:$0x4790] =	vst v63  }
0x20: {  	_ =	swait.ge [sflag:s7], $0x2710  }
0x21: {  	[sflag:s7] =	ssyncset.done $0x0  }
0x22: {  	s12 =	simm.s32 $0x0;
	[sflag:s7] =	ssyncadd.s32 $0xFFFFD8F0  }
0x23: {  	v2 =	vld [tilespmem:s12+$0x0]  }
0x24: {  	s28 =	simm.s32 $0x10  }
0x25: {  	v3 =	vld [tilespmem:s28+$0x0];
	_ =	sdelay $0x1  }
0x26: {  	s29 =	simm.s32 $0x20  }
0x27: {  	v4 =	vld [tilespmem:s29+$0x0];
	v5 =	vadd.s32 v1, v2  }
0x28: {  	v2 =	vsub.s32 v2, v0;
	v5 =	vshrl.u32 v5, $0x1F  }
0x29: {  	v60 =	vadd.s32 v1, v3;
	v2 =	vshrl.u32 v2, $0x1F;
	(xrf0) =	vadd.scan.msk.s32 $0xffff, v5  }
0x2a: {  	(xrf0) =	vadd.scan.msk.s32 $0xffff, v2;
	v2 =	vsub.s32 v3, v0;
	v3 =	vshrl.u32 v60, $0x1F  }
0x2b: {  	v2 =	vshrl.u32 v2, $0x1F;
	(xrf0) =	vadd.scan.msk.s32 $0xffff, v3  }
0x2c: {  	v3 =	vadd.s32 v1, v4;
	(xrf0) =	vadd.scan.msk.s32 $0xffff, v2;
	v2 =	vsub.s32 v4, v0  }
0x2d: {  	v3 =	vshrl.u32 v3, $0x1F;
	v2 =	vshrl.u32 v2, $0x1F  }
0x2e: {  	(xrf0) =	vadd.scan.msk.s32 $0xffff, v3  }
0x2f: {  	(xrf0) =	vadd.scan.msk.s32 $0xffff, v2  }
0x30: {  	v2, _, _ =	vpop (xrf0)  }
0x31: {  	v3, _, _ =	vpop (xrf0);
	(v2sf) =	vpush v2, $0xF  }
0x32: {  	v2, _, _ =	vpop (xrf0);
	(v2sf) =	vpush v3, $0xF  }
0x33: {  	v3, _, _ =	vpop (xrf0);
	(v2sf) =	vpush v2, $0xF  }
0x34: {  	s30 =	simm.s32 $0x30;
	(v2sf) =	vpush v3, $0xF;
	v62, _, _ =	vpop (xrf0)  }
0x35: {  	v61 =	vld [tilespmem:s30+$0x0];
	v63, _, _ =	vpop (xrf0);
	(v2sf) =	vpush v62, $0xF  }
0x36: {  	(v2sf) =	vpush v63, $0xF;
	_ =	sdelay $0x3  }
0x37: {  	v2 =	vadd.s32 v1, v61  }
0x38: {  	s31 =	simm.s32 $0x40;
	v2 =	vshrl.u32 v2, $0x1F  }
0x39: {  	v3 =	vsub.s32 v61, v0;
	(xrf0) =	vadd.scan.msk.s32 $0xffff, v2;
	v2 =	vld [tilespmem:s31+$0x0]  }
0x3a: {  	v3 =	vshrl.u32 v3, $0x1F  }
0x3b: {  	(xrf0) =	vadd.scan.msk.s32 $0xffff, v3  }
0x3c: {  	s13 =	simm.s32 $0x140;
	s12 =	simm.s32 $0x0  }
.LBB2_3:
0x3d: {  	s14 =	sshra.s32 s13, $0x2;
	p0 =	sne.s32 s13, $0x9C00  }
.Ltmp3:
0x3e: {  	s13 =	sadd.s32 $0x40, s13;
	v3 =	vsub.s32 v2, v0;
	v7 =	vadd.s32 v1, v2;
	s15 =	spop (v2sf);
	(pc) =	sbr.rel @p0 .LBB2_3-.Ltmp3, $4  }
0x3f: {  	v2 =	vld [tilespmem:s14+$0x0];
	v6 =	vshrl.u32 v3, $0x1F;
	v5 =	vshrl.u32 v7, $0x1F;
	s11 =	sadd.s32 s11, s15;
	s14 =	spop (v2sf)  }
0x40: {  	(xrf0) =	vadd.scan.msk.s32 $0xffff, v5;
	v4, _, _ =	vpop (xrf0);
	s12 =	sadd.s32 s12, s14  }
0x41: {  	(xrf0) =	vadd.scan.msk.s32 $0xffff, v6;
	v3, _, _ =	vpop (xrf0);
	(v2sf) =	vpush v4, $0xF  }
0x42: {  	(v2sf) =	vpush v3, $0xF  }
0x43: {  	_ = 	snop  }
0x44: {  	v3 =	vadd.s32 v1, v2  }
0x45: {  	v2 =	vsub.s32 v2, v0;
	v3 =	vshrl.u32 v3, $0x1F  }
0x46: {  	v2 =	vshrl.u32 v2, $0x1F;
	(xrf0) =	vadd.scan.msk.s32 $0xffff, v3  }
0x47: {  	(xrf0) =	vadd.scan.msk.s32 $0xffff, v2;
	_ =	sdelay $0x2  }
0x48: {  	v2, _, _ =	vpop (xrf0)  }
0x49: {  	v3, _, _ =	vpop (xrf0);
	(v2sf) =	vpush v2, $0xF  }
0x4a: {  	(v2sf) =	vpush v3, $0xF;
	v2, _, _ =	vpop (xrf0)  }
0x4b: {  	v3, _, _ =	vpop (xrf0);
	(v2sf) =	vpush v2, $0xF  }
0x4c: {  	(v2sf) =	vpush v3, $0xF;
	_ =	sdelay $0x5  }
0x4d: {  	s13 =	spop (v2sf)  }
0x4e: {  	s14 =	spop (v2sf)  }
0x4f: {  	s15 =	spop (v2sf)  }
0x50: {  	s16 =	spop (v2sf)  }
0x51: {  	s17 =	spop (v2sf)  }
0x52: {  	s18 =	spop (v2sf)  }
0x53: {  	s11 =	sadd.s32 s11, s13;
	s12 =	sadd.s32 s12, s14;
	s25 =	spop (v2sf)  }
0x54: {  	s11 =	sadd.s32 s11, s15;
	s12 =	sadd.s32 s12, s16;
	s26 =	spop (v2sf)  }
0x55: {  	s11 =	sadd.s32 s11, s17;
	s12 =	sadd.s32 s12, s18;
	s28 =	spop (v2sf)  }
0x56: {  	s11 =	sadd.s32 s11, s25;
	s12 =	sadd.s32 s12, s26;
	s29 =	spop (v2sf)  }
0x57: {  	s11 =	sadd.s32 s11, s28;
	s12 =	sadd.s32 s12, s29  }
0x58: {  	s13 =	ssub.s32 s11, s12  }
0x59: {  	s13 =	sadd.s32 $0x3F, s13  }
0x5a: {  	s30 =	sand.u32 $0x3F, s13  }
0x5b: {  	s31 =	sshra.s32 s13, $0x1F;
	p1 =	slt.s32 s13, $0x1;
	p0 =	sne.s32 s30, $0x0  }
0x5c: {  	s14 =	sshrl.u32 s31, $0x1A;
	p0 =	por !p1, !p0  }
0x5d: {  	s13 =	sadd.s32 s14, s13;
	s14 =	simm.s32 $0x1;
	p0 =	por !p0, !p0  }
0x5e: {  	s13 =	sshra.s32 s13, $0x6;
	s14 =	simm.s32 @!p0 $0x0  }
0x5f: {  	s13 =	ssub.s32 s13, s14  }
0x60: {  	p0 =	slt.s32 s13, $0x1  }
.Ltmp4:
0x61: {  	_ = 	snop;
	(pc) =	sbr.rel @p0 .LBB2_5-.Ltmp4, $1  }
0x62: {  	_ =	sdelay $0x3  }
0x63: {  	v2 =	vimm.f32 $0.0e+00;
	v4 =	vimm.f32 $0.0e+00  }
0x64: {  	v6 =	vimm.f32 $0.0e+00;
	v9 =	vimm.f32 $0.0e+00;
	v5 =	vimm.f32 $0.0e+00  }
0x65: {  	s14 =	simm.s32 $0x0;
	s15 =	smov.u32 s12;
	v7 =	vimm.f32 $0.0e+00;
	v3 =	vimm.f32 $0.0e+00;
	v8 =	vimm.f32 $0.0e+00;
	s16 =	simm.s32 $0x0  }
.LBB2_7:
0x66: {  	s17 =	sshll.u32 s16, $0x6  }
0x67: {  	s17 =	sadd.s32 s12, s17  }
0x68: {  	s17 =	sshll.u32 s17, $0x4  }
0x69: {  	s17 =	sand.u32 $0x1FFFFFF0, s17  }
0x6a: {  	s17 =	sadd.s32 s4, s17  }
0x6b: {  	[tilespmem:s8], [sflag:$0x1] =	stream.linear.gather [hbm4b:s17+s14], $0x2000, $0x38;
	[tilespmem:$0x4790] =	vst v63  }
0x6c: {  	_ =	swait.ge [sflag:s7], $0x2000  }
0x6d: {  	s30 =	sadd.s32 $0x0, s15;
	[sflag:s7] =	ssyncset.done $0x0  }
0x6e: {  	s18 =	simm.s32 $0x2750;
	p2 =	sge.s32 s30, s11;
	[sflag:s7] =	ssyncadd.s32 $0xFFFFE000  }
0x6f: {  	v10 =	vld @!p2 [tilespmem:s18+$0xFFFFFFC0]  }
0x70: {  	v14 =	vld @!p2 [tilespmem:s18+$0xFFFFFFD0]  }
0x71: {  	v11 =	vld @!p2 [tilespmem:s18+$0xFFFFFFE0]  }
0x72: {  	v12 =	vld @!p2 [tilespmem:s18+$0xFFFFFFF0]  }
0x73: {  	v13 =	vld @!p2 [tilespmem:s18+$0x0]  }
0x74: {  	v15 =	vld @!p2 [tilespmem:s18+$0x10]  }
0x75: {  	s31 =	sadd.s32 $0x1, s15;
	p0 =	por p2, p2;
	v16 =	vld @!p2 [tilespmem:s18+$0x20]  }
0x76: {  	p1 =	sge.s32 s31, s11;
	s17 =	simm.s32 $0x27D0;
	v18 =	vld @!p0 [tilespmem:s18+$0x30]  }
0x77: {  	v19 =	vld @!p1 [tilespmem:s17+$0xFFFFFFC0];
	v17 =	vadd.f32 @!p2 v10, v8  }
0x78: {  	v11 =	vadd.f32 @!p0 v11, v7;
	v20 =	vadd.f32 @!p0 v12, v5;
	v10 =	vld @!p1 [tilespmem:s17+$0xFFFFFFD0]  }
0x79: {  	v13 =	vadd.f32 @!p0 v13, v9;
	v12 =	vld @!p1 [tilespmem:s17+$0xFFFFFFE0];
	v15 =	vadd.f32 @!p0 v15, v6;
	v8 =	vpsel p0, v8, v17  }
0x7a: {  	v7 =	vpsel p0, v7, v11;
	v5 =	vpsel p0, v5, v20;
	v11 =	vld @!p1 [tilespmem:s17+$0xFFFFFFF0];
	v20 =	vadd.f32 @!p0 v16, v4  }
0x7b: {  	v9 =	vpsel p0, v9, v13;
	v13 =	vld @!p1 [tilespmem:s17+$0x0];
	v17 =	vadd.f32 @!p0 v14, v3;
	v16 =	vadd.f32 @!p0 v18, v2  }
0x7c: {  	s18 =	simm.s32 $0x2;
	v6 =	vpsel p0, v6, v15;
	v14 =	vld @!p1 [tilespmem:s17+$0x10];
	v15 =	vadd.f32 @!p1 v19, v8;
	v4 =	vpsel p0, v4, v20  }
.LBB2_8:
0x7d: {  	s19 =	sadd.s32 s18, s15;
	s18 =	sadd.s32 $0x1, s18;
	v18 =	vld @!p1 [tilespmem:s17+$0x20];
	v3 =	vpsel p0, v3, v17;
	v2 =	vpsel p0, v2, v16;
	v16 =	vmov v10;
	p0 =	por p1, p1  }
0x7e: {  	p1 =	sge.s32 s19, s11;
	p2 =	sne.s32 s18, $0x40;
	v12 =	vadd.f32 @!p0 v12, v7;
	v19 =	vld @!p0 [tilespmem:s17+$0x30];
	v8 =	vpsel p0, v8, v15;
	s17 =	sadd.s32 $0x80, s17  }
0x7f: {  	v15 =	vld @!p1 [tilespmem:s17+$0xFFFFFFC0];
	v11 =	vadd.f32 @!p0 v11, v5  }
.Ltmp5:
0x80: {  	v10 =	vld @!p1 [tilespmem:s17+$0xFFFFFFD0];
	v13 =	vadd.f32 @!p0 v13, v9;
	v7 =	vpsel p0, v7, v12;
	(pc) =	sbr.rel @p2 .LBB2_8-.Ltmp5, $4  }
0x81: {  	v12 =	vld @!p1 [tilespmem:s17+$0xFFFFFFE0];
	v14 =	vadd.f32 @!p0 v14, v6;
	v5 =	vpsel p0, v5, v11  }
0x82: {  	v11 =	vld @!p1 [tilespmem:s17+$0xFFFFFFF0];
	v18 =	vadd.f32 @!p0 v18, v4;
	v9 =	vpsel p0, v9, v13  }
0x83: {  	v17 =	vadd.f32 @!p0 v16, v3;
	v13 =	vld @!p1 [tilespmem:s17+$0x0];
	v16 =	vadd.f32 @!p0 v19, v2;
	v6 =	vpsel p0, v6, v14  }
0x84: {  	v15 =	vadd.f32 @!p1 v15, v8;
	v14 =	vld @!p1 [tilespmem:s17+$0x10];
	v4 =	vpsel p0, v4, v18  }
0x85: {  	v18 =	vld @!p1 [tilespmem:s17+$0x20];
	p1 =	por p1, p1  }
0x86: {  	v19 =	vld @!p1 [tilespmem:s17+$0x30]  }
0x87: {  	s16 =	sadd.s32 $0x1, s16  }
0x88: {  	v3 =	vpsel p0, v3, v17;
	v2 =	vpsel p0, v2, v16;
	v12 =	vadd.f32 @!p1 v12, v7;
	p0 =	sne.s32 s16, s13  }
.Ltmp6:
0x89: {  	v10 =	vadd.f32 @!p1 v10, v3;
	v11 =	vadd.f32 @!p1 v11, v5;
	(pc) =	sbr.rel @p0 .LBB2_7-.Ltmp6, $4  }
.Ltmp7:
0x8a: {  	v8 =	vpsel p1, v8, v15;
	v13 =	vadd.f32 @!p1 v13, v9;
	v14 =	vadd.f32 @!p1 v14, v6;
	(pc) =	sbr.rel @!p0 .LBB2_10-.Ltmp7, $4  }
0x8b: {  	v7 =	vpsel p1, v7, v12;
	v15 =	vadd.f32 @!p1 v18, v4;
	v12 =	vadd.f32 @!p1 v19, v2  }
0x8c: {  	v3 =	vpsel p1, v3, v10;
	v5 =	vpsel p1, v5, v11;
	v9 =	vpsel p1, v9, v13  }
0x8d: {  	s15 =	sadd.s32 $0x40, s15;
	v6 =	vpsel p1, v6, v14;
	v4 =	vpsel p1, v4, v15;
	v2 =	vpsel p1, v2, v12  }
0x8e: {  	_ = 	snop  }
.LBB2_11:
0x8f: {  	_ =	sfence.sel $0x180000  }
0x90: {  	[bflag:$0x0] =	sbarrier.arrive $0xFFFF  }
0x91: {  	p0 =	sne.s32 s1, $0x0;
	_ =	strace $0x9000004D  }
0x92: {  	s0 =	sadd.s32 @!p0 $0x100000, s0;
	[bflag:$0x2] =	sbarrier.arrive $0xFFFF  }
0x93: {  	[sflag:s0] =	ssyncadd.tile.s32 @!p0 $0x1;
	_ =	shalt  }
.Lfunc_end2:
_tile_overlayer_lowered:
.L_overlay_start_2:
0x94: {  	(tag) =	ssettag $0x2  }
0x95: {  	s0 =	rddreg [dreg:$0x0];
	s2 =	stileid.u32  }
0x96: {  	s1 =	rddreg [dreg:$0x1];
	p0 =	sne.s32 s2, $0x0  }
0x97: {  	s3 =	rddreg [dreg:$0x2];
	[bflag:$0x3] =	sbarrier.arrive $0xFFFF;
	s2 =	simm.s32 @!p0 $0x1C01  }
0x98: {  	[timem:s3], [sflag:s2] =	dma.local @!p0 [hbm:s0], s1  }
0x99: {  	s0 =	simm.s32 @!p0 $0x1  }
0x9a: {  	_ =	swait.ge @!p0 [sflag:s0], s1  }
0x9b: {  	s1 =	ssub.s32 @!p0 $0x0, s1;
	[sflag:s0] =	ssyncset.done @!p0 $0x0  }
0x9c: {  	[sflag:s0] =	ssyncadd.s32 @!p0 s1  }
0x9d: {  	[bflag:$0x3] =	sbarrier.arrive $0xFFFF  }
0x9e: {  	_ =	shalt  }

// kernel: kernel.22.cloned.1.call-start
scs
__scs_entry_jumppad:
0x0: {  	(pc) =	sbr.rel $0x88, $3  }
0x1: {  	(tag) =	ssettag $0x0;
	lr =	simm.s32 $0x1  }
0x2: {  	[smem:$0x3F94] =	sst lr;
	_ =	strace $0xD0000000  }
0x3: {  	_ = 	snop  }
0x4: {  	_ = 	snop  }
0x5: {  	_ = 	snop  }
0x6: {  	_ = 	snop  }
0x7: {  	_ = 	snop  }
__scs_overlays_trampoline_lowered:
0x8: {  	[smem:$0x3FA3] =	sst s0  }
0x9: {  	[smem:$0x3FA4] =	sst s1  }
0xa: {  	[smem:$0x3FA5] =	sst s2  }
0xb: {  	[smem:$0x3FA6] =	sst s3  }
0xc: {  	[smem:$0x3FA7] =	sst s4  }
0xd: {  	[smem:$0x3FA8] =	sst s5  }
0xe: {  	[smem:$0x3FA9] =	sst s6  }
0xf: {  	[smem:$0x3FAA] =	sst s7  }
0x10: {  	[smem:$0x3FAB] =	sst s8  }
0x11: {  	[smem:$0x3FAC] =	sst s9;
	s0 =	simm.s32 @!p0 $0x0  }
0x12: {  	s1 =	sld [smem:$0x3F92];
	s0 =	simm.s32 @p0 $0x1  }
0x13: {  	[smem:$0x3FAD] =	sst s0;
	s0 =	simm.s32 @!p1 $0x0  }
0x14: {  	s2 =	sld [smem:$0x3F91];
	s0 =	simm.s32 @p1 $0x1  }
0x15: {  	[smem:$0x3FAE] =	sst s0;
	s0 =	simm.s32 @!p2 $0x0  }
0x16: {  	s3 =	sld [smem:$0x3FDB];
	s0 =	simm.s32 @p2 $0x1  }
0x17: {  	s4 =	simm.s32 $0x1BF5;
	[smem:$0x3FB0] =	sst s0  }
0x18: {  	s0 =	sld [smem:$0x3F93];
	_ =	swait.ge [sflag:s4], $0x0  }
0x19: {  	s7 =	sld [smem:$0x3F94]  }
0x1a: {  	s8 =	sadd.s32 $0xFFFFE003, lr  }
0x1b: {  	s9 =	sadd.s32 $0xFFFFFEF7, lr;
	s5 =	simm.s32 $0xFFFFFFFF;
	p2 =	slt.u32 s8, $0xFFFFF086  }
0x1c: {  	p1 =	slt.u32 s9, $0xF7A;
	s5 =	simm.s32 @!p2 $0x0  }
0x1d: {  	s5 =	simm.s32 @p1 $0x1;
	p0 =	seq.s32 s7, s2  }
0x1e: {  	s7 =	smul.u32 @!p0 $0xF7A, s2;
	p2 =	seq.s32 @!p0 s5, $0x0  }
0x1f: {  	s9 =	smul.u32 $0xF7A, s1;
	s8 =	simm.s32 @!p0 $0x1BF5;
	p2 =	por !p2, p0  }
0x20: {  	[sflag:s8] =	ssyncset.s32 @!p0 $0xFFFFF086;
	s6 =	sadd.s32 @!p0 s3, s7;
	s7 =	simm.s32 @!p0 $0x108  }
0x21: {  	s3 =	sadd.s32 s3, s9;
	s6 =	sadd.s32 @!p0 $0x88, s6;
	s7 =	simm.s32 @p2 $0x1082  }
0x22: {  	[simem:s7], [sflag:s8] =	dma.local @!p0 [hbm:s6], $0xF7A  }
0x23: {  	s9 =	sor.u32 $0xD0000000, s2;
	s6 =	simm.s32 $0x108;
	_ =	swait.ge @!p0 [sflag:s8], $0x0  }
0x24: {  	s3 =	sadd.s32 $0x88, s3;
	s6 =	simm.s32 @!p1 $0x1082;
	[sflag:s4] =	ssyncset.s32 $0xFFFFF086  }
0x25: {  	[simem:s6], [sflag:s4] =	dma.local [hbm:s3], $0xF7A  }
0x26: {  	[smem:$0x3F94] =	sst s1;
	(tag) =	ssettag s2;
	_ =	strace s9  }
0x27: {  	s1 =	sld [smem:$0x3FA4]  }
0x28: {  	s2 =	sld [smem:$0x3FA5]  }
0x29: {  	s4 =	sld [smem:$0x3FA7]  }
0x2a: {  	p0 =	seq.s32 s5, $0x0;
	s5 =	sld [smem:$0x3FA8]  }
0x2b: {  	s6 =	sld [smem:$0x3FA9]  }
0x2c: {  	s7 =	sld [smem:$0x3FAA]  }
0x2d: {  	s3 =	simm.s32 $0x108;
	s8 =	sld [smem:$0x3FAB]  }
0x2e: {  	s3 =	simm.s32 @!p0 $0x1082;
	s9 =	sld [smem:$0x3FAC]  }
0x2f: {  	lr =	sadd.s32 s0, s3;
	s0 =	sld [smem:$0x3FA3]  }
0x30: {  	s3 =	sld [smem:$0x3FA6]  }
0x31: {  	[smem:$0x3FAF] =	sst s10  }
0x32: {  	s10 =	sld [smem:$0x3FAD];
	_ =	sdelay $0x3  }
0x33: {  	p0 =	seq.s32 s10, $0x1;
	s10 =	sld [smem:$0x3FAF];
	_ =	sdelay $0x3  }
0x34: {  	[smem:$0x3FAF] =	sst s10  }
0x35: {  	s10 =	sld [smem:$0x3FAE];
	_ =	sdelay $0x3  }
0x36: {  	p1 =	seq.s32 s10, $0x1;
	s10 =	sld [smem:$0x3FAF];
	_ =	sdelay $0x3  }
0x37: {  	[smem:$0x3FAF] =	sst s10  }
0x38: {  	s10 =	sld [smem:$0x3FB0]  }
0x39: {  	_ = 	snop;
	(pc) =	sbr.ind lr, $3  }
0x3a: {  	_ = 	snop  }
0x3b: {  	_ = 	snop  }
0x3c: {  	p2 =	seq.s32 s10, $0x1;
	s10 =	sld [smem:$0x3FAF]  }
0x3d: {  	_ =	shalt  }
0x3e: {  	_ =	shalt  }
0x3f: {  	_ =	shalt  }
0x40: {  	_ =	shalt  }
0x41: {  	_ =	shalt  }
0x42: {  	_ =	shalt  }
0x43: {  	_ =	shalt  }
0x44: {  	_ =	shalt  }
0x45: {  	_ =	shalt  }
0x46: {  	_ =	shalt  }
0x47: {  	_ =	shalt  }
0x48: {  	_ =	shalt  }
0x49: {  	_ =	shalt  }
0x4a: {  	_ =	shalt  }
0x4b: {  	_ =	shalt  }
0x4c: {  	_ =	shalt  }
0x4d: {  	_ =	shalt  }
0x4e: {  	_ =	shalt  }
0x4f: {  	_ =	shalt  }
0x50: {  	_ =	shalt  }
0x51: {  	_ =	shalt  }
0x52: {  	_ =	shalt  }
0x53: {  	_ =	shalt  }
0x54: {  	_ =	shalt  }
0x55: {  	_ =	shalt  }
0x56: {  	_ =	shalt  }
0x57: {  	_ =	shalt  }
0x58: {  	_ =	shalt  }
0x59: {  	_ =	shalt  }
0x5a: {  	_ =	shalt  }
0x5b: {  	_ =	shalt  }
0x5c: {  	_ =	shalt  }
0x5d: {  	_ =	shalt  }
0x5e: {  	_ =	shalt  }
0x5f: {  	_ =	shalt  }
0x60: {  	_ =	shalt  }
0x61: {  	_ =	shalt  }
0x62: {  	_ =	shalt  }
0x63: {  	_ =	shalt  }
0x64: {  	_ =	shalt  }
0x65: {  	_ =	shalt  }
0x66: {  	_ =	shalt  }
0x67: {  	_ =	shalt  }
0x68: {  	_ =	shalt  }
0x69: {  	_ =	shalt  }
0x6a: {  	_ =	shalt  }
0x6b: {  	_ =	shalt  }
0x6c: {  	_ =	shalt  }
0x6d: {  	_ =	shalt  }
0x6e: {  	_ =	shalt  }
0x6f: {  	_ =	shalt  }
0x70: {  	_ =	shalt  }
0x71: {  	_ =	shalt  }
0x72: {  	_ =	shalt  }
0x73: {  	_ =	shalt  }
0x74: {  	_ =	shalt  }
0x75: {  	_ =	shalt  }
0x76: {  	_ =	shalt  }
0x77: {  	_ =	shalt  }
0x78: {  	_ =	shalt  }
0x79: {  	_ =	shalt  }
0x7a: {  	_ =	shalt  }
0x7b: {  	_ =	shalt  }
0x7c: {  	_ =	shalt  }
0x7d: {  	_ =	shalt  }
0x7e: {  	_ =	shalt  }
0x7f: {  	_ =	shalt  }
0x80: {  	_ =	shalt  }
0x81: {  	_ =	shalt  }
0x82: {  	_ =	shalt  }
0x83: {  	_ =	shalt  }
0x84: {  	_ =	shalt  }
0x85: {  	_ =	shalt  }
0x86: {  	_ =	shalt  }
0x87: {  	_ =	shalt  }
.Lfunc_end0:
.L_simem_size_0:
called_computation.3_lowered:
.L_overlay_start_0:
0x88: {  	s2 =	sld [smem:$0x3FD9]  }
0x89: {  	s3 =	sld [smem:$0x3FFE];
	_ =	sdelay $0x1  }
0x8a: {  	s1 =	srdreg.scid  }
0x8b: {  	s0 =	sand.u32 $0x1, s1  }
0x8c: {  	s17 =	sshll.u32 s0, $0xA;
	s2 =	sadd.s32 s3, s2  }
0x8d: {  	s2 =	sadd.s32 s2, s17  }
0x8e: {  	[smem:$0x3FBB] =	sst s2  }
0x8f: {  	_ = 	snop  }
0x90: {  	s2 =	sld [smem:$0x3FD0];
	(tm) =	ssettm $0x1  }
0x91: {  	s18 =	sld [smem:$0x3FFB];
	_ =	sdelay $0x3  }
0x92: {  	_ =	strace s18  }
0x93: {  	s3 =	sld [smem:$0x3FFC];
	_ =	sdelay $0x3  }
0x94: {  	_ =	strace s3  }
0x95: {  	s3 =	sld [smem:$0x3FFD];
	_ =	sdelay $0x3  }
0x96: {  	_ =	strace s3  }
0x97: {  	_ =	strace $0x8FFFFFFF  }
0x98: {  	s19 =	sld [smem:$0x3FDB];
	_ =	sdelay $0x1  }
0x99: {  	s4 =	simm.s32 $_scs_section_size  }
0x9a: {  	s5 =	simm.s32 $_size__tile_overlayer_lowered;
	s6 =	simm.s32 $_tile_overlayer_lowered  }
0x9b: {  	s22 =	simm.s32 $0x1BFF;
	s21 =	sshll.u32 s6, $0x1;
	s3 =	sadd.s32 s4, s19  }
0x9c: {  	s7 =	simm.s32 $0x0;
	s20 =	sshll.u32 s5, $0x1;
	s5 =	sadd.s32 s21, s3  }
0x9d: {  	[timem:s7], [sflag:s22] =	dma.local [hbm:s5], s20  }
0x9e: {  	_ =	swait.ge [sflag:s22], s20  }
0x9f: {  	s4 =	ssub.s32 $0x0, s20;
	[sflag:s22] =	ssyncset.done $0x0  }
0xa0: {  	[sflag:s22] =	ssyncadd.s32 s4;
	_ =	sdelay $0x1  }
0xa1: {  	s23 =	simm.s32 $0x1B8B  }
0xa2: {  	_ =	swait.ge [sflag:s23], $0x1  }
0xa3: {  	[sflag:s23] =	ssyncset.done $0x0  }
0xa4: {  	s25 =	simm.s32 $0x1B8E;
	s24 =	sld [smem:$0x3FFE];
	[sflag:s23] =	ssyncadd.s32 $0xFFFFFFFF  }
0xa5: {  	s26 =	simm.s32 $execute0_lowered;
	[smem:$0x3FD2] =	sst s25  }
0xa6: {  	s5 =	sshll.u32 s26, $0x1;
	_ =	strace $0x8000004F;
	[dreg:$0x1] =	wrdreg $0xFFFFFFFF  }
0xa7: {  	s28 =	simm.s32 $_size_execute0_lowered;
	s3 =	sadd.s32 s3, s5;
	[dreg:$0x0] =	wrdreg $0x0  }
0xa8: {  	s5 =	sshll.u32 s28, $0x1;
	[dreg:$0x2] =	wrdreg s3  }
0xa9: {  	[dreg:$0x3] =	wrdreg s5  }
0xaa: {  	[dreg:$0x4] =	wrdreg $0xC0  }
0xab: {  	_ =	task [dreg:s7], $0x5FFFF  }
0xac: {  	[dreg:$0x1] =	wrdreg $0xFFFFFFFF  }
0xad: {  	[dreg:$0x0] =	wrdreg $0x60  }
0xae: {  	[dreg:$0x2] =	wrdreg s2  }
0xaf: {  	[dreg:$0x3] =	wrdreg s24  }
0xb0: {  	[dreg:$0x4] =	wrdreg $0x9  }
0xb1: {  	_ =	task.clear_ibuf [dreg:s7], $0x5FFFF;
	_ =	strace $0x9000004F  }
0xb2: {  	s29 =	simm.s32 $0x9;
	_ =	strace $0x80000051  }
0xb3: {  	_ =	swait.ge [sflag:s29], $0x1  }
0xb4: {  	[sflag:s29] =	ssyncadd.s32 $0xFFFFFFFF  }
0xb5: {  	_ =	strace $0x90000051  }
0xb6: {  	_ =	sfence  }
0xb7: {  	s30 =	sld [smem:$0x0];
	_ =	sdelay $0x2  }
0xb8: {  	s31 =	sshll.u32 s1, $0xD;
	s1 =	sshrl.u32 s1, $0x2  }
0xb9: {  	s3 =	sand.u32 $0x4000, s31;
	s1 =	sadd.s32 s1, s30  }
0xba: {  	s0 =	sor.u32 s3, s0;
	s1 =	sshll.u32 s1, $0x11  }
0xbb: {  	s0 =	sor.u32 s1, s0  }
0xbc: {  	s0 =	sadd.s32 $0x8F2B, s0  }
0xbd: {  	[sflag:s0] =	ssyncadd.remote.s32 $0x1  }
0xbe: {  	_ =	sfence.sel $0xFFFF  }
0xbf: {  	[dreg:$0x0] =	wrdreg $0xFFFFFFFF;
	(pc) =	sbr.abs _section_cstart, $3  }
0xc0: {  	[dreg:$0x1] =	wrdreg $0xFFFFFFFF  }
0xc1: {  	_ =	task.clear_ibuf [dreg:s7], $0x2FFFF;
	_ =	strace $0x9FFFFFFF  }
0xc2: {  	(tm) =	ssettm $0x7FFFFFFF  }
0xc3: {  	_ =	shalt  }
tec
execute0_lowered:
.L_overlay_start_1:
0x0: {  	(tag) =	ssettag $0x1  }
0x1: {  	s2 =	rddreg [dreg:$0x0]  }
0x2: {  	s9 =	rddreg [dreg:$0x1]  }
0x3: {  	s0 =	rddreg [dreg:$0x2]  }
0x4: {  	s4 =	srdreg.scid;
	s1 =	stileid.u32  }
0x5: {  	s3 =	simm.s32 $0x0;
	s12 =	simm.s32 $0x2;
	s13 =	simm.s32 $0x1  }
0x6: {  	s14 =	simm.s32 $0x50;
	s15 =	simm.s32 $0xB0;
	s6 =	sand.u32 $0x1, s4  }
0x7: {  	s30 =	sshll.u32 s1, $0x1;
	[smem:$0x7FF] =	sst s3;
	s4 =	sadd.s32 $0x10600, s9  }
0x8: {  	s5 =	sadd.s32 $0x14B000, s9;
	s16 =	sor.u32 s6, s30;
	_ =	strace $0x80000050  }
.Ltmp0:
0x9: {  	s6 =	ssub.s32 $0x2, s6;
	s8 =	sshll.u32 s16, $0x1;
	(pc) =	sbr.rel .LBB2_1-.Ltmp0, $4  }
0xa: {  	s7 =	smul.u32 $0x1390, s16;
	s31 =	sshrl.u32 s6, $0x1;
	s8 =	sadd.s32 s8, s9  }
0xb: {  	p0 =	seq.s32 s16, $0x1F;
	s11 =	ssub.s32 s6, s31;
	s6 =	sadd.s32 $0x285A00, s8  }
0xc: {  	s10 =	sadd.s32 s7, s9;
	s7 =	smul.u32 $0x4EA20, s16;
	s9 =	sadd.s32 $0x2ABA70, s9  }
0xd: {  	v0 =	vimm.f32 $0.0e+00;
	s8 =	sadd.s32 $0x285C00, s10;
	s10 =	smax.u32 s11, $0x1;
	s11 =	simm.s32 $0xC530  }
.LBB2_7:
0xe: {  	s16 =	simm.s32 @p0 $0x0;
	s17 =	simm.s32 @p0 $0x28B0  }
0xf: {  	[hbm4b:s9+s16] =	stream.linear.scatter @p0 [tilespmem:s17], [sflag:$0x2], $0x9480, $0x38;
	[tilespmem:$0xC540] =	vst v63  }
0x10: {  	s16 =	simm.s32 @p0 $0x2  }
0x11: {  	_ =	swait.ge @p0 [sflag:s16], $0x9480  }
0x12: {  	s3 =	sadd.s32 $0x1, s3;
	s17 =	simm.s32 @!p0 $0x28B0;
	[sflag:s16] =	ssyncset.done @p0 $0x0  }
0x13: {  	p1 =	sne.s32 s3, s10;
	[sflag:s16] =	ssyncadd.s32 @p0 $0xFFFF6B80;
	s16 =	simm.s32 @!p0 $0x0  }
0x14: {  	[hbm4b:s8+s16] =	stream.linear.scatter @!p0 [tilespmem:s17], [sflag:$0x2], $0x9C80, $0x38;
	[tilespmem:$0xC540] =	vst v63  }
.Ltmp1:
0x15: {  	_ = 	snop;
	(pc) =	sbr.rel @!p1 .LBB2_8-.Ltmp1, $4  }
0x16: {  	s16 =	simm.s32 @!p0 $0x2  }
0x17: {  	_ =	swait.ge @!p0 [sflag:s16], $0x9C80  }
0x18: {  	[sflag:s16] =	ssyncset.done @!p0 $0x0  }
0x19: {  	[sflag:s16] =	ssyncadd.s32 @!p0 $0xFFFF6380  }
.LBB2_1:
0x1a: {  	s16 =	simm.s32 $0x0;
	s17 =	simm.s32 $0x200  }
.LBB2_2:
0x1b: {  	p1 =	sne.s32 s17, $0x27000;
	[tilespmem:s16+$0x2920] =	vst v0  }
0x1c: {  	[tilespmem:s16+$0x28B0] =	vst v0  }
0x1d: {  	[tilespmem:s16+$0x28C0] =	vst v0  }
.Ltmp2:
0x1e: {  	[tilespmem:s16+$0x28D0] =	vst v0;
	(pc) =	sbr.rel @p1 .LBB2_2-.Ltmp2, $4  }
0x1f: {  	[tilespmem:s16+$0x28E0] =	vst v0  }
0x20: {  	[tilespmem:s16+$0x28F0] =	vst v0  }
0x21: {  	[tilespmem:s16+$0x2900] =	vst v0  }
0x22: {  	[tilespmem:s16+$0x2910] =	vst v0;
	s16 =	sshra.s32 s17, $0x2;
	s17 =	sadd.s32 $0x200, s17  }
0x23: {  	[tilespmem:s16+$0x2920] =	vst v0  }
0x24: {  	[tilespmem:s16+$0x28B0] =	vst v0  }
0x25: {  	[tilespmem:s16+$0x28C0] =	vst v0  }
0x26: {  	[tilespmem:s16+$0x28D0] =	vst v0  }
0x27: {  	[tilespmem:s16+$0x28E0] =	vst v0  }
0x28: {  	[tilespmem:s16+$0x28F0] =	vst v0  }
0x29: {  	[tilespmem:s16+$0x2900] =	vst v0  }
0x2a: {  	[tilespmem:s16+$0x2910] =	vst v0;
	s16 =	simm.s32 $0x0  }
0x2b: {  	[tilespmem:s11], [sflag:$0x2] =	stream.linear.gather [hbm4b:s6+s16], $0x10, $0x38;
	[tilespmem:$0xC540] =	vst v63  }
0x2c: {  	_ =	swait.ge [sflag:s12], $0x10  }
0x2d: {  	[sflag:s12] =	ssyncset.done $0x0  }
0x2e: {  	[sflag:s12] =	ssyncadd.s32 $0xFFFFFFF0  }
0x2f: {  	v1 =	vld [tilespmem:$0xC530];
	_ =	sdelay $0x4  }
0x30: {  	(v2sf) =	vpush v1, $0x0;
	_ =	sdelay $0xe  }
0x31: {  	s17 =	spop (v2sf)  }
0x32: {  	s18 =	sadd.s32 $0x4F, s17  }
0x33: {  	s19 =	smulhi.u32 $0x66666667, s18;
	s20 =	sshra.s32 s18, $0x1F  }
0x34: {  	s20 =	smul.u32 $0x66666667, s20;
	_ =	sdelay $0x1  }
0x35: {  	s19 =	sadd.s32 s20, s19  }
0x36: {  	s20 =	sshrl.u32 s19, $0x1F;
	s19 =	sshra.s32 s19, $0x5  }
0x37: {  	s19 =	sadd.s32 s20, s19  }
0x38: {  	s20 =	smul.u32 $0xFFFFFFB0, s19  }
0x39: {  	s21 =	ssub.s32 $0xFFFFFFB1, s17  }
0x3a: {  	p1 =	slt.s32 s18, $0x1;
	p2 =	sne.s32 s20, s21  }
0x3b: {  	p1 =	por !p1, !p2  }
0x3c: {  	s18 =	simm.s32 $0x1;
	p1 =	por !p1, !p1  }
0x3d: {  	s18 =	simm.s32 @!p1 $0x0  }
0x3e: {  	s18 =	ssub.s32 s19, s18  }
0x3f: {  	p1 =	slt.s32 s18, $0x1  }
.Ltmp3:
0x40: {  	_ = 	snop;
	(pc) =	sbr.rel @p1 .LBB2_7-.Ltmp3, $2  }
0x41: {  	_ =	sdelay $0x2  }
0x42: {  	s20 =	simm.s32 $0x0;
	s19 =	simm.s32 $0x0  }
.LBB2_4:
0x43: {  	s21 =	smul.u32 $0x50, s20;
	_ =	sdelay $0x1  }
0x44: {  	s21 =	sadd.s32 s7, s21  }
0x45: {  	s21 =	sshrl.u32 s21, $0x3  }
0x46: {  	s22 =	sadd.s32 s4, s21  }
0x47: {  	[tilespmem:s16], [sflag:$0x2] =	stream.linear.gather [hbm4b:s22+s16], $0x50, $0x38;
	[tilespmem:$0xC540] =	vst v63  }
0x48: {  	_ =	swait.ge [sflag:s12], $0x50  }
0x49: {  	[sflag:s12] =	ssyncset.done $0x0  }
0x4a: {  	s21 =	sadd.s32 s5, s21;
	[sflag:s12] =	ssyncadd.s32 $0xFFFFFFB0  }
0x4b: {  	[tilespmem:s14], [sflag:$0x2] =	stream.linear.gather [hbm4b:s21+s16], $0x50, $0x38;
	[tilespmem:$0xC540] =	vst v63  }
0x4c: {  	_ =	swait.ge [sflag:s12], $0x50  }
0x4d: {  	[sflag:s12] =	ssyncset.done $0x0  }
0x4e: {  	[sflag:s12] =	ssyncadd.s32 $0xFFFFFFB0  }
0x4f: {  	[tilespmem:s15], [sflag:$0x1] =	stream.indirect.gather [hbm4b:s2+s14], $0x80, s16, s14, $0xb8;
	[tilespmem:$0xC540] =	vst v63  }
0x50: {  	_ =	swait.ge [sflag:s13], $0x2800  }
0x51: {  	p2 =	sge.s32 s19, s17;
	[sflag:s13] =	ssyncset.done $0x0  }
0x52: {  	p1 =	por p2, p2;
	s21 =	simm.s32 @!p2 $0x0;
	[sflag:s13] =	ssyncadd.s32 $0xFFFFD800  }
0x53: {  	v1 =	vld @!p1 [tilespmem:s21+$0x50];
	_ =	sdelay $0x4  }
0x54: {  	(v2sf) =	vpush @!p1 v1, $0x0;
	_ =	sdelay $0xe  }
0x55: {  	s22 =	spop @!p2 (v2sf)  }
0x56: {  	s21 =	simm.s32 $0xF0;
	s22 =	sshll.u32 @!p1 s22, $0x9  }
0x57: {  	v1 =	vld @!p1 [tilespmem:s21+$0xFFFFFFC0];
	s23 =	sshra.s32 @!p1 s22, $0x2  }
0x58: {  	v2 =	vld @!p1 [tilespmem:s23+$0x28B0];
	_ =	sdelay $0x4  }
0x59: {  	v1 =	vadd.f32 @!p1 v2, v1;
	_ =	sdelay $0x1  }
0x5a: {  	[tilespmem:s23+$0x28B0] =	vst @!p1 v1;
	v1 =	vld @!p1 [tilespmem:s23+$0x28C0]  }
0x5b: {  	v2 =	vld @!p1 [tilespmem:s21+$0xFFFFFFD0];
	_ =	sdelay $0x4  }
0x5c: {  	v1 =	vadd.f32 @!p1 v1, v2;
	_ =	sdelay $0x1  }
0x5d: {  	[tilespmem:s23+$0x28C0] =	vst @!p1 v1;
	v1 =	vld @!p1 [tilespmem:s23+$0x28D0]  }
0x5e: {  	v2 =	vld @!p1 [tilespmem:s21+$0xFFFFFFE0];
	_ =	sdelay $0x4  }
0x5f: {  	v1 =	vadd.f32 @!p1 v1, v2;
	_ =	sdelay $0x1  }
0x60: {  	[tilespmem:s23+$0x28D0] =	vst @!p1 v1;
	v1 =	vld @!p1 [tilespmem:s23+$0x28E0]  }
0x61: {  	v2 =	vld @!p1 [tilespmem:s21+$0xFFFFFFF0];
	_ =	sdelay $0x4  }
0x62: {  	v1 =	vadd.f32 @!p1 v1, v2;
	_ =	sdelay $0x1  }
0x63: {  	[tilespmem:s23+$0x28E0] =	vst @!p1 v1;
	v1 =	vld @!p1 [tilespmem:s23+$0x28F0]  }
0x64: {  	v2 =	vld @!p1 [tilespmem:s21+$0x0];
	_ =	sdelay $0x4  }
0x65: {  	v1 =	vadd.f32 @!p1 v1, v2;
	_ =	sdelay $0x1  }
0x66: {  	[tilespmem:s23+$0x28F0] =	vst @!p1 v1;
	v1 =	vld @!p1 [tilespmem:s23+$0x2900]  }
0x67: {  	v2 =	vld @!p1 [tilespmem:s21+$0x10];
	_ =	sdelay $0x4  }
0x68: {  	v1 =	vadd.f32 @!p1 v1, v2;
	_ =	sdelay $0x1  }
0x69: {  	[tilespmem:s23+$0x2900] =	vst @!p1 v1;
	v1 =	vld @!p1 [tilespmem:s23+$0x2910]  }
0x6a: {  	v2 =	vld @!p1 [tilespmem:s21+$0x20];
	_ =	sdelay $0x4  }
0x6b: {  	v1 =	vadd.f32 @!p1 v1, v2;
	_ =	sdelay $0x1  }
0x6c: {  	[tilespmem:s23+$0x2910] =	vst @!p1 v1;
	v1 =	vld @!p1 [tilespmem:s23+$0x2920]  }
0x6d: {  	v2 =	vld @!p1 [tilespmem:s21+$0x30];
	_ =	sdelay $0x3  }
0x6e: {  	s22 =	sadd.s32 $0x1, s19  }
0x6f: {  	s25 =	simm.s32 $0x4;
	s24 =	simm.s32 $0x8;
	p3 =	sge.s32 s22, s17;
	v1 =	vadd.f32 @!p1 v1, v2  }
.LBB2_5:
0x70: {  	s26 =	sshra.s32 @!p3 s25, $0x2;
	s21 =	sadd.s32 $0x80, s21  }
0x71: {  	[tilespmem:s23+$0x2920] =	vst @!p1 v1;
	s25 =	smov.u32 s24;
	s24 =	sadd.s32 $0x4, s24;
	p1 =	por p3, p3  }
0x72: {  	p2 =	sne.s32 s24, $0x140;
	v1 =	vld @!p1 [tilespmem:s26+$0x50];
	_ =	sdelay $0x4  }
0x73: {  	(v2sf) =	vpush @!p1 v1, $0x0;
	_ =	sdelay $0xe  }
0x74: {  	s23 =	spop @!p3 (v2sf)  }
0x75: {  	s23 =	sshll.u32 @!p1 s23, $0x9  }
0x76: {  	v1 =	vld @!p1 [tilespmem:s21+$0xFFFFFFC0];
	s23 =	sshra.s32 @!p1 s23, $0x2  }
0x77: {  	v2 =	vld @!p1 [tilespmem:s23+$0x28B0];
	_ =	sdelay $0x4  }
0x78: {  	v1 =	vadd.f32 @!p1 v2, v1;
	_ =	sdelay $0x1  }
0x79: {  	[tilespmem:s23+$0x28B0] =	vst @!p1 v1;
	v1 =	vld @!p1 [tilespmem:s23+$0x28C0]  }
0x7a: {  	v2 =	vld @!p1 [tilespmem:s21+$0xFFFFFFD0];
	_ =	sdelay $0x4  }
0x7b: {  	v1 =	vadd.f32 @!p1 v1, v2;
	_ =	sdelay $0x1  }
0x7c: {  	[tilespmem:s23+$0x28C0] =	vst @!p1 v1;
	v1 =	vld @!p1 [tilespmem:s23+$0x28D0]  }
0x7d: {  	v2 =	vld @!p1 [tilespmem:s21+$0xFFFFFFE0];
	_ =	sdelay $0x4  }
0x7e: {  	v1 =	vadd.f32 @!p1 v1, v2;
	_ =	sdelay $0x1  }
0x7f: {  	[tilespmem:s23+$0x28D0] =	vst @!p1 v1;
	v1 =	vld @!p1 [tilespmem:s23+$0x28E0]  }
0x80: {  	v2 =	vld @!p1 [tilespmem:s21+$0xFFFFFFF0];
	_ =	sdelay $0x4  }
0x81: {  	v1 =	vadd.f32 @!p1 v1, v2;
	_ =	sdelay $0x1  }
0x82: {  	[tilespmem:s23+$0x28E0] =	vst @!p1 v1;
	v1 =	vld @!p1 [tilespmem:s23+$0x28F0]  }
0x83: {  	v2 =	vld @!p1 [tilespmem:s21+$0x0];
	_ =	sdelay $0x4  }
0x84: {  	v1 =	vadd.f32 @!p1 v1, v2;
	_ =	sdelay $0x1  }
0x85: {  	[tilespmem:s23+$0x28F0] =	vst @!p1 v1;
	v1 =	vld @!p1 [tilespmem:s23+$0x2900]  }
0x86: {  	v2 =	vld @!p1 [tilespmem:s21+$0x10];
	_ =	sdelay $0x4  }
0x87: {  	v1 =	vadd.f32 @!p1 v1, v2;
	_ =	sdelay $0x1  }
0x88: {  	[tilespmem:s23+$0x2900] =	vst @!p1 v1;
	v1 =	vld @!p1 [tilespmem:s23+$0x2910]  }
0x89: {  	v2 =	vld @!p1 [tilespmem:s21+$0x20];
	_ =	sdelay $0x4  }
0x8a: {  	v1 =	vadd.f32 @!p1 v1, v2;
	_ =	sdelay $0x1  }
0x8b: {  	[tilespmem:s23+$0x2910] =	vst @!p1 v1;
	v1 =	vld @!p1 [tilespmem:s23+$0x2920]  }
0x8c: {  	v2 =	vld @!p1 [tilespmem:s21+$0x30];
	_ =	sdelay $0x1  }
.Ltmp4:
0x8d: {  	(pc) =	sbr.rel @p2 .LBB2_5-.Ltmp4, $3  }
0x8e: {  	_ =	sdelay $0x1  }
0x8f: {  	s22 =	sadd.s32 $0x1, s22;
	v1 =	vadd.f32 @!p1 v1, v2  }
0x90: {  	p3 =	sge.s32 s22, s17  }
0x91: {  	s22 =	sshra.s32 @!p3 s25, $0x2;
	[tilespmem:s23+$0x2920] =	vst @!p1 v1;
	p1 =	por p3, p3  }
0x92: {  	v1 =	vld @!p1 [tilespmem:s22+$0x50];
	_ =	sdelay $0x4  }
0x93: {  	(v2sf) =	vpush @!p1 v1, $0x0;
	_ =	sdelay $0xe  }
0x94: {  	s22 =	spop @!p3 (v2sf)  }
0x95: {  	s21 =	sadd.s32 $0x80, s21;
	s22 =	sshll.u32 @!p1 s22, $0x9  }
0x96: {  	v1 =	vld @!p1 [tilespmem:s21+$0xFFFFFFC0];
	s22 =	sshra.s32 @!p1 s22, $0x2  }
0x97: {  	v2 =	vld @!p1 [tilespmem:s22+$0x28B0];
	_ =	sdelay $0x4  }
0x98: {  	v1 =	vadd.f32 @!p1 v2, v1;
	_ =	sdelay $0x1  }
0x99: {  	[tilespmem:s22+$0x28B0] =	vst @!p1 v1;
	v1 =	vld @!p1 [tilespmem:s22+$0x28C0]  }
0x9a: {  	v2 =	vld @!p1 [tilespmem:s21+$0xFFFFFFD0];
	_ =	sdelay $0x4  }
0x9b: {  	v1 =	vadd.f32 @!p1 v1, v2;
	_ =	sdelay $0x1  }
0x9c: {  	[tilespmem:s22+$0x28C0] =	vst @!p1 v1;
	v1 =	vld @!p1 [tilespmem:s22+$0x28D0]  }
0x9d: {  	v2 =	vld @!p1 [tilespmem:s21+$0xFFFFFFE0];
	_ =	sdelay $0x4  }
0x9e: {  	v1 =	vadd.f32 @!p1 v1, v2;
	_ =	sdelay $0x1  }
0x9f: {  	[tilespmem:s22+$0x28D0] =	vst @!p1 v1;
	v1 =	vld @!p1 [tilespmem:s22+$0x28E0]  }
0xa0: {  	v2 =	vld @!p1 [tilespmem:s21+$0xFFFFFFF0];
	_ =	sdelay $0x4  }
0xa1: {  	v1 =	vadd.f32 @!p1 v1, v2;
	_ =	sdelay $0x1  }
0xa2: {  	[tilespmem:s22+$0x28E0] =	vst @!p1 v1;
	v1 =	vld @!p1 [tilespmem:s22+$0x28F0]  }
0xa3: {  	v2 =	vld @!p1 [tilespmem:s21+$0x0];
	_ =	sdelay $0x4  }
0xa4: {  	v1 =	vadd.f32 @!p1 v1, v2;
	_ =	sdelay $0x1  }
0xa5: {  	[tilespmem:s22+$0x28F0] =	vst @!p1 v1;
	v1 =	vld @!p1 [tilespmem:s22+$0x2900]  }
0xa6: {  	v2 =	vld @!p1 [tilespmem:s21+$0x10];
	_ =	sdelay $0x4  }
0xa7: {  	v1 =	vadd.f32 @!p1 v1, v2;
	_ =	sdelay $0x1  }
0xa8: {  	[tilespmem:s22+$0x2900] =	vst @!p1 v1;
	v1 =	vld @!p1 [tilespmem:s22+$0x2910]  }
0xa9: {  	v2 =	vld @!p1 [tilespmem:s21+$0x20];
	_ =	sdelay $0x4  }
0xaa: {  	v1 =	vadd.f32 @!p1 v1, v2;
	_ =	sdelay $0x1  }
0xab: {  	[tilespmem:s22+$0x2910] =	vst @!p1 v1;
	v1 =	vld @!p1 [tilespmem:s22+$0x2920]  }
0xac: {  	v2 =	vld @!p1 [tilespmem:s21+$0x30]  }
0xad: {  	s20 =	sadd.s32 $0x1, s20  }
0xae: {  	p2 =	sne.s32 s20, s18  }
.Ltmp5:
0xaf: {  	_ = 	snop;
	(pc) =	sbr.rel @p2 .LBB2_4-.Ltmp5, $4  }
.Ltmp6:
0xb0: {  	_ = 	snop;
	(pc) =	sbr.rel @!p2 .LBB2_7-.Ltmp6, $4  }
0xb1: {  	v1 =	vadd.f32 @!p1 v1, v2  }
0xb2: {  	_ = 	snop  }
0xb3: {  	s19 =	sadd.s32 $0x50, s19;
	[tilespmem:s22+$0x2920] =	vst @!p1 v1  }
0xb4: {  	_ = 	snop  }
.LBB2_8:
0xb5: {  	_ =	sfence.sel $0x180000  }
0xb6: {  	[bflag:$0x0] =	sbarrier.arrive $0xFFFF  }
0xb7: {  	p0 =	sne.s32 s1, $0x0;
	_ =	strace $0x90000050  }
0xb8: {  	s0 =	sadd.s32 @!p0 $0x100000, s0;
	[bflag:$0x2] =	sbarrier.arrive $0xFFFF  }
0xb9: {  	[sflag:s0] =	ssyncadd.tile.s32 @!p0 $0x1;
	_ =	shalt  }
.Lfunc_end2:
_tile_overlayer_lowered:
.L_overlay_start_2:
0xba: {  	(tag) =	ssettag $0x2  }
0xbb: {  	s0 =	rddreg [dreg:$0x0];
	s2 =	stileid.u32  }
0xbc: {  	s1 =	rddreg [dreg:$0x1];
	p0 =	sne.s32 s2, $0x0  }
0xbd: {  	s3 =	rddreg [dreg:$0x2];
	[bflag:$0x3] =	sbarrier.arrive $0xFFFF;
	s2 =	simm.s32 @!p0 $0x1C02  }
0xbe: {  	[timem:s3], [sflag:s2] =	dma.local @!p0 [hbm:s0], s1  }
0xbf: {  	s0 =	simm.s32 @!p0 $0x2  }
0xc0: {  	_ =	swait.ge @!p0 [sflag:s0], s1  }
0xc1: {  	s1 =	ssub.s32 @!p0 $0x0, s1;
	[sflag:s0] =	ssyncset.done @!p0 $0x0  }
0xc2: {  	[sflag:s0] =	ssyncadd.s32 @!p0 s1  }
0xc3: {  	[bflag:$0x3] =	sbarrier.arrive $0xFFFF  }
0xc4: {  	_ =	shalt  }

// kernel: kernel.25.cloned.1.call-start
scs
__scs_entry_jumppad:
0x0: {  	(pc) =	sbr.rel $0x88, $3  }
0x1: {  	(tag) =	ssettag $0x0;
	lr =	simm.s32 $0x1  }
0x2: {  	[smem:$0x3F94] =	sst lr;
	_ =	strace $0xD0000000  }
0x3: {  	_ = 	snop  }
0x4: {  	_ = 	snop  }
0x5: {  	_ = 	snop  }
0x6: {  	_ = 	snop  }
0x7: {  	_ = 	snop  }
__scs_overlays_trampoline_lowered:
0x8: {  	[smem:$0x3FA3] =	sst s0  }
0x9: {  	[smem:$0x3FA4] =	sst s1  }
0xa: {  	[smem:$0x3FA5] =	sst s2  }
0xb: {  	[smem:$0x3FA6] =	sst s3  }
0xc: {  	[smem:$0x3FA7] =	sst s4  }
0xd: {  	[smem:$0x3FA8] =	sst s5  }
0xe: {  	[smem:$0x3FA9] =	sst s6  }
0xf: {  	[smem:$0x3FAA] =	sst s7  }
0x10: {  	[smem:$0x3FAB] =	sst s8  }
0x11: {  	[smem:$0x3FAC] =	sst s9;
	s0 =	simm.s32 @!p0 $0x0  }
0x12: {  	s1 =	sld [smem:$0x3F92];
	s0 =	simm.s32 @p0 $0x1  }
0x13: {  	[smem:$0x3FAD] =	sst s0;
	s0 =	simm.s32 @!p1 $0x0  }
0x14: {  	s2 =	sld [smem:$0x3F91];
	s0 =	simm.s32 @p1 $0x1  }
0x15: {  	[smem:$0x3FAE] =	sst s0;
	s0 =	simm.s32 @!p2 $0x0  }
0x16: {  	s3 =	sld [smem:$0x3FDB];
	s0 =	simm.s32 @p2 $0x1  }
0x17: {  	s4 =	simm.s32 $0x1BF5;
	[smem:$0x3FB0] =	sst s0  }
0x18: {  	s0 =	sld [smem:$0x3F93];
	_ =	swait.ge [sflag:s4], $0x0  }
0x19: {  	s7 =	sld [smem:$0x3F94]  }
0x1a: {  	s8 =	sadd.s32 $0xFFFFE003, lr  }
0x1b: {  	s9 =	sadd.s32 $0xFFFFFEF7, lr;
	s5 =	simm.s32 $0xFFFFFFFF;
	p2 =	slt.u32 s8, $0xFFFFF086  }
0x1c: {  	p1 =	slt.u32 s9, $0xF7A;
	s5 =	simm.s32 @!p2 $0x0  }
0x1d: {  	s5 =	simm.s32 @p1 $0x1;
	p0 =	seq.s32 s7, s2  }
0x1e: {  	s7 =	smul.u32 @!p0 $0xF7A, s2;
	p2 =	seq.s32 @!p0 s5, $0x0  }
0x1f: {  	s9 =	smul.u32 $0xF7A, s1;
	s8 =	simm.s32 @!p0 $0x1BF5;
	p2 =	por !p2, p0  }
0x20: {  	[sflag:s8] =	ssyncset.s32 @!p0 $0xFFFFF086;
	s6 =	sadd.s32 @!p0 s3, s7;
	s7 =	simm.s32 @!p0 $0x108  }
0x21: {  	s3 =	sadd.s32 s3, s9;
	s6 =	sadd.s32 @!p0 $0x88, s6;
	s7 =	simm.s32 @p2 $0x1082  }
0x22: {  	[simem:s7], [sflag:s8] =	dma.local @!p0 [hbm:s6], $0xF7A  }
0x23: {  	s9 =	sor.u32 $0xD0000000, s2;
	s6 =	simm.s32 $0x108;
	_ =	swait.ge @!p0 [sflag:s8], $0x0  }
0x24: {  	s3 =	sadd.s32 $0x88, s3;
	s6 =	simm.s32 @!p1 $0x1082;
	[sflag:s4] =	ssyncset.s32 $0xFFFFF086  }
0x25: {  	[simem:s6], [sflag:s4] =	dma.local [hbm:s3], $0xF7A  }
0x26: {  	[smem:$0x3F94] =	sst s1;
	(tag) =	ssettag s2;
	_ =	strace s9  }
0x27: {  	s1 =	sld [smem:$0x3FA4]  }
0x28: {  	s2 =	sld [smem:$0x3FA5]  }
0x29: {  	s4 =	sld [smem:$0x3FA7]  }
0x2a: {  	p0 =	seq.s32 s5, $0x0;
	s5 =	sld [smem:$0x3FA8]  }
0x2b: {  	s6 =	sld [smem:$0x3FA9]  }
0x2c: {  	s7 =	sld [smem:$0x3FAA]  }
0x2d: {  	s3 =	simm.s32 $0x108;
	s8 =	sld [smem:$0x3FAB]  }
0x2e: {  	s3 =	simm.s32 @!p0 $0x1082;
	s9 =	sld [smem:$0x3FAC]  }
0x2f: {  	lr =	sadd.s32 s0, s3;
	s0 =	sld [smem:$0x3FA3]  }
0x30: {  	s3 =	sld [smem:$0x3FA6]  }
0x31: {  	[smem:$0x3FAF] =	sst s10  }
0x32: {  	s10 =	sld [smem:$0x3FAD];
	_ =	sdelay $0x3  }
0x33: {  	p0 =	seq.s32 s10, $0x1;
	s10 =	sld [smem:$0x3FAF];
	_ =	sdelay $0x3  }
0x34: {  	[smem:$0x3FAF] =	sst s10  }
0x35: {  	s10 =	sld [smem:$0x3FAE];
	_ =	sdelay $0x3  }
0x36: {  	p1 =	seq.s32 s10, $0x1;
	s10 =	sld [smem:$0x3FAF];
	_ =	sdelay $0x3  }
0x37: {  	[smem:$0x3FAF] =	sst s10  }
0x38: {  	s10 =	sld [smem:$0x3FB0]  }
0x39: {  	_ = 	snop;
	(pc) =	sbr.ind lr, $3  }
0x3a: {  	_ = 	snop  }
0x3b: {  	_ = 	snop  }
0x3c: {  	p2 =	seq.s32 s10, $0x1;
	s10 =	sld [smem:$0x3FAF]  }
0x3d: {  	_ =	shalt  }
0x3e: {  	_ =	shalt  }
0x3f: {  	_ =	shalt  }
0x40: {  	_ =	shalt  }
0x41: {  	_ =	shalt  }
0x42: {  	_ =	shalt  }
0x43: {  	_ =	shalt  }
0x44: {  	_ =	shalt  }
0x45: {  	_ =	shalt  }
0x46: {  	_ =	shalt  }
0x47: {  	_ =	shalt  }
0x48: {  	_ =	shalt  }
0x49: {  	_ =	shalt  }
0x4a: {  	_ =	shalt  }
0x4b: {  	_ =	shalt  }
0x4c: {  	_ =	shalt  }
0x4d: {  	_ =	shalt  }
0x4e: {  	_ =	shalt  }
0x4f: {  	_ =	shalt  }
0x50: {  	_ =	shalt  }
0x51: {  	_ =	shalt  }
0x52: {  	_ =	shalt  }
0x53: {  	_ =	shalt  }
0x54: {  	_ =	shalt  }
0x55: {  	_ =	shalt  }
0x56: {  	_ =	shalt  }
0x57: {  	_ =	shalt  }
0x58: {  	_ =	shalt  }
0x59: {  	_ =	shalt  }
0x5a: {  	_ =	shalt  }
0x5b: {  	_ =	shalt  }
0x5c: {  	_ =	shalt  }
0x5d: {  	_ =	shalt  }
0x5e: {  	_ =	shalt  }
0x5f: {  	_ =	shalt  }
0x60: {  	_ =	shalt  }
0x61: {  	_ =	shalt  }
0x62: {  	_ =	shalt  }
0x63: {  	_ =	shalt  }
0x64: {  	_ =	shalt  }
0x65: {  	_ =	shalt  }
0x66: {  	_ =	shalt  }
0x67: {  	_ =	shalt  }
0x68: {  	_ =	shalt  }
0x69: {  	_ =	shalt  }
0x6a: {  	_ =	shalt  }
0x6b: {  	_ =	shalt  }
0x6c: {  	_ =	shalt  }
0x6d: {  	_ =	shalt  }
0x6e: {  	_ =	shalt  }
0x6f: {  	_ =	shalt  }
0x70: {  	_ =	shalt  }
0x71: {  	_ =	shalt  }
0x72: {  	_ =	shalt  }
0x73: {  	_ =	shalt  }
0x74: {  	_ =	shalt  }
0x75: {  	_ =	shalt  }
0x76: {  	_ =	shalt  }
0x77: {  	_ =	shalt  }
0x78: {  	_ =	shalt  }
0x79: {  	_ =	shalt  }
0x7a: {  	_ =	shalt  }
0x7b: {  	_ =	shalt  }
0x7c: {  	_ =	shalt  }
0x7d: {  	_ =	shalt  }
0x7e: {  	_ =	shalt  }
0x7f: {  	_ =	shalt  }
0x80: {  	_ =	shalt  }
0x81: {  	_ =	shalt  }
0x82: {  	_ =	shalt  }
0x83: {  	_ =	shalt  }
0x84: {  	_ =	shalt  }
0x85: {  	_ =	shalt  }
0x86: {  	_ =	shalt  }
0x87: {  	_ =	shalt  }
.Lfunc_end0:
.L_simem_size_0:
called_computation.4_lowered:
.L_overlay_start_0:
0x88: {  	s2 =	sld [smem:$0x3FD9]  }
0x89: {  	s3 =	sld [smem:$0x3FFE];
	_ =	sdelay $0x1  }
0x8a: {  	s1 =	srdreg.scid  }
0x8b: {  	s0 =	sand.u32 $0x1, s1  }
0x8c: {  	s17 =	sshll.u32 s0, $0xA;
	s2 =	sadd.s32 s3, s2  }
0x8d: {  	s2 =	sadd.s32 s2, s17  }
0x8e: {  	[smem:$0x3FBB] =	sst s2  }
0x8f: {  	_ = 	snop  }
0x90: {  	s2 =	sld [smem:$0x3FC7]  }
0x91: {  	s18 =	sld [smem:$0x3FD0];
	(tm) =	ssettm $0x1  }
0x92: {  	s4 =	sld [smem:$0x3FFB];
	_ =	sdelay $0x3  }
0x93: {  	_ =	strace s4  }
0x94: {  	s4 =	sld [smem:$0x3FFC];
	_ =	sdelay $0x3  }
0x95: {  	_ =	strace s4  }
0x96: {  	s4 =	sld [smem:$0x3FFD];
	_ =	sdelay $0x3  }
0x97: {  	_ =	strace s4  }
0x98: {  	_ =	strace $0x8FFFFFFF  }
0x99: {  	s19 =	sld [smem:$0x3FDB];
	_ =	sdelay $0x1  }
0x9a: {  	s5 =	simm.s32 $_scs_section_size  }
0x9b: {  	s6 =	simm.s32 $_size__tile_overlayer_lowered;
	s7 =	simm.s32 $_tile_overlayer_lowered  }
0x9c: {  	s22 =	simm.s32 $0x1BFF;
	s21 =	sshll.u32 s7, $0x1;
	s4 =	sadd.s32 s5, s19  }
0x9d: {  	s8 =	simm.s32 $0x0;
	s20 =	sshll.u32 s6, $0x1;
	s6 =	sadd.s32 s21, s4  }
0x9e: {  	[timem:s8], [sflag:s22] =	dma.local [hbm:s6], s20  }
0x9f: {  	_ =	swait.ge [sflag:s22], s20  }
0xa0: {  	s5 =	ssub.s32 $0x0, s20;
	[sflag:s22] =	ssyncset.done $0x0  }
0xa1: {  	[sflag:s22] =	ssyncadd.s32 s5;
	_ =	sdelay $0x1  }
0xa2: {  	s23 =	simm.s32 $0x1B8B  }
0xa3: {  	_ =	swait.ge [sflag:s23], $0x1  }
0xa4: {  	[sflag:s23] =	ssyncset.done $0x0  }
0xa5: {  	s25 =	simm.s32 $0x1B8E;
	s24 =	sld [smem:$0x3FFE];
	[sflag:s23] =	ssyncadd.s32 $0xFFFFFFFF  }
0xa6: {  	s26 =	simm.s32 $execute0_lowered;
	[smem:$0x3FD2] =	sst s25  }
0xa7: {  	s6 =	sshll.u32 s26, $0x1;
	_ =	strace $0x80000052;
	[dreg:$0x1] =	wrdreg $0xFFFFFFFF  }
0xa8: {  	s28 =	simm.s32 $_size_execute0_lowered;
	s4 =	sadd.s32 s4, s6;
	[dreg:$0x0] =	wrdreg $0x0  }
0xa9: {  	s6 =	sshll.u32 s28, $0x1;
	[dreg:$0x2] =	wrdreg s4  }
0xaa: {  	[dreg:$0x3] =	wrdreg s6  }
0xab: {  	[dreg:$0x4] =	wrdreg $0xC0  }
0xac: {  	_ =	task [dreg:s8], $0x5FFFF  }
0xad: {  	[dreg:$0x1] =	wrdreg $0xFFFFFFFF  }
0xae: {  	[dreg:$0x0] =	wrdreg $0x60  }
0xaf: {  	[dreg:$0x2] =	wrdreg s24  }
0xb0: {  	[dreg:$0x3] =	wrdreg s2  }
0xb1: {  	[dreg:$0x4] =	wrdreg s18  }
0xb2: {  	[dreg:$0x5] =	wrdreg $0x9  }
0xb3: {  	_ =	task.clear_ibuf [dreg:s8], $0x6FFFF;
	_ =	strace $0x90000052  }
0xb4: {  	s29 =	simm.s32 $0x9;
	_ =	strace $0x80000054  }
0xb5: {  	_ =	swait.ge [sflag:s29], $0x1  }
0xb6: {  	[sflag:s29] =	ssyncadd.s32 $0xFFFFFFFF  }
0xb7: {  	_ =	strace $0x90000054  }
0xb8: {  	_ =	sfence  }
0xb9: {  	s30 =	sld [smem:$0x0];
	_ =	sdelay $0x2  }
0xba: {  	s31 =	sshll.u32 s1, $0xD;
	s1 =	sshrl.u32 s1, $0x2  }
0xbb: {  	s3 =	sand.u32 $0x4000, s31;
	s1 =	sadd.s32 s1, s30  }
0xbc: {  	s0 =	sor.u32 s3, s0;
	s1 =	sshll.u32 s1, $0x11  }
0xbd: {  	s0 =	sor.u32 s1, s0  }
0xbe: {  	s0 =	sadd.s32 $0x8F2B, s0  }
0xbf: {  	[sflag:s0] =	ssyncadd.remote.s32 $0x1  }
0xc0: {  	_ =	sfence.sel $0xFFFF  }
0xc1: {  	[dreg:$0x0] =	wrdreg $0xFFFFFFFF;
	(pc) =	sbr.abs _section_cstart, $3  }
0xc2: {  	[dreg:$0x1] =	wrdreg $0xFFFFFFFF  }
0xc3: {  	_ =	task.clear_ibuf [dreg:s8], $0x2FFFF;
	_ =	strace $0x9FFFFFFF  }
0xc4: {  	(tm) =	ssettm $0x7FFFFFFF  }
0xc5: {  	_ =	shalt  }
tec
execute0_lowered:
.L_overlay_start_1:
0x0: {  	(tag) =	ssettag $0x1  }
0x1: {  	s1 =	stileid.u32  }
0x2: {  	p0 =	sgt.u32 s1, $0x7  }
.Ltmp0:
0x3: {  	s4 =	rddreg [dreg:$0x0];
	(pc) =	sbr.rel @p0 .LBB2_11-.Ltmp0, $4  }
0x4: {  	s2 =	rddreg [dreg:$0x1]  }
0x5: {  	s5 =	rddreg [dreg:$0x2];
	s3 =	simm.s32 $0x0  }
0x6: {  	[smem:$0x7FF] =	sst s3  }
0x7: {  	s0 =	rddreg [dreg:$0x3];
	_ =	strace $0x80000053  }
0x8: {  	s6 =	srdreg.scid  }
0x9: {  	s6 =	sand.u32 $0x1, s6  }
.Ltmp1:
0xa: {  	s7 =	sshll.u32 s1, $0x1;
	s8 =	ssub.s32 $0x2, s6;
	(pc) =	sbr.rel .LBB2_2-.Ltmp1, $4  }
0xb: {  	s4 =	sadd.s32 $0x285C00, s4;
	s9 =	sor.u32 s6, s7;
	s31 =	sshrl.u32 s8, $0x1  }
0xc: {  	s10 =	sxor.u32 $0xFFFFFFFF, s9;
	s7 =	sshll.u32 s9, $0x4;
	v0 =	vmov s9;
	s9 =	simm.s32 $0x4710  }
0xd: {  	s6 =	ssub.s32 s8, s31;
	s5 =	sadd.s32 s5, s7;
	s7 =	simm.s32 $0x1  }
0xe: {  	v1 =	vmov s10;
	s8 =	simm.s32 $0x2710;
	s10 =	simm.s32 $0x0;
	s6 =	smax.u32 s6, $0x1  }
.LBB2_5:
0xf: {  	v8 =	vimm.f32 $0.0e+00;
	v3 =	vimm.f32 $0.0e+00  }
0x10: {  	v7 =	vimm.f32 $0.0e+00;
	v5 =	vimm.f32 $0.0e+00;
	v9 =	vimm.f32 $0.0e+00  }
0x11: {  	v6 =	vimm.f32 $0.0e+00;
	v4 =	vimm.f32 $0.0e+00;
	v2 =	vimm.f32 $0.0e+00  }
.LBB2_10:
0x12: {  	[tilespmem:$0x4710] =	vst v8  }
0x13: {  	[tilespmem:$0x4720] =	vst v3  }
0x14: {  	[tilespmem:$0x4730] =	vst v7  }
0x15: {  	[tilespmem:$0x4740] =	vst v5  }
0x16: {  	[tilespmem:$0x4750] =	vst v9  }
0x17: {  	[tilespmem:$0x4760] =	vst v6;
	s10 =	sadd.s32 $0x1, s10  }
0x18: {  	[tilespmem:$0x4770] =	vst v4;
	p0 =	sne.s32 s10, s6  }
.Ltmp2:
0x19: {  	[tilespmem:$0x4780] =	vst v2;
	(pc) =	sbr.rel @!p0 .LBB2_11-.Ltmp2, $4  }
0x1a: {  	[hbm4b:s5+s3] =	stream.linear.scatter [tilespmem:s9], [sflag:$0x1], $0x80, $0x38;
	[tilespmem:$0x4790] =	vst v63  }
0x1b: {  	_ =	swait.ge [sflag:s7], $0x80  }
0x1c: {  	[sflag:s7] =	ssyncset.done $0x0  }
0x1d: {  	[sflag:s7] =	ssyncadd.s32 $0xFFFFFF80  }
.LBB2_2:
0x1e: {  	s11 =	simm.s32 $0x0  }
0x1f: {  	[tilespmem:s11], [sflag:$0x1] =	stream.linear.gather [hbm4b:s2+s11], $0x2710, $0x38;
	[tilespmem:$0x4790] =	vst v63  }
0x20: {  	_ =	swait.ge [sflag:s7], $0x2710  }
0x21: {  	[sflag:s7] =	ssyncset.done $0x0  }
0x22: {  	s12 =	simm.s32 $0x0;
	[sflag:s7] =	ssyncadd.s32 $0xFFFFD8F0  }
0x23: {  	v2 =	vld [tilespmem:s12+$0x0]  }
0x24: {  	s28 =	simm.s32 $0x10  }
0x25: {  	v3 =	vld [tilespmem:s28+$0x0];
	_ =	sdelay $0x1  }
0x26: {  	s29 =	simm.s32 $0x20  }
0x27: {  	v4 =	vld [tilespmem:s29+$0x0];
	v5 =	vadd.s32 v1, v2  }
0x28: {  	v2 =	vsub.s32 v2, v0;
	v5 =	vshrl.u32 v5, $0x1F  }
0x29: {  	v60 =	vadd.s32 v1, v3;
	v2 =	vshrl.u32 v2, $0x1F;
	(xrf0) =	vadd.scan.msk.s32 $0xffff, v5  }
0x2a: {  	(xrf0) =	vadd.scan.msk.s32 $0xffff, v2;
	v2 =	vsub.s32 v3, v0;
	v3 =	vshrl.u32 v60, $0x1F  }
0x2b: {  	v2 =	vshrl.u32 v2, $0x1F;
	(xrf0) =	vadd.scan.msk.s32 $0xffff, v3  }
0x2c: {  	v3 =	vadd.s32 v1, v4;
	(xrf0) =	vadd.scan.msk.s32 $0xffff, v2;
	v2 =	vsub.s32 v4, v0  }
0x2d: {  	v3 =	vshrl.u32 v3, $0x1F;
	v2 =	vshrl.u32 v2, $0x1F  }
0x2e: {  	(xrf0) =	vadd.scan.msk.s32 $0xffff, v3  }
0x2f: {  	(xrf0) =	vadd.scan.msk.s32 $0xffff, v2  }
0x30: {  	v2, _, _ =	vpop (xrf0)  }
0x31: {  	v3, _, _ =	vpop (xrf0);
	(v2sf) =	vpush v2, $0xF  }
0x32: {  	v2, _, _ =	vpop (xrf0);
	(v2sf) =	vpush v3, $0xF  }
0x33: {  	v3, _, _ =	vpop (xrf0);
	(v2sf) =	vpush v2, $0xF  }
0x34: {  	s30 =	simm.s32 $0x30;
	(v2sf) =	vpush v3, $0xF;
	v62, _, _ =	vpop (xrf0)  }
0x35: {  	v61 =	vld [tilespmem:s30+$0x0];
	v63, _, _ =	vpop (xrf0);
	(v2sf) =	vpush v62, $0xF  }
0x36: {  	(v2sf) =	vpush v63, $0xF;
	_ =	sdelay $0x3  }
0x37: {  	v2 =	vadd.s32 v1, v61  }
0x38: {  	s31 =	simm.s32 $0x40;
	v2 =	vshrl.u32 v2, $0x1F  }
0x39: {  	v3 =	vsub.s32 v61, v0;
	(xrf0) =	vadd.scan.msk.s32 $0xffff, v2;
	v2 =	vld [tilespmem:s31+$0x0]  }
0x3a: {  	v3 =	vshrl.u32 v3, $0x1F  }
0x3b: {  	(xrf0) =	vadd.scan.msk.s32 $0xffff, v3  }
0x3c: {  	s13 =	simm.s32 $0x140;
	s12 =	simm.s32 $0x0  }
.LBB2_3:
0x3d: {  	s14 =	sshra.s32 s13, $0x2;
	p0 =	sne.s32 s13, $0x9C00  }
.Ltmp3:
0x3e: {  	s13 =	sadd.s32 $0x40, s13;
	v3 =	vsub.s32 v2, v0;
	v7 =	vadd.s32 v1, v2;
	s15 =	spop (v2sf);
	(pc) =	sbr.rel @p0 .LBB2_3-.Ltmp3, $4  }
0x3f: {  	v2 =	vld [tilespmem:s14+$0x0];
	v6 =	vshrl.u32 v3, $0x1F;
	v5 =	vshrl.u32 v7, $0x1F;
	s11 =	sadd.s32 s11, s15;
	s14 =	spop (v2sf)  }
0x40: {  	(xrf0) =	vadd.scan.msk.s32 $0xffff, v5;
	v4, _, _ =	vpop (xrf0);
	s12 =	sadd.s32 s12, s14  }
0x41: {  	(xrf0) =	vadd.scan.msk.s32 $0xffff, v6;
	v3, _, _ =	vpop (xrf0);
	(v2sf) =	vpush v4, $0xF  }
0x42: {  	(v2sf) =	vpush v3, $0xF  }
0x43: {  	_ = 	snop  }
0x44: {  	v3 =	vadd.s32 v1, v2  }
0x45: {  	v2 =	vsub.s32 v2, v0;
	v3 =	vshrl.u32 v3, $0x1F  }
0x46: {  	v2 =	vshrl.u32 v2, $0x1F;
	(xrf0) =	vadd.scan.msk.s32 $0xffff, v3  }
0x47: {  	(xrf0) =	vadd.scan.msk.s32 $0xffff, v2;
	_ =	sdelay $0x2  }
0x48: {  	v2, _, _ =	vpop (xrf0)  }
0x49: {  	v3, _, _ =	vpop (xrf0);
	(v2sf) =	vpush v2, $0xF  }
0x4a: {  	(v2sf) =	vpush v3, $0xF;
	v2, _, _ =	vpop (xrf0)  }
0x4b: {  	v3, _, _ =	vpop (xrf0);
	(v2sf) =	vpush v2, $0xF  }
0x4c: {  	(v2sf) =	vpush v3, $0xF;
	_ =	sdelay $0x5  }
0x4d: {  	s13 =	spop (v2sf)  }
0x4e: {  	s14 =	spop (v2sf)  }
0x4f: {  	s15 =	spop (v2sf)  }
0x50: {  	s16 =	spop (v2sf)  }
0x51: {  	s17 =	spop (v2sf)  }
0x52: {  	s18 =	spop (v2sf)  }
0x53: {  	s11 =	sadd.s32 s11, s13;
	s12 =	sadd.s32 s12, s14;
	s25 =	spop (v2sf)  }
0x54: {  	s11 =	sadd.s32 s11, s15;
	s12 =	sadd.s32 s12, s16;
	s26 =	spop (v2sf)  }
0x55: {  	s11 =	sadd.s32 s11, s17;
	s12 =	sadd.s32 s12, s18;
	s28 =	spop (v2sf)  }
0x56: {  	s11 =	sadd.s32 s11, s25;
	s12 =	sadd.s32 s12, s26;
	s29 =	spop (v2sf)  }
0x57: {  	s11 =	sadd.s32 s11, s28;
	s12 =	sadd.s32 s12, s29  }
0x58: {  	s13 =	ssub.s32 s11, s12  }
0x59: {  	s13 =	sadd.s32 $0x3F, s13  }
0x5a: {  	s30 =	sand.u32 $0x3F, s13  }
0x5b: {  	s31 =	sshra.s32 s13, $0x1F;
	p1 =	slt.s32 s13, $0x1;
	p0 =	sne.s32 s30, $0x0  }
0x5c: {  	s14 =	sshrl.u32 s31, $0x1A;
	p0 =	por !p1, !p0  }
0x5d: {  	s13 =	sadd.s32 s14, s13;
	s14 =	simm.s32 $0x1;
	p0 =	por !p0, !p0  }
0x5e: {  	s13 =	sshra.s32 s13, $0x6;
	s14 =	simm.s32 @!p0 $0x0  }
0x5f: {  	s13 =	ssub.s32 s13, s14  }
0x60: {  	p0 =	slt.s32 s13, $0x1  }
.Ltmp4:
0x61: {  	_ = 	snop;
	(pc) =	sbr.rel @p0 .LBB2_5-.Ltmp4, $1  }
0x62: {  	_ =	sdelay $0x3  }
0x63: {  	v2 =	vimm.f32 $0.0e+00;
	v4 =	vimm.f32 $0.0e+00  }
0x64: {  	v6 =	vimm.f32 $0.0e+00;
	v9 =	vimm.f32 $0.0e+00;
	v5 =	vimm.f32 $0.0e+00  }
0x65: {  	s14 =	simm.s32 $0x0;
	s15 =	smov.u32 s12;
	v7 =	vimm.f32 $0.0e+00;
	v3 =	vimm.f32 $0.0e+00;
	v8 =	vimm.f32 $0.0e+00;
	s16 =	simm.s32 $0x0  }
.LBB2_7:
0x66: {  	s17 =	sshll.u32 s16, $0x6  }
0x67: {  	s17 =	sadd.s32 s12, s17  }
0x68: {  	s17 =	sshll.u32 s17, $0x4  }
0x69: {  	s17 =	sand.u32 $0x1FFFFFF0, s17  }
0x6a: {  	s17 =	sadd.s32 s4, s17  }
0x6b: {  	[tilespmem:s8], [sflag:$0x1] =	stream.linear.gather [hbm4b:s17+s14], $0x2000, $0x38;
	[tilespmem:$0x4790] =	vst v63  }
0x6c: {  	_ =	swait.ge [sflag:s7], $0x2000  }
0x6d: {  	s30 =	sadd.s32 $0x0, s15;
	[sflag:s7] =	ssyncset.done $0x0  }
0x6e: {  	s18 =	simm.s32 $0x2750;
	p2 =	sge.s32 s30, s11;
	[sflag:s7] =	ssyncadd.s32 $0xFFFFE000  }
0x6f: {  	v10 =	vld @!p2 [tilespmem:s18+$0xFFFFFFC0]  }
0x70: {  	v14 =	vld @!p2 [tilespmem:s18+$0xFFFFFFD0]  }
0x71: {  	v11 =	vld @!p2 [tilespmem:s18+$0xFFFFFFE0]  }
0x72: {  	v12 =	vld @!p2 [tilespmem:s18+$0xFFFFFFF0]  }
0x73: {  	v13 =	vld @!p2 [tilespmem:s18+$0x0]  }
0x74: {  	v15 =	vld @!p2 [tilespmem:s18+$0x10]  }
0x75: {  	s31 =	sadd.s32 $0x1, s15;
	p0 =	por p2, p2;
	v16 =	vld @!p2 [tilespmem:s18+$0x20]  }
0x76: {  	p1 =	sge.s32 s31, s11;
	s17 =	simm.s32 $0x27D0;
	v18 =	vld @!p0 [tilespmem:s18+$0x30]  }
0x77: {  	v19 =	vld @!p1 [tilespmem:s17+$0xFFFFFFC0];
	v17 =	vadd.f32 @!p2 v10, v8  }
0x78: {  	v11 =	vadd.f32 @!p0 v11, v7;
	v20 =	vadd.f32 @!p0 v12, v5;
	v10 =	vld @!p1 [tilespmem:s17+$0xFFFFFFD0]  }
0x79: {  	v13 =	vadd.f32 @!p0 v13, v9;
	v12 =	vld @!p1 [tilespmem:s17+$0xFFFFFFE0];
	v15 =	vadd.f32 @!p0 v15, v6;
	v8 =	vpsel p0, v8, v17  }
0x7a: {  	v7 =	vpsel p0, v7, v11;
	v5 =	vpsel p0, v5, v20;
	v11 =	vld @!p1 [tilespmem:s17+$0xFFFFFFF0];
	v20 =	vadd.f32 @!p0 v16, v4  }
0x7b: {  	v9 =	vpsel p0, v9, v13;
	v13 =	vld @!p1 [tilespmem:s17+$0x0];
	v17 =	vadd.f32 @!p0 v14, v3;
	v16 =	vadd.f32 @!p0 v18, v2  }
0x7c: {  	s18 =	simm.s32 $0x2;
	v6 =	vpsel p0, v6, v15;
	v14 =	vld @!p1 [tilespmem:s17+$0x10];
	v15 =	vadd.f32 @!p1 v19, v8;
	v4 =	vpsel p0, v4, v20  }
.LBB2_8:
0x7d: {  	s19 =	sadd.s32 s18, s15;
	s18 =	sadd.s32 $0x1, s18;
	v18 =	vld @!p1 [tilespmem:s17+$0x20];
	v3 =	vpsel p0, v3, v17;
	v2 =	vpsel p0, v2, v16;
	v16 =	vmov v10;
	p0 =	por p1, p1  }
0x7e: {  	p1 =	sge.s32 s19, s11;
	p2 =	sne.s32 s18, $0x40;
	v12 =	vadd.f32 @!p0 v12, v7;
	v19 =	vld @!p0 [tilespmem:s17+$0x30];
	v8 =	vpsel p0, v8, v15;
	s17 =	sadd.s32 $0x80, s17  }
0x7f: {  	v15 =	vld @!p1 [tilespmem:s17+$0xFFFFFFC0];
	v11 =	vadd.f32 @!p0 v11, v5  }
.Ltmp5:
0x80: {  	v10 =	vld @!p1 [tilespmem:s17+$0xFFFFFFD0];
	v13 =	vadd.f32 @!p0 v13, v9;
	v7 =	vpsel p0, v7, v12;
	(pc) =	sbr.rel @p2 .LBB2_8-.Ltmp5, $4  }
0x81: {  	v12 =	vld @!p1 [tilespmem:s17+$0xFFFFFFE0];
	v14 =	vadd.f32 @!p0 v14, v6;
	v5 =	vpsel p0, v5, v11  }
0x82: {  	v11 =	vld @!p1 [tilespmem:s17+$0xFFFFFFF0];
	v18 =	vadd.f32 @!p0 v18, v4;
	v9 =	vpsel p0, v9, v13  }
0x83: {  	v17 =	vadd.f32 @!p0 v16, v3;
	v13 =	vld @!p1 [tilespmem:s17+$0x0];
	v16 =	vadd.f32 @!p0 v19, v2;
	v6 =	vpsel p0, v6, v14  }
0x84: {  	v15 =	vadd.f32 @!p1 v15, v8;
	v14 =	vld @!p1 [tilespmem:s17+$0x10];
	v4 =	vpsel p0, v4, v18  }
0x85: {  	v18 =	vld @!p1 [tilespmem:s17+$0x20];
	p1 =	por p1, p1  }
0x86: {  	v19 =	vld @!p1 [tilespmem:s17+$0x30]  }
0x87: {  	s16 =	sadd.s32 $0x1, s16  }
0x88: {  	v3 =	vpsel p0, v3, v17;
	v2 =	vpsel p0, v2, v16;
	v12 =	vadd.f32 @!p1 v12, v7;
	p0 =	sne.s32 s16, s13  }
.Ltmp6:
0x89: {  	v10 =	vadd.f32 @!p1 v10, v3;
	v11 =	vadd.f32 @!p1 v11, v5;
	(pc) =	sbr.rel @p0 .LBB2_7-.Ltmp6, $4  }
.Ltmp7:
0x8a: {  	v8 =	vpsel p1, v8, v15;
	v13 =	vadd.f32 @!p1 v13, v9;
	v14 =	vadd.f32 @!p1 v14, v6;
	(pc) =	sbr.rel @!p0 .LBB2_10-.Ltmp7, $4  }
0x8b: {  	v7 =	vpsel p1, v7, v12;
	v15 =	vadd.f32 @!p1 v18, v4;
	v12 =	vadd.f32 @!p1 v19, v2  }
0x8c: {  	v3 =	vpsel p1, v3, v10;
	v5 =	vpsel p1, v5, v11;
	v9 =	vpsel p1, v9, v13  }
0x8d: {  	s15 =	sadd.s32 $0x40, s15;
	v6 =	vpsel p1, v6, v14;
	v4 =	vpsel p1, v4, v15;
	v2 =	vpsel p1, v2, v12  }
0x8e: {  	_ = 	snop  }
.LBB2_11:
0x8f: {  	_ =	sfence.sel $0x180000  }
0x90: {  	[bflag:$0x0] =	sbarrier.arrive $0xFFFF  }
0x91: {  	p0 =	sne.s32 s1, $0x0;
	_ =	strace $0x90000053  }
0x92: {  	s0 =	sadd.s32 @!p0 $0x100000, s0;
	[bflag:$0x2] =	sbarrier.arrive $0xFFFF  }
0x93: {  	[sflag:s0] =	ssyncadd.tile.s32 @!p0 $0x1;
	_ =	shalt  }
.Lfunc_end2:
_tile_overlayer_lowered:
.L_overlay_start_2:
0x94: {  	(tag) =	ssettag $0x2  }
0x95: {  	s0 =	rddreg [dreg:$0x0];
	s2 =	stileid.u32  }
0x96: {  	s1 =	rddreg [dreg:$0x1];
	p0 =	sne.s32 s2, $0x0  }
0x97: {  	s3 =	rddreg [dreg:$0x2];
	[bflag:$0x3] =	sbarrier.arrive $0xFFFF;
	s2 =	simm.s32 @!p0 $0x1C01  }
0x98: {  	[timem:s3], [sflag:s2] =	dma.local @!p0 [hbm:s0], s1  }
0x99: {  	s0 =	simm.s32 @!p0 $0x1  }
0x9a: {  	_ =	swait.ge @!p0 [sflag:s0], s1  }
0x9b: {  	s1 =	ssub.s32 @!p0 $0x0, s1;
	[sflag:s0] =	ssyncset.done @!p0 $0x0  }
0x9c: {  	[sflag:s0] =	ssyncadd.s32 @!p0 s1  }
0x9d: {  	[bflag:$0x3] =	sbarrier.arrive $0xFFFF  }
0x9e: {  	_ =	shalt  }

// kernel: kernel.28.cloned.1.call-start
scs
__scs_entry_jumppad:
0x0: {  	(pc) =	sbr.rel $0x88, $3  }
0x1: {  	(tag) =	ssettag $0x0;
	lr =	simm.s32 $0x1  }
0x2: {  	[smem:$0x3F94] =	sst lr;
	_ =	strace $0xD0000000  }
0x3: {  	_ = 	snop  }
0x4: {  	_ = 	snop  }
0x5: {  	_ = 	snop  }
0x6: {  	_ = 	snop  }
0x7: {  	_ = 	snop  }
__scs_overlays_trampoline_lowered:
0x8: {  	[smem:$0x3FA3] =	sst s0  }
0x9: {  	[smem:$0x3FA4] =	sst s1  }
0xa: {  	[smem:$0x3FA5] =	sst s2  }
0xb: {  	[smem:$0x3FA6] =	sst s3  }
0xc: {  	[smem:$0x3FA7] =	sst s4  }
0xd: {  	[smem:$0x3FA8] =	sst s5  }
0xe: {  	[smem:$0x3FA9] =	sst s6  }
0xf: {  	[smem:$0x3FAA] =	sst s7  }
0x10: {  	[smem:$0x3FAB] =	sst s8  }
0x11: {  	[smem:$0x3FAC] =	sst s9;
	s0 =	simm.s32 @!p0 $0x0  }
0x12: {  	s1 =	sld [smem:$0x3F92];
	s0 =	simm.s32 @p0 $0x1  }
0x13: {  	[smem:$0x3FAD] =	sst s0;
	s0 =	simm.s32 @!p1 $0x0  }
0x14: {  	s2 =	sld [smem:$0x3F91];
	s0 =	simm.s32 @p1 $0x1  }
0x15: {  	[smem:$0x3FAE] =	sst s0;
	s0 =	simm.s32 @!p2 $0x0  }
0x16: {  	s3 =	sld [smem:$0x3FDB];
	s0 =	simm.s32 @p2 $0x1  }
0x17: {  	s4 =	simm.s32 $0x1BF5;
	[smem:$0x3FB0] =	sst s0  }
0x18: {  	s0 =	sld [smem:$0x3F93];
	_ =	swait.ge [sflag:s4], $0x0  }
0x19: {  	s7 =	sld [smem:$0x3F94]  }
0x1a: {  	s8 =	sadd.s32 $0xFFFFE003, lr  }
0x1b: {  	s9 =	sadd.s32 $0xFFFFFEF7, lr;
	s5 =	simm.s32 $0xFFFFFFFF;
	p2 =	slt.u32 s8, $0xFFFFF086  }
0x1c: {  	p1 =	slt.u32 s9, $0xF7A;
	s5 =	simm.s32 @!p2 $0x0  }
0x1d: {  	s5 =	simm.s32 @p1 $0x1;
	p0 =	seq.s32 s7, s2  }
0x1e: {  	s7 =	smul.u32 @!p0 $0xF7A, s2;
	p2 =	seq.s32 @!p0 s5, $0x0  }
0x1f: {  	s9 =	smul.u32 $0xF7A, s1;
	s8 =	simm.s32 @!p0 $0x1BF5;
	p2 =	por !p2, p0  }
0x20: {  	[sflag:s8] =	ssyncset.s32 @!p0 $0xFFFFF086;
	s6 =	sadd.s32 @!p0 s3, s7;
	s7 =	simm.s32 @!p0 $0x108  }
0x21: {  	s3 =	sadd.s32 s3, s9;
	s6 =	sadd.s32 @!p0 $0x88, s6;
	s7 =	simm.s32 @p2 $0x1082  }
0x22: {  	[simem:s7], [sflag:s8] =	dma.local @!p0 [hbm:s6], $0xF7A  }
0x23: {  	s9 =	sor.u32 $0xD0000000, s2;
	s6 =	simm.s32 $0x108;
	_ =	swait.ge @!p0 [sflag:s8], $0x0  }
0x24: {  	s3 =	sadd.s32 $0x88, s3;
	s6 =	simm.s32 @!p1 $0x1082;
	[sflag:s4] =	ssyncset.s32 $0xFFFFF086  }
0x25: {  	[simem:s6], [sflag:s4] =	dma.local [hbm:s3], $0xF7A  }
0x26: {  	[smem:$0x3F94] =	sst s1;
	(tag) =	ssettag s2;
	_ =	strace s9  }
0x27: {  	s1 =	sld [smem:$0x3FA4]  }
0x28: {  	s2 =	sld [smem:$0x3FA5]  }
0x29: {  	s4 =	sld [smem:$0x3FA7]  }
0x2a: {  	p0 =	seq.s32 s5, $0x0;
	s5 =	sld [smem:$0x3FA8]  }
0x2b: {  	s6 =	sld [smem:$0x3FA9]  }
0x2c: {  	s7 =	sld [smem:$0x3FAA]  }
0x2d: {  	s3 =	simm.s32 $0x108;
	s8 =	sld [smem:$0x3FAB]  }
0x2e: {  	s3 =	simm.s32 @!p0 $0x1082;
	s9 =	sld [smem:$0x3FAC]  }
0x2f: {  	lr =	sadd.s32 s0, s3;
	s0 =	sld [smem:$0x3FA3]  }
0x30: {  	s3 =	sld [smem:$0x3FA6]  }
0x31: {  	[smem:$0x3FAF] =	sst s10  }
0x32: {  	s10 =	sld [smem:$0x3FAD];
	_ =	sdelay $0x3  }
0x33: {  	p0 =	seq.s32 s10, $0x1;
	s10 =	sld [smem:$0x3FAF];
	_ =	sdelay $0x3  }
0x34: {  	[smem:$0x3FAF] =	sst s10  }
0x35: {  	s10 =	sld [smem:$0x3FAE];
	_ =	sdelay $0x3  }
0x36: {  	p1 =	seq.s32 s10, $0x1;
	s10 =	sld [smem:$0x3FAF];
	_ =	sdelay $0x3  }
0x37: {  	[smem:$0x3FAF] =	sst s10  }
0x38: {  	s10 =	sld [smem:$0x3FB0]  }
0x39: {  	_ = 	snop;
	(pc) =	sbr.ind lr, $3  }
0x3a: {  	_ = 	snop  }
0x3b: {  	_ = 	snop  }
0x3c: {  	p2 =	seq.s32 s10, $0x1;
	s10 =	sld [smem:$0x3FAF]  }
0x3d: {  	_ =	shalt  }
0x3e: {  	_ =	shalt  }
0x3f: {  	_ =	shalt  }
0x40: {  	_ =	shalt  }
0x41: {  	_ =	shalt  }
0x42: {  	_ =	shalt  }
0x43: {  	_ =	shalt  }
0x44: {  	_ =	shalt  }
0x45: {  	_ =	shalt  }
0x46: {  	_ =	shalt  }
0x47: {  	_ =	shalt  }
0x48: {  	_ =	shalt  }
0x49: {  	_ =	shalt  }
0x4a: {  	_ =	shalt  }
0x4b: {  	_ =	shalt  }
0x4c: {  	_ =	shalt  }
0x4d: {  	_ =	shalt  }
0x4e: {  	_ =	shalt  }
0x4f: {  	_ =	shalt  }
0x50: {  	_ =	shalt  }
0x51: {  	_ =	shalt  }
0x52: {  	_ =	shalt  }
0x53: {  	_ =	shalt  }
0x54: {  	_ =	shalt  }
0x55: {  	_ =	shalt  }
0x56: {  	_ =	shalt  }
0x57: {  	_ =	shalt  }
0x58: {  	_ =	shalt  }
0x59: {  	_ =	shalt  }
0x5a: {  	_ =	shalt  }
0x5b: {  	_ =	shalt  }
0x5c: {  	_ =	shalt  }
0x5d: {  	_ =	shalt  }
0x5e: {  	_ =	shalt  }
0x5f: {  	_ =	shalt  }
0x60: {  	_ =	shalt  }
0x61: {  	_ =	shalt  }
0x62: {  	_ =	shalt  }
0x63: {  	_ =	shalt  }
0x64: {  	_ =	shalt  }
0x65: {  	_ =	shalt  }
0x66: {  	_ =	shalt  }
0x67: {  	_ =	shalt  }
0x68: {  	_ =	shalt  }
0x69: {  	_ =	shalt  }
0x6a: {  	_ =	shalt  }
0x6b: {  	_ =	shalt  }
0x6c: {  	_ =	shalt  }
0x6d: {  	_ =	shalt  }
0x6e: {  	_ =	shalt  }
0x6f: {  	_ =	shalt  }
0x70: {  	_ =	shalt  }
0x71: {  	_ =	shalt  }
0x72: {  	_ =	shalt  }
0x73: {  	_ =	shalt  }
0x74: {  	_ =	shalt  }
0x75: {  	_ =	shalt  }
0x76: {  	_ =	shalt  }
0x77: {  	_ =	shalt  }
0x78: {  	_ =	shalt  }
0x79: {  	_ =	shalt  }
0x7a: {  	_ =	shalt  }
0x7b: {  	_ =	shalt  }
0x7c: {  	_ =	shalt  }
0x7d: {  	_ =	shalt  }
0x7e: {  	_ =	shalt  }
0x7f: {  	_ =	shalt  }
0x80: {  	_ =	shalt  }
0x81: {  	_ =	shalt  }
0x82: {  	_ =	shalt  }
0x83: {  	_ =	shalt  }
0x84: {  	_ =	shalt  }
0x85: {  	_ =	shalt  }
0x86: {  	_ =	shalt  }
0x87: {  	_ =	shalt  }
.Lfunc_end0:
.L_simem_size_0:
called_computation.5_lowered:
.L_overlay_start_0:
0x88: {  	s2 =	sld [smem:$0x3FD9]  }
0x89: {  	s3 =	sld [smem:$0x3FFE];
	_ =	sdelay $0x1  }
0x8a: {  	s1 =	srdreg.scid  }
0x8b: {  	s0 =	sand.u32 $0x1, s1  }
0x8c: {  	s17 =	sshll.u32 s0, $0xA;
	s2 =	sadd.s32 s3, s2  }
0x8d: {  	s2 =	sadd.s32 s2, s17  }
0x8e: {  	[smem:$0x3FBB] =	sst s2  }
0x8f: {  	_ = 	snop  }
0x90: {  	s2 =	sld [smem:$0x3FD0];
	(tm) =	ssettm $0x1  }
0x91: {  	s18 =	sld [smem:$0x3FFB];
	_ =	sdelay $0x3  }
0x92: {  	_ =	strace s18  }
0x93: {  	s3 =	sld [smem:$0x3FFC];
	_ =	sdelay $0x3  }
0x94: {  	_ =	strace s3  }
0x95: {  	s3 =	sld [smem:$0x3FFD];
	_ =	sdelay $0x3  }
0x96: {  	_ =	strace s3  }
0x97: {  	_ =	strace $0x8FFFFFFF  }
0x98: {  	s19 =	sld [smem:$0x3FDB];
	_ =	sdelay $0x1  }
0x99: {  	s4 =	simm.s32 $_scs_section_size  }
0x9a: {  	s5 =	simm.s32 $_size__tile_overlayer_lowered;
	s6 =	simm.s32 $_tile_overlayer_lowered  }
0x9b: {  	s22 =	simm.s32 $0x1BFF;
	s21 =	sshll.u32 s6, $0x1;
	s3 =	sadd.s32 s4, s19  }
0x9c: {  	s7 =	simm.s32 $0x0;
	s20 =	sshll.u32 s5, $0x1;
	s5 =	sadd.s32 s21, s3  }
0x9d: {  	[timem:s7], [sflag:s22] =	dma.local [hbm:s5], s20  }
0x9e: {  	_ =	swait.ge [sflag:s22], s20  }
0x9f: {  	s4 =	ssub.s32 $0x0, s20;
	[sflag:s22] =	ssyncset.done $0x0  }
0xa0: {  	[sflag:s22] =	ssyncadd.s32 s4;
	_ =	sdelay $0x1  }
0xa1: {  	s23 =	simm.s32 $0x1B8B  }
0xa2: {  	_ =	swait.ge [sflag:s23], $0x1  }
0xa3: {  	[sflag:s23] =	ssyncset.done $0x0  }
0xa4: {  	s25 =	simm.s32 $0x1B8E;
	s24 =	sld [smem:$0x3FFE];
	[sflag:s23] =	ssyncadd.s32 $0xFFFFFFFF  }
0xa5: {  	s26 =	simm.s32 $execute0_lowered;
	[smem:$0x3FD2] =	sst s25  }
0xa6: {  	s5 =	sshll.u32 s26, $0x1;
	_ =	strace $0x80000055;
	[dreg:$0x1] =	wrdreg $0xFFFFFFFF  }
0xa7: {  	s28 =	simm.s32 $_size_execute0_lowered;
	s3 =	sadd.s32 s3, s5;
	[dreg:$0x0] =	wrdreg $0x0  }
0xa8: {  	s5 =	sshll.u32 s28, $0x1;
	[dreg:$0x2] =	wrdreg s3  }
0xa9: {  	[dreg:$0x3] =	wrdreg s5  }
0xaa: {  	[dreg:$0x4] =	wrdreg $0xC0  }
0xab: {  	_ =	task [dreg:s7], $0x5FFFF  }
0xac: {  	[dreg:$0x1] =	wrdreg $0xFFFFFFFF  }
0xad: {  	[dreg:$0x0] =	wrdreg $0x60  }
0xae: {  	[dreg:$0x2] =	wrdreg s2  }
0xaf: {  	[dreg:$0x3] =	wrdreg s24  }
0xb0: {  	[dreg:$0x4] =	wrdreg $0x9  }
0xb1: {  	_ =	task.clear_ibuf [dreg:s7], $0x5FFFF;
	_ =	strace $0x90000055  }
0xb2: {  	s29 =	simm.s32 $0x9;
	_ =	strace $0x80000057  }
0xb3: {  	_ =	swait.ge [sflag:s29], $0x1  }
0xb4: {  	[sflag:s29] =	ssyncadd.s32 $0xFFFFFFFF  }
0xb5: {  	_ =	strace $0x90000057  }
0xb6: {  	_ =	sfence  }
0xb7: {  	s30 =	sld [smem:$0x0];
	_ =	sdelay $0x2  }
0xb8: {  	s31 =	sshll.u32 s1, $0xD;
	s1 =	sshrl.u32 s1, $0x2  }
0xb9: {  	s3 =	sand.u32 $0x4000, s31;
	s1 =	sadd.s32 s1, s30  }
0xba: {  	s0 =	sor.u32 s3, s0;
	s1 =	sshll.u32 s1, $0x11  }
0xbb: {  	s0 =	sor.u32 s1, s0  }
0xbc: {  	s0 =	sadd.s32 $0x8F2B, s0  }
0xbd: {  	[sflag:s0] =	ssyncadd.remote.s32 $0x1  }
0xbe: {  	_ =	sfence.sel $0xFFFF  }
0xbf: {  	[dreg:$0x0] =	wrdreg $0xFFFFFFFF;
	(pc) =	sbr.abs _section_cstart, $3  }
0xc0: {  	[dreg:$0x1] =	wrdreg $0xFFFFFFFF  }
0xc1: {  	_ =	task.clear_ibuf [dreg:s7], $0x2FFFF;
	_ =	strace $0x9FFFFFFF  }
0xc2: {  	(tm) =	ssettm $0x7FFFFFFF  }
0xc3: {  	_ =	shalt  }
tec
execute0_lowered:
.L_overlay_start_1:
0x0: {  	(tag) =	ssettag $0x1  }
0x1: {  	s2 =	rddreg [dreg:$0x0]  }
0x2: {  	s9 =	rddreg [dreg:$0x1]  }
0x3: {  	s0 =	rddreg [dreg:$0x2]  }
0x4: {  	s4 =	srdreg.scid;
	s1 =	stileid.u32  }
0x5: {  	s3 =	simm.s32 $0x0;
	s12 =	simm.s32 $0x2;
	s13 =	simm.s32 $0x1  }
0x6: {  	s14 =	simm.s32 $0x50;
	s15 =	simm.s32 $0xB0;
	s6 =	sand.u32 $0x1, s4  }
0x7: {  	s30 =	sshll.u32 s1, $0x1;
	[smem:$0x7FF] =	sst s3;
	s4 =	sadd.s32 $0x10600, s9  }
0x8: {  	s5 =	sadd.s32 $0x14B000, s9;
	s16 =	sor.u32 s6, s30;
	_ =	strace $0x80000056  }
.Ltmp0:
0x9: {  	s6 =	ssub.s32 $0x2, s6;
	s8 =	sshll.u32 s16, $0x1;
	(pc) =	sbr.rel .LBB2_1-.Ltmp0, $4  }
0xa: {  	s7 =	smul.u32 $0x1390, s16;
	s31 =	sshrl.u32 s6, $0x1;
	s8 =	sadd.s32 s8, s9  }
0xb: {  	p0 =	seq.s32 s16, $0x1F;
	s11 =	ssub.s32 s6, s31;
	s6 =	sadd.s32 $0x285A00, s8  }
0xc: {  	s10 =	sadd.s32 s7, s9;
	s7 =	smul.u32 $0x4EA20, s16;
	s9 =	sadd.s32 $0x2ABA70, s9  }
0xd: {  	v0 =	vimm.f32 $0.0e+00;
	s8 =	sadd.s32 $0x285C00, s10;
	s10 =	smax.u32 s11, $0x1;
	s11 =	simm.s32 $0xC530  }
.LBB2_7:
0xe: {  	s16 =	simm.s32 @p0 $0x0;
	s17 =	simm.s32 @p0 $0x28B0  }
0xf: {  	[hbm4b:s9+s16] =	stream.linear.scatter @p0 [tilespmem:s17], [sflag:$0x2], $0x9480, $0x38;
	[tilespmem:$0xC540] =	vst v63  }
0x10: {  	s16 =	simm.s32 @p0 $0x2  }
0x11: {  	_ =	swait.ge @p0 [sflag:s16], $0x9480  }
0x12: {  	s3 =	sadd.s32 $0x1, s3;
	s17 =	simm.s32 @!p0 $0x28B0;
	[sflag:s16] =	ssyncset.done @p0 $0x0  }
0x13: {  	p1 =	sne.s32 s3, s10;
	[sflag:s16] =	ssyncadd.s32 @p0 $0xFFFF6B80;
	s16 =	simm.s32 @!p0 $0x0  }
0x14: {  	[hbm4b:s8+s16] =	stream.linear.scatter @!p0 [tilespmem:s17], [sflag:$0x2], $0x9C80, $0x38;
	[tilespmem:$0xC540] =	vst v63  }
.Ltmp1:
0x15: {  	_ = 	snop;
	(pc) =	sbr.rel @!p1 .LBB2_8-.Ltmp1, $4  }
0x16: {  	s16 =	simm.s32 @!p0 $0x2  }
0x17: {  	_ =	swait.ge @!p0 [sflag:s16], $0x9C80  }
0x18: {  	[sflag:s16] =	ssyncset.done @!p0 $0x0  }
0x19: {  	[sflag:s16] =	ssyncadd.s32 @!p0 $0xFFFF6380  }
.LBB2_1:
0x1a: {  	s16 =	simm.s32 $0x0;
	s17 =	simm.s32 $0x200  }
.LBB2_2:
0x1b: {  	p1 =	sne.s32 s17, $0x27000;
	[tilespmem:s16+$0x2920] =	vst v0  }
0x1c: {  	[tilespmem:s16+$0x28B0] =	vst v0  }
0x1d: {  	[tilespmem:s16+$0x28C0] =	vst v0  }
.Ltmp2:
0x1e: {  	[tilespmem:s16+$0x28D0] =	vst v0;
	(pc) =	sbr.rel @p1 .LBB2_2-.Ltmp2, $4  }
0x1f: {  	[tilespmem:s16+$0x28E0] =	vst v0  }
0x20: {  	[tilespmem:s16+$0x28F0] =	vst v0  }
0x21: {  	[tilespmem:s16+$0x2900] =	vst v0  }
0x22: {  	[tilespmem:s16+$0x2910] =	vst v0;
	s16 =	sshra.s32 s17, $0x2;
	s17 =	sadd.s32 $0x200, s17  }
0x23: {  	[tilespmem:s16+$0x2920] =	vst v0  }
0x24: {  	[tilespmem:s16+$0x28B0] =	vst v0  }
0x25: {  	[tilespmem:s16+$0x28C0] =	vst v0  }
0x26: {  	[tilespmem:s16+$0x28D0] =	vst v0  }
0x27: {  	[tilespmem:s16+$0x28E0] =	vst v0  }
0x28: {  	[tilespmem:s16+$0x28F0] =	vst v0  }
0x29: {  	[tilespmem:s16+$0x2900] =	vst v0  }
0x2a: {  	[tilespmem:s16+$0x2910] =	vst v0;
	s16 =	simm.s32 $0x0  }
0x2b: {  	[tilespmem:s11], [sflag:$0x2] =	stream.linear.gather [hbm4b:s6+s16], $0x10, $0x38;
	[tilespmem:$0xC540] =	vst v63  }
0x2c: {  	_ =	swait.ge [sflag:s12], $0x10  }
0x2d: {  	[sflag:s12] =	ssyncset.done $0x0  }
0x2e: {  	[sflag:s12] =	ssyncadd.s32 $0xFFFFFFF0  }
0x2f: {  	v1 =	vld [tilespmem:$0xC530];
	_ =	sdelay $0x4  }
0x30: {  	(v2sf) =	vpush v1, $0x0;
	_ =	sdelay $0xe  }
0x31: {  	s17 =	spop (v2sf)  }
0x32: {  	s18 =	sadd.s32 $0x4F, s17  }
0x33: {  	s19 =	smulhi.u32 $0x66666667, s18;
	s20 =	sshra.s32 s18, $0x1F  }
0x34: {  	s20 =	smul.u32 $0x66666667, s20;
	_ =	sdelay $0x1  }
0x35: {  	s19 =	sadd.s32 s20, s19  }
0x36: {  	s20 =	sshrl.u32 s19, $0x1F;
	s19 =	sshra.s32 s19, $0x5  }
0x37: {  	s19 =	sadd.s32 s20, s19  }
0x38: {  	s20 =	smul.u32 $0xFFFFFFB0, s19  }
0x39: {  	s21 =	ssub.s32 $0xFFFFFFB1, s17  }
0x3a: {  	p1 =	slt.s32 s18, $0x1;
	p2 =	sne.s32 s20, s21  }
0x3b: {  	p1 =	por !p1, !p2  }
0x3c: {  	s18 =	simm.s32 $0x1;
	p1 =	por !p1, !p1  }
0x3d: {  	s18 =	simm.s32 @!p1 $0x0  }
0x3e: {  	s18 =	ssub.s32 s19, s18  }
0x3f: {  	p1 =	slt.s32 s18, $0x1  }
.Ltmp3:
0x40: {  	_ = 	snop;
	(pc) =	sbr.rel @p1 .LBB2_7-.Ltmp3, $2  }
0x41: {  	_ =	sdelay $0x2  }
0x42: {  	s20 =	simm.s32 $0x0;
	s19 =	simm.s32 $0x0  }
.LBB2_4:
0x43: {  	s21 =	smul.u32 $0x50, s20;
	_ =	sdelay $0x1  }
0x44: {  	s21 =	sadd.s32 s7, s21  }
0x45: {  	s21 =	sshrl.u32 s21, $0x3  }
0x46: {  	s22 =	sadd.s32 s4, s21  }
0x47: {  	[tilespmem:s16], [sflag:$0x2] =	stream.linear.gather [hbm4b:s22+s16], $0x50, $0x38;
	[tilespmem:$0xC540] =	vst v63  }
0x48: {  	_ =	swait.ge [sflag:s12], $0x50  }
0x49: {  	[sflag:s12] =	ssyncset.done $0x0  }
0x4a: {  	s21 =	sadd.s32 s5, s21;
	[sflag:s12] =	ssyncadd.s32 $0xFFFFFFB0  }
0x4b: {  	[tilespmem:s14], [sflag:$0x2] =	stream.linear.gather [hbm4b:s21+s16], $0x50, $0x38;
	[tilespmem:$0xC540] =	vst v63  }
0x4c: {  	_ =	swait.ge [sflag:s12], $0x50  }
0x4d: {  	[sflag:s12] =	ssyncset.done $0x0  }
0x4e: {  	[sflag:s12] =	ssyncadd.s32 $0xFFFFFFB0  }
0x4f: {  	[tilespmem:s15], [sflag:$0x1] =	stream.indirect.gather [hbm4b:s2+s14], $0x80, s16, s14, $0xb8;
	[tilespmem:$0xC540] =	vst v63  }
0x50: {  	_ =	swait.ge [sflag:s13], $0x2800  }
0x51: {  	p2 =	sge.s32 s19, s17;
	[sflag:s13] =	ssyncset.done $0x0  }
0x52: {  	p1 =	por p2, p2;
	s21 =	simm.s32 @!p2 $0x0;
	[sflag:s13] =	ssyncadd.s32 $0xFFFFD800  }
0x53: {  	v1 =	vld @!p1 [tilespmem:s21+$0x50];
	_ =	sdelay $0x4  }
0x54: {  	(v2sf) =	vpush @!p1 v1, $0x0;
	_ =	sdelay $0xe  }
0x55: {  	s22 =	spop @!p2 (v2sf)  }
0x56: {  	s21 =	simm.s32 $0xF0;
	s22 =	sshll.u32 @!p1 s22, $0x9  }
0x57: {  	v1 =	vld @!p1 [tilespmem:s21+$0xFFFFFFC0];
	s23 =	sshra.s32 @!p1 s22, $0x2  }
0x58: {  	v2 =	vld @!p1 [tilespmem:s23+$0x28B0];
	_ =	sdelay $0x4  }
0x59: {  	v1 =	vadd.f32 @!p1 v2, v1;
	_ =	sdelay $0x1  }
0x5a: {  	[tilespmem:s23+$0x28B0] =	vst @!p1 v1;
	v1 =	vld @!p1 [tilespmem:s23+$0x28C0]  }
0x5b: {  	v2 =	vld @!p1 [tilespmem:s21+$0xFFFFFFD0];
	_ =	sdelay $0x4  }
0x5c: {  	v1 =	vadd.f32 @!p1 v1, v2;
	_ =	sdelay $0x1  }
0x5d: {  	[tilespmem:s23+$0x28C0] =	vst @!p1 v1;
	v1 =	vld @!p1 [tilespmem:s23+$0x28D0]  }
0x5e: {  	v2 =	vld @!p1 [tilespmem:s21+$0xFFFFFFE0];
	_ =	sdelay $0x4  }
0x5f: {  	v1 =	vadd.f32 @!p1 v1, v2;
	_ =	sdelay $0x1  }
0x60: {  	[tilespmem:s23+$0x28D0] =	vst @!p1 v1;
	v1 =	vld @!p1 [tilespmem:s23+$0x28E0]  }
0x61: {  	v2 =	vld @!p1 [tilespmem:s21+$0xFFFFFFF0];
	_ =	sdelay $0x4  }
0x62: {  	v1 =	vadd.f32 @!p1 v1, v2;
	_ =	sdelay $0x1  }
0x63: {  	[tilespmem:s23+$0x28E0] =	vst @!p1 v1;
	v1 =	vld @!p1 [tilespmem:s23+$0x28F0]  }
0x64: {  	v2 =	vld @!p1 [tilespmem:s21+$0x0];
	_ =	sdelay $0x4  }
0x65: {  	v1 =	vadd.f32 @!p1 v1, v2;
	_ =	sdelay $0x1  }
0x66: {  	[tilespmem:s23+$0x28F0] =	vst @!p1 v1;
	v1 =	vld @!p1 [tilespmem:s23+$0x2900]  }
0x67: {  	v2 =	vld @!p1 [tilespmem:s21+$0x10];
	_ =	sdelay $0x4  }
0x68: {  	v1 =	vadd.f32 @!p1 v1, v2;
	_ =	sdelay $0x1  }
0x69: {  	[tilespmem:s23+$0x2900] =	vst @!p1 v1;
	v1 =	vld @!p1 [tilespmem:s23+$0x2910]  }
0x6a: {  	v2 =	vld @!p1 [tilespmem:s21+$0x20];
	_ =	sdelay $0x4  }
0x6b: {  	v1 =	vadd.f32 @!p1 v1, v2;
	_ =	sdelay $0x1  }
0x6c: {  	[tilespmem:s23+$0x2910] =	vst @!p1 v1;
	v1 =	vld @!p1 [tilespmem:s23+$0x2920]  }
0x6d: {  	v2 =	vld @!p1 [tilespmem:s21+$0x30];
	_ =	sdelay $0x3  }
0x6e: {  	s22 =	sadd.s32 $0x1, s19  }
0x6f: {  	s25 =	simm.s32 $0x4;
	s24 =	simm.s32 $0x8;
	p3 =	sge.s32 s22, s17;
	v1 =	vadd.f32 @!p1 v1, v2  }
.LBB2_5:
0x70: {  	s26 =	sshra.s32 @!p3 s25, $0x2;
	s21 =	sadd.s32 $0x80, s21  }
0x71: {  	[tilespmem:s23+$0x2920] =	vst @!p1 v1;
	s25 =	smov.u32 s24;
	s24 =	sadd.s32 $0x4, s24;
	p1 =	por p3, p3  }
0x72: {  	p2 =	sne.s32 s24, $0x140;
	v1 =	vld @!p1 [tilespmem:s26+$0x50];
	_ =	sdelay $0x4  }
0x73: {  	(v2sf) =	vpush @!p1 v1, $0x0;
	_ =	sdelay $0xe  }
0x74: {  	s23 =	spop @!p3 (v2sf)  }
0x75: {  	s23 =	sshll.u32 @!p1 s23, $0x9  }
0x76: {  	v1 =	vld @!p1 [tilespmem:s21+$0xFFFFFFC0];
	s23 =	sshra.s32 @!p1 s23, $0x2  }
0x77: {  	v2 =	vld @!p1 [tilespmem:s23+$0x28B0];
	_ =	sdelay $0x4  }
0x78: {  	v1 =	vadd.f32 @!p1 v2, v1;
	_ =	sdelay $0x1  }
0x79: {  	[tilespmem:s23+$0x28B0] =	vst @!p1 v1;
	v1 =	vld @!p1 [tilespmem:s23+$0x28C0]  }
0x7a: {  	v2 =	vld @!p1 [tilespmem:s21+$0xFFFFFFD0];
	_ =	sdelay $0x4  }
0x7b: {  	v1 =	vadd.f32 @!p1 v1, v2;
	_ =	sdelay $0x1  }
0x7c: {  	[tilespmem:s23+$0x28C0] =	vst @!p1 v1;
	v1 =	vld @!p1 [tilespmem:s23+$0x28D0]  }
0x7d: {  	v2 =	vld @!p1 [tilespmem:s21+$0xFFFFFFE0];
	_ =	sdelay $0x4  }
0x7e: {  	v1 =	vadd.f32 @!p1 v1, v2;
	_ =	sdelay $0x1  }
0x7f: {  	[tilespmem:s23+$0x28D0] =	vst @!p1 v1;
	v1 =	vld @!p1 [tilespmem:s23+$0x28E0]  }
0x80: {  	v2 =	vld @!p1 [tilespmem:s21+$0xFFFFFFF0];
	_ =	sdelay $0x4  }
0x81: {  	v1 =	vadd.f32 @!p1 v1, v2;
	_ =	sdelay $0x1  }
0x82: {  	[tilespmem:s23+$0x28E0] =	vst @!p1 v1;
	v1 =	vld @!p1 [tilespmem:s23+$0x28F0]  }
0x83: {  	v2 =	vld @!p1 [tilespmem:s21+$0x0];
	_ =	sdelay $0x4  }
0x84: {  	v1 =	vadd.f32 @!p1 v1, v2;
	_ =	sdelay $0x1  }
0x85: {  	[tilespmem:s23+$0x28F0] =	vst @!p1 v1;
	v1 =	vld @!p1 [tilespmem:s23+$0x2900]  }
0x86: {  	v2 =	vld @!p1 [tilespmem:s21+$0x10];
	_ =	sdelay $0x4  }
0x87: {  	v1 =	vadd.f32 @!p1 v1, v2;
	_ =	sdelay $0x1  }
0x88: {  	[tilespmem:s23+$0x2900] =	vst @!p1 v1;
	v1 =	vld @!p1 [tilespmem:s23+$0x2910]  }
0x89: {  	v2 =	vld @!p1 [tilespmem:s21+$0x20];
	_ =	sdelay $0x4  }
0x8a: {  	v1 =	vadd.f32 @!p1 v1, v2;
	_ =	sdelay $0x1  }
0x8b: {  	[tilespmem:s23+$0x2910] =	vst @!p1 v1;
	v1 =	vld @!p1 [tilespmem:s23+$0x2920]  }
0x8c: {  	v2 =	vld @!p1 [tilespmem:s21+$0x30];
	_ =	sdelay $0x1  }
.Ltmp4:
0x8d: {  	(pc) =	sbr.rel @p2 .LBB2_5-.Ltmp4, $3  }
0x8e: {  	_ =	sdelay $0x1  }
0x8f: {  	s22 =	sadd.s32 $0x1, s22;
	v1 =	vadd.f32 @!p1 v1, v2  }
0x90: {  	p3 =	sge.s32 s22, s17  }
0x91: {  	s22 =	sshra.s32 @!p3 s25, $0x2;
	[tilespmem:s23+$0x2920] =	vst @!p1 v1;
	p1 =	por p3, p3  }
0x92: {  	v1 =	vld @!p1 [tilespmem:s22+$0x50];
	_ =	sdelay $0x4  }
0x93: {  	(v2sf) =	vpush @!p1 v1, $0x0;
	_ =	sdelay $0xe  }
0x94: {  	s22 =	spop @!p3 (v2sf)  }
0x95: {  	s21 =	sadd.s32 $0x80, s21;
	s22 =	sshll.u32 @!p1 s22, $0x9  }
0x96: {  	v1 =	vld @!p1 [tilespmem:s21+$0xFFFFFFC0];
	s22 =	sshra.s32 @!p1 s22, $0x2  }
0x97: {  	v2 =	vld @!p1 [tilespmem:s22+$0x28B0];
	_ =	sdelay $0x4  }
0x98: {  	v1 =	vadd.f32 @!p1 v2, v1;
	_ =	sdelay $0x1  }
0x99: {  	[tilespmem:s22+$0x28B0] =	vst @!p1 v1;
	v1 =	vld @!p1 [tilespmem:s22+$0x28C0]  }
0x9a: {  	v2 =	vld @!p1 [tilespmem:s21+$0xFFFFFFD0];
	_ =	sdelay $0x4  }
0x9b: {  	v1 =	vadd.f32 @!p1 v1, v2;
	_ =	sdelay $0x1  }
0x9c: {  	[tilespmem:s22+$0x28C0] =	vst @!p1 v1;
	v1 =	vld @!p1 [tilespmem:s22+$0x28D0]  }
0x9d: {  	v2 =	vld @!p1 [tilespmem:s21+$0xFFFFFFE0];
	_ =	sdelay $0x4  }
0x9e: {  	v1 =	vadd.f32 @!p1 v1, v2;
	_ =	sdelay $0x1  }
0x9f: {  	[tilespmem:s22+$0x28D0] =	vst @!p1 v1;
	v1 =	vld @!p1 [tilespmem:s22+$0x28E0]  }
0xa0: {  	v2 =	vld @!p1 [tilespmem:s21+$0xFFFFFFF0];
	_ =	sdelay $0x4  }
0xa1: {  	v1 =	vadd.f32 @!p1 v1, v2;
	_ =	sdelay $0x1  }
0xa2: {  	[tilespmem:s22+$0x28E0] =	vst @!p1 v1;
	v1 =	vld @!p1 [tilespmem:s22+$0x28F0]  }
0xa3: {  	v2 =	vld @!p1 [tilespmem:s21+$0x0];
	_ =	sdelay $0x4  }
0xa4: {  	v1 =	vadd.f32 @!p1 v1, v2;
	_ =	sdelay $0x1  }
0xa5: {  	[tilespmem:s22+$0x28F0] =	vst @!p1 v1;
	v1 =	vld @!p1 [tilespmem:s22+$0x2900]  }
0xa6: {  	v2 =	vld @!p1 [tilespmem:s21+$0x10];
	_ =	sdelay $0x4  }
0xa7: {  	v1 =	vadd.f32 @!p1 v1, v2;
	_ =	sdelay $0x1  }
0xa8: {  	[tilespmem:s22+$0x2900] =	vst @!p1 v1;
	v1 =	vld @!p1 [tilespmem:s22+$0x2910]  }
0xa9: {  	v2 =	vld @!p1 [tilespmem:s21+$0x20];
	_ =	sdelay $0x4  }
0xaa: {  	v1 =	vadd.f32 @!p1 v1, v2;
	_ =	sdelay $0x1  }
0xab: {  	[tilespmem:s22+$0x2910] =	vst @!p1 v1;
	v1 =	vld @!p1 [tilespmem:s22+$0x2920]  }
0xac: {  	v2 =	vld @!p1 [tilespmem:s21+$0x30]  }
0xad: {  	s20 =	sadd.s32 $0x1, s20  }
0xae: {  	p2 =	sne.s32 s20, s18  }
.Ltmp5:
0xaf: {  	_ = 	snop;
	(pc) =	sbr.rel @p2 .LBB2_4-.Ltmp5, $4  }
.Ltmp6:
0xb0: {  	_ = 	snop;
	(pc) =	sbr.rel @!p2 .LBB2_7-.Ltmp6, $4  }
0xb1: {  	v1 =	vadd.f32 @!p1 v1, v2  }
0xb2: {  	_ = 	snop  }
0xb3: {  	s19 =	sadd.s32 $0x50, s19;
	[tilespmem:s22+$0x2920] =	vst @!p1 v1  }
0xb4: {  	_ = 	snop  }
.LBB2_8:
0xb5: {  	_ =	sfence.sel $0x180000  }
0xb6: {  	[bflag:$0x0] =	sbarrier.arrive $0xFFFF  }
0xb7: {  	p0 =	sne.s32 s1, $0x0;
	_ =	strace $0x90000056  }
0xb8: {  	s0 =	sadd.s32 @!p0 $0x100000, s0;
	[bflag:$0x2] =	sbarrier.arrive $0xFFFF  }
0xb9: {  	[sflag:s0] =	ssyncadd.tile.s32 @!p0 $0x1;
	_ =	shalt  }
.Lfunc_end2:
_tile_overlayer_lowered:
.L_overlay_start_2:
0xba: {  	(tag) =	ssettag $0x2  }
0xbb: {  	s0 =	rddreg [dreg:$0x0];
	s2 =	stileid.u32  }
0xbc: {  	s1 =	rddreg [dreg:$0x1];
	p0 =	sne.s32 s2, $0x0  }
0xbd: {  	s3 =	rddreg [dreg:$0x2];
	[bflag:$0x3] =	sbarrier.arrive $0xFFFF;
	s2 =	simm.s32 @!p0 $0x1C02  }
0xbe: {  	[timem:s3], [sflag:s2] =	dma.local @!p0 [hbm:s0], s1  }
0xbf: {  	s0 =	simm.s32 @!p0 $0x2  }
0xc0: {  	_ =	swait.ge @!p0 [sflag:s0], s1  }
0xc1: {  	s1 =	ssub.s32 @!p0 $0x0, s1;
	[sflag:s0] =	ssyncset.done @!p0 $0x0  }
0xc2: {  	[sflag:s0] =	ssyncadd.s32 @!p0 s1  }
0xc3: {  	[bflag:$0x3] =	sbarrier.arrive $0xFFFF  }
0xc4: {  	_ =	shalt  }

</sc_bundles>
